<compile_context>
chip_gen: v7x
topology: tpu7x:2x2x1
jax: 0.10.2.dev20260603
libtpu: 0.0.44.dev20260713+nightly
codegen_flags: <defaults>
</compile_context>

<pallas_src>
import functools

import jax
import jax.numpy as jnp
from jax import lax
from jax.experimental import pallas as pl
from jax.experimental.pallas import tpu as pltpu
from jax.experimental.pallas import tpu_sc as plsc

N = 10000
E = 320000
D = 128
H = 128
C = 26
DH = D // 2

NC = 2
NS = 16
CH = 100
CHUNKS = E // (NS * CH)
HALFW = CHUNKS // 2
STRIPE = 624
ZROWS = 48
TAIL = N - STRIPE * NS
NBUF = 4

_mesh = plsc.VectorSubcoreMesh(core_axis_name="c", subcore_axis_name="s")
_sc_params = pltpu.CompilerParams(use_tc_tiling_on_sc=False)


def _fill_const(buf, rows, cols, value):
    @pl.loop(0, rows)
    def _(i):
        @pl.loop(0, cols, step=16)
        def _(j):
            buf[i, pl.ds(j, 16)] = jnp.full((16,), value, jnp.float32)


def _sc_segment_sum(tblA, tblB, src3d, dst3d, with_deg=False):
    out_type = [jax.ShapeDtypeStruct((NC, N, DH), jnp.float32)]
    scratch = [
        pltpu.VMEM((CHUNKS, CH), jnp.int32),
        pltpu.VMEM((CHUNKS, CH), jnp.int32),
        pltpu.VMEM((NBUF, CH, DH), jnp.float32),
        pltpu.VMEM((ZROWS, DH), jnp.float32),
        pltpu.VMEM_SHARED((N, DH), jnp.float32),
    ]
    if with_deg:
        out_type.append(jax.ShapeDtypeStruct((NC, N, 16), jnp.float32))
        scratch += [
            pltpu.VMEM((CH, 16), jnp.float32),
            pltpu.VMEM((ZROWS, 16), jnp.float32),
            pltpu.VMEM_SHARED((N, 16), jnp.float32),
        ]
    scratch += [pltpu.SemaphoreType.DMA] * NBUF

    @functools.partial(
        pl.kernel,
        out_type=out_type,
        mesh=_mesh,
        compiler_params=_sc_params,
        scratch_types=scratch,
    )
    def k(tblA_hbm, tblB_hbm, src_hbm, dst_hbm, *rest):
        if with_deg:
            (out_hbm, deg_hbm, src_v, dst_v, rows_v, zbuf, acc,
             ones_v, zbuf16, dacc, *sems) = rest
        else:
            out_hbm, src_v, dst_v, rows_v, zbuf, acc, *sems = rest
        c = lax.axis_index("c")
        s = lax.axis_index("s")
        base_row = s * STRIPE

        _fill_const(zbuf, ZROWS, DH, 0.0)
        if with_deg:
            _fill_const(zbuf16, ZROWS, 16, 0.0)
            _fill_const(ones_v, CH, 16, 1.0)

        @pl.loop(0, STRIPE // ZROWS)
        def _(i):
            pltpu.sync_copy(zbuf, acc.at[pl.ds(base_row + i * ZROWS, ZROWS)])
            if with_deg:
                pltpu.sync_copy(zbuf16, dacc.at[pl.ds(base_row + i * ZROWS, ZROWS)])

        @pl.when(s == NS - 1)
        def _():
            pltpu.sync_copy(zbuf.at[pl.ds(0, TAIL)], acc.at[pl.ds(STRIPE * NS, TAIL)])
            if with_deg:
                pltpu.sync_copy(zbuf16.at[pl.ds(0, TAIL)],
                                dacc.at[pl.ds(STRIPE * NS, TAIL)])

        pltpu.sync_copy(src_hbm.at[s], src_v)
        pltpu.sync_copy(dst_hbm.at[s], dst_v)
        plsc.subcore_barrier()

        def edge_loop(tbl_hbm):
            for b in range(NBUF):
                pltpu.async_copy(tbl_hbm.at[src_v.at[b]], rows_v.at[b], sems[b])

            @pl.loop(0, CHUNKS, step=NBUF)
            def _(g):
                for b in range(NBUF):
                    j = g + b
                    pltpu.make_async_copy(
                        tbl_hbm.at[src_v.at[j]], rows_v.at[b], sems[b]).wait()
                    pltpu.sync_copy(rows_v.at[b], acc.at[dst_v.at[j]], add=True)
                    if with_deg:
                        @pl.when((j >= c * HALFW) & (j < (c + 1) * HALFW))
                        def _():
                            pltpu.sync_copy(ones_v, dacc.at[dst_v.at[j]],
                                            add=True)

                    @pl.when(g + b + NBUF < CHUNKS)
                    def _():
                        pltpu.async_copy(
                            tbl_hbm.at[src_v.at[g + b + NBUF]], rows_v.at[b],
                            sems[b])

        @pl.when(c == 0)
        def _():
            edge_loop(tblA_hbm)

        @pl.when(c == 1)
        def _():
            edge_loop(tblB_hbm)

        plsc.subcore_barrier()

        @pl.loop(0, STRIPE // ZROWS)
        def _(i):
            r = base_row + i * ZROWS
            pltpu.sync_copy(acc.at[pl.ds(r, ZROWS)], out_hbm.at[c, pl.ds(r, ZROWS)])
            if with_deg:
                pltpu.sync_copy(dacc.at[pl.ds(r, ZROWS)],
                                deg_hbm.at[c, pl.ds(r, ZROWS)])

        @pl.when(s == NS - 1)
        def _():
            r = STRIPE * NS
            pltpu.sync_copy(acc.at[pl.ds(r, TAIL)], out_hbm.at[c, pl.ds(r, TAIL)])
            if with_deg:
                pltpu.sync_copy(dacc.at[pl.ds(r, TAIL)],
                                deg_hbm.at[c, pl.ds(r, TAIL)])

    return k(tblA, tblB, src3d, dst3d)


BT = 1000
GRID = N // BT

_CT = (((1,), (1,)), ((), ()))


def _tc_ln_self(x, gamma, beta, W1, b1):
    def body(x_ref, g_ref, be_ref, w_ref, b_ref, hA_ref, hB_ref, s_ref):
        xb = x_ref[...]
        mu = jnp.mean(xb, axis=1, keepdims=True)
        var = jnp.mean((xb - mu) ** 2, axis=1, keepdims=True)
        h = (xb - mu) / jnp.sqrt(var + 1e-5) * g_ref[...] + be_ref[...]
        hA_ref[...] = h[:, :DH]
        hB_ref[...] = h[:, DH:]
        s_ref[...] = lax.dot_general(
            h, w_ref[...], _CT, preferred_element_type=jnp.float32
        ) + b_ref[...]

    return pl.pallas_call(
        body,
        grid=(GRID,),
        in_specs=[
            pl.BlockSpec((BT, D), lambda i: (i, 0)),
            pl.BlockSpec((1, D), lambda i: (0, 0)),
            pl.BlockSpec((1, D), lambda i: (0, 0)),
            pl.BlockSpec((H, D), lambda i: (0, 0)),
            pl.BlockSpec((1, H), lambda i: (0, 0)),
        ],
        out_specs=[
            pl.BlockSpec((BT, DH), lambda i: (i, 0)),
            pl.BlockSpec((BT, DH), lambda i: (i, 0)),
            pl.BlockSpec((BT, H), lambda i: (i, 0)),
        ],
        out_shape=[
            jax.ShapeDtypeStruct((N, DH), jnp.float32),
            jax.ShapeDtypeStruct((N, DH), jnp.float32),
            jax.ShapeDtypeStruct((N, H), jnp.float32),
        ],
    )(x, gamma.reshape(1, D), beta.reshape(1, D), W1, b1.reshape(1, H))


def _tc_combine_mid(s1, aA, aB, d0, d1, WnA, WnB, Ws2, b2):
    def body(s_ref, aA_ref, aB_ref, d0_ref, d1_ref, wnA_ref, wnB_ref, ws_ref,
             b_ref, hA_ref, hB_ref, s2_ref):
        rdeg = 1.0 / jnp.maximum(d0_ref[...][:, :1] + d1_ref[...][:, :1], 1.0)
        h1 = jnp.maximum(
            s_ref[...]
            + lax.dot_general(aA_ref[...] * rdeg, wnA_ref[...], _CT,
                              preferred_element_type=jnp.float32)
            + lax.dot_general(aB_ref[...] * rdeg, wnB_ref[...], _CT,
                              preferred_element_type=jnp.float32),
            0.0)
        hA_ref[...] = h1[:, :DH]
        hB_ref[...] = h1[:, DH:]
        s2_ref[...] = lax.dot_general(
            h1, ws_ref[...], _CT, preferred_element_type=jnp.float32
        ) + b_ref[...]

    return pl.pallas_call(
        body,
        grid=(GRID,),
        in_specs=[
            pl.BlockSpec((BT, H), lambda i: (i, 0)),
            pl.BlockSpec((BT, DH), lambda i: (i, 0)),
            pl.BlockSpec((BT, DH), lambda i: (i, 0)),
            pl.BlockSpec((BT, 16), lambda i: (i, 0)),
            pl.BlockSpec((BT, 16), lambda i: (i, 0)),
            pl.BlockSpec((H, DH), lambda i: (0, 0)),
            pl.BlockSpec((H, DH), lambda i: (0, 0)),
            pl.BlockSpec((H, H), lambda i: (0, 0)),
            pl.BlockSpec((1, H), lambda i: (0, 0)),
        ],
        out_specs=[
            pl.BlockSpec((BT, DH), lambda i: (i, 0)),
            pl.BlockSpec((BT, DH), lambda i: (i, 0)),
            pl.BlockSpec((BT, H), lambda i: (i, 0)),
        ],
        out_shape=[
            jax.ShapeDtypeStruct((N, DH), jnp.float32),
            jax.ShapeDtypeStruct((N, DH), jnp.float32),
            jax.ShapeDtypeStruct((N, H), jnp.float32),
        ],
    )(s1, aA, aB, d0, d1, WnA, WnB, Ws2, b2.reshape(1, H))


def _tc_combine_out(s2, aA, aB, d0, d1, WnA, WnB, Wc, bc):
    def body(s_ref, aA_ref, aB_ref, d0_ref, d1_ref, wnA_ref, wnB_ref, wc_ref,
             bc_ref, o_ref, acc_ref):
        i = pl.program_id(0)
        rdeg = 1.0 / jnp.maximum(d0_ref[...][:, :1] + d1_ref[...][:, :1], 1.0)
        h2 = jnp.maximum(
            s_ref[...]
            + lax.dot_general(aA_ref[...] * rdeg, wnA_ref[...], _CT,
                              preferred_element_type=jnp.float32)
            + lax.dot_general(aB_ref[...] * rdeg, wnB_ref[...], _CT,
                              preferred_element_type=jnp.float32),
            0.0)
        bs = jnp.sum(h2, axis=0, keepdims=True)

        @pl.when(i == 0)
        def _():
            acc_ref[0:1, :] = bs

        @pl.when(i > 0)
        def _():
            acc_ref[0:1, :] = acc_ref[0:1, :] + bs

        @pl.when(i == GRID - 1)
        def _():
            hg = acc_ref[0:1, :] * (1.0 / N)
            o_ref[...] = lax.dot_general(
                hg, wc_ref[...], _CT, preferred_element_type=jnp.float32
            ) + bc_ref[...]

    return pl.pallas_call(
        body,
        grid=(GRID,),
        in_specs=[
            pl.BlockSpec((BT, H), lambda i: (i, 0)),
            pl.BlockSpec((BT, DH), lambda i: (i, 0)),
            pl.BlockSpec((BT, DH), lambda i: (i, 0)),
            pl.BlockSpec((BT, 16), lambda i: (i, 0)),
            pl.BlockSpec((BT, 16), lambda i: (i, 0)),
            pl.BlockSpec((H, DH), lambda i: (0, 0)),
            pl.BlockSpec((H, DH), lambda i: (0, 0)),
            pl.BlockSpec((C, H), lambda i: (0, 0)),
            pl.BlockSpec((1, C), lambda i: (0, 0)),
        ],
        out_specs=pl.BlockSpec((1, C), lambda i: (0, 0)),
        out_shape=jax.ShapeDtypeStruct((1, C), jnp.float32),
        scratch_shapes=[pltpu.VMEM((8, H), jnp.float32)],
    )(s2, aA, aB, d0, d1, WnA, WnB, Wc, bc.reshape(1, C))


def kernel(x, edge_index, ln_gamma, ln_beta, W_self1, W_neigh1, b1,
           W_self2, W_neigh2, b2, Wc, bc):
    src3d = edge_index[0].reshape(NS, CHUNKS, CH)
    dst3d = edge_index[1].reshape(NS, CHUNKS, CH)

    h0A, h0B, s1 = _tc_ln_self(x, ln_gamma, ln_beta, W_self1, b1)
    agg1, deg2 = _sc_segment_sum(h0A, h0B, src3d, dst3d, with_deg=True)
    h1A, h1B, s2 = _tc_combine_mid(s1, agg1[0], agg1[1], deg2[0], deg2[1],
                                   W_neigh1[:, :DH], W_neigh1[:, DH:],
                                   W_self2, b2)
    [agg2] = _sc_segment_sum(h1A, h1B, src3d, dst3d)
    logits = _tc_combine_out(s2, agg2[0], agg2[1], deg2[0], deg2[1],
                             W_neigh2[:, :DH], W_neigh2[:, DH:], Wc, bc)
    return logits

# --- scband reference (transcript-rebuilt; emitter-appended) ---
"""Pipeline reference for scband-graph-gatclassifier-27608049779521 (READ-ONLY COPY).

The authoritative reference and input builder live on the scoring server;
editing this copy changes nothing except your own understanding.
"""

import jax, jax.numpy as jnp
import numpy as np

N = 10000
E = 320000
D = 128
H = 128
C = 26


def _layernorm(x, gamma, beta, eps=1e-5):
    mu = jnp.mean(x, axis=-1, keepdims=True)
    var = jnp.mean((x - mu) ** 2, axis=-1, keepdims=True)
    return (x - mu) / jnp.sqrt(var + eps) * gamma + beta


def _sage_mean_layer(h, src, dst, W_self, W_neigh, b):
    # DGL SAGEConv with aggregator_type='mean':
    # h_neigh = mean over in-neighbors of src features; out = fc_self(h) + fc_neigh(h_neigh) + bias
    msgs = jnp.take(h, src, axis=0)                                  # gather [E, d]
    agg = jax.ops.segment_sum(msgs, dst, num_segments=N)             # scatter-add [N, d]
    deg = jax.ops.segment_sum(jnp.ones((src.shape[0], 1), dtype=h.dtype), dst, num_segments=N)
    h_neigh = agg / jnp.clip(deg, 1.0, None)
    return h @ W_self.T + h_neigh @ W_neigh.T + b


def setup_inputs(seed: int = 0) -> dict:
    key = jax.random.key(seed)
    ks = jax.random.split(key, 12)
    x = jax.random.normal(ks[0], (N, D), dtype=jnp.float32)
    edge_index = jax.random.randint(ks[1], (2, E), 0, N, dtype=jnp.int32)
    ln_gamma = jnp.ones((D,), dtype=jnp.float32)
    ln_beta = jnp.zeros((D,), dtype=jnp.float32)
    W_self1 = jax.random.normal(ks[2], (H, D), dtype=jnp.float32) / np.sqrt(D)
    W_neigh1 = jax.random.normal(ks[3], (H, D), dtype=jnp.float32) / np.sqrt(D)
    b1 = jnp.zeros((H,), dtype=jnp.float32)
    W_self2 = jax.random.normal(ks[4], (H, H), dtype=jnp.float32) / np.sqrt(H)
    W_neigh2 = jax.random.normal(ks[5], (H, H), dtype=jnp.float32) / np.sqrt(H)
    b2 = jnp.zeros((H,), dtype=jnp.float32)
    Wc = jax.random.normal(ks[6], (C, H), dtype=jnp.float32) / np.sqrt(H)
    bc = jnp.zeros((C,), dtype=jnp.float32)
    return {"x": x, "edge_index": edge_index, "ln_gamma": ln_gamma, "ln_beta": ln_beta,
            "W_self1": W_self1, "W_neigh1": W_neigh1, "b1": b1,
            "W_self2": W_self2, "W_neigh2": W_neigh2, "b2": b2,
            "Wc": Wc, "bc": bc}


def reference(x, edge_index, ln_gamma, ln_beta, W_self1, W_neigh1, b1,
              W_self2, W_neigh2, b2, Wc, bc):
    src = edge_index[0]
    dst = edge_index[1]
    h = _layernorm(x, ln_gamma, ln_beta)
    # layer 1 (+ ReLU; norms are Identity since GraphNorm unavailable; dropout p=0.0)
    h = _sage_mean_layer(h, src, dst, W_self1, W_neigh1, b1)
    h = jax.nn.relu(h)
    # layer 2
    h = _sage_mean_layer(h, src, dst, W_self2, W_neigh2, b2)
    h = jax.nn.relu(h)
    # dgl.mean_nodes over a single graph -> [1, H]
    hg = jnp.mean(h, axis=0, keepdims=True)
    logits = hg @ Wc.T + bc
    return logits

if __name__ == "__main__":
    import jax
    _d = setup_inputs()
    print(jax.jit(kernel)(*tuple(_d.values())))

</pallas_src>

<mosaic_0001>
#map = affine_map<(d0, d1) -> (0, 0)>
#map1 = affine_map<(d0, d1) -> (0, 0, 0)>
module attributes {stable_mosaic.version = 14 : i64} {
  func.func @k(%arg0: i32, %arg1: i32, %arg2: memref<10000x64xf32, #tpu.memory_space<hbm>>, %arg3: memref<10000x64xf32, #tpu.memory_space<hbm>>, %arg4: memref<16x200x100xi32, #tpu.memory_space<hbm>>, %arg5: memref<16x200x100xi32, #tpu.memory_space<hbm>>, %arg6: memref<2x10000x64xf32, #tpu.memory_space<hbm>>, %arg7: memref<2x10000x16xf32, #tpu.memory_space<hbm>>, %arg8: memref<200x100xi32, #tpu.memory_space<vmem>>, %arg9: memref<200x100xi32, #tpu.memory_space<vmem>>, %arg10: memref<4x100x64xf32, #tpu.memory_space<vmem>>, %arg11: memref<48x64xf32, #tpu.memory_space<vmem>>, %arg12: memref<10000x64xf32, #tpu.memory_space<vmem_shared>>, %arg13: memref<100x16xf32, #tpu.memory_space<vmem>>, %arg14: memref<48x16xf32, #tpu.memory_space<vmem>>, %arg15: memref<10000x16xf32, #tpu.memory_space<vmem_shared>>, %arg16: memref<!tpu.dma_semaphore, #tpu.memory_space<semaphore_mem>>, %arg17: memref<!tpu.dma_semaphore, #tpu.memory_space<semaphore_mem>>, %arg18: memref<!tpu.dma_semaphore, #tpu.memory_space<semaphore_mem>>, %arg19: memref<!tpu.dma_semaphore, #tpu.memory_space<semaphore_mem>>) attributes {dimension_semantics = [#tpu.dimension_semantics<core_parallel>, #tpu.dimension_semantics<subcore_parallel>], iteration_bounds = array<i64: 2, 16>, scalar_prefetch = 0 : i64, scratch_operands = 12 : i64, tpu.core_type = #tpu.core_type<sc_vector_subcore>, window_params = [{transform_indices = #map}, {transform_indices = #map}, {transform_indices = #map1}, {transform_indices = #map1}, {transform_indices = #map1}, {transform_indices = #map1}]} {
    %mul3A = arith.constant 624 : i32
    %mul3A_0 = arith.muli %arg1, %mul3A : i32
    %scan3A = arith.constant 0 : i32
    %scan3A_1 = arith.constant 48 : i32
    %scan3A_2 = arith.addi %scan3A, %scan3A_1 : i32
    %scan3A_3 = arith.constant 1 : i32
    scf.for %scan3A_43 = %scan3A to %scan3A_2 step %scan3A_3  : i32 {
      %mul3A_44 = arith.constant 1 : i32
      %mul3A_45 = arith.muli %scan3A_43, %mul3A_44 : i32
      %add3A = arith.constant 0 : i32
      %add3A_46 = arith.addi %add3A, %mul3A_45 : i32
      %scan3A_47 = arith.constant 0 : i32
      %scan3A_48 = arith.constant 4 : i32
      %scan3A_49 = arith.addi %scan3A_47, %scan3A_48 : i32
      %scan3A_50 = arith.constant 1 : i32
      scf.for %scan3A_52 = %scan3A_47 to %scan3A_49 step %scan3A_50  : i32 {
        %mul3A_53 = arith.constant 16 : i32
        %mul3A_54 = arith.muli %scan3A_52, %mul3A_53 : i32
        %add3A_55 = arith.constant 0 : i32
        %add3A_56 = arith.addi %add3A_55, %mul3A_54 : i32
        %broadcast_in_dim3A = arith.constant 0.000000e+00 : f32
        %broadcast_in_dim3A_57 = vector.broadcast %broadcast_in_dim3A : f32 to vector<16xf32>
        %swap3A = arith.index_cast %add3A_46 : i32 to index
        %swap3A_58 = arith.index_cast %add3A_56 : i32 to index
        %swap3A_59 = tpu.vector_load %arg11[%swap3A, %swap3A_58] {strides = array<i32>} : memref<48x64xf32, #tpu.memory_space<vmem>>, vector<1x16xf32>,
        %swap3A_60 = vector.shape_cast %swap3A_59 : vector<1x16xf32> to vector<16xf32>
        %swap3A_61 = vector.shape_cast %broadcast_in_dim3A_57 : vector<16xf32> to vector<1x16xf32>
        tpu.vector_store %arg11[%swap3A, %swap3A_58], %swap3A_61 {strides = array<i32>} : memref<48x64xf32, #tpu.memory_space<vmem>>, vector<1x16xf32>,
      }
      %scan3A_51 = arith.constant 4 : i32
    }
    %scan3A_4 = arith.constant 48 : i32
    %scan3A_5 = arith.constant 0 : i32
    %scan3A_6 = arith.constant 48 : i32
    %scan3A_7 = arith.addi %scan3A_5, %scan3A_6 : i32
    %scan3A_8 = arith.constant 1 : i32
    scf.for %scan3A_43 = %scan3A_5 to %scan3A_7 step %scan3A_8  : i32 {
      %mul3A_44 = arith.constant 1 : i32
      %mul3A_45 = arith.muli %scan3A_43, %mul3A_44 : i32
      %add3A = arith.constant 0 : i32
      %add3A_46 = arith.addi %add3A, %mul3A_45 : i32
      %scan3A_47 = arith.constant 0 : i32
      %mul3A_48 = arith.constant 16 : i32
      %mul3A_49 = arith.muli %scan3A_47, %mul3A_48 : i32
      %add3A_50 = arith.constant 0 : i32
      %add3A_51 = arith.addi %add3A_50, %mul3A_49 : i32
      %broadcast_in_dim3A = arith.constant 0.000000e+00 : f32
      %broadcast_in_dim3A_52 = vector.broadcast %broadcast_in_dim3A : f32 to vector<16xf32>
      %swap3A = arith.index_cast %add3A_46 : i32 to index
      %swap3A_53 = arith.index_cast %add3A_51 : i32 to index
      %swap3A_54 = tpu.vector_load %arg14[%swap3A, %swap3A_53] {strides = array<i32>} : memref<48x16xf32, #tpu.memory_space<vmem>>, vector<1x16xf32>,
      %swap3A_55 = vector.shape_cast %swap3A_54 : vector<1x16xf32> to vector<16xf32>
      %swap3A_56 = vector.shape_cast %broadcast_in_dim3A_52 : vector<16xf32> to vector<1x16xf32>
      tpu.vector_store %arg14[%swap3A, %swap3A_53], %swap3A_56 {strides = array<i32>} : memref<48x16xf32, #tpu.memory_space<vmem>>, vector<1x16xf32>,
      %scan3A_57 = arith.constant 1 : i32
    }
    %scan3A_9 = arith.constant 48 : i32
    %scan3A_10 = arith.constant 0 : i32
    %scan3A_11 = arith.constant 100 : i32
    %scan3A_12 = arith.addi %scan3A_10, %scan3A_11 : i32
    %scan3A_13 = arith.constant 1 : i32
    scf.for %scan3A_43 = %scan3A_10 to %scan3A_12 step %scan3A_13  : i32 {
      %mul3A_44 = arith.constant 1 : i32
      %mul3A_45 = arith.muli %scan3A_43, %mul3A_44 : i32
      %add3A = arith.constant 0 : i32
      %add3A_46 = arith.addi %add3A, %mul3A_45 : i32
      %scan3A_47 = arith.constant 0 : i32
      %mul3A_48 = arith.constant 16 : i32
      %mul3A_49 = arith.muli %scan3A_47, %mul3A_48 : i32
      %add3A_50 = arith.constant 0 : i32
      %add3A_51 = arith.addi %add3A_50, %mul3A_49 : i32
      %broadcast_in_dim3A = arith.constant 1.000000e+00 : f32
      %broadcast_in_dim3A_52 = vector.broadcast %broadcast_in_dim3A : f32 to vector<16xf32>
      %swap3A = arith.index_cast %add3A_46 : i32 to index
      %swap3A_53 = arith.index_cast %add3A_51 : i32 to index
      %swap3A_54 = tpu.vector_load %arg13[%swap3A, %swap3A_53] {strides = array<i32>} : memref<100x16xf32, #tpu.memory_space<vmem>>, vector<1x16xf32>,
      %swap3A_55 = vector.shape_cast %swap3A_54 : vector<1x16xf32> to vector<16xf32>
      %swap3A_56 = vector.shape_cast %broadcast_in_dim3A_52 : vector<16xf32> to vector<1x16xf32>
      tpu.vector_store %arg13[%swap3A, %swap3A_53], %swap3A_56 {strides = array<i32>} : memref<100x16xf32, #tpu.memory_space<vmem>>, vector<1x16xf32>,
      %scan3A_57 = arith.constant 1 : i32
    }
    %scan3A_14 = arith.constant 100 : i32
    %scan3A_15 = arith.constant 0 : i32
    %scan3A_16 = arith.constant 13 : i32
    %scan3A_17 = arith.addi %scan3A_15, %scan3A_16 : i32
    %scan3A_18 = arith.constant 1 : i32
    scf.for %scan3A_43 = %scan3A_15 to %scan3A_17 step %scan3A_18  : i32 {
      %mul3A_44 = arith.constant 1 : i32
      %mul3A_45 = arith.muli %scan3A_43, %mul3A_44 : i32
      %add3A = arith.constant 0 : i32
      %add3A_46 = arith.addi %add3A, %mul3A_45 : i32
      %mul3A_47 = arith.constant 48 : i32
      %mul3A_48 = arith.muli %add3A_46, %mul3A_47 : i32
      %add3A_49 = arith.addi %mul3A_0, %mul3A_48 : i32
      "tpu.region"() ({
        %run_scoped3A = tpu.sem_alloc : memref<!tpu.dma_semaphore, #tpu.memory_space<semaphore_mem>>
        %dma_start3A = arith.constant 0 : i32
        %dma_start3A_53 = tpu.memref_slice %arg12[%add3A_49, %dma_start3A] : memref<10000x64xf32, #tpu.memory_space<vmem_shared>> -> memref<48x64xf32, #tpu.memory_space<vmem_shared>>
        %dma_start3A_54 = arith.constant 0 : i32
        %dma_start3A_55 = tpu.memref_slice %arg12[%add3A_49, %dma_start3A_54] : memref<10000x64xf32, #tpu.memory_space<vmem_shared>> -> memref<48x64xf32, #tpu.memory_space<vmem_shared>>
        tpu.enqueue_dma source(%arg11 : memref<48x64xf32, #tpu.memory_space<vmem>>) target(%dma_start3A_55 : memref<48x64xf32, #tpu.memory_space<vmem_shared>>) target_semaphore(%run_scoped3A : memref<!tpu.dma_semaphore, #tpu.memory_space<semaphore_mem>>)
        %dma_wait3A = arith.constant 0 : i32
        %dma_wait3A_56 = tpu.memref_slice %arg12[%add3A_49, %dma_wait3A] : memref<10000x64xf32, #tpu.memory_space<vmem_shared>> -> memref<48x64xf32, #tpu.memory_space<vmem_shared>>
        %dma_wait3A_57 = arith.constant 0 : i32
        %dma_wait3A_58 = tpu.memref_slice %arg12[%add3A_49, %dma_wait3A_57] : memref<10000x64xf32, #tpu.memory_space<vmem_shared>> -> memref<48x64xf32, #tpu.memory_space<vmem_shared>>
        tpu.wait_dma2 semaphore(%run_scoped3A : memref<!tpu.dma_semaphore, #tpu.memory_space<semaphore_mem>>) src(%arg11 : memref<48x64xf32, #tpu.memory_space<vmem>>) dst(%dma_wait3A_58 : memref<48x64xf32, #tpu.memory_space<vmem_shared>>)
        tpu.yield
      }) : () -> ()
      %mul3A_50 = arith.constant 48 : i32
      %mul3A_51 = arith.muli %add3A_46, %mul3A_50 : i32
      %add3A_52 = arith.addi %mul3A_0, %mul3A_51 : i32
      "tpu.region"() ({
        %run_scoped3A = tpu.sem_alloc : memref<!tpu.dma_semaphore, #tpu.memory_space<semaphore_mem>>
        %dma_start3A = arith.constant 0 : i32
        %dma_start3A_53 = tpu.memref_slice %arg15[%add3A_52, %dma_start3A] : memref<10000x16xf32, #tpu.memory_space<vmem_shared>> -> memref<48x16xf32, #tpu.memory_space<vmem_shared>>
        %dma_start3A_54 = arith.constant 0 : i32
        %dma_start3A_55 = tpu.memref_slice %arg15[%add3A_52, %dma_start3A_54] : memref<10000x16xf32, #tpu.memory_space<vmem_shared>> -> memref<48x16xf32, #tpu.memory_space<vmem_shared>>
        tpu.enqueue_dma source(%arg14 : memref<48x16xf32, #tpu.memory_space<vmem>>) target(%dma_start3A_55 : memref<48x16xf32, #tpu.memory_space<vmem_shared>>) target_semaphore(%run_scoped3A : memref<!tpu.dma_semaphore, #tpu.memory_space<semaphore_mem>>)
        %dma_wait3A = arith.constant 0 : i32
        %dma_wait3A_56 = tpu.memref_slice %arg15[%add3A_52, %dma_wait3A] : memref<10000x16xf32, #tpu.memory_space<vmem_shared>> -> memref<48x16xf32, #tpu.memory_space<vmem_shared>>
        %dma_wait3A_57 = arith.constant 0 : i32
        %dma_wait3A_58 = tpu.memref_slice %arg15[%add3A_52, %dma_wait3A_57] : memref<10000x16xf32, #tpu.memory_space<vmem_shared>> -> memref<48x16xf32, #tpu.memory_space<vmem_shared>>
        tpu.wait_dma2 semaphore(%run_scoped3A : memref<!tpu.dma_semaphore, #tpu.memory_space<semaphore_mem>>) src(%arg14 : memref<48x16xf32, #tpu.memory_space<vmem>>) dst(%dma_wait3A_58 : memref<48x16xf32, #tpu.memory_space<vmem_shared>>)
        tpu.yield
      }) : () -> ()
    }
    %scan3A_19 = arith.constant 13 : i32
    %eq3A = arith.constant 15 : i32
    %eq3A_20 = arith.cmpi eq, %arg1, %eq3A : i32
    %convert_element_type3A = arith.extui %eq3A_20 : i1 to i32
    %cond3A = arith.constant 0 : i32
    %cond3A_21 = arith.cmpi ne, %convert_element_type3A, %cond3A : i32
    scf.if %cond3A_21 {
      "tpu.region"() ({
        %run_scoped3A = tpu.sem_alloc : memref<!tpu.dma_semaphore, #tpu.memory_space<semaphore_mem>>
        %dma_start3A = arith.constant 0 : i32
        %dma_start3A_43 = arith.constant 0 : i32
        %dma_start3A_44 = tpu.memref_slice %arg11[%dma_start3A, %dma_start3A_43] : memref<48x64xf32, #tpu.memory_space<vmem>> -> memref<16x64xf32, #tpu.memory_space<vmem>>
        %dma_start3A_45 = arith.constant 9984 : i32
        %dma_start3A_46 = arith.constant 0 : i32
        %dma_start3A_47 = tpu.memref_slice %arg12[%dma_start3A_45, %dma_start3A_46] : memref<10000x64xf32, #tpu.memory_space<vmem_shared>> -> memref<16x64xf32, #tpu.memory_space<vmem_shared>>
        %dma_start3A_48 = arith.constant 9984 : i32
        %dma_start3A_49 = arith.constant 0 : i32
        %dma_start3A_50 = tpu.memref_slice %arg12[%dma_start3A_48, %dma_start3A_49] : memref<10000x64xf32, #tpu.memory_space<vmem_shared>> -> memref<16x64xf32, #tpu.memory_space<vmem_shared>>
        %dma_start3A_51 = arith.constant 0 : i32
        %dma_start3A_52 = arith.constant 0 : i32
        %dma_start3A_53 = tpu.memref_slice %arg11[%dma_start3A_51, %dma_start3A_52] : memref<48x64xf32, #tpu.memory_space<vmem>> -> memref<16x64xf32, #tpu.memory_space<vmem>>
        tpu.enqueue_dma source(%dma_start3A_53 : memref<16x64xf32, #tpu.memory_space<vmem>>) target(%dma_start3A_50 : memref<16x64xf32, #tpu.memory_space<vmem_shared>>) target_semaphore(%run_scoped3A : memref<!tpu.dma_semaphore, #tpu.memory_space<semaphore_mem>>)
        %dma_wait3A = arith.constant 0 : i32
        %dma_wait3A_54 = arith.constant 0 : i32
        %dma_wait3A_55 = tpu.memref_slice %arg11[%dma_wait3A, %dma_wait3A_54] : memref<48x64xf32, #tpu.memory_space<vmem>> -> memref<16x64xf32, #tpu.memory_space<vmem>>
        %dma_wait3A_56 = arith.constant 9984 : i32
        %dma_wait3A_57 = arith.constant 0 : i32
        %dma_wait3A_58 = tpu.memref_slice %arg12[%dma_wait3A_56, %dma_wait3A_57] : memref<10000x64xf32, #tpu.memory_space<vmem_shared>> -> memref<16x64xf32, #tpu.memory_space<vmem_shared>>
        %dma_wait3A_59 = arith.constant 9984 : i32
        %dma_wait3A_60 = arith.constant 0 : i32
        %dma_wait3A_61 = tpu.memref_slice %arg12[%dma_wait3A_59, %dma_wait3A_60] : memref<10000x64xf32, #tpu.memory_space<vmem_shared>> -> memref<16x64xf32, #tpu.memory_space<vmem_shared>>
        %dma_wait3A_62 = arith.constant 0 : i32
        %dma_wait3A_63 = arith.constant 0 : i32
        %dma_wait3A_64 = tpu.memref_slice %arg11[%dma_wait3A_62, %dma_wait3A_63] : memref<48x64xf32, #tpu.memory_space<vmem>> -> memref<16x64xf32, #tpu.memory_space<vmem>>
        tpu.wait_dma2 semaphore(%run_scoped3A : memref<!tpu.dma_semaphore, #tpu.memory_space<semaphore_mem>>) src(%dma_wait3A_64 : memref<16x64xf32, #tpu.memory_space<vmem>>) dst(%dma_wait3A_61 : memref<16x64xf32, #tpu.memory_space<vmem_shared>>)
        tpu.yield
      }) : () -> ()
      "tpu.region"() ({
        %run_scoped3A = tpu.sem_alloc : memref<!tpu.dma_semaphore, #tpu.memory_space<semaphore_mem>>
        %dma_start3A = arith.constant 0 : i32
        %dma_start3A_43 = arith.constant 0 : i32
        %dma_start3A_44 = tpu.memref_slice %arg14[%dma_start3A, %dma_start3A_43] : memref<48x16xf32, #tpu.memory_space<vmem>> -> memref<16x16xf32, #tpu.memory_space<vmem>>
        %dma_start3A_45 = arith.constant 9984 : i32
        %dma_start3A_46 = arith.constant 0 : i32
        %dma_start3A_47 = tpu.memref_slice %arg15[%dma_start3A_45, %dma_start3A_46] : memref<10000x16xf32, #tpu.memory_space<vmem_shared>> -> memref<16x16xf32, #tpu.memory_space<vmem_shared>>
        %dma_start3A_48 = arith.constant 9984 : i32
        %dma_start3A_49 = arith.constant 0 : i32
        %dma_start3A_50 = tpu.memref_slice %arg15[%dma_start3A_48, %dma_start3A_49] : memref<10000x16xf32, #tpu.memory_space<vmem_shared>> -> memref<16x16xf32, #tpu.memory_space<vmem_shared>>
        %dma_start3A_51 = arith.constant 0 : i32
        %dma_start3A_52 = arith.constant 0 : i32
        %dma_start3A_53 = tpu.memref_slice %arg14[%dma_start3A_51, %dma_start3A_52] : memref<48x16xf32, #tpu.memory_space<vmem>> -> memref<16x16xf32, #tpu.memory_space<vmem>>
        tpu.enqueue_dma source(%dma_start3A_53 : memref<16x16xf32, #tpu.memory_space<vmem>>) target(%dma_start3A_50 : memref<16x16xf32, #tpu.memory_space<vmem_shared>>) target_semaphore(%run_scoped3A : memref<!tpu.dma_semaphore, #tpu.memory_space<semaphore_mem>>)
        %dma_wait3A = arith.constant 0 : i32
        %dma_wait3A_54 = arith.constant 0 : i32
        %dma_wait3A_55 = tpu.memref_slice %arg14[%dma_wait3A, %dma_wait3A_54] : memref<48x16xf32, #tpu.memory_space<vmem>> -> memref<16x16xf32, #tpu.memory_space<vmem>>
        %dma_wait3A_56 = arith.constant 9984 : i32
        %dma_wait3A_57 = arith.constant 0 : i32
        %dma_wait3A_58 = tpu.memref_slice %arg15[%dma_wait3A_56, %dma_wait3A_57] : memref<10000x16xf32, #tpu.memory_space<vmem_shared>> -> memref<16x16xf32, #tpu.memory_space<vmem_shared>>
        %dma_wait3A_59 = arith.constant 9984 : i32
        %dma_wait3A_60 = arith.constant 0 : i32
        %dma_wait3A_61 = tpu.memref_slice %arg15[%dma_wait3A_59, %dma_wait3A_60] : memref<10000x16xf32, #tpu.memory_space<vmem_shared>> -> memref<16x16xf32, #tpu.memory_space<vmem_shared>>
        %dma_wait3A_62 = arith.constant 0 : i32
        %dma_wait3A_63 = arith.constant 0 : i32
        %dma_wait3A_64 = tpu.memref_slice %arg14[%dma_wait3A_62, %dma_wait3A_63] : memref<48x16xf32, #tpu.memory_space<vmem>> -> memref<16x16xf32, #tpu.memory_space<vmem>>
        tpu.wait_dma2 semaphore(%run_scoped3A : memref<!tpu.dma_semaphore, #tpu.memory_space<semaphore_mem>>) src(%dma_wait3A_64 : memref<16x16xf32, #tpu.memory_space<vmem>>) dst(%dma_wait3A_61 : memref<16x16xf32, #tpu.memory_space<vmem_shared>>)
        tpu.yield
      }) : () -> ()
    } else {
    }
    "tpu.region"() ({
      %run_scoped3A = tpu.sem_alloc : memref<!tpu.dma_semaphore, #tpu.memory_space<semaphore_mem>>
      %dma_start3A = arith.constant 0 : i32
      %dma_start3A_43 = arith.constant 0 : i32
      %dma_start3A_44 = tpu.memref_slice %arg4[%arg1, %dma_start3A, %dma_start3A_43] : memref<16x200x100xi32, #tpu.memory_space<hbm>> -> memref<1x200x100xi32, #tpu.memory_space<hbm>>
      %dma_start3A_45 = tpu.memref_squeeze %dma_start3A_44 : memref<1x200x100xi32, #tpu.memory_space<hbm>> -> memref<200x100xi32, #tpu.memory_space<hbm>>
      %dma_start3A_46 = arith.constant 0 : i32
      %dma_start3A_47 = arith.constant 0 : i32
      %dma_start3A_48 = tpu.memref_slice %arg4[%arg1, %dma_start3A_46, %dma_start3A_47] : memref<16x200x100xi32, #tpu.memory_space<hbm>> -> memref<1x200x100xi32, #tpu.memory_space<hbm>>
      %dma_start3A_49 = tpu.memref_squeeze %dma_start3A_48 : memref<1x200x100xi32, #tpu.memory_space<hbm>> -> memref<200x100xi32, #tpu.memory_space<hbm>>
      tpu.enqueue_dma source(%dma_start3A_49 : memref<200x100xi32, #tpu.memory_space<hbm>>) target(%arg8 : memref<200x100xi32, #tpu.memory_space<vmem>>) target_semaphore(%run_scoped3A : memref<!tpu.dma_semaphore, #tpu.memory_space<semaphore_mem>>)
      %dma_wait3A = arith.constant 0 : i32
      %dma_wait3A_50 = arith.constant 0 : i32
      %dma_wait3A_51 = tpu.memref_slice %arg4[%arg1, %dma_wait3A, %dma_wait3A_50] : memref<16x200x100xi32, #tpu.memory_space<hbm>> -> memref<1x200x100xi32, #tpu.memory_space<hbm>>
      %dma_wait3A_52 = tpu.memref_squeeze %dma_wait3A_51 : memref<1x200x100xi32, #tpu.memory_space<hbm>> -> memref<200x100xi32, #tpu.memory_space<hbm>>
      %dma_wait3A_53 = arith.constant 0 : i32
      %dma_wait3A_54 = arith.constant 0 : i32
      %dma_wait3A_55 = tpu.memref_slice %arg4[%arg1, %dma_wait3A_53, %dma_wait3A_54] : memref<16x200x100xi32, #tpu.memory_space<hbm>> -> memref<1x200x100xi32, #tpu.memory_space<hbm>>
      %dma_wait3A_56 = tpu.memref_squeeze %dma_wait3A_55 : memref<1x200x100xi32, #tpu.memory_space<hbm>> -> memref<200x100xi32, #tpu.memory_space<hbm>>
      tpu.wait_dma2 semaphore(%run_scoped3A : memref<!tpu.dma_semaphore, #tpu.memory_space<semaphore_mem>>) src(%dma_wait3A_56 : memref<200x100xi32, #tpu.memory_space<hbm>>) dst(%arg8 : memref<200x100xi32, #tpu.memory_space<vmem>>)
      tpu.yield
    }) : () -> ()
    "tpu.region"() ({
      %run_scoped3A = tpu.sem_alloc : memref<!tpu.dma_semaphore, #tpu.memory_space<semaphore_mem>>
      %dma_start3A = arith.constant 0 : i32
      %dma_start3A_43 = arith.constant 0 : i32
      %dma_start3A_44 = tpu.memref_slice %arg5[%arg1, %dma_start3A, %dma_start3A_43] : memref<16x200x100xi32, #tpu.memory_space<hbm>> -> memref<1x200x100xi32, #tpu.memory_space<hbm>>
      %dma_start3A_45 = tpu.memref_squeeze %dma_start3A_44 : memref<1x200x100xi32, #tpu.memory_space<hbm>> -> memref<200x100xi32, #tpu.memory_space<hbm>>
      %dma_start3A_46 = arith.constant 0 : i32
      %dma_start3A_47 = arith.constant 0 : i32
      %dma_start3A_48 = tpu.memref_slice %arg5[%arg1, %dma_start3A_46, %dma_start3A_47] : memref<16x200x100xi32, #tpu.memory_space<hbm>> -> memref<1x200x100xi32, #tpu.memory_space<hbm>>
      %dma_start3A_49 = tpu.memref_squeeze %dma_start3A_48 : memref<1x200x100xi32, #tpu.memory_space<hbm>> -> memref<200x100xi32, #tpu.memory_space<hbm>>
      tpu.enqueue_dma source(%dma_start3A_49 : memref<200x100xi32, #tpu.memory_space<hbm>>) target(%arg9 : memref<200x100xi32, #tpu.memory_space<vmem>>) target_semaphore(%run_scoped3A : memref<!tpu.dma_semaphore, #tpu.memory_space<semaphore_mem>>)
      %dma_wait3A = arith.constant 0 : i32
      %dma_wait3A_50 = arith.constant 0 : i32
      %dma_wait3A_51 = tpu.memref_slice %arg5[%arg1, %dma_wait3A, %dma_wait3A_50] : memref<16x200x100xi32, #tpu.memory_space<hbm>> -> memref<1x200x100xi32, #tpu.memory_space<hbm>>
      %dma_wait3A_52 = tpu.memref_squeeze %dma_wait3A_51 : memref<1x200x100xi32, #tpu.memory_space<hbm>> -> memref<200x100xi32, #tpu.memory_space<hbm>>
      %dma_wait3A_53 = arith.constant 0 : i32
      %dma_wait3A_54 = arith.constant 0 : i32
      %dma_wait3A_55 = tpu.memref_slice %arg5[%arg1, %dma_wait3A_53, %dma_wait3A_54] : memref<16x200x100xi32, #tpu.memory_space<hbm>> -> memref<1x200x100xi32, #tpu.memory_space<hbm>>
      %dma_wait3A_56 = tpu.memref_squeeze %dma_wait3A_55 : memref<1x200x100xi32, #tpu.memory_space<hbm>> -> memref<200x100xi32, #tpu.memory_space<hbm>>
      tpu.wait_dma2 semaphore(%run_scoped3A : memref<!tpu.dma_semaphore, #tpu.memory_space<semaphore_mem>>) src(%dma_wait3A_56 : memref<200x100xi32, #tpu.memory_space<hbm>>) dst(%arg9 : memref<200x100xi32, #tpu.memory_space<vmem>>)
      tpu.yield
    }) : () -> ()
    %barrier3A = arith.constant 0 : index
    tpu.barrier barrier_id(%barrier3A)
    %eq3A_22 = arith.constant 0 : i32
    %eq3A_23 = arith.cmpi eq, %arg0, %eq3A_22 : i32
    %convert_element_type3A_24 = arith.extui %eq3A_23 : i1 to i32
    %cond3A_25 = arith.constant 0 : i32
    %cond3A_26 = arith.cmpi ne, %convert_element_type3A_24, %cond3A_25 : i32
    scf.if %cond3A_26 {
      %dma_start3A = arith.constant 0 : i32
      %dma_start3A_43 = arith.constant 0 : i32
      %dma_start3A_44 = arith.constant 0 : i32
      %dma_start3A_45 = arith.constant 0 : i32
      %dma_start3A_46 = tpu.memref_slice %arg10[%dma_start3A_43, %dma_start3A_44, %dma_start3A_45] : memref<4x100x64xf32, #tpu.memory_space<vmem>> -> memref<1x100x64xf32, #tpu.memory_space<vmem>>
      %dma_start3A_47 = tpu.memref_squeeze %dma_start3A_46 : memref<1x100x64xf32, #tpu.memory_space<vmem>> -> memref<100x64xf32, #tpu.memory_space<vmem>>
      %dma_start3A_48 = arith.constant 0 : i32
      %dma_start3A_49 = tpu.memref_slice %arg8[%dma_start3A, %dma_start3A_48] : memref<200x100xi32, #tpu.memory_space<vmem>> -> memref<1x100xi32, #tpu.memory_space<vmem>>
      %dma_start3A_50 = tpu.memref_squeeze %dma_start3A_49 : memref<1x100xi32, #tpu.memory_space<vmem>> -> memref<100xi32, #tpu.memory_space<vmem>>
      %dma_start3A_51 = arith.constant 0 : i32
      %dma_start3A_52 = arith.constant 0 : i32
      %dma_start3A_53 = tpu.memref_slice %arg2[%dma_start3A_51, %dma_start3A_52] : memref<10000x64xf32, #tpu.memory_space<hbm>> -> memref<10000x64xf32, #tpu.memory_space<hbm>>
      tpu.enqueue_indirect_dma source(%dma_start3A_53 : memref<10000x64xf32, #tpu.memory_space<hbm>>) target(%dma_start3A_47 : memref<100x64xf32, #tpu.memory_space<vmem>>) offsets(%dma_start3A_50 : memref<100xi32, #tpu.memory_space<vmem>>) semaphore(%arg16 : memref<!tpu.dma_semaphore, #tpu.memory_space<semaphore_mem>>)
      %dma_start3A_54 = arith.constant 1 : i32
      %dma_start3A_55 = arith.constant 1 : i32
      %dma_start3A_56 = arith.constant 0 : i32
      %dma_start3A_57 = arith.constant 0 : i32
      %dma_start3A_58 = tpu.memref_slice %arg10[%dma_start3A_55, %dma_start3A_56, %dma_start3A_57] : memref<4x100x64xf32, #tpu.memory_space<vmem>> -> memref<1x100x64xf32, #tpu.memory_space<vmem>>
      %dma_start3A_59 = tpu.memref_squeeze %dma_start3A_58 : memref<1x100x64xf32, #tpu.memory_space<vmem>> -> memref<100x64xf32, #tpu.memory_space<vmem>>
      %dma_start3A_60 = arith.constant 0 : i32
      %dma_start3A_61 = tpu.memref_slice %arg8[%dma_start3A_54, %dma_start3A_60] : memref<200x100xi32, #tpu.memory_space<vmem>> -> memref<1x100xi32, #tpu.memory_space<vmem>>
      %dma_start3A_62 = tpu.memref_squeeze %dma_start3A_61 : memref<1x100xi32, #tpu.memory_space<vmem>> -> memref<100xi32, #tpu.memory_space<vmem>>
      %dma_start3A_63 = arith.constant 0 : i32
      %dma_start3A_64 = arith.constant 0 : i32
      %dma_start3A_65 = tpu.memref_slice %arg2[%dma_start3A_63, %dma_start3A_64] : memref<10000x64xf32, #tpu.memory_space<hbm>> -> memref<10000x64xf32, #tpu.memory_space<hbm>>
      tpu.enqueue_indirect_dma source(%dma_start3A_65 : memref<10000x64xf32, #tpu.memory_space<hbm>>) target(%dma_start3A_59 : memref<100x64xf32, #tpu.memory_space<vmem>>) offsets(%dma_start3A_62 : memref<100xi32, #tpu.memory_space<vmem>>) semaphore(%arg17 : memref<!tpu.dma_semaphore, #tpu.memory_space<semaphore_mem>>)
      %dma_start3A_66 = arith.constant 2 : i32
      %dma_start3A_67 = arith.constant 2 : i32
      %dma_start3A_68 = arith.constant 0 : i32
      %dma_start3A_69 = arith.constant 0 : i32
      %dma_start3A_70 = tpu.memref_slice %arg10[%dma_start3A_67, %dma_start3A_68, %dma_start3A_69] : memref<4x100x64xf32, #tpu.memory_space<vmem>> -> memref<1x100x64xf32, #tpu.memory_space<vmem>>
      %dma_start3A_71 = tpu.memref_squeeze %dma_start3A_70 : memref<1x100x64xf32, #tpu.memory_space<vmem>> -> memref<100x64xf32, #tpu.memory_space<vmem>>
      %dma_start3A_72 = arith.constant 0 : i32
      %dma_start3A_73 = tpu.memref_slice %arg8[%dma_start3A_66, %dma_start3A_72] : memref<200x100xi32, #tpu.memory_space<vmem>> -> memref<1x100xi32, #tpu.memory_space<vmem>>
      %dma_start3A_74 = tpu.memref_squeeze %dma_start3A_73 : memref<1x100xi32, #tpu.memory_space<vmem>> -> memref<100xi32, #tpu.memory_space<vmem>>
      %dma_start3A_75 = arith.constant 0 : i32
      %dma_start3A_76 = arith.constant 0 : i32
      %dma_start3A_77 = tpu.memref_slice %arg2[%dma_start3A_75, %dma_start3A_76] : memref<10000x64xf32, #tpu.memory_space<hbm>> -> memref<10000x64xf32, #tpu.memory_space<hbm>>
      tpu.enqueue_indirect_dma source(%dma_start3A_77 : memref<10000x64xf32, #tpu.memory_space<hbm>>) target(%dma_start3A_71 : memref<100x64xf32, #tpu.memory_space<vmem>>) offsets(%dma_start3A_74 : memref<100xi32, #tpu.memory_space<vmem>>) semaphore(%arg18 : memref<!tpu.dma_semaphore, #tpu.memory_space<semaphore_mem>>)
      %dma_start3A_78 = arith.constant 3 : i32
      %dma_start3A_79 = arith.constant 3 : i32
      %dma_start3A_80 = arith.constant 0 : i32
      %dma_start3A_81 = arith.constant 0 : i32
      %dma_start3A_82 = tpu.memref_slice %arg10[%dma_start3A_79, %dma_start3A_80, %dma_start3A_81] : memref<4x100x64xf32, #tpu.memory_space<vmem>> -> memref<1x100x64xf32, #tpu.memory_space<vmem>>
      %dma_start3A_83 = tpu.memref_squeeze %dma_start3A_82 : memref<1x100x64xf32, #tpu.memory_space<vmem>> -> memref<100x64xf32, #tpu.memory_space<vmem>>
      %dma_start3A_84 = arith.constant 0 : i32
      %dma_start3A_85 = tpu.memref_slice %arg8[%dma_start3A_78, %dma_start3A_84] : memref<200x100xi32, #tpu.memory_space<vmem>> -> memref<1x100xi32, #tpu.memory_space<vmem>>
      %dma_start3A_86 = tpu.memref_squeeze %dma_start3A_85 : memref<1x100xi32, #tpu.memory_space<vmem>> -> memref<100xi32, #tpu.memory_space<vmem>>
      %dma_start3A_87 = arith.constant 0 : i32
      %dma_start3A_88 = arith.constant 0 : i32
      %dma_start3A_89 = tpu.memref_slice %arg2[%dma_start3A_87, %dma_start3A_88] : memref<10000x64xf32, #tpu.memory_space<hbm>> -> memref<10000x64xf32, #tpu.memory_space<hbm>>
      tpu.enqueue_indirect_dma source(%dma_start3A_89 : memref<10000x64xf32, #tpu.memory_space<hbm>>) target(%dma_start3A_83 : memref<100x64xf32, #tpu.memory_space<vmem>>) offsets(%dma_start3A_86 : memref<100xi32, #tpu.memory_space<vmem>>) semaphore(%arg19 : memref<!tpu.dma_semaphore, #tpu.memory_space<semaphore_mem>>)
      %scan3A_90 = arith.constant 0 : i32
      %scan3A_91 = arith.constant 50 : i32
      %scan3A_92 = arith.addi %scan3A_90, %scan3A_91 : i32
      %scan3A_93 = arith.constant 1 : i32
      scf.for %scan3A_95 = %scan3A_90 to %scan3A_92 step %scan3A_93  : i32 {
        %mul3A_96 = arith.constant 4 : i32
        %mul3A_97 = arith.muli %scan3A_95, %mul3A_96 : i32
        %add3A = arith.constant 0 : i32
        %add3A_98 = arith.addi %add3A, %mul3A_97 : i32
        %add3A_99 = arith.constant 0 : i32
        %add3A_100 = arith.addi %add3A_98, %add3A_99 : i32
        %dma_wait3A = arith.constant 0 : i32
        %dma_wait3A_101 = arith.constant 0 : i32
        %dma_wait3A_102 = arith.constant 0 : i32
        %dma_wait3A_103 = tpu.memref_slice %arg10[%dma_wait3A, %dma_wait3A_101, %dma_wait3A_102] : memref<4x100x64xf32, #tpu.memory_space<vmem>> -> memref<1x100x64xf32, #tpu.memory_space<vmem>>
        %dma_wait3A_104 = tpu.memref_squeeze %dma_wait3A_103 : memref<1x100x64xf32, #tpu.memory_space<vmem>> -> memref<100x64xf32, #tpu.memory_space<vmem>>
        %dma_wait3A_105 = arith.constant 0 : i32
        %dma_wait3A_106 = tpu.memref_slice %arg8[%add3A_100, %dma_wait3A_105] : memref<200x100xi32, #tpu.memory_space<vmem>> -> memref<1x100xi32, #tpu.memory_space<vmem>>
        %dma_wait3A_107 = tpu.memref_squeeze %dma_wait3A_106 : memref<1x100xi32, #tpu.memory_space<vmem>> -> memref<100xi32, #tpu.memory_space<vmem>>
        %dma_wait3A_108 = arith.constant 0 : i32
        %dma_wait3A_109 = arith.constant 0 : i32
        %dma_wait3A_110 = tpu.memref_slice %arg2[%dma_wait3A_108, %dma_wait3A_109] : memref<10000x64xf32, #tpu.memory_space<hbm>> -> memref<10000x64xf32, #tpu.memory_space<hbm>>
        tpu.wait_indirect_dma semaphore(%arg16 : memref<!tpu.dma_semaphore, #tpu.memory_space<semaphore_mem>>) src(%dma_wait3A_110 : memref<10000x64xf32, #tpu.memory_space<hbm>>) dst(%dma_wait3A_104 : memref<100x64xf32, #tpu.memory_space<vmem>>)
        %run_scoped3A = arith.constant 0 : i32
        "tpu.region"() ({
          %run_scoped3A_234 = tpu.sem_alloc : memref<!tpu.dma_semaphore, #tpu.memory_space<semaphore_mem>>
          %dma_start3A_235 = arith.constant 0 : i32
          %dma_start3A_236 = arith.constant 0 : i32
          %dma_start3A_237 = tpu.memref_slice %arg10[%run_scoped3A, %dma_start3A_235, %dma_start3A_236] : memref<4x100x64xf32, #tpu.memory_space<vmem>> -> memref<1x100x64xf32, #tpu.memory_space<vmem>>
          %dma_start3A_238 = tpu.memref_squeeze %dma_start3A_237 : memref<1x100x64xf32, #tpu.memory_space<vmem>> -> memref<100x64xf32, #tpu.memory_space<vmem>>
          %dma_start3A_239 = arith.constant 0 : i32
          %dma_start3A_240 = tpu.memref_slice %arg9[%add3A_100, %dma_start3A_239] : memref<200x100xi32, #tpu.memory_space<vmem>> -> memref<1x100xi32, #tpu.memory_space<vmem>>
          %dma_start3A_241 = tpu.memref_squeeze %dma_start3A_240 : memref<1x100xi32, #tpu.memory_space<vmem>> -> memref<100xi32, #tpu.memory_space<vmem>>
          %dma_start3A_242 = arith.constant 0 : i32
          %dma_start3A_243 = arith.constant 0 : i32
          %dma_start3A_244 = tpu.memref_slice %arg12[%dma_start3A_242, %dma_start3A_243] : memref<10000x64xf32, #tpu.memory_space<vmem_shared>> -> memref<10000x64xf32, #tpu.memory_space<vmem_shared>>
          tpu.enqueue_indirect_dma source(%dma_start3A_238 : memref<100x64xf32, #tpu.memory_space<vmem>>) target(%dma_start3A_244 : memref<10000x64xf32, #tpu.memory_space<vmem_shared>>) offsets(%dma_start3A_241 : memref<100xi32, #tpu.memory_space<vmem>>) semaphore(%run_scoped3A_234 : memref<!tpu.dma_semaphore, #tpu.memory_space<semaphore_mem>>) {add = true}
          %dma_wait3A_245 = arith.constant 0 : i32
          %dma_wait3A_246 = arith.constant 0 : i32
          %dma_wait3A_247 = tpu.memref_slice %arg10[%run_scoped3A, %dma_wait3A_245, %dma_wait3A_246] : memref<4x100x64xf32, #tpu.memory_space<vmem>> -> memref<1x100x64xf32, #tpu.memory_space<vmem>>
          %dma_wait3A_248 = tpu.memref_squeeze %dma_wait3A_247 : memref<1x100x64xf32, #tpu.memory_space<vmem>> -> memref<100x64xf32, #tpu.memory_space<vmem>>
          %dma_wait3A_249 = arith.constant 0 : i32
          %dma_wait3A_250 = tpu.memref_slice %arg9[%add3A_100, %dma_wait3A_249] : memref<200x100xi32, #tpu.memory_space<vmem>> -> memref<1x100xi32, #tpu.memory_space<vmem>>
          %dma_wait3A_251 = tpu.memref_squeeze %dma_wait3A_250 : memref<1x100xi32, #tpu.memory_space<vmem>> -> memref<100xi32, #tpu.memory_space<vmem>>
          %dma_wait3A_252 = arith.constant 0 : i32
          %dma_wait3A_253 = arith.constant 0 : i32
          %dma_wait3A_254 = tpu.memref_slice %arg12[%dma_wait3A_252, %dma_wait3A_253] : memref<10000x64xf32, #tpu.memory_space<vmem_shared>> -> memref<10000x64xf32, #tpu.memory_space<vmem_shared>>
          tpu.wait_indirect_dma semaphore(%run_scoped3A_234 : memref<!tpu.dma_semaphore, #tpu.memory_space<semaphore_mem>>) src(%dma_wait3A_248 : memref<100x64xf32, #tpu.memory_space<vmem>>) dst(%dma_wait3A_254 : memref<10000x64xf32, #tpu.memory_space<vmem_shared>>)
          tpu.yield
        }) : () -> ()
        %mul3A_111 = arith.constant 100 : i32
        %mul3A_112 = arith.muli %arg0, %mul3A_111 : i32
        %ge3A = arith.cmpi sge, %add3A_100, %mul3A_112 : i32
        %add3A_113 = arith.constant 1 : i32
        %add3A_114 = arith.addi %arg0, %add3A_113 : i32
        %mul3A_115 = arith.constant 100 : i32
        %mul3A_116 = arith.muli %add3A_114, %mul3A_115 : i32
        %lt3A = arith.cmpi slt, %add3A_100, %mul3A_116 : i32
        %and3A = arith.andi %ge3A, %lt3A : i1
        %convert_element_type3A_117 = arith.extui %and3A : i1 to i32
        %cond3A_118 = arith.constant 0 : i32
        %cond3A_119 = arith.cmpi ne, %convert_element_type3A_117, %cond3A_118 : i32
        scf.if %cond3A_119 {
          "tpu.region"() ({
            %run_scoped3A_234 = tpu.sem_alloc : memref<!tpu.dma_semaphore, #tpu.memory_space<semaphore_mem>>
            %dma_start3A_235 = arith.constant 0 : i32
            %dma_start3A_236 = tpu.memref_slice %arg9[%add3A_100, %dma_start3A_235] : memref<200x100xi32, #tpu.memory_space<vmem>> -> memref<1x100xi32, #tpu.memory_space<vmem>>
            %dma_start3A_237 = tpu.memref_squeeze %dma_start3A_236 : memref<1x100xi32, #tpu.memory_space<vmem>> -> memref<100xi32, #tpu.memory_space<vmem>>
            %dma_start3A_238 = arith.constant 0 : i32
            %dma_start3A_239 = arith.constant 0 : i32
            %dma_start3A_240 = tpu.memref_slice %arg15[%dma_start3A_238, %dma_start3A_239] : memref<10000x16xf32, #tpu.memory_space<vmem_shared>> -> memref<10000x16xf32, #tpu.memory_space<vmem_shared>>
            tpu.enqueue_indirect_dma source(%arg13 : memref<100x16xf32, #tpu.memory_space<vmem>>) target(%dma_start3A_240 : memref<10000x16xf32, #tpu.memory_space<vmem_shared>>) offsets(%dma_start3A_237 : memref<100xi32, #tpu.memory_space<vmem>>) semaphore(%run_scoped3A_234 : memref<!tpu.dma_semaphore, #tpu.memory_space<semaphore_mem>>) {add = true}
            %dma_wait3A_241 = arith.constant 0 : i32
            %dma_wait3A_242 = tpu.memref_slice %arg9[%add3A_100, %dma_wait3A_241] : memref<200x100xi32, #tpu.memory_space<vmem>> -> memref<1x100xi32, #tpu.memory_space<vmem>>
            %dma_wait3A_243 = tpu.memref_squeeze %dma_wait3A_242 : memref<1x100xi32, #tpu.memory_space<vmem>> -> memref<100xi32, #tpu.memory_space<vmem>>
            %dma_wait3A_244 = arith.constant 0 : i32
            %dma_wait3A_245 = arith.constant 0 : i32
            %dma_wait3A_246 = tpu.memref_slice %arg15[%dma_wait3A_244, %dma_wait3A_245] : memref<10000x16xf32, #tpu.memory_space<vmem_shared>> -> memref<10000x16xf32, #tpu.memory_space<vmem_shared>>
            tpu.wait_indirect_dma semaphore(%run_scoped3A_234 : memref<!tpu.dma_semaphore, #tpu.memory_space<semaphore_mem>>) src(%arg13 : memref<100x16xf32, #tpu.memory_space<vmem>>) dst(%dma_wait3A_246 : memref<10000x16xf32, #tpu.memory_space<vmem_shared>>)
            tpu.yield
          }) : () -> ()
        } else {
        }
        %add3A_120 = arith.constant 0 : i32
        %add3A_121 = arith.addi %add3A_98, %add3A_120 : i32
        %add3A_122 = arith.constant 4 : i32
        %add3A_123 = arith.addi %add3A_121, %add3A_122 : i32
        %lt3A_124 = arith.constant 200 : i32
        %lt3A_125 = arith.cmpi slt, %add3A_123, %lt3A_124 : i32
        %convert_element_type3A_126 = arith.extui %lt3A_125 : i1 to i32
        %cond3A_127 = arith.constant 0 : i32
        %cond3A_128 = arith.cmpi ne, %convert_element_type3A_126, %cond3A_127 : i32
        scf.if %cond3A_128 {
          %add3A_234 = arith.constant 0 : i32
          %add3A_235 = arith.addi %add3A_98, %add3A_234 : i32
          %add3A_236 = arith.constant 4 : i32
          %add3A_237 = arith.addi %add3A_235, %add3A_236 : i32
          %dma_start3A_238 = arith.constant 0 : i32
          %dma_start3A_239 = arith.constant 0 : i32
          %dma_start3A_240 = arith.constant 0 : i32
          %dma_start3A_241 = tpu.memref_slice %arg10[%dma_start3A_238, %dma_start3A_239, %dma_start3A_240] : memref<4x100x64xf32, #tpu.memory_space<vmem>> -> memref<1x100x64xf32, #tpu.memory_space<vmem>>
          %dma_start3A_242 = tpu.memref_squeeze %dma_start3A_241 : memref<1x100x64xf32, #tpu.memory_space<vmem>> -> memref<100x64xf32, #tpu.memory_space<vmem>>
          %dma_start3A_243 = arith.constant 0 : i32
          %dma_start3A_244 = tpu.memref_slice %arg8[%add3A_237, %dma_start3A_243] : memref<200x100xi32, #tpu.memory_space<vmem>> -> memref<1x100xi32, #tpu.memory_space<vmem>>
          %dma_start3A_245 = tpu.memref_squeeze %dma_start3A_244 : memref<1x100xi32, #tpu.memory_space<vmem>> -> memref<100xi32, #tpu.memory_space<vmem>>
          %dma_start3A_246 = arith.constant 0 : i32
          %dma_start3A_247 = arith.constant 0 : i32
          %dma_start3A_248 = tpu.memref_slice %arg2[%dma_start3A_246, %dma_start3A_247] : memref<10000x64xf32, #tpu.memory_space<hbm>> -> memref<10000x64xf32, #tpu.memory_space<hbm>>
          tpu.enqueue_indirect_dma source(%dma_start3A_248 : memref<10000x64xf32, #tpu.memory_space<hbm>>) target(%dma_start3A_242 : memref<100x64xf32, #tpu.memory_space<vmem>>) offsets(%dma_start3A_245 : memref<100xi32, #tpu.memory_space<vmem>>) semaphore(%arg16 : memref<!tpu.dma_semaphore, #tpu.memory_space<semaphore_mem>>)
        } else {
        }
        %add3A_129 = arith.constant 1 : i32
        %add3A_130 = arith.addi %add3A_98, %add3A_129 : i32
        %dma_wait3A_131 = arith.constant 1 : i32
        %dma_wait3A_132 = arith.constant 0 : i32
        %dma_wait3A_133 = arith.constant 0 : i32
        %dma_wait3A_134 = tpu.memref_slice %arg10[%dma_wait3A_131, %dma_wait3A_132, %dma_wait3A_133] : memref<4x100x64xf32, #tpu.memory_space<vmem>> -> memref<1x100x64xf32, #tpu.memory_space<vmem>>
        %dma_wait3A_135 = tpu.memref_squeeze %dma_wait3A_134 : memref<1x100x64xf32, #tpu.memory_space<vmem>> -> memref<100x64xf32, #tpu.memory_space<vmem>>
        %dma_wait3A_136 = arith.constant 0 : i32
        %dma_wait3A_137 = tpu.memref_slice %arg8[%add3A_130, %dma_wait3A_136] : memref<200x100xi32, #tpu.memory_space<vmem>> -> memref<1x100xi32, #tpu.memory_space<vmem>>
        %dma_wait3A_138 = tpu.memref_squeeze %dma_wait3A_137 : memref<1x100xi32, #tpu.memory_space<vmem>> -> memref<100xi32, #tpu.memory_space<vmem>>
        %dma_wait3A_139 = arith.constant 0 : i32
        %dma_wait3A_140 = arith.constant 0 : i32
        %dma_wait3A_141 = tpu.memref_slice %arg2[%dma_wait3A_139, %dma_wait3A_140] : memref<10000x64xf32, #tpu.memory_space<hbm>> -> memref<10000x64xf32, #tpu.memory_space<hbm>>
        tpu.wait_indirect_dma semaphore(%arg17 : memref<!tpu.dma_semaphore, #tpu.memory_space<semaphore_mem>>) src(%dma_wait3A_141 : memref<10000x64xf32, #tpu.memory_space<hbm>>) dst(%dma_wait3A_135 : memref<100x64xf32, #tpu.memory_space<vmem>>)
        %run_scoped3A_142 = arith.constant 1 : i32
        "tpu.region"() ({
          %run_scoped3A_234 = tpu.sem_alloc : memref<!tpu.dma_semaphore, #tpu.memory_space<semaphore_mem>>
          %dma_start3A_235 = arith.constant 0 : i32
          %dma_start3A_236 = arith.constant 0 : i32
          %dma_start3A_237 = tpu.memref_slice %arg10[%run_scoped3A_142, %dma_start3A_235, %dma_start3A_236] : memref<4x100x64xf32, #tpu.memory_space<vmem>> -> memref<1x100x64xf32, #tpu.memory_space<vmem>>
          %dma_start3A_238 = tpu.memref_squeeze %dma_start3A_237 : memref<1x100x64xf32, #tpu.memory_space<vmem>> -> memref<100x64xf32, #tpu.memory_space<vmem>>
          %dma_start3A_239 = arith.constant 0 : i32
          %dma_start3A_240 = tpu.memref_slice %arg9[%add3A_130, %dma_start3A_239] : memref<200x100xi32, #tpu.memory_space<vmem>> -> memref<1x100xi32, #tpu.memory_space<vmem>>
          %dma_start3A_241 = tpu.memref_squeeze %dma_start3A_240 : memref<1x100xi32, #tpu.memory_space<vmem>> -> memref<100xi32, #tpu.memory_space<vmem>>
          %dma_start3A_242 = arith.constant 0 : i32
          %dma_start3A_243 = arith.constant 0 : i32
          %dma_start3A_244 = tpu.memref_slice %arg12[%dma_start3A_242, %dma_start3A_243] : memref<10000x64xf32, #tpu.memory_space<vmem_shared>> -> memref<10000x64xf32, #tpu.memory_space<vmem_shared>>
          tpu.enqueue_indirect_dma source(%dma_start3A_238 : memref<100x64xf32, #tpu.memory_space<vmem>>) target(%dma_start3A_244 : memref<10000x64xf32, #tpu.memory_space<vmem_shared>>) offsets(%dma_start3A_241 : memref<100xi32, #tpu.memory_space<vmem>>) semaphore(%run_scoped3A_234 : memref<!tpu.dma_semaphore, #tpu.memory_space<semaphore_mem>>) {add = true}
          %dma_wait3A_245 = arith.constant 0 : i32
          %dma_wait3A_246 = arith.constant 0 : i32
          %dma_wait3A_247 = tpu.memref_slice %arg10[%run_scoped3A_142, %dma_wait3A_245, %dma_wait3A_246] : memref<4x100x64xf32, #tpu.memory_space<vmem>> -> memref<1x100x64xf32, #tpu.memory_space<vmem>>
          %dma_wait3A_248 = tpu.memref_squeeze %dma_wait3A_247 : memref<1x100x64xf32, #tpu.memory_space<vmem>> -> memref<100x64xf32, #tpu.memory_space<vmem>>
          %dma_wait3A_249 = arith.constant 0 : i32
          %dma_wait3A_250 = tpu.memref_slice %arg9[%add3A_130, %dma_wait3A_249] : memref<200x100xi32, #tpu.memory_space<vmem>> -> memref<1x100xi32, #tpu.memory_space<vmem>>
          %dma_wait3A_251 = tpu.memref_squeeze %dma_wait3A_250 : memref<1x100xi32, #tpu.memory_space<vmem>> -> memref<100xi32, #tpu.memory_space<vmem>>
          %dma_wait3A_252 = arith.constant 0 : i32
          %dma_wait3A_253 = arith.constant 0 : i32
          %dma_wait3A_254 = tpu.memref_slice %arg12[%dma_wait3A_252, %dma_wait3A_253] : memref<10000x64xf32, #tpu.memory_space<vmem_shared>> -> memref<10000x64xf32, #tpu.memory_space<vmem_shared>>
          tpu.wait_indirect_dma semaphore(%run_scoped3A_234 : memref<!tpu.dma_semaphore, #tpu.memory_space<semaphore_mem>>) src(%dma_wait3A_248 : memref<100x64xf32, #tpu.memory_space<vmem>>) dst(%dma_wait3A_254 : memref<10000x64xf32, #tpu.memory_space<vmem_shared>>)
          tpu.yield
        }) : () -> ()
        %mul3A_143 = arith.constant 100 : i32
        %mul3A_144 = arith.muli %arg0, %mul3A_143 : i32
        %ge3A_145 = arith.cmpi sge, %add3A_130, %mul3A_144 : i32
        %add3A_146 = arith.constant 1 : i32
        %add3A_147 = arith.addi %arg0, %add3A_146 : i32
        %mul3A_148 = arith.constant 100 : i32
        %mul3A_149 = arith.muli %add3A_147, %mul3A_148 : i32
        %lt3A_150 = arith.cmpi slt, %add3A_130, %mul3A_149 : i32
        %and3A_151 = arith.andi %ge3A_145, %lt3A_150 : i1
        %convert_element_type3A_152 = arith.extui %and3A_151 : i1 to i32
        %cond3A_153 = arith.constant 0 : i32
        %cond3A_154 = arith.cmpi ne, %convert_element_type3A_152, %cond3A_153 : i32
        scf.if %cond3A_154 {
          "tpu.region"() ({
            %run_scoped3A_234 = tpu.sem_alloc : memref<!tpu.dma_semaphore, #tpu.memory_space<semaphore_mem>>
            %dma_start3A_235 = arith.constant 0 : i32
            %dma_start3A_236 = tpu.memref_slice %arg9[%add3A_130, %dma_start3A_235] : memref<200x100xi32, #tpu.memory_space<vmem>> -> memref<1x100xi32, #tpu.memory_space<vmem>>
            %dma_start3A_237 = tpu.memref_squeeze %dma_start3A_236 : memref<1x100xi32, #tpu.memory_space<vmem>> -> memref<100xi32, #tpu.memory_space<vmem>>
            %dma_start3A_238 = arith.constant 0 : i32
            %dma_start3A_239 = arith.constant 0 : i32
            %dma_start3A_240 = tpu.memref_slice %arg15[%dma_start3A_238, %dma_start3A_239] : memref<10000x16xf32, #tpu.memory_space<vmem_shared>> -> memref<10000x16xf32, #tpu.memory_space<vmem_shared>>
            tpu.enqueue_indirect_dma source(%arg13 : memref<100x16xf32, #tpu.memory_space<vmem>>) target(%dma_start3A_240 : memref<10000x16xf32, #tpu.memory_space<vmem_shared>>) offsets(%dma_start3A_237 : memref<100xi32, #tpu.memory_space<vmem>>) semaphore(%run_scoped3A_234 : memref<!tpu.dma_semaphore, #tpu.memory_space<semaphore_mem>>) {add = true}
            %dma_wait3A_241 = arith.constant 0 : i32
            %dma_wait3A_242 = tpu.memref_slice %arg9[%add3A_130, %dma_wait3A_241] : memref<200x100xi32, #tpu.memory_space<vmem>> -> memref<1x100xi32, #tpu.memory_space<vmem>>
            %dma_wait3A_243 = tpu.memref_squeeze %dma_wait3A_242 : memref<1x100xi32, #tpu.memory_space<vmem>> -> memref<100xi32, #tpu.memory_space<vmem>>
            %dma_wait3A_244 = arith.constant 0 : i32
            %dma_wait3A_245 = arith.constant 0 : i32
            %dma_wait3A_246 = tpu.memref_slice %arg15[%dma_wait3A_244, %dma_wait3A_245] : memref<10000x16xf32, #tpu.memory_space<vmem_shared>> -> memref<10000x16xf32, #tpu.memory_space<vmem_shared>>
            tpu.wait_indirect_dma semaphore(%run_scoped3A_234 : memref<!tpu.dma_semaphore, #tpu.memory_space<semaphore_mem>>) src(%arg13 : memref<100x16xf32, #tpu.memory_space<vmem>>) dst(%dma_wait3A_246 : memref<10000x16xf32, #tpu.memory_space<vmem_shared>>)
            tpu.yield
          }) : () -> ()
        } else {
        }
        %add3A_155 = arith.constant 1 : i32
        %add3A_156 = arith.addi %add3A_98, %add3A_155 : i32
        %add3A_157 = arith.constant 4 : i32
        %add3A_158 = arith.addi %add3A_156, %add3A_157 : i32
        %lt3A_159 = arith.constant 200 : i32
        %lt3A_160 = arith.cmpi slt, %add3A_158, %lt3A_159 : i32
        %convert_element_type3A_161 = arith.extui %lt3A_160 : i1 to i32
        %cond3A_162 = arith.constant 0 : i32
        %cond3A_163 = arith.cmpi ne, %convert_element_type3A_161, %cond3A_162 : i32
        scf.if %cond3A_163 {
          %add3A_234 = arith.constant 1 : i32
          %add3A_235 = arith.addi %add3A_98, %add3A_234 : i32
          %add3A_236 = arith.constant 4 : i32
          %add3A_237 = arith.addi %add3A_235, %add3A_236 : i32
          %dma_start3A_238 = arith.constant 1 : i32
          %dma_start3A_239 = arith.constant 0 : i32
          %dma_start3A_240 = arith.constant 0 : i32
          %dma_start3A_241 = tpu.memref_slice %arg10[%dma_start3A_238, %dma_start3A_239, %dma_start3A_240] : memref<4x100x64xf32, #tpu.memory_space<vmem>> -> memref<1x100x64xf32, #tpu.memory_space<vmem>>
          %dma_start3A_242 = tpu.memref_squeeze %dma_start3A_241 : memref<1x100x64xf32, #tpu.memory_space<vmem>> -> memref<100x64xf32, #tpu.memory_space<vmem>>
          %dma_start3A_243 = arith.constant 0 : i32
          %dma_start3A_244 = tpu.memref_slice %arg8[%add3A_237, %dma_start3A_243] : memref<200x100xi32, #tpu.memory_space<vmem>> -> memref<1x100xi32, #tpu.memory_space<vmem>>
          %dma_start3A_245 = tpu.memref_squeeze %dma_start3A_244 : memref<1x100xi32, #tpu.memory_space<vmem>> -> memref<100xi32, #tpu.memory_space<vmem>>
          %dma_start3A_246 = arith.constant 0 : i32
          %dma_start3A_247 = arith.constant 0 : i32
          %dma_start3A_248 = tpu.memref_slice %arg2[%dma_start3A_246, %dma_start3A_247] : memref<10000x64xf32, #tpu.memory_space<hbm>> -> memref<10000x64xf32, #tpu.memory_space<hbm>>
          tpu.enqueue_indirect_dma source(%dma_start3A_248 : memref<10000x64xf32, #tpu.memory_space<hbm>>) target(%dma_start3A_242 : memref<100x64xf32, #tpu.memory_space<vmem>>) offsets(%dma_start3A_245 : memref<100xi32, #tpu.memory_space<vmem>>) semaphore(%arg17 : memref<!tpu.dma_semaphore, #tpu.memory_space<semaphore_mem>>)
        } else {
        }
        %add3A_164 = arith.constant 2 : i32
        %add3A_165 = arith.addi %add3A_98, %add3A_164 : i32
        %dma_wait3A_166 = arith.constant 2 : i32
        %dma_wait3A_167 = arith.constant 0 : i32
        %dma_wait3A_168 = arith.constant 0 : i32
        %dma_wait3A_169 = tpu.memref_slice %arg10[%dma_wait3A_166, %dma_wait3A_167, %dma_wait3A_168] : memref<4x100x64xf32, #tpu.memory_space<vmem>> -> memref<1x100x64xf32, #tpu.memory_space<vmem>>
        %dma_wait3A_170 = tpu.memref_squeeze %dma_wait3A_169 : memref<1x100x64xf32, #tpu.memory_space<vmem>> -> memref<100x64xf32, #tpu.memory_space<vmem>>
        %dma_wait3A_171 = arith.constant 0 : i32
        %dma_wait3A_172 = tpu.memref_slice %arg8[%add3A_165, %dma_wait3A_171] : memref<200x100xi32, #tpu.memory_space<vmem>> -> memref<1x100xi32, #tpu.memory_space<vmem>>
        %dma_wait3A_173 = tpu.memref_squeeze %dma_wait3A_172 : memref<1x100xi32, #tpu.memory_space<vmem>> -> memref<100xi32, #tpu.memory_space<vmem>>
        %dma_wait3A_174 = arith.constant 0 : i32
        %dma_wait3A_175 = arith.constant 0 : i32
        %dma_wait3A_176 = tpu.memref_slice %arg2[%dma_wait3A_174, %dma_wait3A_175] : memref<10000x64xf32, #tpu.memory_space<hbm>> -> memref<10000x64xf32, #tpu.memory_space<hbm>>
        tpu.wait_indirect_dma semaphore(%arg18 : memref<!tpu.dma_semaphore, #tpu.memory_space<semaphore_mem>>) src(%dma_wait3A_176 : memref<10000x64xf32, #tpu.memory_space<hbm>>) dst(%dma_wait3A_170 : memref<100x64xf32, #tpu.memory_space<vmem>>)
        %run_scoped3A_177 = arith.constant 2 : i32
        "tpu.region"() ({
          %run_scoped3A_234 = tpu.sem_alloc : memref<!tpu.dma_semaphore, #tpu.memory_space<semaphore_mem>>
          %dma_start3A_235 = arith.constant 0 : i32
          %dma_start3A_236 = arith.constant 0 : i32
          %dma_start3A_237 = tpu.memref_slice %arg10[%run_scoped3A_177, %dma_start3A_235, %dma_start3A_236] : memref<4x100x64xf32, #tpu.memory_space<vmem>> -> memref<1x100x64xf32, #tpu.memory_space<vmem>>
          %dma_start3A_238 = tpu.memref_squeeze %dma_start3A_237 : memref<1x100x64xf32, #tpu.memory_space<vmem>> -> memref<100x64xf32, #tpu.memory_space<vmem>>
          %dma_start3A_239 = arith.constant 0 : i32
          %dma_start3A_240 = tpu.memref_slice %arg9[%add3A_165, %dma_start3A_239] : memref<200x100xi32, #tpu.memory_space<vmem>> -> memref<1x100xi32, #tpu.memory_space<vmem>>
          %dma_start3A_241 = tpu.memref_squeeze %dma_start3A_240 : memref<1x100xi32, #tpu.memory_space<vmem>> -> memref<100xi32, #tpu.memory_space<vmem>>
          %dma_start3A_242 = arith.constant 0 : i32
          %dma_start3A_243 = arith.constant 0 : i32
          %dma_start3A_244 = tpu.memref_slice %arg12[%dma_start3A_242, %dma_start3A_243] : memref<10000x64xf32, #tpu.memory_space<vmem_shared>> -> memref<10000x64xf32, #tpu.memory_space<vmem_shared>>
          tpu.enqueue_indirect_dma source(%dma_start3A_238 : memref<100x64xf32, #tpu.memory_space<vmem>>) target(%dma_start3A_244 : memref<10000x64xf32, #tpu.memory_space<vmem_shared>>) offsets(%dma_start3A_241 : memref<100xi32, #tpu.memory_space<vmem>>) semaphore(%run_scoped3A_234 : memref<!tpu.dma_semaphore, #tpu.memory_space<semaphore_mem>>) {add = true}
          %dma_wait3A_245 = arith.constant 0 : i32
          %dma_wait3A_246 = arith.constant 0 : i32
          %dma_wait3A_247 = tpu.memref_slice %arg10[%run_scoped3A_177, %dma_wait3A_245, %dma_wait3A_246] : memref<4x100x64xf32, #tpu.memory_space<vmem>> -> memref<1x100x64xf32, #tpu.memory_space<vmem>>
          %dma_wait3A_248 = tpu.memref_squeeze %dma_wait3A_247 : memref<1x100x64xf32, #tpu.memory_space<vmem>> -> memref<100x64xf32, #tpu.memory_space<vmem>>
          %dma_wait3A_249 = arith.constant 0 : i32
          %dma_wait3A_250 = tpu.memref_slice %arg9[%add3A_165, %dma_wait3A_249] : memref<200x100xi32, #tpu.memory_space<vmem>> -> memref<1x100xi32, #tpu.memory_space<vmem>>
          %dma_wait3A_251 = tpu.memref_squeeze %dma_wait3A_250 : memref<1x100xi32, #tpu.memory_space<vmem>> -> memref<100xi32, #tpu.memory_space<vmem>>
          %dma_wait3A_252 = arith.constant 0 : i32
          %dma_wait3A_253 = arith.constant 0 : i32
          %dma_wait3A_254 = tpu.memref_slice %arg12[%dma_wait3A_252, %dma_wait3A_253] : memref<10000x64xf32, #tpu.memory_space<vmem_shared>> -> memref<10000x64xf32, #tpu.memory_space<vmem_shared>>
          tpu.wait_indirect_dma semaphore(%run_scoped3A_234 : memref<!tpu.dma_semaphore, #tpu.memory_space<semaphore_mem>>) src(%dma_wait3A_248 : memref<100x64xf32, #tpu.memory_space<vmem>>) dst(%dma_wait3A_254 : memref<10000x64xf32, #tpu.memory_space<vmem_shared>>)
          tpu.yield
        }) : () -> ()
        %mul3A_178 = arith.constant 100 : i32
        %mul3A_179 = arith.muli %arg0, %mul3A_178 : i32
        %ge3A_180 = arith.cmpi sge, %add3A_165, %mul3A_179 : i32
        %add3A_181 = arith.constant 1 : i32
        %add3A_182 = arith.addi %arg0, %add3A_181 : i32
        %mul3A_183 = arith.constant 100 : i32
        %mul3A_184 = arith.muli %add3A_182, %mul3A_183 : i32
        %lt3A_185 = arith.cmpi slt, %add3A_165, %mul3A_184 : i32
        %and3A_186 = arith.andi %ge3A_180, %lt3A_185 : i1
        %convert_element_type3A_187 = arith.extui %and3A_186 : i1 to i32
        %cond3A_188 = arith.constant 0 : i32
        %cond3A_189 = arith.cmpi ne, %convert_element_type3A_187, %cond3A_188 : i32
        scf.if %cond3A_189 {
          "tpu.region"() ({
            %run_scoped3A_234 = tpu.sem_alloc : memref<!tpu.dma_semaphore, #tpu.memory_space<semaphore_mem>>
            %dma_start3A_235 = arith.constant 0 : i32
            %dma_start3A_236 = tpu.memref_slice %arg9[%add3A_165, %dma_start3A_235] : memref<200x100xi32, #tpu.memory_space<vmem>> -> memref<1x100xi32, #tpu.memory_space<vmem>>
            %dma_start3A_237 = tpu.memref_squeeze %dma_start3A_236 : memref<1x100xi32, #tpu.memory_space<vmem>> -> memref<100xi32, #tpu.memory_space<vmem>>
            %dma_start3A_238 = arith.constant 0 : i32
            %dma_start3A_239 = arith.constant 0 : i32
            %dma_start3A_240 = tpu.memref_slice %arg15[%dma_start3A_238, %dma_start3A_239] : memref<10000x16xf32, #tpu.memory_space<vmem_shared>> -> memref<10000x16xf32, #tpu.memory_space<vmem_shared>>
            tpu.enqueue_indirect_dma source(%arg13 : memref<100x16xf32, #tpu.memory_space<vmem>>) target(%dma_start3A_240 : memref<10000x16xf32, #tpu.memory_space<vmem_shared>>) offsets(%dma_start3A_237 : memref<100xi32, #tpu.memory_space<vmem>>) semaphore(%run_scoped3A_234 : memref<!tpu.dma_semaphore, #tpu.memory_space<semaphore_mem>>) {add = true}
            %dma_wait3A_241 = arith.constant 0 : i32
            %dma_wait3A_242 = tpu.memref_slice %arg9[%add3A_165, %dma_wait3A_241] : memref<200x100xi32, #tpu.memory_space<vmem>> -> memref<1x100xi32, #tpu.memory_space<vmem>>
            %dma_wait3A_243 = tpu.memref_squeeze %dma_wait3A_242 : memref<1x100xi32, #tpu.memory_space<vmem>> -> memref<100xi32, #tpu.memory_space<vmem>>
            %dma_wait3A_244 = arith.constant 0 : i32
            %dma_wait3A_245 = arith.constant 0 : i32
            %dma_wait3A_246 = tpu.memref_slice %arg15[%dma_wait3A_244, %dma_wait3A_245] : memref<10000x16xf32, #tpu.memory_space<vmem_shared>> -> memref<10000x16xf32, #tpu.memory_space<vmem_shared>>
            tpu.wait_indirect_dma semaphore(%run_scoped3A_234 : memref<!tpu.dma_semaphore, #tpu.memory_space<semaphore_mem>>) src(%arg13 : memref<100x16xf32, #tpu.memory_space<vmem>>) dst(%dma_wait3A_246 : memref<10000x16xf32, #tpu.memory_space<vmem_shared>>)
            tpu.yield
          }) : () -> ()
        } else {
        }
        %add3A_190 = arith.constant 2 : i32
        %add3A_191 = arith.addi %add3A_98, %add3A_190 : i32
        %add3A_192 = arith.constant 4 : i32
        %add3A_193 = arith.addi %add3A_191, %add3A_192 : i32
        %lt3A_194 = arith.constant 200 : i32
        %lt3A_195 = arith.cmpi slt, %add3A_193, %lt3A_194 : i32
        %convert_element_type3A_196 = arith.extui %lt3A_195 : i1 to i32
        %cond3A_197 = arith.constant 0 : i32
        %cond3A_198 = arith.cmpi ne, %convert_element_type3A_196, %cond3A_197 : i32
        scf.if %cond3A_198 {
          %add3A_234 = arith.constant 2 : i32
          %add3A_235 = arith.addi %add3A_98, %add3A_234 : i32
          %add3A_236 = arith.constant 4 : i32
          %add3A_237 = arith.addi %add3A_235, %add3A_236 : i32
          %dma_start3A_238 = arith.constant 2 : i32
          %dma_start3A_239 = arith.constant 0 : i32
          %dma_start3A_240 = arith.constant 0 : i32
          %dma_start3A_241 = tpu.memref_slice %arg10[%dma_start3A_238, %dma_start3A_239, %dma_start3A_240] : memref<4x100x64xf32, #tpu.memory_space<vmem>> -> memref<1x100x64xf32, #tpu.memory_space<vmem>>
          %dma_start3A_242 = tpu.memref_squeeze %dma_start3A_241 : memref<1x100x64xf32, #tpu.memory_space<vmem>> -> memref<100x64xf32, #tpu.memory_space<vmem>>
          %dma_start3A_243 = arith.constant 0 : i32
          %dma_start3A_244 = tpu.memref_slice %arg8[%add3A_237, %dma_start3A_243] : memref<200x100xi32, #tpu.memory_space<vmem>> -> memref<1x100xi32, #tpu.memory_space<vmem>>
          %dma_start3A_245 = tpu.memref_squeeze %dma_start3A_244 : memref<1x100xi32, #tpu.memory_space<vmem>> -> memref<100xi32, #tpu.memory_space<vmem>>
          %dma_start3A_246 = arith.constant 0 : i32
          %dma_start3A_247 = arith.constant 0 : i32
          %dma_start3A_248 = tpu.memref_slice %arg2[%dma_start3A_246, %dma_start3A_247] : memref<10000x64xf32, #tpu.memory_space<hbm>> -> memref<10000x64xf32, #tpu.memory_space<hbm>>
          tpu.enqueue_indirect_dma source(%dma_start3A_248 : memref<10000x64xf32, #tpu.memory_space<hbm>>) target(%dma_start3A_242 : memref<100x64xf32, #tpu.memory_space<vmem>>) offsets(%dma_start3A_245 : memref<100xi32, #tpu.memory_space<vmem>>) semaphore(%arg18 : memref<!tpu.dma_semaphore, #tpu.memory_space<semaphore_mem>>)
        } else {
        }
        %add3A_199 = arith.constant 3 : i32
        %add3A_200 = arith.addi %add3A_98, %add3A_199 : i32
        %dma_wait3A_201 = arith.constant 3 : i32
        %dma_wait3A_202 = arith.constant 0 : i32
        %dma_wait3A_203 = arith.constant 0 : i32
        %dma_wait3A_204 = tpu.memref_slice %arg10[%dma_wait3A_201, %dma_wait3A_202, %dma_wait3A_203] : memref<4x100x64xf32, #tpu.memory_space<vmem>> -> memref<1x100x64xf32, #tpu.memory_space<vmem>>
        %dma_wait3A_205 = tpu.memref_squeeze %dma_wait3A_204 : memref<1x100x64xf32, #tpu.memory_space<vmem>> -> memref<100x64xf32, #tpu.memory_space<vmem>>
        %dma_wait3A_206 = arith.constant 0 : i32
        %dma_wait3A_207 = tpu.memref_slice %arg8[%add3A_200, %dma_wait3A_206] : memref<200x100xi32, #tpu.memory_space<vmem>> -> memref<1x100xi32, #tpu.memory_space<vmem>>
        %dma_wait3A_208 = tpu.memref_squeeze %dma_wait3A_207 : memref<1x100xi32, #tpu.memory_space<vmem>> -> memref<100xi32, #tpu.memory_space<vmem>>
        %dma_wait3A_209 = arith.constant 0 : i32
        %dma_wait3A_210 = arith.constant 0 : i32
        %dma_wait3A_211 = tpu.memref_slice %arg2[%dma_wait3A_209, %dma_wait3A_210] : memref<10000x64xf32, #tpu.memory_space<hbm>> -> memref<10000x64xf32, #tpu.memory_space<hbm>>
        tpu.wait_indirect_dma semaphore(%arg19 : memref<!tpu.dma_semaphore, #tpu.memory_space<semaphore_mem>>) src(%dma_wait3A_211 : memref<10000x64xf32, #tpu.memory_space<hbm>>) dst(%dma_wait3A_205 : memref<100x64xf32, #tpu.memory_space<vmem>>)
        %run_scoped3A_212 = arith.constant 3 : i32
        "tpu.region"() ({
          %run_scoped3A_234 = tpu.sem_alloc : memref<!tpu.dma_semaphore, #tpu.memory_space<semaphore_mem>>
          %dma_start3A_235 = arith.constant 0 : i32
          %dma_start3A_236 = arith.constant 0 : i32
          %dma_start3A_237 = tpu.memref_slice %arg10[%run_scoped3A_212, %dma_start3A_235, %dma_start3A_236] : memref<4x100x64xf32, #tpu.memory_space<vmem>> -> memref<1x100x64xf32, #tpu.memory_space<vmem>>
          %dma_start3A_238 = tpu.memref_squeeze %dma_start3A_237 : memref<1x100x64xf32, #tpu.memory_space<vmem>> -> memref<100x64xf32, #tpu.memory_space<vmem>>
          %dma_start3A_239 = arith.constant 0 : i32
          %dma_start3A_240 = tpu.memref_slice %arg9[%add3A_200, %dma_start3A_239] : memref<200x100xi32, #tpu.memory_space<vmem>> -> memref<1x100xi32, #tpu.memory_space<vmem>>
          %dma_start3A_241 = tpu.memref_squeeze %dma_start3A_240 : memref<1x100xi32, #tpu.memory_space<vmem>> -> memref<100xi32, #tpu.memory_space<vmem>>
          %dma_start3A_242 = arith.constant 0 : i32
          %dma_start3A_243 = arith.constant 0 : i32
          %dma_start3A_244 = tpu.memref_slice %arg12[%dma_start3A_242, %dma_start3A_243] : memref<10000x64xf32, #tpu.memory_space<vmem_shared>> -> memref<10000x64xf32, #tpu.memory_space<vmem_shared>>
          tpu.enqueue_indirect_dma source(%dma_start3A_238 : memref<100x64xf32, #tpu.memory_space<vmem>>) target(%dma_start3A_244 : memref<10000x64xf32, #tpu.memory_space<vmem_shared>>) offsets(%dma_start3A_241 : memref<100xi32, #tpu.memory_space<vmem>>) semaphore(%run_scoped3A_234 : memref<!tpu.dma_semaphore, #tpu.memory_space<semaphore_mem>>) {add = true}
          %dma_wait3A_245 = arith.constant 0 : i32
          %dma_wait3A_246 = arith.constant 0 : i32
          %dma_wait3A_247 = tpu.memref_slice %arg10[%run_scoped3A_212, %dma_wait3A_245, %dma_wait3A_246] : memref<4x100x64xf32, #tpu.memory_space<vmem>> -> memref<1x100x64xf32, #tpu.memory_space<vmem>>
          %dma_wait3A_248 = tpu.memref_squeeze %dma_wait3A_247 : memref<1x100x64xf32, #tpu.memory_space<vmem>> -> memref<100x64xf32, #tpu.memory_space<vmem>>
          %dma_wait3A_249 = arith.constant 0 : i32
          %dma_wait3A_250 = tpu.memref_slice %arg9[%add3A_200, %dma_wait3A_249] : memref<200x100xi32, #tpu.memory_space<vmem>> -> memref<1x100xi32, #tpu.memory_space<vmem>>
          %dma_wait3A_251 = tpu.memref_squeeze %dma_wait3A_250 : memref<1x100xi32, #tpu.memory_space<vmem>> -> memref<100xi32, #tpu.memory_space<vmem>>
          %dma_wait3A_252 = arith.constant 0 : i32
          %dma_wait3A_253 = arith.constant 0 : i32
          %dma_wait3A_254 = tpu.memref_slice %arg12[%dma_wait3A_252, %dma_wait3A_253] : memref<10000x64xf32, #tpu.memory_space<vmem_shared>> -> memref<10000x64xf32, #tpu.memory_space<vmem_shared>>
          tpu.wait_indirect_dma semaphore(%run_scoped3A_234 : memref<!tpu.dma_semaphore, #tpu.memory_space<semaphore_mem>>) src(%dma_wait3A_248 : memref<100x64xf32, #tpu.memory_space<vmem>>) dst(%dma_wait3A_254 : memref<10000x64xf32, #tpu.memory_space<vmem_shared>>)
          tpu.yield
        }) : () -> ()
        %mul3A_213 = arith.constant 100 : i32
        %mul3A_214 = arith.muli %arg0, %mul3A_213 : i32
        %ge3A_215 = arith.cmpi sge, %add3A_200, %mul3A_214 : i32
        %add3A_216 = arith.constant 1 : i32
        %add3A_217 = arith.addi %arg0, %add3A_216 : i32
        %mul3A_218 = arith.constant 100 : i32
        %mul3A_219 = arith.muli %add3A_217, %mul3A_218 : i32
        %lt3A_220 = arith.cmpi slt, %add3A_200, %mul3A_219 : i32
        %and3A_221 = arith.andi %ge3A_215, %lt3A_220 : i1
        %convert_element_type3A_222 = arith.extui %and3A_221 : i1 to i32
        %cond3A_223 = arith.constant 0 : i32
        %cond3A_224 = arith.cmpi ne, %convert_element_type3A_222, %cond3A_223 : i32
        scf.if %cond3A_224 {
          "tpu.region"() ({
            %run_scoped3A_234 = tpu.sem_alloc : memref<!tpu.dma_semaphore, #tpu.memory_space<semaphore_mem>>
            %dma_start3A_235 = arith.constant 0 : i32
            %dma_start3A_236 = tpu.memref_slice %arg9[%add3A_200, %dma_start3A_235] : memref<200x100xi32, #tpu.memory_space<vmem>> -> memref<1x100xi32, #tpu.memory_space<vmem>>
            %dma_start3A_237 = tpu.memref_squeeze %dma_start3A_236 : memref<1x100xi32, #tpu.memory_space<vmem>> -> memref<100xi32, #tpu.memory_space<vmem>>
            %dma_start3A_238 = arith.constant 0 : i32
            %dma_start3A_239 = arith.constant 0 : i32
            %dma_start3A_240 = tpu.memref_slice %arg15[%dma_start3A_238, %dma_start3A_239] : memref<10000x16xf32, #tpu.memory_space<vmem_shared>> -> memref<10000x16xf32, #tpu.memory_space<vmem_shared>>
            tpu.enqueue_indirect_dma source(%arg13 : memref<100x16xf32, #tpu.memory_space<vmem>>) target(%dma_start3A_240 : memref<10000x16xf32, #tpu.memory_space<vmem_shared>>) offsets(%dma_start3A_237 : memref<100xi32, #tpu.memory_space<vmem>>) semaphore(%run_scoped3A_234 : memref<!tpu.dma_semaphore, #tpu.memory_space<semaphore_mem>>) {add = true}
            %dma_wait3A_241 = arith.constant 0 : i32
            %dma_wait3A_242 = tpu.memref_slice %arg9[%add3A_200, %dma_wait3A_241] : memref<200x100xi32, #tpu.memory_space<vmem>> -> memref<1x100xi32, #tpu.memory_space<vmem>>
            %dma_wait3A_243 = tpu.memref_squeeze %dma_wait3A_242 : memref<1x100xi32, #tpu.memory_space<vmem>> -> memref<100xi32, #tpu.memory_space<vmem>>
            %dma_wait3A_244 = arith.constant 0 : i32
            %dma_wait3A_245 = arith.constant 0 : i32
            %dma_wait3A_246 = tpu.memref_slice %arg15[%dma_wait3A_244, %dma_wait3A_245] : memref<10000x16xf32, #tpu.memory_space<vmem_shared>> -> memref<10000x16xf32, #tpu.memory_space<vmem_shared>>
            tpu.wait_indirect_dma semaphore(%run_scoped3A_234 : memref<!tpu.dma_semaphore, #tpu.memory_space<semaphore_mem>>) src(%arg13 : memref<100x16xf32, #tpu.memory_space<vmem>>) dst(%dma_wait3A_246 : memref<10000x16xf32, #tpu.memory_space<vmem_shared>>)
            tpu.yield
          }) : () -> ()
        } else {
        }
        %add3A_225 = arith.constant 3 : i32
        %add3A_226 = arith.addi %add3A_98, %add3A_225 : i32
        %add3A_227 = arith.constant 4 : i32
        %add3A_228 = arith.addi %add3A_226, %add3A_227 : i32
        %lt3A_229 = arith.constant 200 : i32
        %lt3A_230 = arith.cmpi slt, %add3A_228, %lt3A_229 : i32
        %convert_element_type3A_231 = arith.extui %lt3A_230 : i1 to i32
        %cond3A_232 = arith.constant 0 : i32
        %cond3A_233 = arith.cmpi ne, %convert_element_type3A_231, %cond3A_232 : i32
        scf.if %cond3A_233 {
          %add3A_234 = arith.constant 3 : i32
          %add3A_235 = arith.addi %add3A_98, %add3A_234 : i32
          %add3A_236 = arith.constant 4 : i32
          %add3A_237 = arith.addi %add3A_235, %add3A_236 : i32
          %dma_start3A_238 = arith.constant 3 : i32
          %dma_start3A_239 = arith.constant 0 : i32
          %dma_start3A_240 = arith.constant 0 : i32
          %dma_start3A_241 = tpu.memref_slice %arg10[%dma_start3A_238, %dma_start3A_239, %dma_start3A_240] : memref<4x100x64xf32, #tpu.memory_space<vmem>> -> memref<1x100x64xf32, #tpu.memory_space<vmem>>
          %dma_start3A_242 = tpu.memref_squeeze %dma_start3A_241 : memref<1x100x64xf32, #tpu.memory_space<vmem>> -> memref<100x64xf32, #tpu.memory_space<vmem>>
          %dma_start3A_243 = arith.constant 0 : i32
          %dma_start3A_244 = tpu.memref_slice %arg8[%add3A_237, %dma_start3A_243] : memref<200x100xi32, #tpu.memory_space<vmem>> -> memref<1x100xi32, #tpu.memory_space<vmem>>
          %dma_start3A_245 = tpu.memref_squeeze %dma_start3A_244 : memref<1x100xi32, #tpu.memory_space<vmem>> -> memref<100xi32, #tpu.memory_space<vmem>>
          %dma_start3A_246 = arith.constant 0 : i32
          %dma_start3A_247 = arith.constant 0 : i32
          %dma_start3A_248 = tpu.memref_slice %arg2[%dma_start3A_246, %dma_start3A_247] : memref<10000x64xf32, #tpu.memory_space<hbm>> -> memref<10000x64xf32, #tpu.memory_space<hbm>>
          tpu.enqueue_indirect_dma source(%dma_start3A_248 : memref<10000x64xf32, #tpu.memory_space<hbm>>) target(%dma_start3A_242 : memref<100x64xf32, #tpu.memory_space<vmem>>) offsets(%dma_start3A_245 : memref<100xi32, #tpu.memory_space<vmem>>) semaphore(%arg19 : memref<!tpu.dma_semaphore, #tpu.memory_space<semaphore_mem>>)
        } else {
        }
      }
      %scan3A_94 = arith.constant 50 : i32
    } else {
    }
    %eq3A_27 = arith.constant 1 : i32
    %eq3A_28 = arith.cmpi eq, %arg0, %eq3A_27 : i32
    %convert_element_type3A_29 = arith.extui %eq3A_28 : i1 to i32
    %cond3A_30 = arith.constant 0 : i32
    %cond3A_31 = arith.cmpi ne, %convert_element_type3A_29, %cond3A_30 : i32
    scf.if %cond3A_31 {
      %dma_start3A = arith.constant 0 : i32
      %dma_start3A_43 = arith.constant 0 : i32
      %dma_start3A_44 = arith.constant 0 : i32
      %dma_start3A_45 = arith.constant 0 : i32
      %dma_start3A_46 = tpu.memref_slice %arg10[%dma_start3A_43, %dma_start3A_44, %dma_start3A_45] : memref<4x100x64xf32, #tpu.memory_space<vmem>> -> memref<1x100x64xf32, #tpu.memory_space<vmem>>
      %dma_start3A_47 = tpu.memref_squeeze %dma_start3A_46 : memref<1x100x64xf32, #tpu.memory_space<vmem>> -> memref<100x64xf32, #tpu.memory_space<vmem>>
      %dma_start3A_48 = arith.constant 0 : i32
      %dma_start3A_49 = tpu.memref_slice %arg8[%dma_start3A, %dma_start3A_48] : memref<200x100xi32, #tpu.memory_space<vmem>> -> memref<1x100xi32, #tpu.memory_space<vmem>>
      %dma_start3A_50 = tpu.memref_squeeze %dma_start3A_49 : memref<1x100xi32, #tpu.memory_space<vmem>> -> memref<100xi32, #tpu.memory_space<vmem>>
      %dma_start3A_51 = arith.constant 0 : i32
      %dma_start3A_52 = arith.constant 0 : i32
      %dma_start3A_53 = tpu.memref_slice %arg3[%dma_start3A_51, %dma_start3A_52] : memref<10000x64xf32, #tpu.memory_space<hbm>> -> memref<10000x64xf32, #tpu.memory_space<hbm>>
      tpu.enqueue_indirect_dma source(%dma_start3A_53 : memref<10000x64xf32, #tpu.memory_space<hbm>>) target(%dma_start3A_47 : memref<100x64xf32, #tpu.memory_space<vmem>>) offsets(%dma_start3A_50 : memref<100xi32, #tpu.memory_space<vmem>>) semaphore(%arg16 : memref<!tpu.dma_semaphore, #tpu.memory_space<semaphore_mem>>)
      %dma_start3A_54 = arith.constant 1 : i32
      %dma_start3A_55 = arith.constant 1 : i32
      %dma_start3A_56 = arith.constant 0 : i32
      %dma_start3A_57 = arith.constant 0 : i32
      %dma_start3A_58 = tpu.memref_slice %arg10[%dma_start3A_55, %dma_start3A_56, %dma_start3A_57] : memref<4x100x64xf32, #tpu.memory_space<vmem>> -> memref<1x100x64xf32, #tpu.memory_space<vmem>>
      %dma_start3A_59 = tpu.memref_squeeze %dma_start3A_58 : memref<1x100x64xf32, #tpu.memory_space<vmem>> -> memref<100x64xf32, #tpu.memory_space<vmem>>
      %dma_start3A_60 = arith.constant 0 : i32
      %dma_start3A_61 = tpu.memref_slice %arg8[%dma_start3A_54, %dma_start3A_60] : memref<200x100xi32, #tpu.memory_space<vmem>> -> memref<1x100xi32, #tpu.memory_space<vmem>>
      %dma_start3A_62 = tpu.memref_squeeze %dma_start3A_61 : memref<1x100xi32, #tpu.memory_space<vmem>> -> memref<100xi32, #tpu.memory_space<vmem>>
      %dma_start3A_63 = arith.constant 0 : i32
      %dma_start3A_64 = arith.constant 0 : i32
      %dma_start3A_65 = tpu.memref_slice %arg3[%dma_start3A_63, %dma_start3A_64] : memref<10000x64xf32, #tpu.memory_space<hbm>> -> memref<10000x64xf32, #tpu.memory_space<hbm>>
      tpu.enqueue_indirect_dma source(%dma_start3A_65 : memref<10000x64xf32, #tpu.memory_space<hbm>>) target(%dma_start3A_59 : memref<100x64xf32, #tpu.memory_space<vmem>>) offsets(%dma_start3A_62 : memref<100xi32, #tpu.memory_space<vmem>>) semaphore(%arg17 : memref<!tpu.dma_semaphore, #tpu.memory_space<semaphore_mem>>)
      %dma_start3A_66 = arith.constant 2 : i32
      %dma_start3A_67 = arith.constant 2 : i32
      %dma_start3A_68 = arith.constant 0 : i32
      %dma_start3A_69 = arith.constant 0 : i32
      %dma_start3A_70 = tpu.memref_slice %arg10[%dma_start3A_67, %dma_start3A_68, %dma_start3A_69] : memref<4x100x64xf32, #tpu.memory_space<vmem>> -> memref<1x100x64xf32, #tpu.memory_space<vmem>>
      %dma_start3A_71 = tpu.memref_squeeze %dma_start3A_70 : memref<1x100x64xf32, #tpu.memory_space<vmem>> -> memref<100x64xf32, #tpu.memory_space<vmem>>
      %dma_start3A_72 = arith.constant 0 : i32
      %dma_start3A_73 = tpu.memref_slice %arg8[%dma_start3A_66, %dma_start3A_72] : memref<200x100xi32, #tpu.memory_space<vmem>> -> memref<1x100xi32, #tpu.memory_space<vmem>>
      %dma_start3A_74 = tpu.memref_squeeze %dma_start3A_73 : memref<1x100xi32, #tpu.memory_space<vmem>> -> memref<100xi32, #tpu.memory_space<vmem>>
      %dma_start3A_75 = arith.constant 0 : i32
      %dma_start3A_76 = arith.constant 0 : i32
      %dma_start3A_77 = tpu.memref_slice %arg3[%dma_start3A_75, %dma_start3A_76] : memref<10000x64xf32, #tpu.memory_space<hbm>> -> memref<10000x64xf32, #tpu.memory_space<hbm>>
      tpu.enqueue_indirect_dma source(%dma_start3A_77 : memref<10000x64xf32, #tpu.memory_space<hbm>>) target(%dma_start3A_71 : memref<100x64xf32, #tpu.memory_space<vmem>>) offsets(%dma_start3A_74 : memref<100xi32, #tpu.memory_space<vmem>>) semaphore(%arg18 : memref<!tpu.dma_semaphore, #tpu.memory_space<semaphore_mem>>)
      %dma_start3A_78 = arith.constant 3 : i32
      %dma_start3A_79 = arith.constant 3 : i32
      %dma_start3A_80 = arith.constant 0 : i32
      %dma_start3A_81 = arith.constant 0 : i32
      %dma_start3A_82 = tpu.memref_slice %arg10[%dma_start3A_79, %dma_start3A_80, %dma_start3A_81] : memref<4x100x64xf32, #tpu.memory_space<vmem>> -> memref<1x100x64xf32, #tpu.memory_space<vmem>>
      %dma_start3A_83 = tpu.memref_squeeze %dma_start3A_82 : memref<1x100x64xf32, #tpu.memory_space<vmem>> -> memref<100x64xf32, #tpu.memory_space<vmem>>
      %dma_start3A_84 = arith.constant 0 : i32
      %dma_start3A_85 = tpu.memref_slice %arg8[%dma_start3A_78, %dma_start3A_84] : memref<200x100xi32, #tpu.memory_space<vmem>> -> memref<1x100xi32, #tpu.memory_space<vmem>>
      %dma_start3A_86 = tpu.memref_squeeze %dma_start3A_85 : memref<1x100xi32, #tpu.memory_space<vmem>> -> memref<100xi32, #tpu.memory_space<vmem>>
      %dma_start3A_87 = arith.constant 0 : i32
      %dma_start3A_88 = arith.constant 0 : i32
      %dma_start3A_89 = tpu.memref_slice %arg3[%dma_start3A_87, %dma_start3A_88] : memref<10000x64xf32, #tpu.memory_space<hbm>> -> memref<10000x64xf32, #tpu.memory_space<hbm>>
      tpu.enqueue_indirect_dma source(%dma_start3A_89 : memref<10000x64xf32, #tpu.memory_space<hbm>>) target(%dma_start3A_83 : memref<100x64xf32, #tpu.memory_space<vmem>>) offsets(%dma_start3A_86 : memref<100xi32, #tpu.memory_space<vmem>>) semaphore(%arg19 : memref<!tpu.dma_semaphore, #tpu.memory_space<semaphore_mem>>)
      %scan3A_90 = arith.constant 0 : i32
      %scan3A_91 = arith.constant 50 : i32
      %scan3A_92 = arith.addi %scan3A_90, %scan3A_91 : i32
      %scan3A_93 = arith.constant 1 : i32
      scf.for %scan3A_95 = %scan3A_90 to %scan3A_92 step %scan3A_93  : i32 {
        %mul3A_96 = arith.constant 4 : i32
        %mul3A_97 = arith.muli %scan3A_95, %mul3A_96 : i32
        %add3A = arith.constant 0 : i32
        %add3A_98 = arith.addi %add3A, %mul3A_97 : i32
        %add3A_99 = arith.constant 0 : i32
        %add3A_100 = arith.addi %add3A_98, %add3A_99 : i32
        %dma_wait3A = arith.constant 0 : i32
        %dma_wait3A_101 = arith.constant 0 : i32
        %dma_wait3A_102 = arith.constant 0 : i32
        %dma_wait3A_103 = tpu.memref_slice %arg10[%dma_wait3A, %dma_wait3A_101, %dma_wait3A_102] : memref<4x100x64xf32, #tpu.memory_space<vmem>> -> memref<1x100x64xf32, #tpu.memory_space<vmem>>
        %dma_wait3A_104 = tpu.memref_squeeze %dma_wait3A_103 : memref<1x100x64xf32, #tpu.memory_space<vmem>> -> memref<100x64xf32, #tpu.memory_space<vmem>>
        %dma_wait3A_105 = arith.constant 0 : i32
        %dma_wait3A_106 = tpu.memref_slice %arg8[%add3A_100, %dma_wait3A_105] : memref<200x100xi32, #tpu.memory_space<vmem>> -> memref<1x100xi32, #tpu.memory_space<vmem>>
        %dma_wait3A_107 = tpu.memref_squeeze %dma_wait3A_106 : memref<1x100xi32, #tpu.memory_space<vmem>> -> memref<100xi32, #tpu.memory_space<vmem>>
        %dma_wait3A_108 = arith.constant 0 : i32
        %dma_wait3A_109 = arith.constant 0 : i32
        %dma_wait3A_110 = tpu.memref_slice %arg3[%dma_wait3A_108, %dma_wait3A_109] : memref<10000x64xf32, #tpu.memory_space<hbm>> -> memref<10000x64xf32, #tpu.memory_space<hbm>>
        tpu.wait_indirect_dma semaphore(%arg16 : memref<!tpu.dma_semaphore, #tpu.memory_space<semaphore_mem>>) src(%dma_wait3A_110 : memref<10000x64xf32, #tpu.memory_space<hbm>>) dst(%dma_wait3A_104 : memref<100x64xf32, #tpu.memory_space<vmem>>)
        %run_scoped3A = arith.constant 0 : i32
        "tpu.region"() ({
          %run_scoped3A_234 = tpu.sem_alloc : memref<!tpu.dma_semaphore, #tpu.memory_space<semaphore_mem>>
          %dma_start3A_235 = arith.constant 0 : i32
          %dma_start3A_236 = arith.constant 0 : i32
          %dma_start3A_237 = tpu.memref_slice %arg10[%run_scoped3A, %dma_start3A_235, %dma_start3A_236] : memref<4x100x64xf32, #tpu.memory_space<vmem>> -> memref<1x100x64xf32, #tpu.memory_space<vmem>>
          %dma_start3A_238 = tpu.memref_squeeze %dma_start3A_237 : memref<1x100x64xf32, #tpu.memory_space<vmem>> -> memref<100x64xf32, #tpu.memory_space<vmem>>
          %dma_start3A_239 = arith.constant 0 : i32
          %dma_start3A_240 = tpu.memref_slice %arg9[%add3A_100, %dma_start3A_239] : memref<200x100xi32, #tpu.memory_space<vmem>> -> memref<1x100xi32, #tpu.memory_space<vmem>>
          %dma_start3A_241 = tpu.memref_squeeze %dma_start3A_240 : memref<1x100xi32, #tpu.memory_space<vmem>> -> memref<100xi32, #tpu.memory_space<vmem>>
          %dma_start3A_242 = arith.constant 0 : i32
          %dma_start3A_243 = arith.constant 0 : i32
          %dma_start3A_244 = tpu.memref_slice %arg12[%dma_start3A_242, %dma_start3A_243] : memref<10000x64xf32, #tpu.memory_space<vmem_shared>> -> memref<10000x64xf32, #tpu.memory_space<vmem_shared>>
          tpu.enqueue_indirect_dma source(%dma_start3A_238 : memref<100x64xf32, #tpu.memory_space<vmem>>) target(%dma_start3A_244 : memref<10000x64xf32, #tpu.memory_space<vmem_shared>>) offsets(%dma_start3A_241 : memref<100xi32, #tpu.memory_space<vmem>>) semaphore(%run_scoped3A_234 : memref<!tpu.dma_semaphore, #tpu.memory_space<semaphore_mem>>) {add = true}
          %dma_wait3A_245 = arith.constant 0 : i32
          %dma_wait3A_246 = arith.constant 0 : i32
          %dma_wait3A_247 = tpu.memref_slice %arg10[%run_scoped3A, %dma_wait3A_245, %dma_wait3A_246] : memref<4x100x64xf32, #tpu.memory_space<vmem>> -> memref<1x100x64xf32, #tpu.memory_space<vmem>>
          %dma_wait3A_248 = tpu.memref_squeeze %dma_wait3A_247 : memref<1x100x64xf32, #tpu.memory_space<vmem>> -> memref<100x64xf32, #tpu.memory_space<vmem>>
          %dma_wait3A_249 = arith.constant 0 : i32
          %dma_wait3A_250 = tpu.memref_slice %arg9[%add3A_100, %dma_wait3A_249] : memref<200x100xi32, #tpu.memory_space<vmem>> -> memref<1x100xi32, #tpu.memory_space<vmem>>
          %dma_wait3A_251 = tpu.memref_squeeze %dma_wait3A_250 : memref<1x100xi32, #tpu.memory_space<vmem>> -> memref<100xi32, #tpu.memory_space<vmem>>
          %dma_wait3A_252 = arith.constant 0 : i32
          %dma_wait3A_253 = arith.constant 0 : i32
          %dma_wait3A_254 = tpu.memref_slice %arg12[%dma_wait3A_252, %dma_wait3A_253] : memref<10000x64xf32, #tpu.memory_space<vmem_shared>> -> memref<10000x64xf32, #tpu.memory_space<vmem_shared>>
          tpu.wait_indirect_dma semaphore(%run_scoped3A_234 : memref<!tpu.dma_semaphore, #tpu.memory_space<semaphore_mem>>) src(%dma_wait3A_248 : memref<100x64xf32, #tpu.memory_space<vmem>>) dst(%dma_wait3A_254 : memref<10000x64xf32, #tpu.memory_space<vmem_shared>>)
          tpu.yield
        }) : () -> ()
        %mul3A_111 = arith.constant 100 : i32
        %mul3A_112 = arith.muli %arg0, %mul3A_111 : i32
        %ge3A = arith.cmpi sge, %add3A_100, %mul3A_112 : i32
        %add3A_113 = arith.constant 1 : i32
        %add3A_114 = arith.addi %arg0, %add3A_113 : i32
        %mul3A_115 = arith.constant 100 : i32
        %mul3A_116 = arith.muli %add3A_114, %mul3A_115 : i32
        %lt3A = arith.cmpi slt, %add3A_100, %mul3A_116 : i32
        %and3A = arith.andi %ge3A, %lt3A : i1
        %convert_element_type3A_117 = arith.extui %and3A : i1 to i32
        %cond3A_118 = arith.constant 0 : i32
        %cond3A_119 = arith.cmpi ne, %convert_element_type3A_117, %cond3A_118 : i32
        scf.if %cond3A_119 {
          "tpu.region"() ({
            %run_scoped3A_234 = tpu.sem_alloc : memref<!tpu.dma_semaphore, #tpu.memory_space<semaphore_mem>>
            %dma_start3A_235 = arith.constant 0 : i32
            %dma_start3A_236 = tpu.memref_slice %arg9[%add3A_100, %dma_start3A_235] : memref<200x100xi32, #tpu.memory_space<vmem>> -> memref<1x100xi32, #tpu.memory_space<vmem>>
            %dma_start3A_237 = tpu.memref_squeeze %dma_start3A_236 : memref<1x100xi32, #tpu.memory_space<vmem>> -> memref<100xi32, #tpu.memory_space<vmem>>
            %dma_start3A_238 = arith.constant 0 : i32
            %dma_start3A_239 = arith.constant 0 : i32
            %dma_start3A_240 = tpu.memref_slice %arg15[%dma_start3A_238, %dma_start3A_239] : memref<10000x16xf32, #tpu.memory_space<vmem_shared>> -> memref<10000x16xf32, #tpu.memory_space<vmem_shared>>
            tpu.enqueue_indirect_dma source(%arg13 : memref<100x16xf32, #tpu.memory_space<vmem>>) target(%dma_start3A_240 : memref<10000x16xf32, #tpu.memory_space<vmem_shared>>) offsets(%dma_start3A_237 : memref<100xi32, #tpu.memory_space<vmem>>) semaphore(%run_scoped3A_234 : memref<!tpu.dma_semaphore, #tpu.memory_space<semaphore_mem>>) {add = true}
            %dma_wait3A_241 = arith.constant 0 : i32
            %dma_wait3A_242 = tpu.memref_slice %arg9[%add3A_100, %dma_wait3A_241] : memref<200x100xi32, #tpu.memory_space<vmem>> -> memref<1x100xi32, #tpu.memory_space<vmem>>
            %dma_wait3A_243 = tpu.memref_squeeze %dma_wait3A_242 : memref<1x100xi32, #tpu.memory_space<vmem>> -> memref<100xi32, #tpu.memory_space<vmem>>
            %dma_wait3A_244 = arith.constant 0 : i32
            %dma_wait3A_245 = arith.constant 0 : i32
            %dma_wait3A_246 = tpu.memref_slice %arg15[%dma_wait3A_244, %dma_wait3A_245] : memref<10000x16xf32, #tpu.memory_space<vmem_shared>> -> memref<10000x16xf32, #tpu.memory_space<vmem_shared>>
            tpu.wait_indirect_dma semaphore(%run_scoped3A_234 : memref<!tpu.dma_semaphore, #tpu.memory_space<semaphore_mem>>) src(%arg13 : memref<100x16xf32, #tpu.memory_space<vmem>>) dst(%dma_wait3A_246 : memref<10000x16xf32, #tpu.memory_space<vmem_shared>>)
            tpu.yield
          }) : () -> ()
        } else {
        }
        %add3A_120 = arith.constant 0 : i32
        %add3A_121 = arith.addi %add3A_98, %add3A_120 : i32
        %add3A_122 = arith.constant 4 : i32
        %add3A_123 = arith.addi %add3A_121, %add3A_122 : i32
        %lt3A_124 = arith.constant 200 : i32
        %lt3A_125 = arith.cmpi slt, %add3A_123, %lt3A_124 : i32
        %convert_element_type3A_126 = arith.extui %lt3A_125 : i1 to i32
        %cond3A_127 = arith.constant 0 : i32
        %cond3A_128 = arith.cmpi ne, %convert_element_type3A_126, %cond3A_127 : i32
        scf.if %cond3A_128 {
          %add3A_234 = arith.constant 0 : i32
          %add3A_235 = arith.addi %add3A_98, %add3A_234 : i32
          %add3A_236 = arith.constant 4 : i32
          %add3A_237 = arith.addi %add3A_235, %add3A_236 : i32
          %dma_start3A_238 = arith.constant 0 : i32
          %dma_start3A_239 = arith.constant 0 : i32
          %dma_start3A_240 = arith.constant 0 : i32
          %dma_start3A_241 = tpu.memref_slice %arg10[%dma_start3A_238, %dma_start3A_239, %dma_start3A_240] : memref<4x100x64xf32, #tpu.memory_space<vmem>> -> memref<1x100x64xf32, #tpu.memory_space<vmem>>
          %dma_start3A_242 = tpu.memref_squeeze %dma_start3A_241 : memref<1x100x64xf32, #tpu.memory_space<vmem>> -> memref<100x64xf32, #tpu.memory_space<vmem>>
          %dma_start3A_243 = arith.constant 0 : i32
          %dma_start3A_244 = tpu.memref_slice %arg8[%add3A_237, %dma_start3A_243] : memref<200x100xi32, #tpu.memory_space<vmem>> -> memref<1x100xi32, #tpu.memory_space<vmem>>
          %dma_start3A_245 = tpu.memref_squeeze %dma_start3A_244 : memref<1x100xi32, #tpu.memory_space<vmem>> -> memref<100xi32, #tpu.memory_space<vmem>>
          %dma_start3A_246 = arith.constant 0 : i32
          %dma_start3A_247 = arith.constant 0 : i32
          %dma_start3A_248 = tpu.memref_slice %arg3[%dma_start3A_246, %dma_start3A_247] : memref<10000x64xf32, #tpu.memory_space<hbm>> -> memref<10000x64xf32, #tpu.memory_space<hbm>>
          tpu.enqueue_indirect_dma source(%dma_start3A_248 : memref<10000x64xf32, #tpu.memory_space<hbm>>) target(%dma_start3A_242 : memref<100x64xf32, #tpu.memory_space<vmem>>) offsets(%dma_start3A_245 : memref<100xi32, #tpu.memory_space<vmem>>) semaphore(%arg16 : memref<!tpu.dma_semaphore, #tpu.memory_space<semaphore_mem>>)
        } else {
        }
        %add3A_129 = arith.constant 1 : i32
        %add3A_130 = arith.addi %add3A_98, %add3A_129 : i32
        %dma_wait3A_131 = arith.constant 1 : i32
        %dma_wait3A_132 = arith.constant 0 : i32
        %dma_wait3A_133 = arith.constant 0 : i32
        %dma_wait3A_134 = tpu.memref_slice %arg10[%dma_wait3A_131, %dma_wait3A_132, %dma_wait3A_133] : memref<4x100x64xf32, #tpu.memory_space<vmem>> -> memref<1x100x64xf32, #tpu.memory_space<vmem>>
        %dma_wait3A_135 = tpu.memref_squeeze %dma_wait3A_134 : memref<1x100x64xf32, #tpu.memory_space<vmem>> -> memref<100x64xf32, #tpu.memory_space<vmem>>
        %dma_wait3A_136 = arith.constant 0 : i32
        %dma_wait3A_137 = tpu.memref_slice %arg8[%add3A_130, %dma_wait3A_136] : memref<200x100xi32, #tpu.memory_space<vmem>> -> memref<1x100xi32, #tpu.memory_space<vmem>>
        %dma_wait3A_138 = tpu.memref_squeeze %dma_wait3A_137 : memref<1x100xi32, #tpu.memory_space<vmem>> -> memref<100xi32, #tpu.memory_space<vmem>>
        %dma_wait3A_139 = arith.constant 0 : i32
        %dma_wait3A_140 = arith.constant 0 : i32
        %dma_wait3A_141 = tpu.memref_slice %arg3[%dma_wait3A_139, %dma_wait3A_140] : memref<10000x64xf32, #tpu.memory_space<hbm>> -> memref<10000x64xf32, #tpu.memory_space<hbm>>
        tpu.wait_indirect_dma semaphore(%arg17 : memref<!tpu.dma_semaphore, #tpu.memory_space<semaphore_mem>>) src(%dma_wait3A_141 : memref<10000x64xf32, #tpu.memory_space<hbm>>) dst(%dma_wait3A_135 : memref<100x64xf32, #tpu.memory_space<vmem>>)
        %run_scoped3A_142 = arith.constant 1 : i32
        "tpu.region"() ({
          %run_scoped3A_234 = tpu.sem_alloc : memref<!tpu.dma_semaphore, #tpu.memory_space<semaphore_mem>>
          %dma_start3A_235 = arith.constant 0 : i32
          %dma_start3A_236 = arith.constant 0 : i32
          %dma_start3A_237 = tpu.memref_slice %arg10[%run_scoped3A_142, %dma_start3A_235, %dma_start3A_236] : memref<4x100x64xf32, #tpu.memory_space<vmem>> -> memref<1x100x64xf32, #tpu.memory_space<vmem>>
          %dma_start3A_238 = tpu.memref_squeeze %dma_start3A_237 : memref<1x100x64xf32, #tpu.memory_space<vmem>> -> memref<100x64xf32, #tpu.memory_space<vmem>>
          %dma_start3A_239 = arith.constant 0 : i32
          %dma_start3A_240 = tpu.memref_slice %arg9[%add3A_130, %dma_start3A_239] : memref<200x100xi32, #tpu.memory_space<vmem>> -> memref<1x100xi32, #tpu.memory_space<vmem>>
          %dma_start3A_241 = tpu.memref_squeeze %dma_start3A_240 : memref<1x100xi32, #tpu.memory_space<vmem>> -> memref<100xi32, #tpu.memory_space<vmem>>
          %dma_start3A_242 = arith.constant 0 : i32
          %dma_start3A_243 = arith.constant 0 : i32
          %dma_start3A_244 = tpu.memref_slice %arg12[%dma_start3A_242, %dma_start3A_243] : memref<10000x64xf32, #tpu.memory_space<vmem_shared>> -> memref<10000x64xf32, #tpu.memory_space<vmem_shared>>
          tpu.enqueue_indirect_dma source(%dma_start3A_238 : memref<100x64xf32, #tpu.memory_space<vmem>>) target(%dma_start3A_244 : memref<10000x64xf32, #tpu.memory_space<vmem_shared>>) offsets(%dma_start3A_241 : memref<100xi32, #tpu.memory_space<vmem>>) semaphore(%run_scoped3A_234 : memref<!tpu.dma_semaphore, #tpu.memory_space<semaphore_mem>>) {add = true}
          %dma_wait3A_245 = arith.constant 0 : i32
          %dma_wait3A_246 = arith.constant 0 : i32
          %dma_wait3A_247 = tpu.memref_slice %arg10[%run_scoped3A_142, %dma_wait3A_245, %dma_wait3A_246] : memref<4x100x64xf32, #tpu.memory_space<vmem>> -> memref<1x100x64xf32, #tpu.memory_space<vmem>>
          %dma_wait3A_248 = tpu.memref_squeeze %dma_wait3A_247 : memref<1x100x64xf32, #tpu.memory_space<vmem>> -> memref<100x64xf32, #tpu.memory_space<vmem>>
          %dma_wait3A_249 = arith.constant 0 : i32
          %dma_wait3A_250 = tpu.memref_slice %arg9[%add3A_130, %dma_wait3A_249] : memref<200x100xi32, #tpu.memory_space<vmem>> -> memref<1x100xi32, #tpu.memory_space<vmem>>
          %dma_wait3A_251 = tpu.memref_squeeze %dma_wait3A_250 : memref<1x100xi32, #tpu.memory_space<vmem>> -> memref<100xi32, #tpu.memory_space<vmem>>
          %dma_wait3A_252 = arith.constant 0 : i32
          %dma_wait3A_253 = arith.constant 0 : i32
          %dma_wait3A_254 = tpu.memref_slice %arg12[%dma_wait3A_252, %dma_wait3A_253] : memref<10000x64xf32, #tpu.memory_space<vmem_shared>> -> memref<10000x64xf32, #tpu.memory_space<vmem_shared>>
          tpu.wait_indirect_dma semaphore(%run_scoped3A_234 : memref<!tpu.dma_semaphore, #tpu.memory_space<semaphore_mem>>) src(%dma_wait3A_248 : memref<100x64xf32, #tpu.memory_space<vmem>>) dst(%dma_wait3A_254 : memref<10000x64xf32, #tpu.memory_space<vmem_shared>>)
          tpu.yield
        }) : () -> ()
        %mul3A_143 = arith.constant 100 : i32
        %mul3A_144 = arith.muli %arg0, %mul3A_143 : i32
        %ge3A_145 = arith.cmpi sge, %add3A_130, %mul3A_144 : i32
        %add3A_146 = arith.constant 1 : i32
        %add3A_147 = arith.addi %arg0, %add3A_146 : i32
        %mul3A_148 = arith.constant 100 : i32
        %mul3A_149 = arith.muli %add3A_147, %mul3A_148 : i32
        %lt3A_150 = arith.cmpi slt, %add3A_130, %mul3A_149 : i32
        %and3A_151 = arith.andi %ge3A_145, %lt3A_150 : i1
        %convert_element_type3A_152 = arith.extui %and3A_151 : i1 to i32
        %cond3A_153 = arith.constant 0 : i32
        %cond3A_154 = arith.cmpi ne, %convert_element_type3A_152, %cond3A_153 : i32
        scf.if %cond3A_154 {
          "tpu.region"() ({
            %run_scoped3A_234 = tpu.sem_alloc : memref<!tpu.dma_semaphore, #tpu.memory_space<semaphore_mem>>
            %dma_start3A_235 = arith.constant 0 : i32
            %dma_start3A_236 = tpu.memref_slice %arg9[%add3A_130, %dma_start3A_235] : memref<200x100xi32, #tpu.memory_space<vmem>> -> memref<1x100xi32, #tpu.memory_space<vmem>>
            %dma_start3A_237 = tpu.memref_squeeze %dma_start3A_236 : memref<1x100xi32, #tpu.memory_space<vmem>> -> memref<100xi32, #tpu.memory_space<vmem>>
            %dma_start3A_238 = arith.constant 0 : i32
            %dma_start3A_239 = arith.constant 0 : i32
            %dma_start3A_240 = tpu.memref_slice %arg15[%dma_start3A_238, %dma_start3A_239] : memref<10000x16xf32, #tpu.memory_space<vmem_shared>> -> memref<10000x16xf32, #tpu.memory_space<vmem_shared>>
            tpu.enqueue_indirect_dma source(%arg13 : memref<100x16xf32, #tpu.memory_space<vmem>>) target(%dma_start3A_240 : memref<10000x16xf32, #tpu.memory_space<vmem_shared>>) offsets(%dma_start3A_237 : memref<100xi32, #tpu.memory_space<vmem>>) semaphore(%run_scoped3A_234 : memref<!tpu.dma_semaphore, #tpu.memory_space<semaphore_mem>>) {add = true}
            %dma_wait3A_241 = arith.constant 0 : i32
            %dma_wait3A_242 = tpu.memref_slice %arg9[%add3A_130, %dma_wait3A_241] : memref<200x100xi32, #tpu.memory_space<vmem>> -> memref<1x100xi32, #tpu.memory_space<vmem>>
            %dma_wait3A_243 = tpu.memref_squeeze %dma_wait3A_242 : memref<1x100xi32, #tpu.memory_space<vmem>> -> memref<100xi32, #tpu.memory_space<vmem>>
            %dma_wait3A_244 = arith.constant 0 : i32
            %dma_wait3A_245 = arith.constant 0 : i32
            %dma_wait3A_246 = tpu.memref_slice %arg15[%dma_wait3A_244, %dma_wait3A_245] : memref<10000x16xf32, #tpu.memory_space<vmem_shared>> -> memref<10000x16xf32, #tpu.memory_space<vmem_shared>>
            tpu.wait_indirect_dma semaphore(%run_scoped3A_234 : memref<!tpu.dma_semaphore, #tpu.memory_space<semaphore_mem>>) src(%arg13 : memref<100x16xf32, #tpu.memory_space<vmem>>) dst(%dma_wait3A_246 : memref<10000x16xf32, #tpu.memory_space<vmem_shared>>)
            tpu.yield
          }) : () -> ()
        } else {
        }
        %add3A_155 = arith.constant 1 : i32
        %add3A_156 = arith.addi %add3A_98, %add3A_155 : i32
        %add3A_157 = arith.constant 4 : i32
        %add3A_158 = arith.addi %add3A_156, %add3A_157 : i32
        %lt3A_159 = arith.constant 200 : i32
        %lt3A_160 = arith.cmpi slt, %add3A_158, %lt3A_159 : i32
        %convert_element_type3A_161 = arith.extui %lt3A_160 : i1 to i32
        %cond3A_162 = arith.constant 0 : i32
        %cond3A_163 = arith.cmpi ne, %convert_element_type3A_161, %cond3A_162 : i32
        scf.if %cond3A_163 {
          %add3A_234 = arith.constant 1 : i32
          %add3A_235 = arith.addi %add3A_98, %add3A_234 : i32
          %add3A_236 = arith.constant 4 : i32
          %add3A_237 = arith.addi %add3A_235, %add3A_236 : i32
          %dma_start3A_238 = arith.constant 1 : i32
          %dma_start3A_239 = arith.constant 0 : i32
          %dma_start3A_240 = arith.constant 0 : i32
          %dma_start3A_241 = tpu.memref_slice %arg10[%dma_start3A_238, %dma_start3A_239, %dma_start3A_240] : memref<4x100x64xf32, #tpu.memory_space<vmem>> -> memref<1x100x64xf32, #tpu.memory_space<vmem>>
          %dma_start3A_242 = tpu.memref_squeeze %dma_start3A_241 : memref<1x100x64xf32, #tpu.memory_space<vmem>> -> memref<100x64xf32, #tpu.memory_space<vmem>>
          %dma_start3A_243 = arith.constant 0 : i32
          %dma_start3A_244 = tpu.memref_slice %arg8[%add3A_237, %dma_start3A_243] : memref<200x100xi32, #tpu.memory_space<vmem>> -> memref<1x100xi32, #tpu.memory_space<vmem>>
          %dma_start3A_245 = tpu.memref_squeeze %dma_start3A_244 : memref<1x100xi32, #tpu.memory_space<vmem>> -> memref<100xi32, #tpu.memory_space<vmem>>
          %dma_start3A_246 = arith.constant 0 : i32
          %dma_start3A_247 = arith.constant 0 : i32
          %dma_start3A_248 = tpu.memref_slice %arg3[%dma_start3A_246, %dma_start3A_247] : memref<10000x64xf32, #tpu.memory_space<hbm>> -> memref<10000x64xf32, #tpu.memory_space<hbm>>
          tpu.enqueue_indirect_dma source(%dma_start3A_248 : memref<10000x64xf32, #tpu.memory_space<hbm>>) target(%dma_start3A_242 : memref<100x64xf32, #tpu.memory_space<vmem>>) offsets(%dma_start3A_245 : memref<100xi32, #tpu.memory_space<vmem>>) semaphore(%arg17 : memref<!tpu.dma_semaphore, #tpu.memory_space<semaphore_mem>>)
        } else {
        }
        %add3A_164 = arith.constant 2 : i32
        %add3A_165 = arith.addi %add3A_98, %add3A_164 : i32
        %dma_wait3A_166 = arith.constant 2 : i32
        %dma_wait3A_167 = arith.constant 0 : i32
        %dma_wait3A_168 = arith.constant 0 : i32
        %dma_wait3A_169 = tpu.memref_slice %arg10[%dma_wait3A_166, %dma_wait3A_167, %dma_wait3A_168] : memref<4x100x64xf32, #tpu.memory_space<vmem>> -> memref<1x100x64xf32, #tpu.memory_space<vmem>>
        %dma_wait3A_170 = tpu.memref_squeeze %dma_wait3A_169 : memref<1x100x64xf32, #tpu.memory_space<vmem>> -> memref<100x64xf32, #tpu.memory_space<vmem>>
        %dma_wait3A_171 = arith.constant 0 : i32
        %dma_wait3A_172 = tpu.memref_slice %arg8[%add3A_165, %dma_wait3A_171] : memref<200x100xi32, #tpu.memory_space<vmem>> -> memref<1x100xi32, #tpu.memory_space<vmem>>
        %dma_wait3A_173 = tpu.memref_squeeze %dma_wait3A_172 : memref<1x100xi32, #tpu.memory_space<vmem>> -> memref<100xi32, #tpu.memory_space<vmem>>
        %dma_wait3A_174 = arith.constant 0 : i32
        %dma_wait3A_175 = arith.constant 0 : i32
        %dma_wait3A_176 = tpu.memref_slice %arg3[%dma_wait3A_174, %dma_wait3A_175] : memref<10000x64xf32, #tpu.memory_space<hbm>> -> memref<10000x64xf32, #tpu.memory_space<hbm>>
        tpu.wait_indirect_dma semaphore(%arg18 : memref<!tpu.dma_semaphore, #tpu.memory_space<semaphore_mem>>) src(%dma_wait3A_176 : memref<10000x64xf32, #tpu.memory_space<hbm>>) dst(%dma_wait3A_170 : memref<100x64xf32, #tpu.memory_space<vmem>>)
        %run_scoped3A_177 = arith.constant 2 : i32
        "tpu.region"() ({
          %run_scoped3A_234 = tpu.sem_alloc : memref<!tpu.dma_semaphore, #tpu.memory_space<semaphore_mem>>
          %dma_start3A_235 = arith.constant 0 : i32
          %dma_start3A_236 = arith.constant 0 : i32
          %dma_start3A_237 = tpu.memref_slice %arg10[%run_scoped3A_177, %dma_start3A_235, %dma_start3A_236] : memref<4x100x64xf32, #tpu.memory_space<vmem>> -> memref<1x100x64xf32, #tpu.memory_space<vmem>>
          %dma_start3A_238 = tpu.memref_squeeze %dma_start3A_237 : memref<1x100x64xf32, #tpu.memory_space<vmem>> -> memref<100x64xf32, #tpu.memory_space<vmem>>
          %dma_start3A_239 = arith.constant 0 : i32
          %dma_start3A_240 = tpu.memref_slice %arg9[%add3A_165, %dma_start3A_239] : memref<200x100xi32, #tpu.memory_space<vmem>> -> memref<1x100xi32, #tpu.memory_space<vmem>>
          %dma_start3A_241 = tpu.memref_squeeze %dma_start3A_240 : memref<1x100xi32, #tpu.memory_space<vmem>> -> memref<100xi32, #tpu.memory_space<vmem>>
          %dma_start3A_242 = arith.constant 0 : i32
          %dma_start3A_243 = arith.constant 0 : i32
          %dma_start3A_244 = tpu.memref_slice %arg12[%dma_start3A_242, %dma_start3A_243] : memref<10000x64xf32, #tpu.memory_space<vmem_shared>> -> memref<10000x64xf32, #tpu.memory_space<vmem_shared>>
          tpu.enqueue_indirect_dma source(%dma_start3A_238 : memref<100x64xf32, #tpu.memory_space<vmem>>) target(%dma_start3A_244 : memref<10000x64xf32, #tpu.memory_space<vmem_shared>>) offsets(%dma_start3A_241 : memref<100xi32, #tpu.memory_space<vmem>>) semaphore(%run_scoped3A_234 : memref<!tpu.dma_semaphore, #tpu.memory_space<semaphore_mem>>) {add = true}
          %dma_wait3A_245 = arith.constant 0 : i32
          %dma_wait3A_246 = arith.constant 0 : i32
          %dma_wait3A_247 = tpu.memref_slice %arg10[%run_scoped3A_177, %dma_wait3A_245, %dma_wait3A_246] : memref<4x100x64xf32, #tpu.memory_space<vmem>> -> memref<1x100x64xf32, #tpu.memory_space<vmem>>
          %dma_wait3A_248 = tpu.memref_squeeze %dma_wait3A_247 : memref<1x100x64xf32, #tpu.memory_space<vmem>> -> memref<100x64xf32, #tpu.memory_space<vmem>>
          %dma_wait3A_249 = arith.constant 0 : i32
          %dma_wait3A_250 = tpu.memref_slice %arg9[%add3A_165, %dma_wait3A_249] : memref<200x100xi32, #tpu.memory_space<vmem>> -> memref<1x100xi32, #tpu.memory_space<vmem>>
          %dma_wait3A_251 = tpu.memref_squeeze %dma_wait3A_250 : memref<1x100xi32, #tpu.memory_space<vmem>> -> memref<100xi32, #tpu.memory_space<vmem>>
          %dma_wait3A_252 = arith.constant 0 : i32
          %dma_wait3A_253 = arith.constant 0 : i32
          %dma_wait3A_254 = tpu.memref_slice %arg12[%dma_wait3A_252, %dma_wait3A_253] : memref<10000x64xf32, #tpu.memory_space<vmem_shared>> -> memref<10000x64xf32, #tpu.memory_space<vmem_shared>>
          tpu.wait_indirect_dma semaphore(%run_scoped3A_234 : memref<!tpu.dma_semaphore, #tpu.memory_space<semaphore_mem>>) src(%dma_wait3A_248 : memref<100x64xf32, #tpu.memory_space<vmem>>) dst(%dma_wait3A_254 : memref<10000x64xf32, #tpu.memory_space<vmem_shared>>)
          tpu.yield
        }) : () -> ()
        %mul3A_178 = arith.constant 100 : i32
        %mul3A_179 = arith.muli %arg0, %mul3A_178 : i32
        %ge3A_180 = arith.cmpi sge, %add3A_165, %mul3A_179 : i32
        %add3A_181 = arith.constant 1 : i32
        %add3A_182 = arith.addi %arg0, %add3A_181 : i32
        %mul3A_183 = arith.constant 100 : i32
        %mul3A_184 = arith.muli %add3A_182, %mul3A_183 : i32
        %lt3A_185 = arith.cmpi slt, %add3A_165, %mul3A_184 : i32
        %and3A_186 = arith.andi %ge3A_180, %lt3A_185 : i1
        %convert_element_type3A_187 = arith.extui %and3A_186 : i1 to i32
        %cond3A_188 = arith.constant 0 : i32
        %cond3A_189 = arith.cmpi ne, %convert_element_type3A_187, %cond3A_188 : i32
        scf.if %cond3A_189 {
          "tpu.region"() ({
            %run_scoped3A_234 = tpu.sem_alloc : memref<!tpu.dma_semaphore, #tpu.memory_space<semaphore_mem>>
            %dma_start3A_235 = arith.constant 0 : i32
            %dma_start3A_236 = tpu.memref_slice %arg9[%add3A_165, %dma_start3A_235] : memref<200x100xi32, #tpu.memory_space<vmem>> -> memref<1x100xi32, #tpu.memory_space<vmem>>
            %dma_start3A_237 = tpu.memref_squeeze %dma_start3A_236 : memref<1x100xi32, #tpu.memory_space<vmem>> -> memref<100xi32, #tpu.memory_space<vmem>>
            %dma_start3A_238 = arith.constant 0 : i32
            %dma_start3A_239 = arith.constant 0 : i32
            %dma_start3A_240 = tpu.memref_slice %arg15[%dma_start3A_238, %dma_start3A_239] : memref<10000x16xf32, #tpu.memory_space<vmem_shared>> -> memref<10000x16xf32, #tpu.memory_space<vmem_shared>>
            tpu.enqueue_indirect_dma source(%arg13 : memref<100x16xf32, #tpu.memory_space<vmem>>) target(%dma_start3A_240 : memref<10000x16xf32, #tpu.memory_space<vmem_shared>>) offsets(%dma_start3A_237 : memref<100xi32, #tpu.memory_space<vmem>>) semaphore(%run_scoped3A_234 : memref<!tpu.dma_semaphore, #tpu.memory_space<semaphore_mem>>) {add = true}
            %dma_wait3A_241 = arith.constant 0 : i32
            %dma_wait3A_242 = tpu.memref_slice %arg9[%add3A_165, %dma_wait3A_241] : memref<200x100xi32, #tpu.memory_space<vmem>> -> memref<1x100xi32, #tpu.memory_space<vmem>>
            %dma_wait3A_243 = tpu.memref_squeeze %dma_wait3A_242 : memref<1x100xi32, #tpu.memory_space<vmem>> -> memref<100xi32, #tpu.memory_space<vmem>>
            %dma_wait3A_244 = arith.constant 0 : i32
            %dma_wait3A_245 = arith.constant 0 : i32
            %dma_wait3A_246 = tpu.memref_slice %arg15[%dma_wait3A_244, %dma_wait3A_245] : memref<10000x16xf32, #tpu.memory_space<vmem_shared>> -> memref<10000x16xf32, #tpu.memory_space<vmem_shared>>
            tpu.wait_indirect_dma semaphore(%run_scoped3A_234 : memref<!tpu.dma_semaphore, #tpu.memory_space<semaphore_mem>>) src(%arg13 : memref<100x16xf32, #tpu.memory_space<vmem>>) dst(%dma_wait3A_246 : memref<10000x16xf32, #tpu.memory_space<vmem_shared>>)
            tpu.yield
          }) : () -> ()
        } else {
        }
        %add3A_190 = arith.constant 2 : i32
        %add3A_191 = arith.addi %add3A_98, %add3A_190 : i32
        %add3A_192 = arith.constant 4 : i32
        %add3A_193 = arith.addi %add3A_191, %add3A_192 : i32
        %lt3A_194 = arith.constant 200 : i32
        %lt3A_195 = arith.cmpi slt, %add3A_193, %lt3A_194 : i32
        %convert_element_type3A_196 = arith.extui %lt3A_195 : i1 to i32
        %cond3A_197 = arith.constant 0 : i32
        %cond3A_198 = arith.cmpi ne, %convert_element_type3A_196, %cond3A_197 : i32
        scf.if %cond3A_198 {
          %add3A_234 = arith.constant 2 : i32
          %add3A_235 = arith.addi %add3A_98, %add3A_234 : i32
          %add3A_236 = arith.constant 4 : i32
          %add3A_237 = arith.addi %add3A_235, %add3A_236 : i32
          %dma_start3A_238 = arith.constant 2 : i32
          %dma_start3A_239 = arith.constant 0 : i32
          %dma_start3A_240 = arith.constant 0 : i32
          %dma_start3A_241 = tpu.memref_slice %arg10[%dma_start3A_238, %dma_start3A_239, %dma_start3A_240] : memref<4x100x64xf32, #tpu.memory_space<vmem>> -> memref<1x100x64xf32, #tpu.memory_space<vmem>>
          %dma_start3A_242 = tpu.memref_squeeze %dma_start3A_241 : memref<1x100x64xf32, #tpu.memory_space<vmem>> -> memref<100x64xf32, #tpu.memory_space<vmem>>
          %dma_start3A_243 = arith.constant 0 : i32
          %dma_start3A_244 = tpu.memref_slice %arg8[%add3A_237, %dma_start3A_243] : memref<200x100xi32, #tpu.memory_space<vmem>> -> memref<1x100xi32, #tpu.memory_space<vmem>>
          %dma_start3A_245 = tpu.memref_squeeze %dma_start3A_244 : memref<1x100xi32, #tpu.memory_space<vmem>> -> memref<100xi32, #tpu.memory_space<vmem>>
          %dma_start3A_246 = arith.constant 0 : i32
          %dma_start3A_247 = arith.constant 0 : i32
          %dma_start3A_248 = tpu.memref_slice %arg3[%dma_start3A_246, %dma_start3A_247] : memref<10000x64xf32, #tpu.memory_space<hbm>> -> memref<10000x64xf32, #tpu.memory_space<hbm>>
          tpu.enqueue_indirect_dma source(%dma_start3A_248 : memref<10000x64xf32, #tpu.memory_space<hbm>>) target(%dma_start3A_242 : memref<100x64xf32, #tpu.memory_space<vmem>>) offsets(%dma_start3A_245 : memref<100xi32, #tpu.memory_space<vmem>>) semaphore(%arg18 : memref<!tpu.dma_semaphore, #tpu.memory_space<semaphore_mem>>)
        } else {
        }
        %add3A_199 = arith.constant 3 : i32
        %add3A_200 = arith.addi %add3A_98, %add3A_199 : i32
        %dma_wait3A_201 = arith.constant 3 : i32
        %dma_wait3A_202 = arith.constant 0 : i32
        %dma_wait3A_203 = arith.constant 0 : i32
        %dma_wait3A_204 = tpu.memref_slice %arg10[%dma_wait3A_201, %dma_wait3A_202, %dma_wait3A_203] : memref<4x100x64xf32, #tpu.memory_space<vmem>> -> memref<1x100x64xf32, #tpu.memory_space<vmem>>
        %dma_wait3A_205 = tpu.memref_squeeze %dma_wait3A_204 : memref<1x100x64xf32, #tpu.memory_space<vmem>> -> memref<100x64xf32, #tpu.memory_space<vmem>>
        %dma_wait3A_206 = arith.constant 0 : i32
        %dma_wait3A_207 = tpu.memref_slice %arg8[%add3A_200, %dma_wait3A_206] : memref<200x100xi32, #tpu.memory_space<vmem>> -> memref<1x100xi32, #tpu.memory_space<vmem>>
        %dma_wait3A_208 = tpu.memref_squeeze %dma_wait3A_207 : memref<1x100xi32, #tpu.memory_space<vmem>> -> memref<100xi32, #tpu.memory_space<vmem>>
        %dma_wait3A_209 = arith.constant 0 : i32
        %dma_wait3A_210 = arith.constant 0 : i32
        %dma_wait3A_211 = tpu.memref_slice %arg3[%dma_wait3A_209, %dma_wait3A_210] : memref<10000x64xf32, #tpu.memory_space<hbm>> -> memref<10000x64xf32, #tpu.memory_space<hbm>>
        tpu.wait_indirect_dma semaphore(%arg19 : memref<!tpu.dma_semaphore, #tpu.memory_space<semaphore_mem>>) src(%dma_wait3A_211 : memref<10000x64xf32, #tpu.memory_space<hbm>>) dst(%dma_wait3A_205 : memref<100x64xf32, #tpu.memory_space<vmem>>)
        %run_scoped3A_212 = arith.constant 3 : i32
        "tpu.region"() ({
          %run_scoped3A_234 = tpu.sem_alloc : memref<!tpu.dma_semaphore, #tpu.memory_space<semaphore_mem>>
          %dma_start3A_235 = arith.constant 0 : i32
          %dma_start3A_236 = arith.constant 0 : i32
          %dma_start3A_237 = tpu.memref_slice %arg10[%run_scoped3A_212, %dma_start3A_235, %dma_start3A_236] : memref<4x100x64xf32, #tpu.memory_space<vmem>> -> memref<1x100x64xf32, #tpu.memory_space<vmem>>
          %dma_start3A_238 = tpu.memref_squeeze %dma_start3A_237 : memref<1x100x64xf32, #tpu.memory_space<vmem>> -> memref<100x64xf32, #tpu.memory_space<vmem>>
          %dma_start3A_239 = arith.constant 0 : i32
          %dma_start3A_240 = tpu.memref_slice %arg9[%add3A_200, %dma_start3A_239] : memref<200x100xi32, #tpu.memory_space<vmem>> -> memref<1x100xi32, #tpu.memory_space<vmem>>
          %dma_start3A_241 = tpu.memref_squeeze %dma_start3A_240 : memref<1x100xi32, #tpu.memory_space<vmem>> -> memref<100xi32, #tpu.memory_space<vmem>>
          %dma_start3A_242 = arith.constant 0 : i32
          %dma_start3A_243 = arith.constant 0 : i32
          %dma_start3A_244 = tpu.memref_slice %arg12[%dma_start3A_242, %dma_start3A_243] : memref<10000x64xf32, #tpu.memory_space<vmem_shared>> -> memref<10000x64xf32, #tpu.memory_space<vmem_shared>>
          tpu.enqueue_indirect_dma source(%dma_start3A_238 : memref<100x64xf32, #tpu.memory_space<vmem>>) target(%dma_start3A_244 : memref<10000x64xf32, #tpu.memory_space<vmem_shared>>) offsets(%dma_start3A_241 : memref<100xi32, #tpu.memory_space<vmem>>) semaphore(%run_scoped3A_234 : memref<!tpu.dma_semaphore, #tpu.memory_space<semaphore_mem>>) {add = true}
          %dma_wait3A_245 = arith.constant 0 : i32
          %dma_wait3A_246 = arith.constant 0 : i32
          %dma_wait3A_247 = tpu.memref_slice %arg10[%run_scoped3A_212, %dma_wait3A_245, %dma_wait3A_246] : memref<4x100x64xf32, #tpu.memory_space<vmem>> -> memref<1x100x64xf32, #tpu.memory_space<vmem>>
          %dma_wait3A_248 = tpu.memref_squeeze %dma_wait3A_247 : memref<1x100x64xf32, #tpu.memory_space<vmem>> -> memref<100x64xf32, #tpu.memory_space<vmem>>
          %dma_wait3A_249 = arith.constant 0 : i32
          %dma_wait3A_250 = tpu.memref_slice %arg9[%add3A_200, %dma_wait3A_249] : memref<200x100xi32, #tpu.memory_space<vmem>> -> memref<1x100xi32, #tpu.memory_space<vmem>>
          %dma_wait3A_251 = tpu.memref_squeeze %dma_wait3A_250 : memref<1x100xi32, #tpu.memory_space<vmem>> -> memref<100xi32, #tpu.memory_space<vmem>>
          %dma_wait3A_252 = arith.constant 0 : i32
          %dma_wait3A_253 = arith.constant 0 : i32
          %dma_wait3A_254 = tpu.memref_slice %arg12[%dma_wait3A_252, %dma_wait3A_253] : memref<10000x64xf32, #tpu.memory_space<vmem_shared>> -> memref<10000x64xf32, #tpu.memory_space<vmem_shared>>
          tpu.wait_indirect_dma semaphore(%run_scoped3A_234 : memref<!tpu.dma_semaphore, #tpu.memory_space<semaphore_mem>>) src(%dma_wait3A_248 : memref<100x64xf32, #tpu.memory_space<vmem>>) dst(%dma_wait3A_254 : memref<10000x64xf32, #tpu.memory_space<vmem_shared>>)
          tpu.yield
        }) : () -> ()
        %mul3A_213 = arith.constant 100 : i32
        %mul3A_214 = arith.muli %arg0, %mul3A_213 : i32
        %ge3A_215 = arith.cmpi sge, %add3A_200, %mul3A_214 : i32
        %add3A_216 = arith.constant 1 : i32
        %add3A_217 = arith.addi %arg0, %add3A_216 : i32
        %mul3A_218 = arith.constant 100 : i32
        %mul3A_219 = arith.muli %add3A_217, %mul3A_218 : i32
        %lt3A_220 = arith.cmpi slt, %add3A_200, %mul3A_219 : i32
        %and3A_221 = arith.andi %ge3A_215, %lt3A_220 : i1
        %convert_element_type3A_222 = arith.extui %and3A_221 : i1 to i32
        %cond3A_223 = arith.constant 0 : i32
        %cond3A_224 = arith.cmpi ne, %convert_element_type3A_222, %cond3A_223 : i32
        scf.if %cond3A_224 {
          "tpu.region"() ({
            %run_scoped3A_234 = tpu.sem_alloc : memref<!tpu.dma_semaphore, #tpu.memory_space<semaphore_mem>>
            %dma_start3A_235 = arith.constant 0 : i32
            %dma_start3A_236 = tpu.memref_slice %arg9[%add3A_200, %dma_start3A_235] : memref<200x100xi32, #tpu.memory_space<vmem>> -> memref<1x100xi32, #tpu.memory_space<vmem>>
            %dma_start3A_237 = tpu.memref_squeeze %dma_start3A_236 : memref<1x100xi32, #tpu.memory_space<vmem>> -> memref<100xi32, #tpu.memory_space<vmem>>
            %dma_start3A_238 = arith.constant 0 : i32
            %dma_start3A_239 = arith.constant 0 : i32
            %dma_start3A_240 = tpu.memref_slice %arg15[%dma_start3A_238, %dma_start3A_239] : memref<10000x16xf32, #tpu.memory_space<vmem_shared>> -> memref<10000x16xf32, #tpu.memory_space<vmem_shared>>
            tpu.enqueue_indirect_dma source(%arg13 : memref<100x16xf32, #tpu.memory_space<vmem>>) target(%dma_start3A_240 : memref<10000x16xf32, #tpu.memory_space<vmem_shared>>) offsets(%dma_start3A_237 : memref<100xi32, #tpu.memory_space<vmem>>) semaphore(%run_scoped3A_234 : memref<!tpu.dma_semaphore, #tpu.memory_space<semaphore_mem>>) {add = true}
            %dma_wait3A_241 = arith.constant 0 : i32
            %dma_wait3A_242 = tpu.memref_slice %arg9[%add3A_200, %dma_wait3A_241] : memref<200x100xi32, #tpu.memory_space<vmem>> -> memref<1x100xi32, #tpu.memory_space<vmem>>
            %dma_wait3A_243 = tpu.memref_squeeze %dma_wait3A_242 : memref<1x100xi32, #tpu.memory_space<vmem>> -> memref<100xi32, #tpu.memory_space<vmem>>
            %dma_wait3A_244 = arith.constant 0 : i32
            %dma_wait3A_245 = arith.constant 0 : i32
            %dma_wait3A_246 = tpu.memref_slice %arg15[%dma_wait3A_244, %dma_wait3A_245] : memref<10000x16xf32, #tpu.memory_space<vmem_shared>> -> memref<10000x16xf32, #tpu.memory_space<vmem_shared>>
            tpu.wait_indirect_dma semaphore(%run_scoped3A_234 : memref<!tpu.dma_semaphore, #tpu.memory_space<semaphore_mem>>) src(%arg13 : memref<100x16xf32, #tpu.memory_space<vmem>>) dst(%dma_wait3A_246 : memref<10000x16xf32, #tpu.memory_space<vmem_shared>>)
            tpu.yield
          }) : () -> ()
        } else {
        }
        %add3A_225 = arith.constant 3 : i32
        %add3A_226 = arith.addi %add3A_98, %add3A_225 : i32
        %add3A_227 = arith.constant 4 : i32
        %add3A_228 = arith.addi %add3A_226, %add3A_227 : i32
        %lt3A_229 = arith.constant 200 : i32
        %lt3A_230 = arith.cmpi slt, %add3A_228, %lt3A_229 : i32
        %convert_element_type3A_231 = arith.extui %lt3A_230 : i1 to i32
        %cond3A_232 = arith.constant 0 : i32
        %cond3A_233 = arith.cmpi ne, %convert_element_type3A_231, %cond3A_232 : i32
        scf.if %cond3A_233 {
          %add3A_234 = arith.constant 3 : i32
          %add3A_235 = arith.addi %add3A_98, %add3A_234 : i32
          %add3A_236 = arith.constant 4 : i32
          %add3A_237 = arith.addi %add3A_235, %add3A_236 : i32
          %dma_start3A_238 = arith.constant 3 : i32
          %dma_start3A_239 = arith.constant 0 : i32
          %dma_start3A_240 = arith.constant 0 : i32
          %dma_start3A_241 = tpu.memref_slice %arg10[%dma_start3A_238, %dma_start3A_239, %dma_start3A_240] : memref<4x100x64xf32, #tpu.memory_space<vmem>> -> memref<1x100x64xf32, #tpu.memory_space<vmem>>
          %dma_start3A_242 = tpu.memref_squeeze %dma_start3A_241 : memref<1x100x64xf32, #tpu.memory_space<vmem>> -> memref<100x64xf32, #tpu.memory_space<vmem>>
          %dma_start3A_243 = arith.constant 0 : i32
          %dma_start3A_244 = tpu.memref_slice %arg8[%add3A_237, %dma_start3A_243] : memref<200x100xi32, #tpu.memory_space<vmem>> -> memref<1x100xi32, #tpu.memory_space<vmem>>
          %dma_start3A_245 = tpu.memref_squeeze %dma_start3A_244 : memref<1x100xi32, #tpu.memory_space<vmem>> -> memref<100xi32, #tpu.memory_space<vmem>>
          %dma_start3A_246 = arith.constant 0 : i32
          %dma_start3A_247 = arith.constant 0 : i32
          %dma_start3A_248 = tpu.memref_slice %arg3[%dma_start3A_246, %dma_start3A_247] : memref<10000x64xf32, #tpu.memory_space<hbm>> -> memref<10000x64xf32, #tpu.memory_space<hbm>>
          tpu.enqueue_indirect_dma source(%dma_start3A_248 : memref<10000x64xf32, #tpu.memory_space<hbm>>) target(%dma_start3A_242 : memref<100x64xf32, #tpu.memory_space<vmem>>) offsets(%dma_start3A_245 : memref<100xi32, #tpu.memory_space<vmem>>) semaphore(%arg19 : memref<!tpu.dma_semaphore, #tpu.memory_space<semaphore_mem>>)
        } else {
        }
      }
      %scan3A_94 = arith.constant 50 : i32
    } else {
    }
    %barrier3A_32 = arith.constant 0 : index
    tpu.barrier barrier_id(%barrier3A_32)
    %scan3A_33 = arith.constant 0 : i32
    %scan3A_34 = arith.constant 13 : i32
    %scan3A_35 = arith.addi %scan3A_33, %scan3A_34 : i32
    %scan3A_36 = arith.constant 1 : i32
    scf.for %scan3A_43 = %scan3A_33 to %scan3A_35 step %scan3A_36  : i32 {
      %mul3A_44 = arith.constant 1 : i32
      %mul3A_45 = arith.muli %scan3A_43, %mul3A_44 : i32
      %add3A = arith.constant 0 : i32
      %add3A_46 = arith.addi %add3A, %mul3A_45 : i32
      %mul3A_47 = arith.constant 48 : i32
      %mul3A_48 = arith.muli %add3A_46, %mul3A_47 : i32
      %add3A_49 = arith.addi %mul3A_0, %mul3A_48 : i32
      "tpu.region"() ({
        %run_scoped3A = tpu.sem_alloc : memref<!tpu.dma_semaphore, #tpu.memory_space<semaphore_mem>>
        %dma_start3A = arith.constant 0 : i32
        %dma_start3A_50 = tpu.memref_slice %arg6[%arg0, %add3A_49, %dma_start3A] : memref<2x10000x64xf32, #tpu.memory_space<hbm>> -> memref<1x48x64xf32, #tpu.memory_space<hbm>>
        %dma_start3A_51 = tpu.memref_squeeze %dma_start3A_50 : memref<1x48x64xf32, #tpu.memory_space<hbm>> -> memref<48x64xf32, #tpu.memory_space<hbm>>
        %dma_start3A_52 = arith.constant 0 : i32
        %dma_start3A_53 = tpu.memref_slice %arg12[%add3A_49, %dma_start3A_52] : memref<10000x64xf32, #tpu.memory_space<vmem_shared>> -> memref<48x64xf32, #tpu.memory_space<vmem_shared>>
        tpu.enqueue_dma source(%dma_start3A_53 : memref<48x64xf32, #tpu.memory_space<vmem_shared>>) target(%dma_start3A_51 : memref<48x64xf32, #tpu.memory_space<hbm>>) target_semaphore(%run_scoped3A : memref<!tpu.dma_semaphore, #tpu.memory_space<semaphore_mem>>)
        %dma_wait3A = arith.constant 0 : i32
        %dma_wait3A_54 = tpu.memref_slice %arg6[%arg0, %add3A_49, %dma_wait3A] : memref<2x10000x64xf32, #tpu.memory_space<hbm>> -> memref<1x48x64xf32, #tpu.memory_space<hbm>>
        %dma_wait3A_55 = tpu.memref_squeeze %dma_wait3A_54 : memref<1x48x64xf32, #tpu.memory_space<hbm>> -> memref<48x64xf32, #tpu.memory_space<hbm>>
        %dma_wait3A_56 = arith.constant 0 : i32
        %dma_wait3A_57 = tpu.memref_slice %arg12[%add3A_49, %dma_wait3A_56] : memref<10000x64xf32, #tpu.memory_space<vmem_shared>> -> memref<48x64xf32, #tpu.memory_space<vmem_shared>>
        tpu.wait_dma2 semaphore(%run_scoped3A : memref<!tpu.dma_semaphore, #tpu.memory_space<semaphore_mem>>) src(%dma_wait3A_57 : memref<48x64xf32, #tpu.memory_space<vmem_shared>>) dst(%dma_wait3A_55 : memref<48x64xf32, #tpu.memory_space<hbm>>)
        tpu.yield
      }) : () -> ()
      "tpu.region"() ({
        %run_scoped3A = tpu.sem_alloc : memref<!tpu.dma_semaphore, #tpu.memory_space<semaphore_mem>>
        %dma_start3A = arith.constant 0 : i32
        %dma_start3A_50 = tpu.memref_slice %arg7[%arg0, %add3A_49, %dma_start3A] : memref<2x10000x16xf32, #tpu.memory_space<hbm>> -> memref<1x48x16xf32, #tpu.memory_space<hbm>>
        %dma_start3A_51 = tpu.memref_squeeze %dma_start3A_50 : memref<1x48x16xf32, #tpu.memory_space<hbm>> -> memref<48x16xf32, #tpu.memory_space<hbm>>
        %dma_start3A_52 = arith.constant 0 : i32
        %dma_start3A_53 = tpu.memref_slice %arg15[%add3A_49, %dma_start3A_52] : memref<10000x16xf32, #tpu.memory_space<vmem_shared>> -> memref<48x16xf32, #tpu.memory_space<vmem_shared>>
        tpu.enqueue_dma source(%dma_start3A_53 : memref<48x16xf32, #tpu.memory_space<vmem_shared>>) target(%dma_start3A_51 : memref<48x16xf32, #tpu.memory_space<hbm>>) target_semaphore(%run_scoped3A : memref<!tpu.dma_semaphore, #tpu.memory_space<semaphore_mem>>)
        %dma_wait3A = arith.constant 0 : i32
        %dma_wait3A_54 = tpu.memref_slice %arg7[%arg0, %add3A_49, %dma_wait3A] : memref<2x10000x16xf32, #tpu.memory_space<hbm>> -> memref<1x48x16xf32, #tpu.memory_space<hbm>>
        %dma_wait3A_55 = tpu.memref_squeeze %dma_wait3A_54 : memref<1x48x16xf32, #tpu.memory_space<hbm>> -> memref<48x16xf32, #tpu.memory_space<hbm>>
        %dma_wait3A_56 = arith.constant 0 : i32
        %dma_wait3A_57 = tpu.memref_slice %arg15[%add3A_49, %dma_wait3A_56] : memref<10000x16xf32, #tpu.memory_space<vmem_shared>> -> memref<48x16xf32, #tpu.memory_space<vmem_shared>>
        tpu.wait_dma2 semaphore(%run_scoped3A : memref<!tpu.dma_semaphore, #tpu.memory_space<semaphore_mem>>) src(%dma_wait3A_57 : memref<48x16xf32, #tpu.memory_space<vmem_shared>>) dst(%dma_wait3A_55 : memref<48x16xf32, #tpu.memory_space<hbm>>)
        tpu.yield
      }) : () -> ()
    }
    %scan3A_37 = arith.constant 13 : i32
    %eq3A_38 = arith.constant 15 : i32
    %eq3A_39 = arith.cmpi eq, %arg1, %eq3A_38 : i32
    %convert_element_type3A_40 = arith.extui %eq3A_39 : i1 to i32
    %cond3A_41 = arith.constant 0 : i32
    %cond3A_42 = arith.cmpi ne, %convert_element_type3A_40, %cond3A_41 : i32
    scf.if %cond3A_42 {
      "tpu.region"() ({
        %run_scoped3A = tpu.sem_alloc : memref<!tpu.dma_semaphore, #tpu.memory_space<semaphore_mem>>
        %dma_start3A = arith.constant 9984 : i32
        %dma_start3A_43 = arith.constant 0 : i32
        %dma_start3A_44 = tpu.memref_slice %arg6[%arg0, %dma_start3A, %dma_start3A_43] : memref<2x10000x64xf32, #tpu.memory_space<hbm>> -> memref<1x16x64xf32, #tpu.memory_space<hbm>>
        %dma_start3A_45 = tpu.memref_squeeze %dma_start3A_44 : memref<1x16x64xf32, #tpu.memory_space<hbm>> -> memref<16x64xf32, #tpu.memory_space<hbm>>
        %dma_start3A_46 = arith.constant 9984 : i32
        %dma_start3A_47 = arith.constant 0 : i32
        %dma_start3A_48 = tpu.memref_slice %arg12[%dma_start3A_46, %dma_start3A_47] : memref<10000x64xf32, #tpu.memory_space<vmem_shared>> -> memref<16x64xf32, #tpu.memory_space<vmem_shared>>
        tpu.enqueue_dma source(%dma_start3A_48 : memref<16x64xf32, #tpu.memory_space<vmem_shared>>) target(%dma_start3A_45 : memref<16x64xf32, #tpu.memory_space<hbm>>) target_semaphore(%run_scoped3A : memref<!tpu.dma_semaphore, #tpu.memory_space<semaphore_mem>>)
        %dma_wait3A = arith.constant 9984 : i32
        %dma_wait3A_49 = arith.constant 0 : i32
        %dma_wait3A_50 = tpu.memref_slice %arg6[%arg0, %dma_wait3A, %dma_wait3A_49] : memref<2x10000x64xf32, #tpu.memory_space<hbm>> -> memref<1x16x64xf32, #tpu.memory_space<hbm>>
        %dma_wait3A_51 = tpu.memref_squeeze %dma_wait3A_50 : memref<1x16x64xf32, #tpu.memory_space<hbm>> -> memref<16x64xf32, #tpu.memory_space<hbm>>
        %dma_wait3A_52 = arith.constant 9984 : i32
        %dma_wait3A_53 = arith.constant 0 : i32
        %dma_wait3A_54 = tpu.memref_slice %arg12[%dma_wait3A_52, %dma_wait3A_53] : memref<10000x64xf32, #tpu.memory_space<vmem_shared>> -> memref<16x64xf32, #tpu.memory_space<vmem_shared>>
        tpu.wait_dma2 semaphore(%run_scoped3A : memref<!tpu.dma_semaphore, #tpu.memory_space<semaphore_mem>>) src(%dma_wait3A_54 : memref<16x64xf32, #tpu.memory_space<vmem_shared>>) dst(%dma_wait3A_51 : memref<16x64xf32, #tpu.memory_space<hbm>>)
        tpu.yield
      }) : () -> ()
      "tpu.region"() ({
        %run_scoped3A = tpu.sem_alloc : memref<!tpu.dma_semaphore, #tpu.memory_space<semaphore_mem>>
        %dma_start3A = arith.constant 9984 : i32
        %dma_start3A_43 = arith.constant 0 : i32
        %dma_start3A_44 = tpu.memref_slice %arg7[%arg0, %dma_start3A, %dma_start3A_43] : memref<2x10000x16xf32, #tpu.memory_space<hbm>> -> memref<1x16x16xf32, #tpu.memory_space<hbm>>
        %dma_start3A_45 = tpu.memref_squeeze %dma_start3A_44 : memref<1x16x16xf32, #tpu.memory_space<hbm>> -> memref<16x16xf32, #tpu.memory_space<hbm>>
        %dma_start3A_46 = arith.constant 9984 : i32
        %dma_start3A_47 = arith.constant 0 : i32
        %dma_start3A_48 = tpu.memref_slice %arg15[%dma_start3A_46, %dma_start3A_47] : memref<10000x16xf32, #tpu.memory_space<vmem_shared>> -> memref<16x16xf32, #tpu.memory_space<vmem_shared>>
        tpu.enqueue_dma source(%dma_start3A_48 : memref<16x16xf32, #tpu.memory_space<vmem_shared>>) target(%dma_start3A_45 : memref<16x16xf32, #tpu.memory_space<hbm>>) target_semaphore(%run_scoped3A : memref<!tpu.dma_semaphore, #tpu.memory_space<semaphore_mem>>)
        %dma_wait3A = arith.constant 9984 : i32
        %dma_wait3A_49 = arith.constant 0 : i32
        %dma_wait3A_50 = tpu.memref_slice %arg7[%arg0, %dma_wait3A, %dma_wait3A_49] : memref<2x10000x16xf32, #tpu.memory_space<hbm>> -> memref<1x16x16xf32, #tpu.memory_space<hbm>>
        %dma_wait3A_51 = tpu.memref_squeeze %dma_wait3A_50 : memref<1x16x16xf32, #tpu.memory_space<hbm>> -> memref<16x16xf32, #tpu.memory_space<hbm>>
        %dma_wait3A_52 = arith.constant 9984 : i32
        %dma_wait3A_53 = arith.constant 0 : i32
        %dma_wait3A_54 = tpu.memref_slice %arg15[%dma_wait3A_52, %dma_wait3A_53] : memref<10000x16xf32, #tpu.memory_space<vmem_shared>> -> memref<16x16xf32, #tpu.memory_space<vmem_shared>>
        tpu.wait_dma2 semaphore(%run_scoped3A : memref<!tpu.dma_semaphore, #tpu.memory_space<semaphore_mem>>) src(%dma_wait3A_54 : memref<16x16xf32, #tpu.memory_space<vmem_shared>>) dst(%dma_wait3A_51 : memref<16x16xf32, #tpu.memory_space<hbm>>)
        tpu.yield
      }) : () -> ()
    } else {
    }
    return
  }
}

#map = affine_map<(d0, d1) -> (0, 0)>
#map1 = affine_map<(d0, d1) -> (0, 0, 0)>
module attributes {stable_mosaic.version = 14 : i64} {
  func.func @k(%arg0: i32, %arg1: i32, %arg2: memref<10000x64xf32, #tpu.memory_space<hbm>>, %arg3: memref<10000x64xf32, #tpu.memory_space<hbm>>, %arg4: memref<16x200x100xi32, #tpu.memory_space<hbm>>, %arg5: memref<16x200x100xi32, #tpu.memory_space<hbm>>, %arg6: memref<2x10000x64xf32, #tpu.memory_space<hbm>>, %arg7: memref<200x100xi32, #tpu.memory_space<vmem>>, %arg8: memref<200x100xi32, #tpu.memory_space<vmem>>, %arg9: memref<4x100x64xf32, #tpu.memory_space<vmem>>, %arg10: memref<48x64xf32, #tpu.memory_space<vmem>>, %arg11: memref<10000x64xf32, #tpu.memory_space<vmem_shared>>, %arg12: memref<!tpu.dma_semaphore, #tpu.memory_space<semaphore_mem>>, %arg13: memref<!tpu.dma_semaphore, #tpu.memory_space<semaphore_mem>>, %arg14: memref<!tpu.dma_semaphore, #tpu.memory_space<semaphore_mem>>, %arg15: memref<!tpu.dma_semaphore, #tpu.memory_space<semaphore_mem>>) attributes {dimension_semantics = [#tpu.dimension_semantics<core_parallel>, #tpu.dimension_semantics<subcore_parallel>], iteration_bounds = array<i64: 2, 16>, scalar_prefetch = 0 : i64, scratch_operands = 9 : i64, tpu.core_type = #tpu.core_type<sc_vector_subcore>, window_params = [{transform_indices = #map}, {transform_indices = #map}, {transform_indices = #map1}, {transform_indices = #map1}, {transform_indices = #map1}]} {
    %mul3A = arith.constant 624 : i32
    %mul3A_0 = arith.muli %arg1, %mul3A : i32
    %scan3A = arith.constant 0 : i32
    %scan3A_1 = arith.constant 48 : i32
    %scan3A_2 = arith.addi %scan3A, %scan3A_1 : i32
    %scan3A_3 = arith.constant 1 : i32
    scf.for %scan3A_33 = %scan3A to %scan3A_2 step %scan3A_3  : i32 {
      %mul3A_34 = arith.constant 1 : i32
      %mul3A_35 = arith.muli %scan3A_33, %mul3A_34 : i32
      %add3A = arith.constant 0 : i32
      %add3A_36 = arith.addi %add3A, %mul3A_35 : i32
      %scan3A_37 = arith.constant 0 : i32
      %scan3A_38 = arith.constant 4 : i32
      %scan3A_39 = arith.addi %scan3A_37, %scan3A_38 : i32
      %scan3A_40 = arith.constant 1 : i32
      scf.for %scan3A_42 = %scan3A_37 to %scan3A_39 step %scan3A_40  : i32 {
        %mul3A_43 = arith.constant 16 : i32
        %mul3A_44 = arith.muli %scan3A_42, %mul3A_43 : i32
        %add3A_45 = arith.constant 0 : i32
        %add3A_46 = arith.addi %add3A_45, %mul3A_44 : i32
        %broadcast_in_dim3A = arith.constant 0.000000e+00 : f32
        %broadcast_in_dim3A_47 = vector.broadcast %broadcast_in_dim3A : f32 to vector<16xf32>
        %swap3A = arith.index_cast %add3A_36 : i32 to index
        %swap3A_48 = arith.index_cast %add3A_46 : i32 to index
        %swap3A_49 = tpu.vector_load %arg10[%swap3A, %swap3A_48] {strides = array<i32>} : memref<48x64xf32, #tpu.memory_space<vmem>>, vector<1x16xf32>,
        %swap3A_50 = vector.shape_cast %swap3A_49 : vector<1x16xf32> to vector<16xf32>
        %swap3A_51 = vector.shape_cast %broadcast_in_dim3A_47 : vector<16xf32> to vector<1x16xf32>
        tpu.vector_store %arg10[%swap3A, %swap3A_48], %swap3A_51 {strides = array<i32>} : memref<48x64xf32, #tpu.memory_space<vmem>>, vector<1x16xf32>,
      }
      %scan3A_41 = arith.constant 4 : i32
    }
    %scan3A_4 = arith.constant 48 : i32
    %scan3A_5 = arith.constant 0 : i32
    %scan3A_6 = arith.constant 13 : i32
    %scan3A_7 = arith.addi %scan3A_5, %scan3A_6 : i32
    %scan3A_8 = arith.constant 1 : i32
    scf.for %scan3A_33 = %scan3A_5 to %scan3A_7 step %scan3A_8  : i32 {
      %mul3A_34 = arith.constant 1 : i32
      %mul3A_35 = arith.muli %scan3A_33, %mul3A_34 : i32
      %add3A = arith.constant 0 : i32
      %add3A_36 = arith.addi %add3A, %mul3A_35 : i32
      %mul3A_37 = arith.constant 48 : i32
      %mul3A_38 = arith.muli %add3A_36, %mul3A_37 : i32
      %add3A_39 = arith.addi %mul3A_0, %mul3A_38 : i32
      "tpu.region"() ({
        %run_scoped3A = tpu.sem_alloc : memref<!tpu.dma_semaphore, #tpu.memory_space<semaphore_mem>>
        %dma_start3A = arith.constant 0 : i32
        %dma_start3A_40 = tpu.memref_slice %arg11[%add3A_39, %dma_start3A] : memref<10000x64xf32, #tpu.memory_space<vmem_shared>> -> memref<48x64xf32, #tpu.memory_space<vmem_shared>>
        %dma_start3A_41 = arith.constant 0 : i32
        %dma_start3A_42 = tpu.memref_slice %arg11[%add3A_39, %dma_start3A_41] : memref<10000x64xf32, #tpu.memory_space<vmem_shared>> -> memref<48x64xf32, #tpu.memory_space<vmem_shared>>
        tpu.enqueue_dma source(%arg10 : memref<48x64xf32, #tpu.memory_space<vmem>>) target(%dma_start3A_42 : memref<48x64xf32, #tpu.memory_space<vmem_shared>>) target_semaphore(%run_scoped3A : memref<!tpu.dma_semaphore, #tpu.memory_space<semaphore_mem>>)
        %dma_wait3A = arith.constant 0 : i32
        %dma_wait3A_43 = tpu.memref_slice %arg11[%add3A_39, %dma_wait3A] : memref<10000x64xf32, #tpu.memory_space<vmem_shared>> -> memref<48x64xf32, #tpu.memory_space<vmem_shared>>
        %dma_wait3A_44 = arith.constant 0 : i32
        %dma_wait3A_45 = tpu.memref_slice %arg11[%add3A_39, %dma_wait3A_44] : memref<10000x64xf32, #tpu.memory_space<vmem_shared>> -> memref<48x64xf32, #tpu.memory_space<vmem_shared>>
        tpu.wait_dma2 semaphore(%run_scoped3A : memref<!tpu.dma_semaphore, #tpu.memory_space<semaphore_mem>>) src(%arg10 : memref<48x64xf32, #tpu.memory_space<vmem>>) dst(%dma_wait3A_45 : memref<48x64xf32, #tpu.memory_space<vmem_shared>>)
        tpu.yield
      }) : () -> ()
    }
    %scan3A_9 = arith.constant 13 : i32
    %eq3A = arith.constant 15 : i32
    %eq3A_10 = arith.cmpi eq, %arg1, %eq3A : i32
    %convert_element_type3A = arith.extui %eq3A_10 : i1 to i32
    %cond3A = arith.constant 0 : i32
    %cond3A_11 = arith.cmpi ne, %convert_element_type3A, %cond3A : i32
    scf.if %cond3A_11 {
      "tpu.region"() ({
        %run_scoped3A = tpu.sem_alloc : memref<!tpu.dma_semaphore, #tpu.memory_space<semaphore_mem>>
        %dma_start3A = arith.constant 0 : i32
        %dma_start3A_33 = arith.constant 0 : i32
        %dma_start3A_34 = tpu.memref_slice %arg10[%dma_start3A, %dma_start3A_33] : memref<48x64xf32, #tpu.memory_space<vmem>> -> memref<16x64xf32, #tpu.memory_space<vmem>>
        %dma_start3A_35 = arith.constant 9984 : i32
        %dma_start3A_36 = arith.constant 0 : i32
        %dma_start3A_37 = tpu.memref_slice %arg11[%dma_start3A_35, %dma_start3A_36] : memref<10000x64xf32, #tpu.memory_space<vmem_shared>> -> memref<16x64xf32, #tpu.memory_space<vmem_shared>>
        %dma_start3A_38 = arith.constant 9984 : i32
        %dma_start3A_39 = arith.constant 0 : i32
        %dma_start3A_40 = tpu.memref_slice %arg11[%dma_start3A_38, %dma_start3A_39] : memref<10000x64xf32, #tpu.memory_space<vmem_shared>> -> memref<16x64xf32, #tpu.memory_space<vmem_shared>>
        %dma_start3A_41 = arith.constant 0 : i32
        %dma_start3A_42 = arith.constant 0 : i32
        %dma_start3A_43 = tpu.memref_slice %arg10[%dma_start3A_41, %dma_start3A_42] : memref<48x64xf32, #tpu.memory_space<vmem>> -> memref<16x64xf32, #tpu.memory_space<vmem>>
        tpu.enqueue_dma source(%dma_start3A_43 : memref<16x64xf32, #tpu.memory_space<vmem>>) target(%dma_start3A_40 : memref<16x64xf32, #tpu.memory_space<vmem_shared>>) target_semaphore(%run_scoped3A : memref<!tpu.dma_semaphore, #tpu.memory_space<semaphore_mem>>)
        %dma_wait3A = arith.constant 0 : i32
        %dma_wait3A_44 = arith.constant 0 : i32
        %dma_wait3A_45 = tpu.memref_slice %arg10[%dma_wait3A, %dma_wait3A_44] : memref<48x64xf32, #tpu.memory_space<vmem>> -> memref<16x64xf32, #tpu.memory_space<vmem>>
        %dma_wait3A_46 = arith.constant 9984 : i32
        %dma_wait3A_47 = arith.constant 0 : i32
        %dma_wait3A_48 = tpu.memref_slice %arg11[%dma_wait3A_46, %dma_wait3A_47] : memref<10000x64xf32, #tpu.memory_space<vmem_shared>> -> memref<16x64xf32, #tpu.memory_space<vmem_shared>>
        %dma_wait3A_49 = arith.constant 9984 : i32
        %dma_wait3A_50 = arith.constant 0 : i32
        %dma_wait3A_51 = tpu.memref_slice %arg11[%dma_wait3A_49, %dma_wait3A_50] : memref<10000x64xf32, #tpu.memory_space<vmem_shared>> -> memref<16x64xf32, #tpu.memory_space<vmem_shared>>
        %dma_wait3A_52 = arith.constant 0 : i32
        %dma_wait3A_53 = arith.constant 0 : i32
        %dma_wait3A_54 = tpu.memref_slice %arg10[%dma_wait3A_52, %dma_wait3A_53] : memref<48x64xf32, #tpu.memory_space<vmem>> -> memref<16x64xf32, #tpu.memory_space<vmem>>
        tpu.wait_dma2 semaphore(%run_scoped3A : memref<!tpu.dma_semaphore, #tpu.memory_space<semaphore_mem>>) src(%dma_wait3A_54 : memref<16x64xf32, #tpu.memory_space<vmem>>) dst(%dma_wait3A_51 : memref<16x64xf32, #tpu.memory_space<vmem_shared>>)
        tpu.yield
      }) : () -> ()
    } else {
    }
    "tpu.region"() ({
      %run_scoped3A = tpu.sem_alloc : memref<!tpu.dma_semaphore, #tpu.memory_space<semaphore_mem>>
      %dma_start3A = arith.constant 0 : i32
      %dma_start3A_33 = arith.constant 0 : i32
      %dma_start3A_34 = tpu.memref_slice %arg4[%arg1, %dma_start3A, %dma_start3A_33] : memref<16x200x100xi32, #tpu.memory_space<hbm>> -> memref<1x200x100xi32, #tpu.memory_space<hbm>>
      %dma_start3A_35 = tpu.memref_squeeze %dma_start3A_34 : memref<1x200x100xi32, #tpu.memory_space<hbm>> -> memref<200x100xi32, #tpu.memory_space<hbm>>
      %dma_start3A_36 = arith.constant 0 : i32
      %dma_start3A_37 = arith.constant 0 : i32
      %dma_start3A_38 = tpu.memref_slice %arg4[%arg1, %dma_start3A_36, %dma_start3A_37] : memref<16x200x100xi32, #tpu.memory_space<hbm>> -> memref<1x200x100xi32, #tpu.memory_space<hbm>>
      %dma_start3A_39 = tpu.memref_squeeze %dma_start3A_38 : memref<1x200x100xi32, #tpu.memory_space<hbm>> -> memref<200x100xi32, #tpu.memory_space<hbm>>
      tpu.enqueue_dma source(%dma_start3A_39 : memref<200x100xi32, #tpu.memory_space<hbm>>) target(%arg7 : memref<200x100xi32, #tpu.memory_space<vmem>>) target_semaphore(%run_scoped3A : memref<!tpu.dma_semaphore, #tpu.memory_space<semaphore_mem>>)
      %dma_wait3A = arith.constant 0 : i32
      %dma_wait3A_40 = arith.constant 0 : i32
      %dma_wait3A_41 = tpu.memref_slice %arg4[%arg1, %dma_wait3A, %dma_wait3A_40] : memref<16x200x100xi32, #tpu.memory_space<hbm>> -> memref<1x200x100xi32, #tpu.memory_space<hbm>>
      %dma_wait3A_42 = tpu.memref_squeeze %dma_wait3A_41 : memref<1x200x100xi32, #tpu.memory_space<hbm>> -> memref<200x100xi32, #tpu.memory_space<hbm>>
      %dma_wait3A_43 = arith.constant 0 : i32
      %dma_wait3A_44 = arith.constant 0 : i32
      %dma_wait3A_45 = tpu.memref_slice %arg4[%arg1, %dma_wait3A_43, %dma_wait3A_44] : memref<16x200x100xi32, #tpu.memory_space<hbm>> -> memref<1x200x100xi32, #tpu.memory_space<hbm>>
      %dma_wait3A_46 = tpu.memref_squeeze %dma_wait3A_45 : memref<1x200x100xi32, #tpu.memory_space<hbm>> -> memref<200x100xi32, #tpu.memory_space<hbm>>
      tpu.wait_dma2 semaphore(%run_scoped3A : memref<!tpu.dma_semaphore, #tpu.memory_space<semaphore_mem>>) src(%dma_wait3A_46 : memref<200x100xi32, #tpu.memory_space<hbm>>) dst(%arg7 : memref<200x100xi32, #tpu.memory_space<vmem>>)
      tpu.yield
    }) : () -> ()
    "tpu.region"() ({
      %run_scoped3A = tpu.sem_alloc : memref<!tpu.dma_semaphore, #tpu.memory_space<semaphore_mem>>
      %dma_start3A = arith.constant 0 : i32
      %dma_start3A_33 = arith.constant 0 : i32
      %dma_start3A_34 = tpu.memref_slice %arg5[%arg1, %dma_start3A, %dma_start3A_33] : memref<16x200x100xi32, #tpu.memory_space<hbm>> -> memref<1x200x100xi32, #tpu.memory_space<hbm>>
      %dma_start3A_35 = tpu.memref_squeeze %dma_start3A_34 : memref<1x200x100xi32, #tpu.memory_space<hbm>> -> memref<200x100xi32, #tpu.memory_space<hbm>>
      %dma_start3A_36 = arith.constant 0 : i32
      %dma_start3A_37 = arith.constant 0 : i32
      %dma_start3A_38 = tpu.memref_slice %arg5[%arg1, %dma_start3A_36, %dma_start3A_37] : memref<16x200x100xi32, #tpu.memory_space<hbm>> -> memref<1x200x100xi32, #tpu.memory_space<hbm>>
      %dma_start3A_39 = tpu.memref_squeeze %dma_start3A_38 : memref<1x200x100xi32, #tpu.memory_space<hbm>> -> memref<200x100xi32, #tpu.memory_space<hbm>>
      tpu.enqueue_dma source(%dma_start3A_39 : memref<200x100xi32, #tpu.memory_space<hbm>>) target(%arg8 : memref<200x100xi32, #tpu.memory_space<vmem>>) target_semaphore(%run_scoped3A : memref<!tpu.dma_semaphore, #tpu.memory_space<semaphore_mem>>)
      %dma_wait3A = arith.constant 0 : i32
      %dma_wait3A_40 = arith.constant 0 : i32
      %dma_wait3A_41 = tpu.memref_slice %arg5[%arg1, %dma_wait3A, %dma_wait3A_40] : memref<16x200x100xi32, #tpu.memory_space<hbm>> -> memref<1x200x100xi32, #tpu.memory_space<hbm>>
      %dma_wait3A_42 = tpu.memref_squeeze %dma_wait3A_41 : memref<1x200x100xi32, #tpu.memory_space<hbm>> -> memref<200x100xi32, #tpu.memory_space<hbm>>
      %dma_wait3A_43 = arith.constant 0 : i32
      %dma_wait3A_44 = arith.constant 0 : i32
      %dma_wait3A_45 = tpu.memref_slice %arg5[%arg1, %dma_wait3A_43, %dma_wait3A_44] : memref<16x200x100xi32, #tpu.memory_space<hbm>> -> memref<1x200x100xi32, #tpu.memory_space<hbm>>
      %dma_wait3A_46 = tpu.memref_squeeze %dma_wait3A_45 : memref<1x200x100xi32, #tpu.memory_space<hbm>> -> memref<200x100xi32, #tpu.memory_space<hbm>>
      tpu.wait_dma2 semaphore(%run_scoped3A : memref<!tpu.dma_semaphore, #tpu.memory_space<semaphore_mem>>) src(%dma_wait3A_46 : memref<200x100xi32, #tpu.memory_space<hbm>>) dst(%arg8 : memref<200x100xi32, #tpu.memory_space<vmem>>)
      tpu.yield
    }) : () -> ()
    %barrier3A = arith.constant 0 : index
    tpu.barrier barrier_id(%barrier3A)
    %eq3A_12 = arith.constant 0 : i32
    %eq3A_13 = arith.cmpi eq, %arg0, %eq3A_12 : i32
    %convert_element_type3A_14 = arith.extui %eq3A_13 : i1 to i32
    %cond3A_15 = arith.constant 0 : i32
    %cond3A_16 = arith.cmpi ne, %convert_element_type3A_14, %cond3A_15 : i32
    scf.if %cond3A_16 {
      %dma_start3A = arith.constant 0 : i32
      %dma_start3A_33 = arith.constant 0 : i32
      %dma_start3A_34 = arith.constant 0 : i32
      %dma_start3A_35 = arith.constant 0 : i32
      %dma_start3A_36 = tpu.memref_slice %arg9[%dma_start3A_33, %dma_start3A_34, %dma_start3A_35] : memref<4x100x64xf32, #tpu.memory_space<vmem>> -> memref<1x100x64xf32, #tpu.memory_space<vmem>>
      %dma_start3A_37 = tpu.memref_squeeze %dma_start3A_36 : memref<1x100x64xf32, #tpu.memory_space<vmem>> -> memref<100x64xf32, #tpu.memory_space<vmem>>
      %dma_start3A_38 = arith.constant 0 : i32
      %dma_start3A_39 = tpu.memref_slice %arg7[%dma_start3A, %dma_start3A_38] : memref<200x100xi32, #tpu.memory_space<vmem>> -> memref<1x100xi32, #tpu.memory_space<vmem>>
      %dma_start3A_40 = tpu.memref_squeeze %dma_start3A_39 : memref<1x100xi32, #tpu.memory_space<vmem>> -> memref<100xi32, #tpu.memory_space<vmem>>
      %dma_start3A_41 = arith.constant 0 : i32
      %dma_start3A_42 = arith.constant 0 : i32
      %dma_start3A_43 = tpu.memref_slice %arg2[%dma_start3A_41, %dma_start3A_42] : memref<10000x64xf32, #tpu.memory_space<hbm>> -> memref<10000x64xf32, #tpu.memory_space<hbm>>
      tpu.enqueue_indirect_dma source(%dma_start3A_43 : memref<10000x64xf32, #tpu.memory_space<hbm>>) target(%dma_start3A_37 : memref<100x64xf32, #tpu.memory_space<vmem>>) offsets(%dma_start3A_40 : memref<100xi32, #tpu.memory_space<vmem>>) semaphore(%arg12 : memref<!tpu.dma_semaphore, #tpu.memory_space<semaphore_mem>>)
      %dma_start3A_44 = arith.constant 1 : i32
      %dma_start3A_45 = arith.constant 1 : i32
      %dma_start3A_46 = arith.constant 0 : i32
      %dma_start3A_47 = arith.constant 0 : i32
      %dma_start3A_48 = tpu.memref_slice %arg9[%dma_start3A_45, %dma_start3A_46, %dma_start3A_47] : memref<4x100x64xf32, #tpu.memory_space<vmem>> -> memref<1x100x64xf32, #tpu.memory_space<vmem>>
      %dma_start3A_49 = tpu.memref_squeeze %dma_start3A_48 : memref<1x100x64xf32, #tpu.memory_space<vmem>> -> memref<100x64xf32, #tpu.memory_space<vmem>>
      %dma_start3A_50 = arith.constant 0 : i32
      %dma_start3A_51 = tpu.memref_slice %arg7[%dma_start3A_44, %dma_start3A_50] : memref<200x100xi32, #tpu.memory_space<vmem>> -> memref<1x100xi32, #tpu.memory_space<vmem>>
      %dma_start3A_52 = tpu.memref_squeeze %dma_start3A_51 : memref<1x100xi32, #tpu.memory_space<vmem>> -> memref<100xi32, #tpu.memory_space<vmem>>
      %dma_start3A_53 = arith.constant 0 : i32
      %dma_start3A_54 = arith.constant 0 : i32
      %dma_start3A_55 = tpu.memref_slice %arg2[%dma_start3A_53, %dma_start3A_54] : memref<10000x64xf32, #tpu.memory_space<hbm>> -> memref<10000x64xf32, #tpu.memory_space<hbm>>
      tpu.enqueue_indirect_dma source(%dma_start3A_55 : memref<10000x64xf32, #tpu.memory_space<hbm>>) target(%dma_start3A_49 : memref<100x64xf32, #tpu.memory_space<vmem>>) offsets(%dma_start3A_52 : memref<100xi32, #tpu.memory_space<vmem>>) semaphore(%arg13 : memref<!tpu.dma_semaphore, #tpu.memory_space<semaphore_mem>>)
      %dma_start3A_56 = arith.constant 2 : i32
      %dma_start3A_57 = arith.constant 2 : i32
      %dma_start3A_58 = arith.constant 0 : i32
      %dma_start3A_59 = arith.constant 0 : i32
      %dma_start3A_60 = tpu.memref_slice %arg9[%dma_start3A_57, %dma_start3A_58, %dma_start3A_59] : memref<4x100x64xf32, #tpu.memory_space<vmem>> -> memref<1x100x64xf32, #tpu.memory_space<vmem>>
      %dma_start3A_61 = tpu.memref_squeeze %dma_start3A_60 : memref<1x100x64xf32, #tpu.memory_space<vmem>> -> memref<100x64xf32, #tpu.memory_space<vmem>>
      %dma_start3A_62 = arith.constant 0 : i32
      %dma_start3A_63 = tpu.memref_slice %arg7[%dma_start3A_56, %dma_start3A_62] : memref<200x100xi32, #tpu.memory_space<vmem>> -> memref<1x100xi32, #tpu.memory_space<vmem>>
      %dma_start3A_64 = tpu.memref_squeeze %dma_start3A_63 : memref<1x100xi32, #tpu.memory_space<vmem>> -> memref<100xi32, #tpu.memory_space<vmem>>
      %dma_start3A_65 = arith.constant 0 : i32
      %dma_start3A_66 = arith.constant 0 : i32
      %dma_start3A_67 = tpu.memref_slice %arg2[%dma_start3A_65, %dma_start3A_66] : memref<10000x64xf32, #tpu.memory_space<hbm>> -> memref<10000x64xf32, #tpu.memory_space<hbm>>
      tpu.enqueue_indirect_dma source(%dma_start3A_67 : memref<10000x64xf32, #tpu.memory_space<hbm>>) target(%dma_start3A_61 : memref<100x64xf32, #tpu.memory_space<vmem>>) offsets(%dma_start3A_64 : memref<100xi32, #tpu.memory_space<vmem>>) semaphore(%arg14 : memref<!tpu.dma_semaphore, #tpu.memory_space<semaphore_mem>>)
      %dma_start3A_68 = arith.constant 3 : i32
      %dma_start3A_69 = arith.constant 3 : i32
      %dma_start3A_70 = arith.constant 0 : i32
      %dma_start3A_71 = arith.constant 0 : i32
      %dma_start3A_72 = tpu.memref_slice %arg9[%dma_start3A_69, %dma_start3A_70, %dma_start3A_71] : memref<4x100x64xf32, #tpu.memory_space<vmem>> -> memref<1x100x64xf32, #tpu.memory_space<vmem>>
      %dma_start3A_73 = tpu.memref_squeeze %dma_start3A_72 : memref<1x100x64xf32, #tpu.memory_space<vmem>> -> memref<100x64xf32, #tpu.memory_space<vmem>>
      %dma_start3A_74 = arith.constant 0 : i32
      %dma_start3A_75 = tpu.memref_slice %arg7[%dma_start3A_68, %dma_start3A_74] : memref<200x100xi32, #tpu.memory_space<vmem>> -> memref<1x100xi32, #tpu.memory_space<vmem>>
      %dma_start3A_76 = tpu.memref_squeeze %dma_start3A_75 : memref<1x100xi32, #tpu.memory_space<vmem>> -> memref<100xi32, #tpu.memory_space<vmem>>
      %dma_start3A_77 = arith.constant 0 : i32
      %dma_start3A_78 = arith.constant 0 : i32
      %dma_start3A_79 = tpu.memref_slice %arg2[%dma_start3A_77, %dma_start3A_78] : memref<10000x64xf32, #tpu.memory_space<hbm>> -> memref<10000x64xf32, #tpu.memory_space<hbm>>
      tpu.enqueue_indirect_dma source(%dma_start3A_79 : memref<10000x64xf32, #tpu.memory_space<hbm>>) target(%dma_start3A_73 : memref<100x64xf32, #tpu.memory_space<vmem>>) offsets(%dma_start3A_76 : memref<100xi32, #tpu.memory_space<vmem>>) semaphore(%arg15 : memref<!tpu.dma_semaphore, #tpu.memory_space<semaphore_mem>>)
      %scan3A_80 = arith.constant 0 : i32
      %scan3A_81 = arith.constant 50 : i32
      %scan3A_82 = arith.addi %scan3A_80, %scan3A_81 : i32
      %scan3A_83 = arith.constant 1 : i32
      scf.for %scan3A_85 = %scan3A_80 to %scan3A_82 step %scan3A_83  : i32 {
        %mul3A_86 = arith.constant 4 : i32
        %mul3A_87 = arith.muli %scan3A_85, %mul3A_86 : i32
        %add3A = arith.constant 0 : i32
        %add3A_88 = arith.addi %add3A, %mul3A_87 : i32
        %add3A_89 = arith.constant 0 : i32
        %add3A_90 = arith.addi %add3A_88, %add3A_89 : i32
        %dma_wait3A = arith.constant 0 : i32
        %dma_wait3A_91 = arith.constant 0 : i32
        %dma_wait3A_92 = arith.constant 0 : i32
        %dma_wait3A_93 = tpu.memref_slice %arg9[%dma_wait3A, %dma_wait3A_91, %dma_wait3A_92] : memref<4x100x64xf32, #tpu.memory_space<vmem>> -> memref<1x100x64xf32, #tpu.memory_space<vmem>>
        %dma_wait3A_94 = tpu.memref_squeeze %dma_wait3A_93 : memref<1x100x64xf32, #tpu.memory_space<vmem>> -> memref<100x64xf32, #tpu.memory_space<vmem>>
        %dma_wait3A_95 = arith.constant 0 : i32
        %dma_wait3A_96 = tpu.memref_slice %arg7[%add3A_90, %dma_wait3A_95] : memref<200x100xi32, #tpu.memory_space<vmem>> -> memref<1x100xi32, #tpu.memory_space<vmem>>
        %dma_wait3A_97 = tpu.memref_squeeze %dma_wait3A_96 : memref<1x100xi32, #tpu.memory_space<vmem>> -> memref<100xi32, #tpu.memory_space<vmem>>
        %dma_wait3A_98 = arith.constant 0 : i32
        %dma_wait3A_99 = arith.constant 0 : i32
        %dma_wait3A_100 = tpu.memref_slice %arg2[%dma_wait3A_98, %dma_wait3A_99] : memref<10000x64xf32, #tpu.memory_space<hbm>> -> memref<10000x64xf32, #tpu.memory_space<hbm>>
        tpu.wait_indirect_dma semaphore(%arg12 : memref<!tpu.dma_semaphore, #tpu.memory_space<semaphore_mem>>) src(%dma_wait3A_100 : memref<10000x64xf32, #tpu.memory_space<hbm>>) dst(%dma_wait3A_94 : memref<100x64xf32, #tpu.memory_space<vmem>>)
        %run_scoped3A = arith.constant 0 : i32
        "tpu.region"() ({
          %run_scoped3A_178 = tpu.sem_alloc : memref<!tpu.dma_semaphore, #tpu.memory_space<semaphore_mem>>
          %dma_start3A_179 = arith.constant 0 : i32
          %dma_start3A_180 = arith.constant 0 : i32
          %dma_start3A_181 = tpu.memref_slice %arg9[%run_scoped3A, %dma_start3A_179, %dma_start3A_180] : memref<4x100x64xf32, #tpu.memory_space<vmem>> -> memref<1x100x64xf32, #tpu.memory_space<vmem>>
          %dma_start3A_182 = tpu.memref_squeeze %dma_start3A_181 : memref<1x100x64xf32, #tpu.memory_space<vmem>> -> memref<100x64xf32, #tpu.memory_space<vmem>>
          %dma_start3A_183 = arith.constant 0 : i32
          %dma_start3A_184 = tpu.memref_slice %arg8[%add3A_90, %dma_start3A_183] : memref<200x100xi32, #tpu.memory_space<vmem>> -> memref<1x100xi32, #tpu.memory_space<vmem>>
          %dma_start3A_185 = tpu.memref_squeeze %dma_start3A_184 : memref<1x100xi32, #tpu.memory_space<vmem>> -> memref<100xi32, #tpu.memory_space<vmem>>
          %dma_start3A_186 = arith.constant 0 : i32
          %dma_start3A_187 = arith.constant 0 : i32
          %dma_start3A_188 = tpu.memref_slice %arg11[%dma_start3A_186, %dma_start3A_187] : memref<10000x64xf32, #tpu.memory_space<vmem_shared>> -> memref<10000x64xf32, #tpu.memory_space<vmem_shared>>
          tpu.enqueue_indirect_dma source(%dma_start3A_182 : memref<100x64xf32, #tpu.memory_space<vmem>>) target(%dma_start3A_188 : memref<10000x64xf32, #tpu.memory_space<vmem_shared>>) offsets(%dma_start3A_185 : memref<100xi32, #tpu.memory_space<vmem>>) semaphore(%run_scoped3A_178 : memref<!tpu.dma_semaphore, #tpu.memory_space<semaphore_mem>>) {add = true}
          %dma_wait3A_189 = arith.constant 0 : i32
          %dma_wait3A_190 = arith.constant 0 : i32
          %dma_wait3A_191 = tpu.memref_slice %arg9[%run_scoped3A, %dma_wait3A_189, %dma_wait3A_190] : memref<4x100x64xf32, #tpu.memory_space<vmem>> -> memref<1x100x64xf32, #tpu.memory_space<vmem>>
          %dma_wait3A_192 = tpu.memref_squeeze %dma_wait3A_191 : memref<1x100x64xf32, #tpu.memory_space<vmem>> -> memref<100x64xf32, #tpu.memory_space<vmem>>
          %dma_wait3A_193 = arith.constant 0 : i32
          %dma_wait3A_194 = tpu.memref_slice %arg8[%add3A_90, %dma_wait3A_193] : memref<200x100xi32, #tpu.memory_space<vmem>> -> memref<1x100xi32, #tpu.memory_space<vmem>>
          %dma_wait3A_195 = tpu.memref_squeeze %dma_wait3A_194 : memref<1x100xi32, #tpu.memory_space<vmem>> -> memref<100xi32, #tpu.memory_space<vmem>>
          %dma_wait3A_196 = arith.constant 0 : i32
          %dma_wait3A_197 = arith.constant 0 : i32
          %dma_wait3A_198 = tpu.memref_slice %arg11[%dma_wait3A_196, %dma_wait3A_197] : memref<10000x64xf32, #tpu.memory_space<vmem_shared>> -> memref<10000x64xf32, #tpu.memory_space<vmem_shared>>
          tpu.wait_indirect_dma semaphore(%run_scoped3A_178 : memref<!tpu.dma_semaphore, #tpu.memory_space<semaphore_mem>>) src(%dma_wait3A_192 : memref<100x64xf32, #tpu.memory_space<vmem>>) dst(%dma_wait3A_198 : memref<10000x64xf32, #tpu.memory_space<vmem_shared>>)
          tpu.yield
        }) : () -> ()
        %add3A_101 = arith.constant 0 : i32
        %add3A_102 = arith.addi %add3A_88, %add3A_101 : i32
        %add3A_103 = arith.constant 4 : i32
        %add3A_104 = arith.addi %add3A_102, %add3A_103 : i32
        %lt3A = arith.constant 200 : i32
        %lt3A_105 = arith.cmpi slt, %add3A_104, %lt3A : i32
        %convert_element_type3A_106 = arith.extui %lt3A_105 : i1 to i32
        %cond3A_107 = arith.constant 0 : i32
        %cond3A_108 = arith.cmpi ne, %convert_element_type3A_106, %cond3A_107 : i32
        scf.if %cond3A_108 {
          %add3A_178 = arith.constant 0 : i32
          %add3A_179 = arith.addi %add3A_88, %add3A_178 : i32
          %add3A_180 = arith.constant 4 : i32
          %add3A_181 = arith.addi %add3A_179, %add3A_180 : i32
          %dma_start3A_182 = arith.constant 0 : i32
          %dma_start3A_183 = arith.constant 0 : i32
          %dma_start3A_184 = arith.constant 0 : i32
          %dma_start3A_185 = tpu.memref_slice %arg9[%dma_start3A_182, %dma_start3A_183, %dma_start3A_184] : memref<4x100x64xf32, #tpu.memory_space<vmem>> -> memref<1x100x64xf32, #tpu.memory_space<vmem>>
          %dma_start3A_186 = tpu.memref_squeeze %dma_start3A_185 : memref<1x100x64xf32, #tpu.memory_space<vmem>> -> memref<100x64xf32, #tpu.memory_space<vmem>>
          %dma_start3A_187 = arith.constant 0 : i32
          %dma_start3A_188 = tpu.memref_slice %arg7[%add3A_181, %dma_start3A_187] : memref<200x100xi32, #tpu.memory_space<vmem>> -> memref<1x100xi32, #tpu.memory_space<vmem>>
          %dma_start3A_189 = tpu.memref_squeeze %dma_start3A_188 : memref<1x100xi32, #tpu.memory_space<vmem>> -> memref<100xi32, #tpu.memory_space<vmem>>
          %dma_start3A_190 = arith.constant 0 : i32
          %dma_start3A_191 = arith.constant 0 : i32
          %dma_start3A_192 = tpu.memref_slice %arg2[%dma_start3A_190, %dma_start3A_191] : memref<10000x64xf32, #tpu.memory_space<hbm>> -> memref<10000x64xf32, #tpu.memory_space<hbm>>
          tpu.enqueue_indirect_dma source(%dma_start3A_192 : memref<10000x64xf32, #tpu.memory_space<hbm>>) target(%dma_start3A_186 : memref<100x64xf32, #tpu.memory_space<vmem>>) offsets(%dma_start3A_189 : memref<100xi32, #tpu.memory_space<vmem>>) semaphore(%arg12 : memref<!tpu.dma_semaphore, #tpu.memory_space<semaphore_mem>>)
        } else {
        }
        %add3A_109 = arith.constant 1 : i32
        %add3A_110 = arith.addi %add3A_88, %add3A_109 : i32
        %dma_wait3A_111 = arith.constant 1 : i32
        %dma_wait3A_112 = arith.constant 0 : i32
        %dma_wait3A_113 = arith.constant 0 : i32
        %dma_wait3A_114 = tpu.memref_slice %arg9[%dma_wait3A_111, %dma_wait3A_112, %dma_wait3A_113] : memref<4x100x64xf32, #tpu.memory_space<vmem>> -> memref<1x100x64xf32, #tpu.memory_space<vmem>>
        %dma_wait3A_115 = tpu.memref_squeeze %dma_wait3A_114 : memref<1x100x64xf32, #tpu.memory_space<vmem>> -> memref<100x64xf32, #tpu.memory_space<vmem>>
        %dma_wait3A_116 = arith.constant 0 : i32
        %dma_wait3A_117 = tpu.memref_slice %arg7[%add3A_110, %dma_wait3A_116] : memref<200x100xi32, #tpu.memory_space<vmem>> -> memref<1x100xi32, #tpu.memory_space<vmem>>
        %dma_wait3A_118 = tpu.memref_squeeze %dma_wait3A_117 : memref<1x100xi32, #tpu.memory_space<vmem>> -> memref<100xi32, #tpu.memory_space<vmem>>
        %dma_wait3A_119 = arith.constant 0 : i32
        %dma_wait3A_120 = arith.constant 0 : i32
        %dma_wait3A_121 = tpu.memref_slice %arg2[%dma_wait3A_119, %dma_wait3A_120] : memref<10000x64xf32, #tpu.memory_space<hbm>> -> memref<10000x64xf32, #tpu.memory_space<hbm>>
        tpu.wait_indirect_dma semaphore(%arg13 : memref<!tpu.dma_semaphore, #tpu.memory_space<semaphore_mem>>) src(%dma_wait3A_121 : memref<10000x64xf32, #tpu.memory_space<hbm>>) dst(%dma_wait3A_115 : memref<100x64xf32, #tpu.memory_space<vmem>>)
        %run_scoped3A_122 = arith.constant 1 : i32
        "tpu.region"() ({
          %run_scoped3A_178 = tpu.sem_alloc : memref<!tpu.dma_semaphore, #tpu.memory_space<semaphore_mem>>
          %dma_start3A_179 = arith.constant 0 : i32
          %dma_start3A_180 = arith.constant 0 : i32
          %dma_start3A_181 = tpu.memref_slice %arg9[%run_scoped3A_122, %dma_start3A_179, %dma_start3A_180] : memref<4x100x64xf32, #tpu.memory_space<vmem>> -> memref<1x100x64xf32, #tpu.memory_space<vmem>>
          %dma_start3A_182 = tpu.memref_squeeze %dma_start3A_181 : memref<1x100x64xf32, #tpu.memory_space<vmem>> -> memref<100x64xf32, #tpu.memory_space<vmem>>
          %dma_start3A_183 = arith.constant 0 : i32
          %dma_start3A_184 = tpu.memref_slice %arg8[%add3A_110, %dma_start3A_183] : memref<200x100xi32, #tpu.memory_space<vmem>> -> memref<1x100xi32, #tpu.memory_space<vmem>>
          %dma_start3A_185 = tpu.memref_squeeze %dma_start3A_184 : memref<1x100xi32, #tpu.memory_space<vmem>> -> memref<100xi32, #tpu.memory_space<vmem>>
          %dma_start3A_186 = arith.constant 0 : i32
          %dma_start3A_187 = arith.constant 0 : i32
          %dma_start3A_188 = tpu.memref_slice %arg11[%dma_start3A_186, %dma_start3A_187] : memref<10000x64xf32, #tpu.memory_space<vmem_shared>> -> memref<10000x64xf32, #tpu.memory_space<vmem_shared>>
          tpu.enqueue_indirect_dma source(%dma_start3A_182 : memref<100x64xf32, #tpu.memory_space<vmem>>) target(%dma_start3A_188 : memref<10000x64xf32, #tpu.memory_space<vmem_shared>>) offsets(%dma_start3A_185 : memref<100xi32, #tpu.memory_space<vmem>>) semaphore(%run_scoped3A_178 : memref<!tpu.dma_semaphore, #tpu.memory_space<semaphore_mem>>) {add = true}
          %dma_wait3A_189 = arith.constant 0 : i32
          %dma_wait3A_190 = arith.constant 0 : i32
          %dma_wait3A_191 = tpu.memref_slice %arg9[%run_scoped3A_122, %dma_wait3A_189, %dma_wait3A_190] : memref<4x100x64xf32, #tpu.memory_space<vmem>> -> memref<1x100x64xf32, #tpu.memory_space<vmem>>
          %dma_wait3A_192 = tpu.memref_squeeze %dma_wait3A_191 : memref<1x100x64xf32, #tpu.memory_space<vmem>> -> memref<100x64xf32, #tpu.memory_space<vmem>>
          %dma_wait3A_193 = arith.constant 0 : i32
          %dma_wait3A_194 = tpu.memref_slice %arg8[%add3A_110, %dma_wait3A_193] : memref<200x100xi32, #tpu.memory_space<vmem>> -> memref<1x100xi32, #tpu.memory_space<vmem>>
          %dma_wait3A_195 = tpu.memref_squeeze %dma_wait3A_194 : memref<1x100xi32, #tpu.memory_space<vmem>> -> memref<100xi32, #tpu.memory_space<vmem>>
          %dma_wait3A_196 = arith.constant 0 : i32
          %dma_wait3A_197 = arith.constant 0 : i32
          %dma_wait3A_198 = tpu.memref_slice %arg11[%dma_wait3A_196, %dma_wait3A_197] : memref<10000x64xf32, #tpu.memory_space<vmem_shared>> -> memref<10000x64xf32, #tpu.memory_space<vmem_shared>>
          tpu.wait_indirect_dma semaphore(%run_scoped3A_178 : memref<!tpu.dma_semaphore, #tpu.memory_space<semaphore_mem>>) src(%dma_wait3A_192 : memref<100x64xf32, #tpu.memory_space<vmem>>) dst(%dma_wait3A_198 : memref<10000x64xf32, #tpu.memory_space<vmem_shared>>)
          tpu.yield
        }) : () -> ()
        %add3A_123 = arith.constant 1 : i32
        %add3A_124 = arith.addi %add3A_88, %add3A_123 : i32
        %add3A_125 = arith.constant 4 : i32
        %add3A_126 = arith.addi %add3A_124, %add3A_125 : i32
        %lt3A_127 = arith.constant 200 : i32
        %lt3A_128 = arith.cmpi slt, %add3A_126, %lt3A_127 : i32
        %convert_element_type3A_129 = arith.extui %lt3A_128 : i1 to i32
        %cond3A_130 = arith.constant 0 : i32
        %cond3A_131 = arith.cmpi ne, %convert_element_type3A_129, %cond3A_130 : i32
        scf.if %cond3A_131 {
          %add3A_178 = arith.constant 1 : i32
          %add3A_179 = arith.addi %add3A_88, %add3A_178 : i32
          %add3A_180 = arith.constant 4 : i32
          %add3A_181 = arith.addi %add3A_179, %add3A_180 : i32
          %dma_start3A_182 = arith.constant 1 : i32
          %dma_start3A_183 = arith.constant 0 : i32
          %dma_start3A_184 = arith.constant 0 : i32
          %dma_start3A_185 = tpu.memref_slice %arg9[%dma_start3A_182, %dma_start3A_183, %dma_start3A_184] : memref<4x100x64xf32, #tpu.memory_space<vmem>> -> memref<1x100x64xf32, #tpu.memory_space<vmem>>
          %dma_start3A_186 = tpu.memref_squeeze %dma_start3A_185 : memref<1x100x64xf32, #tpu.memory_space<vmem>> -> memref<100x64xf32, #tpu.memory_space<vmem>>
          %dma_start3A_187 = arith.constant 0 : i32
          %dma_start3A_188 = tpu.memref_slice %arg7[%add3A_181, %dma_start3A_187] : memref<200x100xi32, #tpu.memory_space<vmem>> -> memref<1x100xi32, #tpu.memory_space<vmem>>
          %dma_start3A_189 = tpu.memref_squeeze %dma_start3A_188 : memref<1x100xi32, #tpu.memory_space<vmem>> -> memref<100xi32, #tpu.memory_space<vmem>>
          %dma_start3A_190 = arith.constant 0 : i32
          %dma_start3A_191 = arith.constant 0 : i32
          %dma_start3A_192 = tpu.memref_slice %arg2[%dma_start3A_190, %dma_start3A_191] : memref<10000x64xf32, #tpu.memory_space<hbm>> -> memref<10000x64xf32, #tpu.memory_space<hbm>>
          tpu.enqueue_indirect_dma source(%dma_start3A_192 : memref<10000x64xf32, #tpu.memory_space<hbm>>) target(%dma_start3A_186 : memref<100x64xf32, #tpu.memory_space<vmem>>) offsets(%dma_start3A_189 : memref<100xi32, #tpu.memory_space<vmem>>) semaphore(%arg13 : memref<!tpu.dma_semaphore, #tpu.memory_space<semaphore_mem>>)
        } else {
        }
        %add3A_132 = arith.constant 2 : i32
        %add3A_133 = arith.addi %add3A_88, %add3A_132 : i32
        %dma_wait3A_134 = arith.constant 2 : i32
        %dma_wait3A_135 = arith.constant 0 : i32
        %dma_wait3A_136 = arith.constant 0 : i32
        %dma_wait3A_137 = tpu.memref_slice %arg9[%dma_wait3A_134, %dma_wait3A_135, %dma_wait3A_136] : memref<4x100x64xf32, #tpu.memory_space<vmem>> -> memref<1x100x64xf32, #tpu.memory_space<vmem>>
        %dma_wait3A_138 = tpu.memref_squeeze %dma_wait3A_137 : memref<1x100x64xf32, #tpu.memory_space<vmem>> -> memref<100x64xf32, #tpu.memory_space<vmem>>
        %dma_wait3A_139 = arith.constant 0 : i32
        %dma_wait3A_140 = tpu.memref_slice %arg7[%add3A_133, %dma_wait3A_139] : memref<200x100xi32, #tpu.memory_space<vmem>> -> memref<1x100xi32, #tpu.memory_space<vmem>>
        %dma_wait3A_141 = tpu.memref_squeeze %dma_wait3A_140 : memref<1x100xi32, #tpu.memory_space<vmem>> -> memref<100xi32, #tpu.memory_space<vmem>>
        %dma_wait3A_142 = arith.constant 0 : i32
        %dma_wait3A_143 = arith.constant 0 : i32
        %dma_wait3A_144 = tpu.memref_slice %arg2[%dma_wait3A_142, %dma_wait3A_143] : memref<10000x64xf32, #tpu.memory_space<hbm>> -> memref<10000x64xf32, #tpu.memory_space<hbm>>
        tpu.wait_indirect_dma semaphore(%arg14 : memref<!tpu.dma_semaphore, #tpu.memory_space<semaphore_mem>>) src(%dma_wait3A_144 : memref<10000x64xf32, #tpu.memory_space<hbm>>) dst(%dma_wait3A_138 : memref<100x64xf32, #tpu.memory_space<vmem>>)
        %run_scoped3A_145 = arith.constant 2 : i32
        "tpu.region"() ({
          %run_scoped3A_178 = tpu.sem_alloc : memref<!tpu.dma_semaphore, #tpu.memory_space<semaphore_mem>>
          %dma_start3A_179 = arith.constant 0 : i32
          %dma_start3A_180 = arith.constant 0 : i32
          %dma_start3A_181 = tpu.memref_slice %arg9[%run_scoped3A_145, %dma_start3A_179, %dma_start3A_180] : memref<4x100x64xf32, #tpu.memory_space<vmem>> -> memref<1x100x64xf32, #tpu.memory_space<vmem>>
          %dma_start3A_182 = tpu.memref_squeeze %dma_start3A_181 : memref<1x100x64xf32, #tpu.memory_space<vmem>> -> memref<100x64xf32, #tpu.memory_space<vmem>>
          %dma_start3A_183 = arith.constant 0 : i32
          %dma_start3A_184 = tpu.memref_slice %arg8[%add3A_133, %dma_start3A_183] : memref<200x100xi32, #tpu.memory_space<vmem>> -> memref<1x100xi32, #tpu.memory_space<vmem>>
          %dma_start3A_185 = tpu.memref_squeeze %dma_start3A_184 : memref<1x100xi32, #tpu.memory_space<vmem>> -> memref<100xi32, #tpu.memory_space<vmem>>
          %dma_start3A_186 = arith.constant 0 : i32
          %dma_start3A_187 = arith.constant 0 : i32
          %dma_start3A_188 = tpu.memref_slice %arg11[%dma_start3A_186, %dma_start3A_187] : memref<10000x64xf32, #tpu.memory_space<vmem_shared>> -> memref<10000x64xf32, #tpu.memory_space<vmem_shared>>
          tpu.enqueue_indirect_dma source(%dma_start3A_182 : memref<100x64xf32, #tpu.memory_space<vmem>>) target(%dma_start3A_188 : memref<10000x64xf32, #tpu.memory_space<vmem_shared>>) offsets(%dma_start3A_185 : memref<100xi32, #tpu.memory_space<vmem>>) semaphore(%run_scoped3A_178 : memref<!tpu.dma_semaphore, #tpu.memory_space<semaphore_mem>>) {add = true}
          %dma_wait3A_189 = arith.constant 0 : i32
          %dma_wait3A_190 = arith.constant 0 : i32
          %dma_wait3A_191 = tpu.memref_slice %arg9[%run_scoped3A_145, %dma_wait3A_189, %dma_wait3A_190] : memref<4x100x64xf32, #tpu.memory_space<vmem>> -> memref<1x100x64xf32, #tpu.memory_space<vmem>>
          %dma_wait3A_192 = tpu.memref_squeeze %dma_wait3A_191 : memref<1x100x64xf32, #tpu.memory_space<vmem>> -> memref<100x64xf32, #tpu.memory_space<vmem>>
          %dma_wait3A_193 = arith.constant 0 : i32
          %dma_wait3A_194 = tpu.memref_slice %arg8[%add3A_133, %dma_wait3A_193] : memref<200x100xi32, #tpu.memory_space<vmem>> -> memref<1x100xi32, #tpu.memory_space<vmem>>
          %dma_wait3A_195 = tpu.memref_squeeze %dma_wait3A_194 : memref<1x100xi32, #tpu.memory_space<vmem>> -> memref<100xi32, #tpu.memory_space<vmem>>
          %dma_wait3A_196 = arith.constant 0 : i32
          %dma_wait3A_197 = arith.constant 0 : i32
          %dma_wait3A_198 = tpu.memref_slice %arg11[%dma_wait3A_196, %dma_wait3A_197] : memref<10000x64xf32, #tpu.memory_space<vmem_shared>> -> memref<10000x64xf32, #tpu.memory_space<vmem_shared>>
          tpu.wait_indirect_dma semaphore(%run_scoped3A_178 : memref<!tpu.dma_semaphore, #tpu.memory_space<semaphore_mem>>) src(%dma_wait3A_192 : memref<100x64xf32, #tpu.memory_space<vmem>>) dst(%dma_wait3A_198 : memref<10000x64xf32, #tpu.memory_space<vmem_shared>>)
          tpu.yield
        }) : () -> ()
        %add3A_146 = arith.constant 2 : i32
        %add3A_147 = arith.addi %add3A_88, %add3A_146 : i32
        %add3A_148 = arith.constant 4 : i32
        %add3A_149 = arith.addi %add3A_147, %add3A_148 : i32
        %lt3A_150 = arith.constant 200 : i32
        %lt3A_151 = arith.cmpi slt, %add3A_149, %lt3A_150 : i32
        %convert_element_type3A_152 = arith.extui %lt3A_151 : i1 to i32
        %cond3A_153 = arith.constant 0 : i32
        %cond3A_154 = arith.cmpi ne, %convert_element_type3A_152, %cond3A_153 : i32
        scf.if %cond3A_154 {
          %add3A_178 = arith.constant 2 : i32
          %add3A_179 = arith.addi %add3A_88, %add3A_178 : i32
          %add3A_180 = arith.constant 4 : i32
          %add3A_181 = arith.addi %add3A_179, %add3A_180 : i32
          %dma_start3A_182 = arith.constant 2 : i32
          %dma_start3A_183 = arith.constant 0 : i32
          %dma_start3A_184 = arith.constant 0 : i32
          %dma_start3A_185 = tpu.memref_slice %arg9[%dma_start3A_182, %dma_start3A_183, %dma_start3A_184] : memref<4x100x64xf32, #tpu.memory_space<vmem>> -> memref<1x100x64xf32, #tpu.memory_space<vmem>>
          %dma_start3A_186 = tpu.memref_squeeze %dma_start3A_185 : memref<1x100x64xf32, #tpu.memory_space<vmem>> -> memref<100x64xf32, #tpu.memory_space<vmem>>
          %dma_start3A_187 = arith.constant 0 : i32
          %dma_start3A_188 = tpu.memref_slice %arg7[%add3A_181, %dma_start3A_187] : memref<200x100xi32, #tpu.memory_space<vmem>> -> memref<1x100xi32, #tpu.memory_space<vmem>>
          %dma_start3A_189 = tpu.memref_squeeze %dma_start3A_188 : memref<1x100xi32, #tpu.memory_space<vmem>> -> memref<100xi32, #tpu.memory_space<vmem>>
          %dma_start3A_190 = arith.constant 0 : i32
          %dma_start3A_191 = arith.constant 0 : i32
          %dma_start3A_192 = tpu.memref_slice %arg2[%dma_start3A_190, %dma_start3A_191] : memref<10000x64xf32, #tpu.memory_space<hbm>> -> memref<10000x64xf32, #tpu.memory_space<hbm>>
          tpu.enqueue_indirect_dma source(%dma_start3A_192 : memref<10000x64xf32, #tpu.memory_space<hbm>>) target(%dma_start3A_186 : memref<100x64xf32, #tpu.memory_space<vmem>>) offsets(%dma_start3A_189 : memref<100xi32, #tpu.memory_space<vmem>>) semaphore(%arg14 : memref<!tpu.dma_semaphore, #tpu.memory_space<semaphore_mem>>)
        } else {
        }
        %add3A_155 = arith.constant 3 : i32
        %add3A_156 = arith.addi %add3A_88, %add3A_155 : i32
        %dma_wait3A_157 = arith.constant 3 : i32
        %dma_wait3A_158 = arith.constant 0 : i32
        %dma_wait3A_159 = arith.constant 0 : i32
        %dma_wait3A_160 = tpu.memref_slice %arg9[%dma_wait3A_157, %dma_wait3A_158, %dma_wait3A_159] : memref<4x100x64xf32, #tpu.memory_space<vmem>> -> memref<1x100x64xf32, #tpu.memory_space<vmem>>
        %dma_wait3A_161 = tpu.memref_squeeze %dma_wait3A_160 : memref<1x100x64xf32, #tpu.memory_space<vmem>> -> memref<100x64xf32, #tpu.memory_space<vmem>>
        %dma_wait3A_162 = arith.constant 0 : i32
        %dma_wait3A_163 = tpu.memref_slice %arg7[%add3A_156, %dma_wait3A_162] : memref<200x100xi32, #tpu.memory_space<vmem>> -> memref<1x100xi32, #tpu.memory_space<vmem>>
        %dma_wait3A_164 = tpu.memref_squeeze %dma_wait3A_163 : memref<1x100xi32, #tpu.memory_space<vmem>> -> memref<100xi32, #tpu.memory_space<vmem>>
        %dma_wait3A_165 = arith.constant 0 : i32
        %dma_wait3A_166 = arith.constant 0 : i32
        %dma_wait3A_167 = tpu.memref_slice %arg2[%dma_wait3A_165, %dma_wait3A_166] : memref<10000x64xf32, #tpu.memory_space<hbm>> -> memref<10000x64xf32, #tpu.memory_space<hbm>>
        tpu.wait_indirect_dma semaphore(%arg15 : memref<!tpu.dma_semaphore, #tpu.memory_space<semaphore_mem>>) src(%dma_wait3A_167 : memref<10000x64xf32, #tpu.memory_space<hbm>>) dst(%dma_wait3A_161 : memref<100x64xf32, #tpu.memory_space<vmem>>)
        %run_scoped3A_168 = arith.constant 3 : i32
        "tpu.region"() ({
          %run_scoped3A_178 = tpu.sem_alloc : memref<!tpu.dma_semaphore, #tpu.memory_space<semaphore_mem>>
          %dma_start3A_179 = arith.constant 0 : i32
          %dma_start3A_180 = arith.constant 0 : i32
          %dma_start3A_181 = tpu.memref_slice %arg9[%run_scoped3A_168, %dma_start3A_179, %dma_start3A_180] : memref<4x100x64xf32, #tpu.memory_space<vmem>> -> memref<1x100x64xf32, #tpu.memory_space<vmem>>
          %dma_start3A_182 = tpu.memref_squeeze %dma_start3A_181 : memref<1x100x64xf32, #tpu.memory_space<vmem>> -> memref<100x64xf32, #tpu.memory_space<vmem>>
          %dma_start3A_183 = arith.constant 0 : i32
          %dma_start3A_184 = tpu.memref_slice %arg8[%add3A_156, %dma_start3A_183] : memref<200x100xi32, #tpu.memory_space<vmem>> -> memref<1x100xi32, #tpu.memory_space<vmem>>
          %dma_start3A_185 = tpu.memref_squeeze %dma_start3A_184 : memref<1x100xi32, #tpu.memory_space<vmem>> -> memref<100xi32, #tpu.memory_space<vmem>>
          %dma_start3A_186 = arith.constant 0 : i32
          %dma_start3A_187 = arith.constant 0 : i32
          %dma_start3A_188 = tpu.memref_slice %arg11[%dma_start3A_186, %dma_start3A_187] : memref<10000x64xf32, #tpu.memory_space<vmem_shared>> -> memref<10000x64xf32, #tpu.memory_space<vmem_shared>>
          tpu.enqueue_indirect_dma source(%dma_start3A_182 : memref<100x64xf32, #tpu.memory_space<vmem>>) target(%dma_start3A_188 : memref<10000x64xf32, #tpu.memory_space<vmem_shared>>) offsets(%dma_start3A_185 : memref<100xi32, #tpu.memory_space<vmem>>) semaphore(%run_scoped3A_178 : memref<!tpu.dma_semaphore, #tpu.memory_space<semaphore_mem>>) {add = true}
          %dma_wait3A_189 = arith.constant 0 : i32
          %dma_wait3A_190 = arith.constant 0 : i32
          %dma_wait3A_191 = tpu.memref_slice %arg9[%run_scoped3A_168, %dma_wait3A_189, %dma_wait3A_190] : memref<4x100x64xf32, #tpu.memory_space<vmem>> -> memref<1x100x64xf32, #tpu.memory_space<vmem>>
          %dma_wait3A_192 = tpu.memref_squeeze %dma_wait3A_191 : memref<1x100x64xf32, #tpu.memory_space<vmem>> -> memref<100x64xf32, #tpu.memory_space<vmem>>
          %dma_wait3A_193 = arith.constant 0 : i32
          %dma_wait3A_194 = tpu.memref_slice %arg8[%add3A_156, %dma_wait3A_193] : memref<200x100xi32, #tpu.memory_space<vmem>> -> memref<1x100xi32, #tpu.memory_space<vmem>>
          %dma_wait3A_195 = tpu.memref_squeeze %dma_wait3A_194 : memref<1x100xi32, #tpu.memory_space<vmem>> -> memref<100xi32, #tpu.memory_space<vmem>>
          %dma_wait3A_196 = arith.constant 0 : i32
          %dma_wait3A_197 = arith.constant 0 : i32
          %dma_wait3A_198 = tpu.memref_slice %arg11[%dma_wait3A_196, %dma_wait3A_197] : memref<10000x64xf32, #tpu.memory_space<vmem_shared>> -> memref<10000x64xf32, #tpu.memory_space<vmem_shared>>
          tpu.wait_indirect_dma semaphore(%run_scoped3A_178 : memref<!tpu.dma_semaphore, #tpu.memory_space<semaphore_mem>>) src(%dma_wait3A_192 : memref<100x64xf32, #tpu.memory_space<vmem>>) dst(%dma_wait3A_198 : memref<10000x64xf32, #tpu.memory_space<vmem_shared>>)
          tpu.yield
        }) : () -> ()
        %add3A_169 = arith.constant 3 : i32
        %add3A_170 = arith.addi %add3A_88, %add3A_169 : i32
        %add3A_171 = arith.constant 4 : i32
        %add3A_172 = arith.addi %add3A_170, %add3A_171 : i32
        %lt3A_173 = arith.constant 200 : i32
        %lt3A_174 = arith.cmpi slt, %add3A_172, %lt3A_173 : i32
        %convert_element_type3A_175 = arith.extui %lt3A_174 : i1 to i32
        %cond3A_176 = arith.constant 0 : i32
        %cond3A_177 = arith.cmpi ne, %convert_element_type3A_175, %cond3A_176 : i32
        scf.if %cond3A_177 {
          %add3A_178 = arith.constant 3 : i32
          %add3A_179 = arith.addi %add3A_88, %add3A_178 : i32
          %add3A_180 = arith.constant 4 : i32
          %add3A_181 = arith.addi %add3A_179, %add3A_180 : i32
          %dma_start3A_182 = arith.constant 3 : i32
          %dma_start3A_183 = arith.constant 0 : i32
          %dma_start3A_184 = arith.constant 0 : i32
          %dma_start3A_185 = tpu.memref_slice %arg9[%dma_start3A_182, %dma_start3A_183, %dma_start3A_184] : memref<4x100x64xf32, #tpu.memory_space<vmem>> -> memref<1x100x64xf32, #tpu.memory_space<vmem>>
          %dma_start3A_186 = tpu.memref_squeeze %dma_start3A_185 : memref<1x100x64xf32, #tpu.memory_space<vmem>> -> memref<100x64xf32, #tpu.memory_space<vmem>>
          %dma_start3A_187 = arith.constant 0 : i32
          %dma_start3A_188 = tpu.memref_slice %arg7[%add3A_181, %dma_start3A_187] : memref<200x100xi32, #tpu.memory_space<vmem>> -> memref<1x100xi32, #tpu.memory_space<vmem>>
          %dma_start3A_189 = tpu.memref_squeeze %dma_start3A_188 : memref<1x100xi32, #tpu.memory_space<vmem>> -> memref<100xi32, #tpu.memory_space<vmem>>
          %dma_start3A_190 = arith.constant 0 : i32
          %dma_start3A_191 = arith.constant 0 : i32
          %dma_start3A_192 = tpu.memref_slice %arg2[%dma_start3A_190, %dma_start3A_191] : memref<10000x64xf32, #tpu.memory_space<hbm>> -> memref<10000x64xf32, #tpu.memory_space<hbm>>
          tpu.enqueue_indirect_dma source(%dma_start3A_192 : memref<10000x64xf32, #tpu.memory_space<hbm>>) target(%dma_start3A_186 : memref<100x64xf32, #tpu.memory_space<vmem>>) offsets(%dma_start3A_189 : memref<100xi32, #tpu.memory_space<vmem>>) semaphore(%arg15 : memref<!tpu.dma_semaphore, #tpu.memory_space<semaphore_mem>>)
        } else {
        }
      }
      %scan3A_84 = arith.constant 50 : i32
    } else {
    }
    %eq3A_17 = arith.constant 1 : i32
    %eq3A_18 = arith.cmpi eq, %arg0, %eq3A_17 : i32
    %convert_element_type3A_19 = arith.extui %eq3A_18 : i1 to i32
    %cond3A_20 = arith.constant 0 : i32
    %cond3A_21 = arith.cmpi ne, %convert_element_type3A_19, %cond3A_20 : i32
    scf.if %cond3A_21 {
      %dma_start3A = arith.constant 0 : i32
      %dma_start3A_33 = arith.constant 0 : i32
      %dma_start3A_34 = arith.constant 0 : i32
      %dma_start3A_35 = arith.constant 0 : i32
      %dma_start3A_36 = tpu.memref_slice %arg9[%dma_start3A_33, %dma_start3A_34, %dma_start3A_35] : memref<4x100x64xf32, #tpu.memory_space<vmem>> -> memref<1x100x64xf32, #tpu.memory_space<vmem>>
      %dma_start3A_37 = tpu.memref_squeeze %dma_start3A_36 : memref<1x100x64xf32, #tpu.memory_space<vmem>> -> memref<100x64xf32, #tpu.memory_space<vmem>>
      %dma_start3A_38 = arith.constant 0 : i32
      %dma_start3A_39 = tpu.memref_slice %arg7[%dma_start3A, %dma_start3A_38] : memref<200x100xi32, #tpu.memory_space<vmem>> -> memref<1x100xi32, #tpu.memory_space<vmem>>
      %dma_start3A_40 = tpu.memref_squeeze %dma_start3A_39 : memref<1x100xi32, #tpu.memory_space<vmem>> -> memref<100xi32, #tpu.memory_space<vmem>>
      %dma_start3A_41 = arith.constant 0 : i32
      %dma_start3A_42 = arith.constant 0 : i32
      %dma_start3A_43 = tpu.memref_slice %arg3[%dma_start3A_41, %dma_start3A_42] : memref<10000x64xf32, #tpu.memory_space<hbm>> -> memref<10000x64xf32, #tpu.memory_space<hbm>>
      tpu.enqueue_indirect_dma source(%dma_start3A_43 : memref<10000x64xf32, #tpu.memory_space<hbm>>) target(%dma_start3A_37 : memref<100x64xf32, #tpu.memory_space<vmem>>) offsets(%dma_start3A_40 : memref<100xi32, #tpu.memory_space<vmem>>) semaphore(%arg12 : memref<!tpu.dma_semaphore, #tpu.memory_space<semaphore_mem>>)
      %dma_start3A_44 = arith.constant 1 : i32
      %dma_start3A_45 = arith.constant 1 : i32
      %dma_start3A_46 = arith.constant 0 : i32
      %dma_start3A_47 = arith.constant 0 : i32
      %dma_start3A_48 = tpu.memref_slice %arg9[%dma_start3A_45, %dma_start3A_46, %dma_start3A_47] : memref<4x100x64xf32, #tpu.memory_space<vmem>> -> memref<1x100x64xf32, #tpu.memory_space<vmem>>
      %dma_start3A_49 = tpu.memref_squeeze %dma_start3A_48 : memref<1x100x64xf32, #tpu.memory_space<vmem>> -> memref<100x64xf32, #tpu.memory_space<vmem>>
      %dma_start3A_50 = arith.constant 0 : i32
      %dma_start3A_51 = tpu.memref_slice %arg7[%dma_start3A_44, %dma_start3A_50] : memref<200x100xi32, #tpu.memory_space<vmem>> -> memref<1x100xi32, #tpu.memory_space<vmem>>
      %dma_start3A_52 = tpu.memref_squeeze %dma_start3A_51 : memref<1x100xi32, #tpu.memory_space<vmem>> -> memref<100xi32, #tpu.memory_space<vmem>>
      %dma_start3A_53 = arith.constant 0 : i32
      %dma_start3A_54 = arith.constant 0 : i32
      %dma_start3A_55 = tpu.memref_slice %arg3[%dma_start3A_53, %dma_start3A_54] : memref<10000x64xf32, #tpu.memory_space<hbm>> -> memref<10000x64xf32, #tpu.memory_space<hbm>>
      tpu.enqueue_indirect_dma source(%dma_start3A_55 : memref<10000x64xf32, #tpu.memory_space<hbm>>) target(%dma_start3A_49 : memref<100x64xf32, #tpu.memory_space<vmem>>) offsets(%dma_start3A_52 : memref<100xi32, #tpu.memory_space<vmem>>) semaphore(%arg13 : memref<!tpu.dma_semaphore, #tpu.memory_space<semaphore_mem>>)
      %dma_start3A_56 = arith.constant 2 : i32
      %dma_start3A_57 = arith.constant 2 : i32
      %dma_start3A_58 = arith.constant 0 : i32
      %dma_start3A_59 = arith.constant 0 : i32
      %dma_start3A_60 = tpu.memref_slice %arg9[%dma_start3A_57, %dma_start3A_58, %dma_start3A_59] : memref<4x100x64xf32, #tpu.memory_space<vmem>> -> memref<1x100x64xf32, #tpu.memory_space<vmem>>
      %dma_start3A_61 = tpu.memref_squeeze %dma_start3A_60 : memref<1x100x64xf32, #tpu.memory_space<vmem>> -> memref<100x64xf32, #tpu.memory_space<vmem>>
      %dma_start3A_62 = arith.constant 0 : i32
      %dma_start3A_63 = tpu.memref_slice %arg7[%dma_start3A_56, %dma_start3A_62] : memref<200x100xi32, #tpu.memory_space<vmem>> -> memref<1x100xi32, #tpu.memory_space<vmem>>
      %dma_start3A_64 = tpu.memref_squeeze %dma_start3A_63 : memref<1x100xi32, #tpu.memory_space<vmem>> -> memref<100xi32, #tpu.memory_space<vmem>>
      %dma_start3A_65 = arith.constant 0 : i32
      %dma_start3A_66 = arith.constant 0 : i32
      %dma_start3A_67 = tpu.memref_slice %arg3[%dma_start3A_65, %dma_start3A_66] : memref<10000x64xf32, #tpu.memory_space<hbm>> -> memref<10000x64xf32, #tpu.memory_space<hbm>>
      tpu.enqueue_indirect_dma source(%dma_start3A_67 : memref<10000x64xf32, #tpu.memory_space<hbm>>) target(%dma_start3A_61 : memref<100x64xf32, #tpu.memory_space<vmem>>) offsets(%dma_start3A_64 : memref<100xi32, #tpu.memory_space<vmem>>) semaphore(%arg14 : memref<!tpu.dma_semaphore, #tpu.memory_space<semaphore_mem>>)
      %dma_start3A_68 = arith.constant 3 : i32
      %dma_start3A_69 = arith.constant 3 : i32
      %dma_start3A_70 = arith.constant 0 : i32
      %dma_start3A_71 = arith.constant 0 : i32
      %dma_start3A_72 = tpu.memref_slice %arg9[%dma_start3A_69, %dma_start3A_70, %dma_start3A_71] : memref<4x100x64xf32, #tpu.memory_space<vmem>> -> memref<1x100x64xf32, #tpu.memory_space<vmem>>
      %dma_start3A_73 = tpu.memref_squeeze %dma_start3A_72 : memref<1x100x64xf32, #tpu.memory_space<vmem>> -> memref<100x64xf32, #tpu.memory_space<vmem>>
      %dma_start3A_74 = arith.constant 0 : i32
      %dma_start3A_75 = tpu.memref_slice %arg7[%dma_start3A_68, %dma_start3A_74] : memref<200x100xi32, #tpu.memory_space<vmem>> -> memref<1x100xi32, #tpu.memory_space<vmem>>
      %dma_start3A_76 = tpu.memref_squeeze %dma_start3A_75 : memref<1x100xi32, #tpu.memory_space<vmem>> -> memref<100xi32, #tpu.memory_space<vmem>>
      %dma_start3A_77 = arith.constant 0 : i32
      %dma_start3A_78 = arith.constant 0 : i32
      %dma_start3A_79 = tpu.memref_slice %arg3[%dma_start3A_77, %dma_start3A_78] : memref<10000x64xf32, #tpu.memory_space<hbm>> -> memref<10000x64xf32, #tpu.memory_space<hbm>>
      tpu.enqueue_indirect_dma source(%dma_start3A_79 : memref<10000x64xf32, #tpu.memory_space<hbm>>) target(%dma_start3A_73 : memref<100x64xf32, #tpu.memory_space<vmem>>) offsets(%dma_start3A_76 : memref<100xi32, #tpu.memory_space<vmem>>) semaphore(%arg15 : memref<!tpu.dma_semaphore, #tpu.memory_space<semaphore_mem>>)
      %scan3A_80 = arith.constant 0 : i32
      %scan3A_81 = arith.constant 50 : i32
      %scan3A_82 = arith.addi %scan3A_80, %scan3A_81 : i32
      %scan3A_83 = arith.constant 1 : i32
      scf.for %scan3A_85 = %scan3A_80 to %scan3A_82 step %scan3A_83  : i32 {
        %mul3A_86 = arith.constant 4 : i32
        %mul3A_87 = arith.muli %scan3A_85, %mul3A_86 : i32
        %add3A = arith.constant 0 : i32
        %add3A_88 = arith.addi %add3A, %mul3A_87 : i32
        %add3A_89 = arith.constant 0 : i32
        %add3A_90 = arith.addi %add3A_88, %add3A_89 : i32
        %dma_wait3A = arith.constant 0 : i32
        %dma_wait3A_91 = arith.constant 0 : i32
        %dma_wait3A_92 = arith.constant 0 : i32
        %dma_wait3A_93 = tpu.memref_slice %arg9[%dma_wait3A, %dma_wait3A_91, %dma_wait3A_92] : memref<4x100x64xf32, #tpu.memory_space<vmem>> -> memref<1x100x64xf32, #tpu.memory_space<vmem>>
        %dma_wait3A_94 = tpu.memref_squeeze %dma_wait3A_93 : memref<1x100x64xf32, #tpu.memory_space<vmem>> -> memref<100x64xf32, #tpu.memory_space<vmem>>
        %dma_wait3A_95 = arith.constant 0 : i32
        %dma_wait3A_96 = tpu.memref_slice %arg7[%add3A_90, %dma_wait3A_95] : memref<200x100xi32, #tpu.memory_space<vmem>> -> memref<1x100xi32, #tpu.memory_space<vmem>>
        %dma_wait3A_97 = tpu.memref_squeeze %dma_wait3A_96 : memref<1x100xi32, #tpu.memory_space<vmem>> -> memref<100xi32, #tpu.memory_space<vmem>>
        %dma_wait3A_98 = arith.constant 0 : i32
        %dma_wait3A_99 = arith.constant 0 : i32
        %dma_wait3A_100 = tpu.memref_slice %arg3[%dma_wait3A_98, %dma_wait3A_99] : memref<10000x64xf32, #tpu.memory_space<hbm>> -> memref<10000x64xf32, #tpu.memory_space<hbm>>
        tpu.wait_indirect_dma semaphore(%arg12 : memref<!tpu.dma_semaphore, #tpu.memory_space<semaphore_mem>>) src(%dma_wait3A_100 : memref<10000x64xf32, #tpu.memory_space<hbm>>) dst(%dma_wait3A_94 : memref<100x64xf32, #tpu.memory_space<vmem>>)
        %run_scoped3A = arith.constant 0 : i32
        "tpu.region"() ({
          %run_scoped3A_178 = tpu.sem_alloc : memref<!tpu.dma_semaphore, #tpu.memory_space<semaphore_mem>>
          %dma_start3A_179 = arith.constant 0 : i32
          %dma_start3A_180 = arith.constant 0 : i32
          %dma_start3A_181 = tpu.memref_slice %arg9[%run_scoped3A, %dma_start3A_179, %dma_start3A_180] : memref<4x100x64xf32, #tpu.memory_space<vmem>> -> memref<1x100x64xf32, #tpu.memory_space<vmem>>
          %dma_start3A_182 = tpu.memref_squeeze %dma_start3A_181 : memref<1x100x64xf32, #tpu.memory_space<vmem>> -> memref<100x64xf32, #tpu.memory_space<vmem>>
          %dma_start3A_183 = arith.constant 0 : i32
          %dma_start3A_184 = tpu.memref_slice %arg8[%add3A_90, %dma_start3A_183] : memref<200x100xi32, #tpu.memory_space<vmem>> -> memref<1x100xi32, #tpu.memory_space<vmem>>
          %dma_start3A_185 = tpu.memref_squeeze %dma_start3A_184 : memref<1x100xi32, #tpu.memory_space<vmem>> -> memref<100xi32, #tpu.memory_space<vmem>>
          %dma_start3A_186 = arith.constant 0 : i32
          %dma_start3A_187 = arith.constant 0 : i32
          %dma_start3A_188 = tpu.memref_slice %arg11[%dma_start3A_186, %dma_start3A_187] : memref<10000x64xf32, #tpu.memory_space<vmem_shared>> -> memref<10000x64xf32, #tpu.memory_space<vmem_shared>>
          tpu.enqueue_indirect_dma source(%dma_start3A_182 : memref<100x64xf32, #tpu.memory_space<vmem>>) target(%dma_start3A_188 : memref<10000x64xf32, #tpu.memory_space<vmem_shared>>) offsets(%dma_start3A_185 : memref<100xi32, #tpu.memory_space<vmem>>) semaphore(%run_scoped3A_178 : memref<!tpu.dma_semaphore, #tpu.memory_space<semaphore_mem>>) {add = true}
          %dma_wait3A_189 = arith.constant 0 : i32
          %dma_wait3A_190 = arith.constant 0 : i32
          %dma_wait3A_191 = tpu.memref_slice %arg9[%run_scoped3A, %dma_wait3A_189, %dma_wait3A_190] : memref<4x100x64xf32, #tpu.memory_space<vmem>> -> memref<1x100x64xf32, #tpu.memory_space<vmem>>
          %dma_wait3A_192 = tpu.memref_squeeze %dma_wait3A_191 : memref<1x100x64xf32, #tpu.memory_space<vmem>> -> memref<100x64xf32, #tpu.memory_space<vmem>>
          %dma_wait3A_193 = arith.constant 0 : i32
          %dma_wait3A_194 = tpu.memref_slice %arg8[%add3A_90, %dma_wait3A_193] : memref<200x100xi32, #tpu.memory_space<vmem>> -> memref<1x100xi32, #tpu.memory_space<vmem>>
          %dma_wait3A_195 = tpu.memref_squeeze %dma_wait3A_194 : memref<1x100xi32, #tpu.memory_space<vmem>> -> memref<100xi32, #tpu.memory_space<vmem>>
          %dma_wait3A_196 = arith.constant 0 : i32
          %dma_wait3A_197 = arith.constant 0 : i32
          %dma_wait3A_198 = tpu.memref_slice %arg11[%dma_wait3A_196, %dma_wait3A_197] : memref<10000x64xf32, #tpu.memory_space<vmem_shared>> -> memref<10000x64xf32, #tpu.memory_space<vmem_shared>>
          tpu.wait_indirect_dma semaphore(%run_scoped3A_178 : memref<!tpu.dma_semaphore, #tpu.memory_space<semaphore_mem>>) src(%dma_wait3A_192 : memref<100x64xf32, #tpu.memory_space<vmem>>) dst(%dma_wait3A_198 : memref<10000x64xf32, #tpu.memory_space<vmem_shared>>)
          tpu.yield
        }) : () -> ()
        %add3A_101 = arith.constant 0 : i32
        %add3A_102 = arith.addi %add3A_88, %add3A_101 : i32
        %add3A_103 = arith.constant 4 : i32
        %add3A_104 = arith.addi %add3A_102, %add3A_103 : i32
        %lt3A = arith.constant 200 : i32
        %lt3A_105 = arith.cmpi slt, %add3A_104, %lt3A : i32
        %convert_element_type3A_106 = arith.extui %lt3A_105 : i1 to i32
        %cond3A_107 = arith.constant 0 : i32
        %cond3A_108 = arith.cmpi ne, %convert_element_type3A_106, %cond3A_107 : i32
        scf.if %cond3A_108 {
          %add3A_178 = arith.constant 0 : i32
          %add3A_179 = arith.addi %add3A_88, %add3A_178 : i32
          %add3A_180 = arith.constant 4 : i32
          %add3A_181 = arith.addi %add3A_179, %add3A_180 : i32
          %dma_start3A_182 = arith.constant 0 : i32
          %dma_start3A_183 = arith.constant 0 : i32
          %dma_start3A_184 = arith.constant 0 : i32
          %dma_start3A_185 = tpu.memref_slice %arg9[%dma_start3A_182, %dma_start3A_183, %dma_start3A_184] : memref<4x100x64xf32, #tpu.memory_space<vmem>> -> memref<1x100x64xf32, #tpu.memory_space<vmem>>
          %dma_start3A_186 = tpu.memref_squeeze %dma_start3A_185 : memref<1x100x64xf32, #tpu.memory_space<vmem>> -> memref<100x64xf32, #tpu.memory_space<vmem>>
          %dma_start3A_187 = arith.constant 0 : i32
          %dma_start3A_188 = tpu.memref_slice %arg7[%add3A_181, %dma_start3A_187] : memref<200x100xi32, #tpu.memory_space<vmem>> -> memref<1x100xi32, #tpu.memory_space<vmem>>
          %dma_start3A_189 = tpu.memref_squeeze %dma_start3A_188 : memref<1x100xi32, #tpu.memory_space<vmem>> -> memref<100xi32, #tpu.memory_space<vmem>>
          %dma_start3A_190 = arith.constant 0 : i32
          %dma_start3A_191 = arith.constant 0 : i32
          %dma_start3A_192 = tpu.memref_slice %arg3[%dma_start3A_190, %dma_start3A_191] : memref<10000x64xf32, #tpu.memory_space<hbm>> -> memref<10000x64xf32, #tpu.memory_space<hbm>>
          tpu.enqueue_indirect_dma source(%dma_start3A_192 : memref<10000x64xf32, #tpu.memory_space<hbm>>) target(%dma_start3A_186 : memref<100x64xf32, #tpu.memory_space<vmem>>) offsets(%dma_start3A_189 : memref<100xi32, #tpu.memory_space<vmem>>) semaphore(%arg12 : memref<!tpu.dma_semaphore, #tpu.memory_space<semaphore_mem>>)
        } else {
        }
        %add3A_109 = arith.constant 1 : i32
        %add3A_110 = arith.addi %add3A_88, %add3A_109 : i32
        %dma_wait3A_111 = arith.constant 1 : i32
        %dma_wait3A_112 = arith.constant 0 : i32
        %dma_wait3A_113 = arith.constant 0 : i32
        %dma_wait3A_114 = tpu.memref_slice %arg9[%dma_wait3A_111, %dma_wait3A_112, %dma_wait3A_113] : memref<4x100x64xf32, #tpu.memory_space<vmem>> -> memref<1x100x64xf32, #tpu.memory_space<vmem>>
        %dma_wait3A_115 = tpu.memref_squeeze %dma_wait3A_114 : memref<1x100x64xf32, #tpu.memory_space<vmem>> -> memref<100x64xf32, #tpu.memory_space<vmem>>
        %dma_wait3A_116 = arith.constant 0 : i32
        %dma_wait3A_117 = tpu.memref_slice %arg7[%add3A_110, %dma_wait3A_116] : memref<200x100xi32, #tpu.memory_space<vmem>> -> memref<1x100xi32, #tpu.memory_space<vmem>>
        %dma_wait3A_118 = tpu.memref_squeeze %dma_wait3A_117 : memref<1x100xi32, #tpu.memory_space<vmem>> -> memref<100xi32, #tpu.memory_space<vmem>>
        %dma_wait3A_119 = arith.constant 0 : i32
        %dma_wait3A_120 = arith.constant 0 : i32
        %dma_wait3A_121 = tpu.memref_slice %arg3[%dma_wait3A_119, %dma_wait3A_120] : memref<10000x64xf32, #tpu.memory_space<hbm>> -> memref<10000x64xf32, #tpu.memory_space<hbm>>
        tpu.wait_indirect_dma semaphore(%arg13 : memref<!tpu.dma_semaphore, #tpu.memory_space<semaphore_mem>>) src(%dma_wait3A_121 : memref<10000x64xf32, #tpu.memory_space<hbm>>) dst(%dma_wait3A_115 : memref<100x64xf32, #tpu.memory_space<vmem>>)
        %run_scoped3A_122 = arith.constant 1 : i32
        "tpu.region"() ({
          %run_scoped3A_178 = tpu.sem_alloc : memref<!tpu.dma_semaphore, #tpu.memory_space<semaphore_mem>>
          %dma_start3A_179 = arith.constant 0 : i32
          %dma_start3A_180 = arith.constant 0 : i32
          %dma_start3A_181 = tpu.memref_slice %arg9[%run_scoped3A_122, %dma_start3A_179, %dma_start3A_180] : memref<4x100x64xf32, #tpu.memory_space<vmem>> -> memref<1x100x64xf32, #tpu.memory_space<vmem>>
          %dma_start3A_182 = tpu.memref_squeeze %dma_start3A_181 : memref<1x100x64xf32, #tpu.memory_space<vmem>> -> memref<100x64xf32, #tpu.memory_space<vmem>>
          %dma_start3A_183 = arith.constant 0 : i32
          %dma_start3A_184 = tpu.memref_slice %arg8[%add3A_110, %dma_start3A_183] : memref<200x100xi32, #tpu.memory_space<vmem>> -> memref<1x100xi32, #tpu.memory_space<vmem>>
          %dma_start3A_185 = tpu.memref_squeeze %dma_start3A_184 : memref<1x100xi32, #tpu.memory_space<vmem>> -> memref<100xi32, #tpu.memory_space<vmem>>
          %dma_start3A_186 = arith.constant 0 : i32
          %dma_start3A_187 = arith.constant 0 : i32
          %dma_start3A_188 = tpu.memref_slice %arg11[%dma_start3A_186, %dma_start3A_187] : memref<10000x64xf32, #tpu.memory_space<vmem_shared>> -> memref<10000x64xf32, #tpu.memory_space<vmem_shared>>
          tpu.enqueue_indirect_dma source(%dma_start3A_182 : memref<100x64xf32, #tpu.memory_space<vmem>>) target(%dma_start3A_188 : memref<10000x64xf32, #tpu.memory_space<vmem_shared>>) offsets(%dma_start3A_185 : memref<100xi32, #tpu.memory_space<vmem>>) semaphore(%run_scoped3A_178 : memref<!tpu.dma_semaphore, #tpu.memory_space<semaphore_mem>>) {add = true}
          %dma_wait3A_189 = arith.constant 0 : i32
          %dma_wait3A_190 = arith.constant 0 : i32
          %dma_wait3A_191 = tpu.memref_slice %arg9[%run_scoped3A_122, %dma_wait3A_189, %dma_wait3A_190] : memref<4x100x64xf32, #tpu.memory_space<vmem>> -> memref<1x100x64xf32, #tpu.memory_space<vmem>>
          %dma_wait3A_192 = tpu.memref_squeeze %dma_wait3A_191 : memref<1x100x64xf32, #tpu.memory_space<vmem>> -> memref<100x64xf32, #tpu.memory_space<vmem>>
          %dma_wait3A_193 = arith.constant 0 : i32
          %dma_wait3A_194 = tpu.memref_slice %arg8[%add3A_110, %dma_wait3A_193] : memref<200x100xi32, #tpu.memory_space<vmem>> -> memref<1x100xi32, #tpu.memory_space<vmem>>
          %dma_wait3A_195 = tpu.memref_squeeze %dma_wait3A_194 : memref<1x100xi32, #tpu.memory_space<vmem>> -> memref<100xi32, #tpu.memory_space<vmem>>
          %dma_wait3A_196 = arith.constant 0 : i32
          %dma_wait3A_197 = arith.constant 0 : i32
          %dma_wait3A_198 = tpu.memref_slice %arg11[%dma_wait3A_196, %dma_wait3A_197] : memref<10000x64xf32, #tpu.memory_space<vmem_shared>> -> memref<10000x64xf32, #tpu.memory_space<vmem_shared>>
          tpu.wait_indirect_dma semaphore(%run_scoped3A_178 : memref<!tpu.dma_semaphore, #tpu.memory_space<semaphore_mem>>) src(%dma_wait3A_192 : memref<100x64xf32, #tpu.memory_space<vmem>>) dst(%dma_wait3A_198 : memref<10000x64xf32, #tpu.memory_space<vmem_shared>>)
          tpu.yield
        }) : () -> ()
        %add3A_123 = arith.constant 1 : i32
        %add3A_124 = arith.addi %add3A_88, %add3A_123 : i32
        %add3A_125 = arith.constant 4 : i32
        %add3A_126 = arith.addi %add3A_124, %add3A_125 : i32
        %lt3A_127 = arith.constant 200 : i32
        %lt3A_128 = arith.cmpi slt, %add3A_126, %lt3A_127 : i32
        %convert_element_type3A_129 = arith.extui %lt3A_128 : i1 to i32
        %cond3A_130 = arith.constant 0 : i32
        %cond3A_131 = arith.cmpi ne, %convert_element_type3A_129, %cond3A_130 : i32
        scf.if %cond3A_131 {
          %add3A_178 = arith.constant 1 : i32
          %add3A_179 = arith.addi %add3A_88, %add3A_178 : i32
          %add3A_180 = arith.constant 4 : i32
          %add3A_181 = arith.addi %add3A_179, %add3A_180 : i32
          %dma_start3A_182 = arith.constant 1 : i32
          %dma_start3A_183 = arith.constant 0 : i32
          %dma_start3A_184 = arith.constant 0 : i32
          %dma_start3A_185 = tpu.memref_slice %arg9[%dma_start3A_182, %dma_start3A_183, %dma_start3A_184] : memref<4x100x64xf32, #tpu.memory_space<vmem>> -> memref<1x100x64xf32, #tpu.memory_space<vmem>>
          %dma_start3A_186 = tpu.memref_squeeze %dma_start3A_185 : memref<1x100x64xf32, #tpu.memory_space<vmem>> -> memref<100x64xf32, #tpu.memory_space<vmem>>
          %dma_start3A_187 = arith.constant 0 : i32
          %dma_start3A_188 = tpu.memref_slice %arg7[%add3A_181, %dma_start3A_187] : memref<200x100xi32, #tpu.memory_space<vmem>> -> memref<1x100xi32, #tpu.memory_space<vmem>>
          %dma_start3A_189 = tpu.memref_squeeze %dma_start3A_188 : memref<1x100xi32, #tpu.memory_space<vmem>> -> memref<100xi32, #tpu.memory_space<vmem>>
          %dma_start3A_190 = arith.constant 0 : i32
          %dma_start3A_191 = arith.constant 0 : i32
          %dma_start3A_192 = tpu.memref_slice %arg3[%dma_start3A_190, %dma_start3A_191] : memref<10000x64xf32, #tpu.memory_space<hbm>> -> memref<10000x64xf32, #tpu.memory_space<hbm>>
          tpu.enqueue_indirect_dma source(%dma_start3A_192 : memref<10000x64xf32, #tpu.memory_space<hbm>>) target(%dma_start3A_186 : memref<100x64xf32, #tpu.memory_space<vmem>>) offsets(%dma_start3A_189 : memref<100xi32, #tpu.memory_space<vmem>>) semaphore(%arg13 : memref<!tpu.dma_semaphore, #tpu.memory_space<semaphore_mem>>)
        } else {
        }
        %add3A_132 = arith.constant 2 : i32
        %add3A_133 = arith.addi %add3A_88, %add3A_132 : i32
        %dma_wait3A_134 = arith.constant 2 : i32
        %dma_wait3A_135 = arith.constant 0 : i32
        %dma_wait3A_136 = arith.constant 0 : i32
        %dma_wait3A_137 = tpu.memref_slice %arg9[%dma_wait3A_134, %dma_wait3A_135, %dma_wait3A_136] : memref<4x100x64xf32, #tpu.memory_space<vmem>> -> memref<1x100x64xf32, #tpu.memory_space<vmem>>
        %dma_wait3A_138 = tpu.memref_squeeze %dma_wait3A_137 : memref<1x100x64xf32, #tpu.memory_space<vmem>> -> memref<100x64xf32, #tpu.memory_space<vmem>>
        %dma_wait3A_139 = arith.constant 0 : i32
        %dma_wait3A_140 = tpu.memref_slice %arg7[%add3A_133, %dma_wait3A_139] : memref<200x100xi32, #tpu.memory_space<vmem>> -> memref<1x100xi32, #tpu.memory_space<vmem>>
        %dma_wait3A_141 = tpu.memref_squeeze %dma_wait3A_140 : memref<1x100xi32, #tpu.memory_space<vmem>> -> memref<100xi32, #tpu.memory_space<vmem>>
        %dma_wait3A_142 = arith.constant 0 : i32
        %dma_wait3A_143 = arith.constant 0 : i32
        %dma_wait3A_144 = tpu.memref_slice %arg3[%dma_wait3A_142, %dma_wait3A_143] : memref<10000x64xf32, #tpu.memory_space<hbm>> -> memref<10000x64xf32, #tpu.memory_space<hbm>>
        tpu.wait_indirect_dma semaphore(%arg14 : memref<!tpu.dma_semaphore, #tpu.memory_space<semaphore_mem>>) src(%dma_wait3A_144 : memref<10000x64xf32, #tpu.memory_space<hbm>>) dst(%dma_wait3A_138 : memref<100x64xf32, #tpu.memory_space<vmem>>)
        %run_scoped3A_145 = arith.constant 2 : i32
        "tpu.region"() ({
          %run_scoped3A_178 = tpu.sem_alloc : memref<!tpu.dma_semaphore, #tpu.memory_space<semaphore_mem>>
          %dma_start3A_179 = arith.constant 0 : i32
          %dma_start3A_180 = arith.constant 0 : i32
          %dma_start3A_181 = tpu.memref_slice %arg9[%run_scoped3A_145, %dma_start3A_179, %dma_start3A_180] : memref<4x100x64xf32, #tpu.memory_space<vmem>> -> memref<1x100x64xf32, #tpu.memory_space<vmem>>
          %dma_start3A_182 = tpu.memref_squeeze %dma_start3A_181 : memref<1x100x64xf32, #tpu.memory_space<vmem>> -> memref<100x64xf32, #tpu.memory_space<vmem>>
          %dma_start3A_183 = arith.constant 0 : i32
          %dma_start3A_184 = tpu.memref_slice %arg8[%add3A_133, %dma_start3A_183] : memref<200x100xi32, #tpu.memory_space<vmem>> -> memref<1x100xi32, #tpu.memory_space<vmem>>
          %dma_start3A_185 = tpu.memref_squeeze %dma_start3A_184 : memref<1x100xi32, #tpu.memory_space<vmem>> -> memref<100xi32, #tpu.memory_space<vmem>>
          %dma_start3A_186 = arith.constant 0 : i32
          %dma_start3A_187 = arith.constant 0 : i32
          %dma_start3A_188 = tpu.memref_slice %arg11[%dma_start3A_186, %dma_start3A_187] : memref<10000x64xf32, #tpu.memory_space<vmem_shared>> -> memref<10000x64xf32, #tpu.memory_space<vmem_shared>>
          tpu.enqueue_indirect_dma source(%dma_start3A_182 : memref<100x64xf32, #tpu.memory_space<vmem>>) target(%dma_start3A_188 : memref<10000x64xf32, #tpu.memory_space<vmem_shared>>) offsets(%dma_start3A_185 : memref<100xi32, #tpu.memory_space<vmem>>) semaphore(%run_scoped3A_178 : memref<!tpu.dma_semaphore, #tpu.memory_space<semaphore_mem>>) {add = true}
          %dma_wait3A_189 = arith.constant 0 : i32
          %dma_wait3A_190 = arith.constant 0 : i32
          %dma_wait3A_191 = tpu.memref_slice %arg9[%run_scoped3A_145, %dma_wait3A_189, %dma_wait3A_190] : memref<4x100x64xf32, #tpu.memory_space<vmem>> -> memref<1x100x64xf32, #tpu.memory_space<vmem>>
          %dma_wait3A_192 = tpu.memref_squeeze %dma_wait3A_191 : memref<1x100x64xf32, #tpu.memory_space<vmem>> -> memref<100x64xf32, #tpu.memory_space<vmem>>
          %dma_wait3A_193 = arith.constant 0 : i32
          %dma_wait3A_194 = tpu.memref_slice %arg8[%add3A_133, %dma_wait3A_193] : memref<200x100xi32, #tpu.memory_space<vmem>> -> memref<1x100xi32, #tpu.memory_space<vmem>>
          %dma_wait3A_195 = tpu.memref_squeeze %dma_wait3A_194 : memref<1x100xi32, #tpu.memory_space<vmem>> -> memref<100xi32, #tpu.memory_space<vmem>>
          %dma_wait3A_196 = arith.constant 0 : i32
          %dma_wait3A_197 = arith.constant 0 : i32
          %dma_wait3A_198 = tpu.memref_slice %arg11[%dma_wait3A_196, %dma_wait3A_197] : memref<10000x64xf32, #tpu.memory_space<vmem_shared>> -> memref<10000x64xf32, #tpu.memory_space<vmem_shared>>
          tpu.wait_indirect_dma semaphore(%run_scoped3A_178 : memref<!tpu.dma_semaphore, #tpu.memory_space<semaphore_mem>>) src(%dma_wait3A_192 : memref<100x64xf32, #tpu.memory_space<vmem>>) dst(%dma_wait3A_198 : memref<10000x64xf32, #tpu.memory_space<vmem_shared>>)
          tpu.yield
        }) : () -> ()
        %add3A_146 = arith.constant 2 : i32
        %add3A_147 = arith.addi %add3A_88, %add3A_146 : i32
        %add3A_148 = arith.constant 4 : i32
        %add3A_149 = arith.addi %add3A_147, %add3A_148 : i32
        %lt3A_150 = arith.constant 200 : i32
        %lt3A_151 = arith.cmpi slt, %add3A_149, %lt3A_150 : i32
        %convert_element_type3A_152 = arith.extui %lt3A_151 : i1 to i32
        %cond3A_153 = arith.constant 0 : i32
        %cond3A_154 = arith.cmpi ne, %convert_element_type3A_152, %cond3A_153 : i32
        scf.if %cond3A_154 {
          %add3A_178 = arith.constant 2 : i32
          %add3A_179 = arith.addi %add3A_88, %add3A_178 : i32
          %add3A_180 = arith.constant 4 : i32
          %add3A_181 = arith.addi %add3A_179, %add3A_180 : i32
          %dma_start3A_182 = arith.constant 2 : i32
          %dma_start3A_183 = arith.constant 0 : i32
          %dma_start3A_184 = arith.constant 0 : i32
          %dma_start3A_185 = tpu.memref_slice %arg9[%dma_start3A_182, %dma_start3A_183, %dma_start3A_184] : memref<4x100x64xf32, #tpu.memory_space<vmem>> -> memref<1x100x64xf32, #tpu.memory_space<vmem>>
          %dma_start3A_186 = tpu.memref_squeeze %dma_start3A_185 : memref<1x100x64xf32, #tpu.memory_space<vmem>> -> memref<100x64xf32, #tpu.memory_space<vmem>>
          %dma_start3A_187 = arith.constant 0 : i32
          %dma_start3A_188 = tpu.memref_slice %arg7[%add3A_181, %dma_start3A_187] : memref<200x100xi32, #tpu.memory_space<vmem>> -> memref<1x100xi32, #tpu.memory_space<vmem>>
          %dma_start3A_189 = tpu.memref_squeeze %dma_start3A_188 : memref<1x100xi32, #tpu.memory_space<vmem>> -> memref<100xi32, #tpu.memory_space<vmem>>
          %dma_start3A_190 = arith.constant 0 : i32
          %dma_start3A_191 = arith.constant 0 : i32
          %dma_start3A_192 = tpu.memref_slice %arg3[%dma_start3A_190, %dma_start3A_191] : memref<10000x64xf32, #tpu.memory_space<hbm>> -> memref<10000x64xf32, #tpu.memory_space<hbm>>
          tpu.enqueue_indirect_dma source(%dma_start3A_192 : memref<10000x64xf32, #tpu.memory_space<hbm>>) target(%dma_start3A_186 : memref<100x64xf32, #tpu.memory_space<vmem>>) offsets(%dma_start3A_189 : memref<100xi32, #tpu.memory_space<vmem>>) semaphore(%arg14 : memref<!tpu.dma_semaphore, #tpu.memory_space<semaphore_mem>>)
        } else {
        }
        %add3A_155 = arith.constant 3 : i32
        %add3A_156 = arith.addi %add3A_88, %add3A_155 : i32
        %dma_wait3A_157 = arith.constant 3 : i32
        %dma_wait3A_158 = arith.constant 0 : i32
        %dma_wait3A_159 = arith.constant 0 : i32
        %dma_wait3A_160 = tpu.memref_slice %arg9[%dma_wait3A_157, %dma_wait3A_158, %dma_wait3A_159] : memref<4x100x64xf32, #tpu.memory_space<vmem>> -> memref<1x100x64xf32, #tpu.memory_space<vmem>>
        %dma_wait3A_161 = tpu.memref_squeeze %dma_wait3A_160 : memref<1x100x64xf32, #tpu.memory_space<vmem>> -> memref<100x64xf32, #tpu.memory_space<vmem>>
        %dma_wait3A_162 = arith.constant 0 : i32
        %dma_wait3A_163 = tpu.memref_slice %arg7[%add3A_156, %dma_wait3A_162] : memref<200x100xi32, #tpu.memory_space<vmem>> -> memref<1x100xi32, #tpu.memory_space<vmem>>
        %dma_wait3A_164 = tpu.memref_squeeze %dma_wait3A_163 : memref<1x100xi32, #tpu.memory_space<vmem>> -> memref<100xi32, #tpu.memory_space<vmem>>
        %dma_wait3A_165 = arith.constant 0 : i32
        %dma_wait3A_166 = arith.constant 0 : i32
        %dma_wait3A_167 = tpu.memref_slice %arg3[%dma_wait3A_165, %dma_wait3A_166] : memref<10000x64xf32, #tpu.memory_space<hbm>> -> memref<10000x64xf32, #tpu.memory_space<hbm>>
        tpu.wait_indirect_dma semaphore(%arg15 : memref<!tpu.dma_semaphore, #tpu.memory_space<semaphore_mem>>) src(%dma_wait3A_167 : memref<10000x64xf32, #tpu.memory_space<hbm>>) dst(%dma_wait3A_161 : memref<100x64xf32, #tpu.memory_space<vmem>>)
        %run_scoped3A_168 = arith.constant 3 : i32
        "tpu.region"() ({
          %run_scoped3A_178 = tpu.sem_alloc : memref<!tpu.dma_semaphore, #tpu.memory_space<semaphore_mem>>
          %dma_start3A_179 = arith.constant 0 : i32
          %dma_start3A_180 = arith.constant 0 : i32
          %dma_start3A_181 = tpu.memref_slice %arg9[%run_scoped3A_168, %dma_start3A_179, %dma_start3A_180] : memref<4x100x64xf32, #tpu.memory_space<vmem>> -> memref<1x100x64xf32, #tpu.memory_space<vmem>>
          %dma_start3A_182 = tpu.memref_squeeze %dma_start3A_181 : memref<1x100x64xf32, #tpu.memory_space<vmem>> -> memref<100x64xf32, #tpu.memory_space<vmem>>
          %dma_start3A_183 = arith.constant 0 : i32
          %dma_start3A_184 = tpu.memref_slice %arg8[%add3A_156, %dma_start3A_183] : memref<200x100xi32, #tpu.memory_space<vmem>> -> memref<1x100xi32, #tpu.memory_space<vmem>>
          %dma_start3A_185 = tpu.memref_squeeze %dma_start3A_184 : memref<1x100xi32, #tpu.memory_space<vmem>> -> memref<100xi32, #tpu.memory_space<vmem>>
          %dma_start3A_186 = arith.constant 0 : i32
          %dma_start3A_187 = arith.constant 0 : i32
          %dma_start3A_188 = tpu.memref_slice %arg11[%dma_start3A_186, %dma_start3A_187] : memref<10000x64xf32, #tpu.memory_space<vmem_shared>> -> memref<10000x64xf32, #tpu.memory_space<vmem_shared>>
          tpu.enqueue_indirect_dma source(%dma_start3A_182 : memref<100x64xf32, #tpu.memory_space<vmem>>) target(%dma_start3A_188 : memref<10000x64xf32, #tpu.memory_space<vmem_shared>>) offsets(%dma_start3A_185 : memref<100xi32, #tpu.memory_space<vmem>>) semaphore(%run_scoped3A_178 : memref<!tpu.dma_semaphore, #tpu.memory_space<semaphore_mem>>) {add = true}
          %dma_wait3A_189 = arith.constant 0 : i32
          %dma_wait3A_190 = arith.constant 0 : i32
          %dma_wait3A_191 = tpu.memref_slice %arg9[%run_scoped3A_168, %dma_wait3A_189, %dma_wait3A_190] : memref<4x100x64xf32, #tpu.memory_space<vmem>> -> memref<1x100x64xf32, #tpu.memory_space<vmem>>
          %dma_wait3A_192 = tpu.memref_squeeze %dma_wait3A_191 : memref<1x100x64xf32, #tpu.memory_space<vmem>> -> memref<100x64xf32, #tpu.memory_space<vmem>>
          %dma_wait3A_193 = arith.constant 0 : i32
          %dma_wait3A_194 = tpu.memref_slice %arg8[%add3A_156, %dma_wait3A_193] : memref<200x100xi32, #tpu.memory_space<vmem>> -> memref<1x100xi32, #tpu.memory_space<vmem>>
          %dma_wait3A_195 = tpu.memref_squeeze %dma_wait3A_194 : memref<1x100xi32, #tpu.memory_space<vmem>> -> memref<100xi32, #tpu.memory_space<vmem>>
          %dma_wait3A_196 = arith.constant 0 : i32
          %dma_wait3A_197 = arith.constant 0 : i32
          %dma_wait3A_198 = tpu.memref_slice %arg11[%dma_wait3A_196, %dma_wait3A_197] : memref<10000x64xf32, #tpu.memory_space<vmem_shared>> -> memref<10000x64xf32, #tpu.memory_space<vmem_shared>>
          tpu.wait_indirect_dma semaphore(%run_scoped3A_178 : memref<!tpu.dma_semaphore, #tpu.memory_space<semaphore_mem>>) src(%dma_wait3A_192 : memref<100x64xf32, #tpu.memory_space<vmem>>) dst(%dma_wait3A_198 : memref<10000x64xf32, #tpu.memory_space<vmem_shared>>)
          tpu.yield
        }) : () -> ()
        %add3A_169 = arith.constant 3 : i32
        %add3A_170 = arith.addi %add3A_88, %add3A_169 : i32
        %add3A_171 = arith.constant 4 : i32
        %add3A_172 = arith.addi %add3A_170, %add3A_171 : i32
        %lt3A_173 = arith.constant 200 : i32
        %lt3A_174 = arith.cmpi slt, %add3A_172, %lt3A_173 : i32
        %convert_element_type3A_175 = arith.extui %lt3A_174 : i1 to i32
        %cond3A_176 = arith.constant 0 : i32
        %cond3A_177 = arith.cmpi ne, %convert_element_type3A_175, %cond3A_176 : i32
        scf.if %cond3A_177 {
          %add3A_178 = arith.constant 3 : i32
          %add3A_179 = arith.addi %add3A_88, %add3A_178 : i32
          %add3A_180 = arith.constant 4 : i32
          %add3A_181 = arith.addi %add3A_179, %add3A_180 : i32
          %dma_start3A_182 = arith.constant 3 : i32
          %dma_start3A_183 = arith.constant 0 : i32
          %dma_start3A_184 = arith.constant 0 : i32
          %dma_start3A_185 = tpu.memref_slice %arg9[%dma_start3A_182, %dma_start3A_183, %dma_start3A_184] : memref<4x100x64xf32, #tpu.memory_space<vmem>> -> memref<1x100x64xf32, #tpu.memory_space<vmem>>
          %dma_start3A_186 = tpu.memref_squeeze %dma_start3A_185 : memref<1x100x64xf32, #tpu.memory_space<vmem>> -> memref<100x64xf32, #tpu.memory_space<vmem>>
          %dma_start3A_187 = arith.constant 0 : i32
          %dma_start3A_188 = tpu.memref_slice %arg7[%add3A_181, %dma_start3A_187] : memref<200x100xi32, #tpu.memory_space<vmem>> -> memref<1x100xi32, #tpu.memory_space<vmem>>
          %dma_start3A_189 = tpu.memref_squeeze %dma_start3A_188 : memref<1x100xi32, #tpu.memory_space<vmem>> -> memref<100xi32, #tpu.memory_space<vmem>>
          %dma_start3A_190 = arith.constant 0 : i32
          %dma_start3A_191 = arith.constant 0 : i32
          %dma_start3A_192 = tpu.memref_slice %arg3[%dma_start3A_190, %dma_start3A_191] : memref<10000x64xf32, #tpu.memory_space<hbm>> -> memref<10000x64xf32, #tpu.memory_space<hbm>>
          tpu.enqueue_indirect_dma source(%dma_start3A_192 : memref<10000x64xf32, #tpu.memory_space<hbm>>) target(%dma_start3A_186 : memref<100x64xf32, #tpu.memory_space<vmem>>) offsets(%dma_start3A_189 : memref<100xi32, #tpu.memory_space<vmem>>) semaphore(%arg15 : memref<!tpu.dma_semaphore, #tpu.memory_space<semaphore_mem>>)
        } else {
        }
      }
      %scan3A_84 = arith.constant 50 : i32
    } else {
    }
    %barrier3A_22 = arith.constant 0 : index
    tpu.barrier barrier_id(%barrier3A_22)
    %scan3A_23 = arith.constant 0 : i32
    %scan3A_24 = arith.constant 13 : i32
    %scan3A_25 = arith.addi %scan3A_23, %scan3A_24 : i32
    %scan3A_26 = arith.constant 1 : i32
    scf.for %scan3A_33 = %scan3A_23 to %scan3A_25 step %scan3A_26  : i32 {
      %mul3A_34 = arith.constant 1 : i32
      %mul3A_35 = arith.muli %scan3A_33, %mul3A_34 : i32
      %add3A = arith.constant 0 : i32
      %add3A_36 = arith.addi %add3A, %mul3A_35 : i32
      %mul3A_37 = arith.constant 48 : i32
      %mul3A_38 = arith.muli %add3A_36, %mul3A_37 : i32
      %add3A_39 = arith.addi %mul3A_0, %mul3A_38 : i32
      "tpu.region"() ({
        %run_scoped3A = tpu.sem_alloc : memref<!tpu.dma_semaphore, #tpu.memory_space<semaphore_mem>>
        %dma_start3A = arith.constant 0 : i32
        %dma_start3A_40 = tpu.memref_slice %arg6[%arg0, %add3A_39, %dma_start3A] : memref<2x10000x64xf32, #tpu.memory_space<hbm>> -> memref<1x48x64xf32, #tpu.memory_space<hbm>>
        %dma_start3A_41 = tpu.memref_squeeze %dma_start3A_40 : memref<1x48x64xf32, #tpu.memory_space<hbm>> -> memref<48x64xf32, #tpu.memory_space<hbm>>
        %dma_start3A_42 = arith.constant 0 : i32
        %dma_start3A_43 = tpu.memref_slice %arg11[%add3A_39, %dma_start3A_42] : memref<10000x64xf32, #tpu.memory_space<vmem_shared>> -> memref<48x64xf32, #tpu.memory_space<vmem_shared>>
        tpu.enqueue_dma source(%dma_start3A_43 : memref<48x64xf32, #tpu.memory_space<vmem_shared>>) target(%dma_start3A_41 : memref<48x64xf32, #tpu.memory_space<hbm>>) target_semaphore(%run_scoped3A : memref<!tpu.dma_semaphore, #tpu.memory_space<semaphore_mem>>)
        %dma_wait3A = arith.constant 0 : i32
        %dma_wait3A_44 = tpu.memref_slice %arg6[%arg0, %add3A_39, %dma_wait3A] : memref<2x10000x64xf32, #tpu.memory_space<hbm>> -> memref<1x48x64xf32, #tpu.memory_space<hbm>>
        %dma_wait3A_45 = tpu.memref_squeeze %dma_wait3A_44 : memref<1x48x64xf32, #tpu.memory_space<hbm>> -> memref<48x64xf32, #tpu.memory_space<hbm>>
        %dma_wait3A_46 = arith.constant 0 : i32
        %dma_wait3A_47 = tpu.memref_slice %arg11[%add3A_39, %dma_wait3A_46] : memref<10000x64xf32, #tpu.memory_space<vmem_shared>> -> memref<48x64xf32, #tpu.memory_space<vmem_shared>>
        tpu.wait_dma2 semaphore(%run_scoped3A : memref<!tpu.dma_semaphore, #tpu.memory_space<semaphore_mem>>) src(%dma_wait3A_47 : memref<48x64xf32, #tpu.memory_space<vmem_shared>>) dst(%dma_wait3A_45 : memref<48x64xf32, #tpu.memory_space<hbm>>)
        tpu.yield
      }) : () -> ()
    }
    %scan3A_27 = arith.constant 13 : i32
    %eq3A_28 = arith.constant 15 : i32
    %eq3A_29 = arith.cmpi eq, %arg1, %eq3A_28 : i32
    %convert_element_type3A_30 = arith.extui %eq3A_29 : i1 to i32
    %cond3A_31 = arith.constant 0 : i32
    %cond3A_32 = arith.cmpi ne, %convert_element_type3A_30, %cond3A_31 : i32
    scf.if %cond3A_32 {
      "tpu.region"() ({
        %run_scoped3A = tpu.sem_alloc : memref<!tpu.dma_semaphore, #tpu.memory_space<semaphore_mem>>
        %dma_start3A = arith.constant 9984 : i32
        %dma_start3A_33 = arith.constant 0 : i32
        %dma_start3A_34 = tpu.memref_slice %arg6[%arg0, %dma_start3A, %dma_start3A_33] : memref<2x10000x64xf32, #tpu.memory_space<hbm>> -> memref<1x16x64xf32, #tpu.memory_space<hbm>>
        %dma_start3A_35 = tpu.memref_squeeze %dma_start3A_34 : memref<1x16x64xf32, #tpu.memory_space<hbm>> -> memref<16x64xf32, #tpu.memory_space<hbm>>
        %dma_start3A_36 = arith.constant 9984 : i32
        %dma_start3A_37 = arith.constant 0 : i32
        %dma_start3A_38 = tpu.memref_slice %arg11[%dma_start3A_36, %dma_start3A_37] : memref<10000x64xf32, #tpu.memory_space<vmem_shared>> -> memref<16x64xf32, #tpu.memory_space<vmem_shared>>
        tpu.enqueue_dma source(%dma_start3A_38 : memref<16x64xf32, #tpu.memory_space<vmem_shared>>) target(%dma_start3A_35 : memref<16x64xf32, #tpu.memory_space<hbm>>) target_semaphore(%run_scoped3A : memref<!tpu.dma_semaphore, #tpu.memory_space<semaphore_mem>>)
        %dma_wait3A = arith.constant 9984 : i32
        %dma_wait3A_39 = arith.constant 0 : i32
        %dma_wait3A_40 = tpu.memref_slice %arg6[%arg0, %dma_wait3A, %dma_wait3A_39] : memref<2x10000x64xf32, #tpu.memory_space<hbm>> -> memref<1x16x64xf32, #tpu.memory_space<hbm>>
        %dma_wait3A_41 = tpu.memref_squeeze %dma_wait3A_40 : memref<1x16x64xf32, #tpu.memory_space<hbm>> -> memref<16x64xf32, #tpu.memory_space<hbm>>
        %dma_wait3A_42 = arith.constant 9984 : i32
        %dma_wait3A_43 = arith.constant 0 : i32
        %dma_wait3A_44 = tpu.memref_slice %arg11[%dma_wait3A_42, %dma_wait3A_43] : memref<10000x64xf32, #tpu.memory_space<vmem_shared>> -> memref<16x64xf32, #tpu.memory_space<vmem_shared>>
        tpu.wait_dma2 semaphore(%run_scoped3A : memref<!tpu.dma_semaphore, #tpu.memory_space<semaphore_mem>>) src(%dma_wait3A_44 : memref<16x64xf32, #tpu.memory_space<vmem_shared>>) dst(%dma_wait3A_41 : memref<16x64xf32, #tpu.memory_space<hbm>>)
        tpu.yield
      }) : () -> ()
    } else {
    }
    return
  }
}

module attributes {stable_mosaic.version = 14 : i64} {
  func.func @body(%arg0: i32, %arg1: memref<1000x128xf32, #tpu.memory_space<vmem>>, %arg2: memref<1x128xf32, #tpu.memory_space<vmem>>, %arg3: memref<1x128xf32, #tpu.memory_space<vmem>>, %arg4: memref<128x128xf32, #tpu.memory_space<vmem>>, %arg5: memref<1x128xf32, #tpu.memory_space<vmem>>, %arg6: memref<1000x64xf32, #tpu.memory_space<vmem>>, %arg7: memref<1000x64xf32, #tpu.memory_space<vmem>>, %arg8: memref<1000x128xf32, #tpu.memory_space<vmem>>) attributes {dimension_semantics = [#tpu.dimension_semantics<arbitrary>], iteration_bounds = array<i64: 10>, scalar_prefetch = 0 : i64, scratch_operands = 0 : i64, tpu.core_type = #tpu.core_type<tc>, window_params = [{transform_indices = @transform_0, window_bounds = array<i64: 1000, 128>}, {pipeline_mode = #tpu.pipeline_mode<synchronous>, transform_indices = @transform_1, window_bounds = array<i64: 1, 128>}, {pipeline_mode = #tpu.pipeline_mode<synchronous>, transform_indices = @transform_2, window_bounds = array<i64: 1, 128>}, {pipeline_mode = #tpu.pipeline_mode<synchronous>, transform_indices = @transform_3, window_bounds = array<i64: 128, 128>}, {pipeline_mode = #tpu.pipeline_mode<synchronous>, transform_indices = @transform_4, window_bounds = array<i64: 1, 128>}, {transform_indices = @transform_5, window_bounds = array<i64: 1000, 64>}, {transform_indices = @transform_6, window_bounds = array<i64: 1000, 64>}, {transform_indices = @transform_7, window_bounds = array<i64: 1000, 128>}]} {
    %get3A = arith.constant 0 : index
    %get3A_0 = arith.constant 0 : index
    %get3A_1 = vector.load %arg1[%get3A, %get3A_0] : memref<1000x128xf32, #tpu.memory_space<vmem>>, vector<1000x128xf32>
    %reduce_sum3A = arith.constant dense<0.000000e+00> : vector<1000xf32>
    %reduce_sum3A_2 = vector.multi_reduction <add>, %get3A_1, %reduce_sum3A [1] : vector<1000x128xf32> to vector<1000xf32>
    %broadcast_in_dim3A = vector.shape_cast %reduce_sum3A_2 : vector<1000xf32> to vector<1000x1xf32>
    %div3A = arith.constant 1.280000e+02 : f32
    %div3A_3 = vector.broadcast %div3A : f32 to vector<1000x1xf32>
    %div3A_4 = arith.divf %broadcast_in_dim3A, %div3A_3 : vector<1000x1xf32>
    %sub3A = vector.broadcast %div3A_4 : vector<1000x1xf32> to vector<1000x128xf32>
    %sub3A_5 = arith.subf %get3A_1, %sub3A : vector<1000x128xf32>
    %integer_pow3A = arith.mulf %sub3A_5, %sub3A_5 : vector<1000x128xf32>
    %reduce_sum3A_6 = arith.constant dense<0.000000e+00> : vector<1000xf32>
    %reduce_sum3A_7 = vector.multi_reduction <add>, %integer_pow3A, %reduce_sum3A_6 [1] : vector<1000x128xf32> to vector<1000xf32>
    %broadcast_in_dim3A_8 = vector.shape_cast %reduce_sum3A_7 : vector<1000xf32> to vector<1000x1xf32>
    %div3A_9 = arith.constant 1.280000e+02 : f32
    %div3A_10 = vector.broadcast %div3A_9 : f32 to vector<1000x1xf32>
    %div3A_11 = arith.divf %broadcast_in_dim3A_8, %div3A_10 : vector<1000x1xf32>
    %sub3A_12 = vector.broadcast %div3A_4 : vector<1000x1xf32> to vector<1000x128xf32>
    %sub3A_13 = arith.subf %get3A_1, %sub3A_12 : vector<1000x128xf32>
    %add3A = arith.constant 9.99999974E-6 : f32
    %add3A_14 = vector.broadcast %add3A : f32 to vector<1000x1xf32>
    %add3A_15 = arith.addf %div3A_11, %add3A_14 : vector<1000x1xf32>
    %sqrt3A = math.sqrt %add3A_15 : vector<1000x1xf32>
    %div3A_16 = vector.broadcast %sqrt3A : vector<1000x1xf32> to vector<1000x128xf32>
    %div3A_17 = arith.divf %sub3A_13, %div3A_16 : vector<1000x128xf32>
    %get3A_18 = arith.constant 0 : index
    %get3A_19 = arith.constant 0 : index
    %get3A_20 = vector.load %arg2[%get3A_18, %get3A_19] : memref<1x128xf32, #tpu.memory_space<vmem>>, vector<1x128xf32>
    %mul3A = vector.broadcast %get3A_20 : vector<1x128xf32> to vector<1000x128xf32>
    %mul3A_21 = arith.mulf %div3A_17, %mul3A : vector<1000x128xf32>
    %get3A_22 = arith.constant 0 : index
    %get3A_23 = arith.constant 0 : index
    %get3A_24 = vector.load %arg3[%get3A_22, %get3A_23] : memref<1x128xf32, #tpu.memory_space<vmem>>, vector<1x128xf32>
    %add3A_25 = vector.broadcast %get3A_24 : vector<1x128xf32> to vector<1000x128xf32>
    %add3A_26 = arith.addf %mul3A_21, %add3A_25 : vector<1000x128xf32>
    %slice3A = vector.extract_strided_slice %add3A_26 {offsets = [0, 0], sizes = [1000, 64], strides = [1, 1]} : vector<1000x128xf32> to vector<1000x64xf32>
    %swap3A = arith.constant 0 : index
    %swap3A_27 = arith.constant 0 : index
    %swap3A_28 = vector.load %arg6[%swap3A, %swap3A_27] : memref<1000x64xf32, #tpu.memory_space<vmem>>, vector<1000x64xf32>
    tpu.vector_store %arg6[%swap3A, %swap3A_27], %slice3A {strides = array<i32>} : memref<1000x64xf32, #tpu.memory_space<vmem>>, vector<1000x64xf32>,
    %slice3A_29 = vector.extract_strided_slice %add3A_26 {offsets = [0, 64], sizes = [1000, 64], strides = [1, 1]} : vector<1000x128xf32> to vector<1000x64xf32>
    %swap3A_30 = arith.constant 0 : index
    %swap3A_31 = arith.constant 0 : index
    %swap3A_32 = vector.load %arg7[%swap3A_30, %swap3A_31] : memref<1000x64xf32, #tpu.memory_space<vmem>>, vector<1000x64xf32>
    tpu.vector_store %arg7[%swap3A_30, %swap3A_31], %slice3A_29 {strides = array<i32>} : memref<1000x64xf32, #tpu.memory_space<vmem>>, vector<1000x64xf32>,
    %get3A_33 = arith.constant 0 : index
    %get3A_34 = arith.constant 0 : index
    %get3A_35 = vector.load %arg4[%get3A_33, %get3A_34] : memref<128x128xf32, #tpu.memory_space<vmem>>, vector<128x128xf32>
    %dot_general3A = arith.constant dense<0.000000e+00> : vector<1000x128xf32>
    %dot_general3A_36 = tpu.matmul %add3A_26, %get3A_35, %dot_general3A {dimension_numbers = #tpu.dot_dimension_numbers<[1], [1], [0], [0], [0, 0, 1, 0], [], []>, transpose_lhs_hint = false} : vector<1000x128xf32>, vector<128x128xf32>, vector<1000x128xf32> -> vector<1000x128xf32>
    %get3A_37 = arith.constant 0 : index
    %get3A_38 = arith.constant 0 : index
    %get3A_39 = vector.load %arg5[%get3A_37, %get3A_38] : memref<1x128xf32, #tpu.memory_space<vmem>>, vector<1x128xf32>
    %add3A_40 = vector.broadcast %get3A_39 : vector<1x128xf32> to vector<1000x128xf32>
    %add3A_41 = arith.addf %dot_general3A_36, %add3A_40 : vector<1000x128xf32>
    %swap3A_42 = arith.constant 0 : index
    %swap3A_43 = arith.constant 0 : index
    %swap3A_44 = vector.load %arg8[%swap3A_42, %swap3A_43] : memref<1000x128xf32, #tpu.memory_space<vmem>>, vector<1000x128xf32>
    tpu.vector_store %arg8[%swap3A_42, %swap3A_43], %add3A_41 {strides = array<i32>} : memref<1000x128xf32, #tpu.memory_space<vmem>>, vector<1000x128xf32>,
    return
  }
  func.func @transform_0(%arg0: i32) -> (i32, i32) {
    %c0_i32 = arith.constant 0 : i32
    %c0_i32_0 = arith.constant 0 : i32
    return %arg0, %c0_i32 : i32, i32
  }
  func.func @transform_1(%arg0: i32) -> (i32, i32) {
    %c0_i32 = arith.constant 0 : i32
    %c0_i32_0 = arith.constant 0 : i32
    %c0_i32_1 = arith.constant 0 : i32
    return %c0_i32, %c0_i32_0 : i32, i32
  }
  func.func @transform_2(%arg0: i32) -> (i32, i32) {
    %c0_i32 = arith.constant 0 : i32
    %c0_i32_0 = arith.constant 0 : i32
    %c0_i32_1 = arith.constant 0 : i32
    return %c0_i32, %c0_i32_0 : i32, i32
  }
  func.func @transform_3(%arg0: i32) -> (i32, i32) {
    %c0_i32 = arith.constant 0 : i32
    %c0_i32_0 = arith.constant 0 : i32
    %c0_i32_1 = arith.constant 0 : i32
    return %c0_i32, %c0_i32_0 : i32, i32
  }
  func.func @transform_4(%arg0: i32) -> (i32, i32) {
    %c0_i32 = arith.constant 0 : i32
    %c0_i32_0 = arith.constant 0 : i32
    %c0_i32_1 = arith.constant 0 : i32
    return %c0_i32, %c0_i32_0 : i32, i32
  }
  func.func @transform_5(%arg0: i32) -> (i32, i32) {
    %c0_i32 = arith.constant 0 : i32
    %c0_i32_0 = arith.constant 0 : i32
    return %arg0, %c0_i32 : i32, i32
  }
  func.func @transform_6(%arg0: i32) -> (i32, i32) {
    %c0_i32 = arith.constant 0 : i32
    %c0_i32_0 = arith.constant 0 : i32
    return %arg0, %c0_i32 : i32, i32
  }
  func.func @transform_7(%arg0: i32) -> (i32, i32) {
    %c0_i32 = arith.constant 0 : i32
    %c0_i32_0 = arith.constant 0 : i32
    return %arg0, %c0_i32 : i32, i32
  }
}

module attributes {stable_mosaic.version = 14 : i64} {
  func.func @body(%arg0: i32, %arg1: memref<1000x128xf32, #tpu.memory_space<vmem>>, %arg2: memref<1000x64xf32, #tpu.memory_space<vmem>>, %arg3: memref<1000x64xf32, #tpu.memory_space<vmem>>, %arg4: memref<1000x16xf32, #tpu.memory_space<vmem>>, %arg5: memref<1000x16xf32, #tpu.memory_space<vmem>>, %arg6: memref<128x64xf32, #tpu.memory_space<vmem>>, %arg7: memref<128x64xf32, #tpu.memory_space<vmem>>, %arg8: memref<128x128xf32, #tpu.memory_space<vmem>>, %arg9: memref<1x128xf32, #tpu.memory_space<vmem>>, %arg10: memref<1000x64xf32, #tpu.memory_space<vmem>>, %arg11: memref<1000x64xf32, #tpu.memory_space<vmem>>, %arg12: memref<1000x128xf32, #tpu.memory_space<vmem>>) attributes {dimension_semantics = [#tpu.dimension_semantics<arbitrary>], iteration_bounds = array<i64: 10>, scalar_prefetch = 0 : i64, scratch_operands = 0 : i64, tpu.core_type = #tpu.core_type<tc>, window_params = [{transform_indices = @transform_0, window_bounds = array<i64: 1000, 128>}, {transform_indices = @transform_1, window_bounds = array<i64: 1000, 64>}, {transform_indices = @transform_2, window_bounds = array<i64: 1000, 64>}, {transform_indices = @transform_3, window_bounds = array<i64: 1000, 16>}, {transform_indices = @transform_4, window_bounds = array<i64: 1000, 16>}, {pipeline_mode = #tpu.pipeline_mode<synchronous>, transform_indices = @transform_5, window_bounds = array<i64: 128, 64>}, {pipeline_mode = #tpu.pipeline_mode<synchronous>, transform_indices = @transform_6, window_bounds = array<i64: 128, 64>}, {pipeline_mode = #tpu.pipeline_mode<synchronous>, transform_indices = @transform_7, window_bounds = array<i64: 128, 128>}, {pipeline_mode = #tpu.pipeline_mode<synchronous>, transform_indices = @transform_8, window_bounds = array<i64: 1, 128>}, {transform_indices = @transform_9, window_bounds = array<i64: 1000, 64>}, {transform_indices = @transform_10, window_bounds = array<i64: 1000, 64>}, {transform_indices = @transform_11, window_bounds = array<i64: 1000, 128>}]} {
    %get3A = arith.constant 0 : index
    %get3A_0 = arith.constant 0 : index
    %get3A_1 = vector.load %arg4[%get3A, %get3A_0] : memref<1000x16xf32, #tpu.memory_space<vmem>>, vector<1000x16xf32>
    %slice3A = vector.extract_strided_slice %get3A_1 {offsets = [0, 0], sizes = [1000, 1], strides = [1, 1]} : vector<1000x16xf32> to vector<1000x1xf32>
    %get3A_2 = arith.constant 0 : index
    %get3A_3 = arith.constant 0 : index
    %get3A_4 = vector.load %arg5[%get3A_2, %get3A_3] : memref<1000x16xf32, #tpu.memory_space<vmem>>, vector<1000x16xf32>
    %slice3A_5 = vector.extract_strided_slice %get3A_4 {offsets = [0, 0], sizes = [1000, 1], strides = [1, 1]} : vector<1000x16xf32> to vector<1000x1xf32>
    %add3A = arith.addf %slice3A, %slice3A_5 : vector<1000x1xf32>
    %max3A = arith.constant 1.000000e+00 : f32
    %max3A_6 = vector.broadcast %max3A : f32 to vector<1000x1xf32>
    %max3A_7 = arith.maximumf %add3A, %max3A_6 : vector<1000x1xf32>
    %div3A = arith.constant 1.000000e+00 : f32
    %div3A_8 = vector.broadcast %div3A : f32 to vector<1000x1xf32>
    %div3A_9 = arith.divf %div3A_8, %max3A_7 : vector<1000x1xf32>
    %get3A_10 = arith.constant 0 : index
    %get3A_11 = arith.constant 0 : index
    %get3A_12 = vector.load %arg1[%get3A_10, %get3A_11] : memref<1000x128xf32, #tpu.memory_space<vmem>>, vector<1000x128xf32>
    %get3A_13 = arith.constant 0 : index
    %get3A_14 = arith.constant 0 : index
    %get3A_15 = vector.load %arg2[%get3A_13, %get3A_14] : memref<1000x64xf32, #tpu.memory_space<vmem>>, vector<1000x64xf32>
    %mul3A = vector.broadcast %div3A_9 : vector<1000x1xf32> to vector<1000x64xf32>
    %mul3A_16 = arith.mulf %get3A_15, %mul3A : vector<1000x64xf32>
    %get3A_17 = arith.constant 0 : index
    %get3A_18 = arith.constant 0 : index
    %get3A_19 = vector.load %arg6[%get3A_17, %get3A_18] : memref<128x64xf32, #tpu.memory_space<vmem>>, vector<128x64xf32>
    %dot_general3A = arith.constant dense<0.000000e+00> : vector<1000x128xf32>
    %dot_general3A_20 = tpu.matmul %mul3A_16, %get3A_19, %dot_general3A {dimension_numbers = #tpu.dot_dimension_numbers<[1], [1], [0], [0], [0, 0, 1, 0], [], []>, transpose_lhs_hint = false} : vector<1000x64xf32>, vector<128x64xf32>, vector<1000x128xf32> -> vector<1000x128xf32>
    %add3A_21 = arith.addf %get3A_12, %dot_general3A_20 : vector<1000x128xf32>
    %get3A_22 = arith.constant 0 : index
    %get3A_23 = arith.constant 0 : index
    %get3A_24 = vector.load %arg3[%get3A_22, %get3A_23] : memref<1000x64xf32, #tpu.memory_space<vmem>>, vector<1000x64xf32>
    %mul3A_25 = vector.broadcast %div3A_9 : vector<1000x1xf32> to vector<1000x64xf32>
    %mul3A_26 = arith.mulf %get3A_24, %mul3A_25 : vector<1000x64xf32>
    %get3A_27 = arith.constant 0 : index
    %get3A_28 = arith.constant 0 : index
    %get3A_29 = vector.load %arg7[%get3A_27, %get3A_28] : memref<128x64xf32, #tpu.memory_space<vmem>>, vector<128x64xf32>
    %dot_general3A_30 = arith.constant dense<0.000000e+00> : vector<1000x128xf32>
    %dot_general3A_31 = tpu.matmul %mul3A_26, %get3A_29, %dot_general3A_30 {dimension_numbers = #tpu.dot_dimension_numbers<[1], [1], [0], [0], [0, 0, 1, 0], [], []>, transpose_lhs_hint = false} : vector<1000x64xf32>, vector<128x64xf32>, vector<1000x128xf32> -> vector<1000x128xf32>
    %add3A_32 = arith.addf %add3A_21, %dot_general3A_31 : vector<1000x128xf32>
    %max3A_33 = arith.constant 0.000000e+00 : f32
    %max3A_34 = vector.broadcast %max3A_33 : f32 to vector<1000x128xf32>
    %max3A_35 = arith.maximumf %add3A_32, %max3A_34 : vector<1000x128xf32>
    %slice3A_36 = vector.extract_strided_slice %max3A_35 {offsets = [0, 0], sizes = [1000, 64], strides = [1, 1]} : vector<1000x128xf32> to vector<1000x64xf32>
    %swap3A = arith.constant 0 : index
    %swap3A_37 = arith.constant 0 : index
    %swap3A_38 = vector.load %arg10[%swap3A, %swap3A_37] : memref<1000x64xf32, #tpu.memory_space<vmem>>, vector<1000x64xf32>
    tpu.vector_store %arg10[%swap3A, %swap3A_37], %slice3A_36 {strides = array<i32>} : memref<1000x64xf32, #tpu.memory_space<vmem>>, vector<1000x64xf32>,
    %slice3A_39 = vector.extract_strided_slice %max3A_35 {offsets = [0, 64], sizes = [1000, 64], strides = [1, 1]} : vector<1000x128xf32> to vector<1000x64xf32>
    %swap3A_40 = arith.constant 0 : index
    %swap3A_41 = arith.constant 0 : index
    %swap3A_42 = vector.load %arg11[%swap3A_40, %swap3A_41] : memref<1000x64xf32, #tpu.memory_space<vmem>>, vector<1000x64xf32>
    tpu.vector_store %arg11[%swap3A_40, %swap3A_41], %slice3A_39 {strides = array<i32>} : memref<1000x64xf32, #tpu.memory_space<vmem>>, vector<1000x64xf32>,
    %get3A_43 = arith.constant 0 : index
    %get3A_44 = arith.constant 0 : index
    %get3A_45 = vector.load %arg8[%get3A_43, %get3A_44] : memref<128x128xf32, #tpu.memory_space<vmem>>, vector<128x128xf32>
    %dot_general3A_46 = arith.constant dense<0.000000e+00> : vector<1000x128xf32>
    %dot_general3A_47 = tpu.matmul %max3A_35, %get3A_45, %dot_general3A_46 {dimension_numbers = #tpu.dot_dimension_numbers<[1], [1], [0], [0], [0, 0, 1, 0], [], []>, transpose_lhs_hint = false} : vector<1000x128xf32>, vector<128x128xf32>, vector<1000x128xf32> -> vector<1000x128xf32>
    %get3A_48 = arith.constant 0 : index
    %get3A_49 = arith.constant 0 : index
    %get3A_50 = vector.load %arg9[%get3A_48, %get3A_49] : memref<1x128xf32, #tpu.memory_space<vmem>>, vector<1x128xf32>
    %add3A_51 = vector.broadcast %get3A_50 : vector<1x128xf32> to vector<1000x128xf32>
    %add3A_52 = arith.addf %dot_general3A_47, %add3A_51 : vector<1000x128xf32>
    %swap3A_53 = arith.constant 0 : index
    %swap3A_54 = arith.constant 0 : index
    %swap3A_55 = vector.load %arg12[%swap3A_53, %swap3A_54] : memref<1000x128xf32, #tpu.memory_space<vmem>>, vector<1000x128xf32>
    tpu.vector_store %arg12[%swap3A_53, %swap3A_54], %add3A_52 {strides = array<i32>} : memref<1000x128xf32, #tpu.memory_space<vmem>>, vector<1000x128xf32>,
    return
  }
  func.func @transform_0(%arg0: i32) -> (i32, i32) {
    %c0_i32 = arith.constant 0 : i32
    %c0_i32_0 = arith.constant 0 : i32
    return %arg0, %c0_i32 : i32, i32
  }
  func.func @transform_1(%arg0: i32) -> (i32, i32) {
    %c0_i32 = arith.constant 0 : i32
    %c0_i32_0 = arith.constant 0 : i32
    return %arg0, %c0_i32 : i32, i32
  }
  func.func @transform_2(%arg0: i32) -> (i32, i32) {
    %c0_i32 = arith.constant 0 : i32
    %c0_i32_0 = arith.constant 0 : i32
    return %arg0, %c0_i32 : i32, i32
  }
  func.func @transform_3(%arg0: i32) -> (i32, i32) {
    %c0_i32 = arith.constant 0 : i32
    %c0_i32_0 = arith.constant 0 : i32
    return %arg0, %c0_i32 : i32, i32
  }
  func.func @transform_4(%arg0: i32) -> (i32, i32) {
    %c0_i32 = arith.constant 0 : i32
    %c0_i32_0 = arith.constant 0 : i32
    return %arg0, %c0_i32 : i32, i32
  }
  func.func @transform_5(%arg0: i32) -> (i32, i32) {
    %c0_i32 = arith.constant 0 : i32
    %c0_i32_0 = arith.constant 0 : i32
    %c0_i32_1 = arith.constant 0 : i32
    return %c0_i32, %c0_i32_0 : i32, i32
  }
  func.func @transform_6(%arg0: i32) -> (i32, i32) {
    %c0_i32 = arith.constant 0 : i32
    %c0_i32_0 = arith.constant 0 : i32
    %c0_i32_1 = arith.constant 0 : i32
    return %c0_i32, %c0_i32_0 : i32, i32
  }
  func.func @transform_7(%arg0: i32) -> (i32, i32) {
    %c0_i32 = arith.constant 0 : i32
    %c0_i32_0 = arith.constant 0 : i32
    %c0_i32_1 = arith.constant 0 : i32
    return %c0_i32, %c0_i32_0 : i32, i32
  }
  func.func @transform_8(%arg0: i32) -> (i32, i32) {
    %c0_i32 = arith.constant 0 : i32
    %c0_i32_0 = arith.constant 0 : i32
    %c0_i32_1 = arith.constant 0 : i32
    return %c0_i32, %c0_i32_0 : i32, i32
  }
  func.func @transform_9(%arg0: i32) -> (i32, i32) {
    %c0_i32 = arith.constant 0 : i32
    %c0_i32_0 = arith.constant 0 : i32
    return %arg0, %c0_i32 : i32, i32
  }
  func.func @transform_10(%arg0: i32) -> (i32, i32) {
    %c0_i32 = arith.constant 0 : i32
    %c0_i32_0 = arith.constant 0 : i32
    return %arg0, %c0_i32 : i32, i32
  }
  func.func @transform_11(%arg0: i32) -> (i32, i32) {
    %c0_i32 = arith.constant 0 : i32
    %c0_i32_0 = arith.constant 0 : i32
    return %arg0, %c0_i32 : i32, i32
  }
}

module attributes {stable_mosaic.version = 14 : i64} {
  func.func @body(%arg0: i32, %arg1: memref<1000x128xf32, #tpu.memory_space<vmem>>, %arg2: memref<1000x64xf32, #tpu.memory_space<vmem>>, %arg3: memref<1000x64xf32, #tpu.memory_space<vmem>>, %arg4: memref<1000x16xf32, #tpu.memory_space<vmem>>, %arg5: memref<1000x16xf32, #tpu.memory_space<vmem>>, %arg6: memref<128x64xf32, #tpu.memory_space<vmem>>, %arg7: memref<128x64xf32, #tpu.memory_space<vmem>>, %arg8: memref<26x128xf32, #tpu.memory_space<vmem>>, %arg9: memref<1x26xf32, #tpu.memory_space<vmem>>, %arg10: memref<1x26xf32, #tpu.memory_space<vmem>>, %arg11: memref<8x128xf32, #tpu.memory_space<vmem>>) attributes {dimension_semantics = [#tpu.dimension_semantics<arbitrary>], iteration_bounds = array<i64: 10>, scalar_prefetch = 0 : i64, scratch_operands = 1 : i64, tpu.core_type = #tpu.core_type<tc>, window_params = [{transform_indices = @transform_0, window_bounds = array<i64: 1000, 128>}, {transform_indices = @transform_1, window_bounds = array<i64: 1000, 64>}, {transform_indices = @transform_2, window_bounds = array<i64: 1000, 64>}, {transform_indices = @transform_3, window_bounds = array<i64: 1000, 16>}, {transform_indices = @transform_4, window_bounds = array<i64: 1000, 16>}, {pipeline_mode = #tpu.pipeline_mode<synchronous>, transform_indices = @transform_5, window_bounds = array<i64: 128, 64>}, {pipeline_mode = #tpu.pipeline_mode<synchronous>, transform_indices = @transform_6, window_bounds = array<i64: 128, 64>}, {pipeline_mode = #tpu.pipeline_mode<synchronous>, transform_indices = @transform_7, window_bounds = array<i64: 26, 128>}, {pipeline_mode = #tpu.pipeline_mode<synchronous>, transform_indices = @transform_8, window_bounds = array<i64: 1, 26>}, {pipeline_mode = #tpu.pipeline_mode<synchronous>, transform_indices = @transform_9, window_bounds = array<i64: 1, 26>}]} {
    %get3A = arith.constant 0 : index
    %get3A_0 = arith.constant 0 : index
    %get3A_1 = vector.load %arg4[%get3A, %get3A_0] : memref<1000x16xf32, #tpu.memory_space<vmem>>, vector<1000x16xf32>
    %slice3A = vector.extract_strided_slice %get3A_1 {offsets = [0, 0], sizes = [1000, 1], strides = [1, 1]} : vector<1000x16xf32> to vector<1000x1xf32>
    %get3A_2 = arith.constant 0 : index
    %get3A_3 = arith.constant 0 : index
    %get3A_4 = vector.load %arg5[%get3A_2, %get3A_3] : memref<1000x16xf32, #tpu.memory_space<vmem>>, vector<1000x16xf32>
    %slice3A_5 = vector.extract_strided_slice %get3A_4 {offsets = [0, 0], sizes = [1000, 1], strides = [1, 1]} : vector<1000x16xf32> to vector<1000x1xf32>
    %add3A = arith.addf %slice3A, %slice3A_5 : vector<1000x1xf32>
    %max3A = arith.constant 1.000000e+00 : f32
    %max3A_6 = vector.broadcast %max3A : f32 to vector<1000x1xf32>
    %max3A_7 = arith.maximumf %add3A, %max3A_6 : vector<1000x1xf32>
    %div3A = arith.constant 1.000000e+00 : f32
    %div3A_8 = vector.broadcast %div3A : f32 to vector<1000x1xf32>
    %div3A_9 = arith.divf %div3A_8, %max3A_7 : vector<1000x1xf32>
    %get3A_10 = arith.constant 0 : index
    %get3A_11 = arith.constant 0 : index
    %get3A_12 = vector.load %arg1[%get3A_10, %get3A_11] : memref<1000x128xf32, #tpu.memory_space<vmem>>, vector<1000x128xf32>
    %get3A_13 = arith.constant 0 : index
    %get3A_14 = arith.constant 0 : index
    %get3A_15 = vector.load %arg2[%get3A_13, %get3A_14] : memref<1000x64xf32, #tpu.memory_space<vmem>>, vector<1000x64xf32>
    %mul3A = vector.broadcast %div3A_9 : vector<1000x1xf32> to vector<1000x64xf32>
    %mul3A_16 = arith.mulf %get3A_15, %mul3A : vector<1000x64xf32>
    %get3A_17 = arith.constant 0 : index
    %get3A_18 = arith.constant 0 : index
    %get3A_19 = vector.load %arg6[%get3A_17, %get3A_18] : memref<128x64xf32, #tpu.memory_space<vmem>>, vector<128x64xf32>
    %dot_general3A = arith.constant dense<0.000000e+00> : vector<1000x128xf32>
    %dot_general3A_20 = tpu.matmul %mul3A_16, %get3A_19, %dot_general3A {dimension_numbers = #tpu.dot_dimension_numbers<[1], [1], [0], [0], [0, 0, 1, 0], [], []>, transpose_lhs_hint = false} : vector<1000x64xf32>, vector<128x64xf32>, vector<1000x128xf32> -> vector<1000x128xf32>
    %add3A_21 = arith.addf %get3A_12, %dot_general3A_20 : vector<1000x128xf32>
    %get3A_22 = arith.constant 0 : index
    %get3A_23 = arith.constant 0 : index
    %get3A_24 = vector.load %arg3[%get3A_22, %get3A_23] : memref<1000x64xf32, #tpu.memory_space<vmem>>, vector<1000x64xf32>
    %mul3A_25 = vector.broadcast %div3A_9 : vector<1000x1xf32> to vector<1000x64xf32>
    %mul3A_26 = arith.mulf %get3A_24, %mul3A_25 : vector<1000x64xf32>
    %get3A_27 = arith.constant 0 : index
    %get3A_28 = arith.constant 0 : index
    %get3A_29 = vector.load %arg7[%get3A_27, %get3A_28] : memref<128x64xf32, #tpu.memory_space<vmem>>, vector<128x64xf32>
    %dot_general3A_30 = arith.constant dense<0.000000e+00> : vector<1000x128xf32>
    %dot_general3A_31 = tpu.matmul %mul3A_26, %get3A_29, %dot_general3A_30 {dimension_numbers = #tpu.dot_dimension_numbers<[1], [1], [0], [0], [0, 0, 1, 0], [], []>, transpose_lhs_hint = false} : vector<1000x64xf32>, vector<128x64xf32>, vector<1000x128xf32> -> vector<1000x128xf32>
    %add3A_32 = arith.addf %add3A_21, %dot_general3A_31 : vector<1000x128xf32>
    %max3A_33 = arith.constant 0.000000e+00 : f32
    %max3A_34 = vector.broadcast %max3A_33 : f32 to vector<1000x128xf32>
    %max3A_35 = arith.maximumf %add3A_32, %max3A_34 : vector<1000x128xf32>
    %reduce_sum3A = arith.constant dense<0.000000e+00> : vector<128xf32>
    %reduce_sum3A_36 = vector.multi_reduction <add>, %max3A_35, %reduce_sum3A [0] : vector<1000x128xf32> to vector<128xf32>
    %broadcast_in_dim3A = vector.shape_cast %reduce_sum3A_36 : vector<128xf32> to vector<1x128xf32>
    %eq3A = arith.constant 0 : i32
    %eq3A_37 = arith.cmpi eq, %arg0, %eq3A : i32
    %convert_element_type3A = arith.extui %eq3A_37 : i1 to i32
    %cond3A = arith.constant 0 : i32
    %cond3A_38 = arith.cmpi ne, %convert_element_type3A, %cond3A : i32
    scf.if %cond3A_38 {
      %swap3A = arith.constant 0 : index
      %swap3A_48 = arith.constant 0 : index
      %swap3A_49 = vector.load %arg11[%swap3A, %swap3A_48] : memref<8x128xf32, #tpu.memory_space<vmem>>, vector<1x128xf32>
      tpu.vector_store %arg11[%swap3A, %swap3A_48], %broadcast_in_dim3A {strides = array<i32>} : memref<8x128xf32, #tpu.memory_space<vmem>>, vector<1x128xf32>,
    } else {
    }
    %gt3A = arith.constant 0 : i32
    %gt3A_39 = arith.cmpi sgt, %arg0, %gt3A : i32
    %convert_element_type3A_40 = arith.extui %gt3A_39 : i1 to i32
    %cond3A_41 = arith.constant 0 : i32
    %cond3A_42 = arith.cmpi ne, %convert_element_type3A_40, %cond3A_41 : i32
    scf.if %cond3A_42 {
      %get3A_48 = arith.constant 0 : index
      %get3A_49 = arith.constant 0 : index
      %get3A_50 = vector.load %arg11[%get3A_48, %get3A_49] : memref<8x128xf32, #tpu.memory_space<vmem>>, vector<1x128xf32>
      %add3A_51 = arith.addf %get3A_50, %broadcast_in_dim3A : vector<1x128xf32>
      %swap3A = arith.constant 0 : index
      %swap3A_52 = arith.constant 0 : index
      %swap3A_53 = vector.load %arg11[%swap3A, %swap3A_52] : memref<8x128xf32, #tpu.memory_space<vmem>>, vector<1x128xf32>
      tpu.vector_store %arg11[%swap3A, %swap3A_52], %add3A_51 {strides = array<i32>} : memref<8x128xf32, #tpu.memory_space<vmem>>, vector<1x128xf32>,
    } else {
    }
    %eq3A_43 = arith.constant 9 : i32
    %eq3A_44 = arith.cmpi eq, %arg0, %eq3A_43 : i32
    %convert_element_type3A_45 = arith.extui %eq3A_44 : i1 to i32
    %cond3A_46 = arith.constant 0 : i32
    %cond3A_47 = arith.cmpi ne, %convert_element_type3A_45, %cond3A_46 : i32
    scf.if %cond3A_47 {
      %get3A_48 = arith.constant 0 : index
      %get3A_49 = arith.constant 0 : index
      %get3A_50 = vector.load %arg11[%get3A_48, %get3A_49] : memref<8x128xf32, #tpu.memory_space<vmem>>, vector<1x128xf32>
      %mul3A_51 = arith.constant 9.99999974E-5 : f32
      %mul3A_52 = vector.broadcast %mul3A_51 : f32 to vector<1x128xf32>
      %mul3A_53 = arith.mulf %get3A_50, %mul3A_52 : vector<1x128xf32>
      %get3A_54 = arith.constant 0 : index
      %get3A_55 = arith.constant 0 : index
      %get3A_56 = vector.load %arg8[%get3A_54, %get3A_55] : memref<26x128xf32, #tpu.memory_space<vmem>>, vector<26x128xf32>
      %dot_general3A_57 = arith.constant dense<0.000000e+00> : vector<1x26xf32>
      %dot_general3A_58 = tpu.matmul %mul3A_53, %get3A_56, %dot_general3A_57 {dimension_numbers = #tpu.dot_dimension_numbers<[1], [1], [0], [0], [0, 0, 1, 0], [], []>, transpose_lhs_hint = false} : vector<1x128xf32>, vector<26x128xf32>, vector<1x26xf32> -> vector<1x26xf32>
      %get3A_59 = arith.constant 0 : index
      %get3A_60 = arith.constant 0 : index
      %get3A_61 = vector.load %arg9[%get3A_59, %get3A_60] : memref<1x26xf32, #tpu.memory_space<vmem>>, vector<1x26xf32>
      %add3A_62 = arith.addf %dot_general3A_58, %get3A_61 : vector<1x26xf32>
      %swap3A = arith.constant 0 : index
      %swap3A_63 = arith.constant 0 : index
      %swap3A_64 = vector.load %arg10[%swap3A, %swap3A_63] : memref<1x26xf32, #tpu.memory_space<vmem>>, vector<1x26xf32>
      tpu.vector_store %arg10[%swap3A, %swap3A_63], %add3A_62 {strides = array<i32>} : memref<1x26xf32, #tpu.memory_space<vmem>>, vector<1x26xf32>,
    } else {
    }
    return
  }
  func.func @transform_0(%arg0: i32) -> (i32, i32) {
    %c0_i32 = arith.constant 0 : i32
    %c0_i32_0 = arith.constant 0 : i32
    return %arg0, %c0_i32 : i32, i32
  }
  func.func @transform_1(%arg0: i32) -> (i32, i32) {
    %c0_i32 = arith.constant 0 : i32
    %c0_i32_0 = arith.constant 0 : i32
    return %arg0, %c0_i32 : i32, i32
  }
  func.func @transform_2(%arg0: i32) -> (i32, i32) {
    %c0_i32 = arith.constant 0 : i32
    %c0_i32_0 = arith.constant 0 : i32
    return %arg0, %c0_i32 : i32, i32
  }
  func.func @transform_3(%arg0: i32) -> (i32, i32) {
    %c0_i32 = arith.constant 0 : i32
    %c0_i32_0 = arith.constant 0 : i32
    return %arg0, %c0_i32 : i32, i32
  }
  func.func @transform_4(%arg0: i32) -> (i32, i32) {
    %c0_i32 = arith.constant 0 : i32
    %c0_i32_0 = arith.constant 0 : i32
    return %arg0, %c0_i32 : i32, i32
  }
  func.func @transform_5(%arg0: i32) -> (i32, i32) {
    %c0_i32 = arith.constant 0 : i32
    %c0_i32_0 = arith.constant 0 : i32
    %c0_i32_1 = arith.constant 0 : i32
    return %c0_i32, %c0_i32_0 : i32, i32
  }
  func.func @transform_6(%arg0: i32) -> (i32, i32) {
    %c0_i32 = arith.constant 0 : i32
    %c0_i32_0 = arith.constant 0 : i32
    %c0_i32_1 = arith.constant 0 : i32
    return %c0_i32, %c0_i32_0 : i32, i32
  }
  func.func @transform_7(%arg0: i32) -> (i32, i32) {
    %c0_i32 = arith.constant 0 : i32
    %c0_i32_0 = arith.constant 0 : i32
    %c0_i32_1 = arith.constant 0 : i32
    return %c0_i32, %c0_i32_0 : i32, i32
  }
  func.func @transform_8(%arg0: i32) -> (i32, i32) {
    %c0_i32 = arith.constant 0 : i32
    %c0_i32_0 = arith.constant 0 : i32
    %c0_i32_1 = arith.constant 0 : i32
    return %c0_i32, %c0_i32_0 : i32, i32
  }
  func.func @transform_9(%arg0: i32) -> (i32, i32) {
    %c0_i32 = arith.constant 0 : i32
    %c0_i32_0 = arith.constant 0 : i32
    %c0_i32_1 = arith.constant 0 : i32
    return %c0_i32, %c0_i32_0 : i32, i32
  }
}

</mosaic_0001>

<sc_bundles>
// kernel: kernel.10.cloned.1.call-start
scs
__scs_entry_jumppad:
0x0: {  	(pc) =	sbr.rel $0x88, $3  }
0x1: {  	(tag) =	ssettag $0x0;
	lr =	simm.s32 $0x1  }
0x2: {  	[smem:$0x3F95] =	sst lr;
	_ =	strace $0xD0000000  }
0x3: {  	_ = 	snop  }
0x4: {  	_ = 	snop  }
0x5: {  	_ = 	snop  }
0x6: {  	_ = 	snop  }
0x7: {  	_ = 	snop  }
__scs_overlays_trampoline_lowered:
0x8: {  	[smem:$0x3FA4] =	sst s0  }
0x9: {  	[smem:$0x3FA5] =	sst s1  }
0xa: {  	[smem:$0x3FA6] =	sst s2  }
0xb: {  	[smem:$0x3FA7] =	sst s3  }
0xc: {  	[smem:$0x3FA8] =	sst s4  }
0xd: {  	[smem:$0x3FA9] =	sst s5  }
0xe: {  	[smem:$0x3FAA] =	sst s6  }
0xf: {  	[smem:$0x3FAB] =	sst s7  }
0x10: {  	[smem:$0x3FAC] =	sst s8  }
0x11: {  	[smem:$0x3FAD] =	sst s9;
	s0 =	simm.s32 @!p0 $0x0  }
0x12: {  	s1 =	sld [smem:$0x3F93];
	s0 =	simm.s32 @p0 $0x1  }
0x13: {  	[smem:$0x3FAE] =	sst s0;
	s0 =	simm.s32 @!p1 $0x0  }
0x14: {  	s2 =	sld [smem:$0x3F92];
	s0 =	simm.s32 @p1 $0x1  }
0x15: {  	[smem:$0x3FAF] =	sst s0;
	s0 =	simm.s32 @!p2 $0x0  }
0x16: {  	s3 =	sld [smem:$0x3FDB];
	s0 =	simm.s32 @p2 $0x1  }
0x17: {  	s4 =	simm.s32 $0x1BF5;
	[smem:$0x3FB1] =	sst s0  }
0x18: {  	s0 =	sld [smem:$0x3F94];
	_ =	swait.ge [sflag:s4], $0x0  }
0x19: {  	s7 =	sld [smem:$0x3F95]  }
0x1a: {  	s8 =	sadd.s32 $0xFFFFE003, lr  }
0x1b: {  	s9 =	sadd.s32 $0xFFFFFEF7, lr;
	s5 =	simm.s32 $0xFFFFFFFF;
	p2 =	slt.u32 s8, $0xFFFFF086  }
0x1c: {  	p1 =	slt.u32 s9, $0xF7A;
	s5 =	simm.s32 @!p2 $0x0  }
0x1d: {  	s5 =	simm.s32 @p1 $0x1;
	p0 =	seq.s32 s7, s2  }
0x1e: {  	s7 =	smul.u32 @!p0 $0xF7A, s2;
	p2 =	seq.s32 @!p0 s5, $0x0  }
0x1f: {  	s9 =	smul.u32 $0xF7A, s1;
	s8 =	simm.s32 @!p0 $0x1BF5;
	p2 =	por !p2, p0  }
0x20: {  	[sflag:s8] =	ssyncset.s32 @!p0 $0xFFFFF086;
	s6 =	sadd.s32 @!p0 s3, s7;
	s7 =	simm.s32 @!p0 $0x108  }
0x21: {  	s3 =	sadd.s32 s3, s9;
	s6 =	sadd.s32 @!p0 $0x88, s6;
	s7 =	simm.s32 @p2 $0x1082  }
0x22: {  	[simem:s7], [sflag:s8] =	dma.local @!p0 [hbm:s6], $0xF7A  }
0x23: {  	s9 =	sor.u32 $0xD0000000, s2;
	s6 =	simm.s32 $0x108;
	_ =	swait.ge @!p0 [sflag:s8], $0x0  }
0x24: {  	s3 =	sadd.s32 $0x88, s3;
	s6 =	simm.s32 @!p1 $0x1082;
	[sflag:s4] =	ssyncset.s32 $0xFFFFF086  }
0x25: {  	[simem:s6], [sflag:s4] =	dma.local [hbm:s3], $0xF7A  }
0x26: {  	[smem:$0x3F95] =	sst s1;
	(tag) =	ssettag s2;
	_ =	strace s9  }
0x27: {  	s1 =	sld [smem:$0x3FA5]  }
0x28: {  	s2 =	sld [smem:$0x3FA6]  }
0x29: {  	s4 =	sld [smem:$0x3FA8]  }
0x2a: {  	p0 =	seq.s32 s5, $0x0;
	s5 =	sld [smem:$0x3FA9]  }
0x2b: {  	s6 =	sld [smem:$0x3FAA]  }
0x2c: {  	s7 =	sld [smem:$0x3FAB]  }
0x2d: {  	s3 =	simm.s32 $0x108;
	s8 =	sld [smem:$0x3FAC]  }
0x2e: {  	s3 =	simm.s32 @!p0 $0x1082;
	s9 =	sld [smem:$0x3FAD]  }
0x2f: {  	lr =	sadd.s32 s0, s3;
	s0 =	sld [smem:$0x3FA4]  }
0x30: {  	s3 =	sld [smem:$0x3FA7]  }
0x31: {  	[smem:$0x3FB0] =	sst s10  }
0x32: {  	s10 =	sld [smem:$0x3FAE];
	_ =	sdelay $0x3  }
0x33: {  	p0 =	seq.s32 s10, $0x1;
	s10 =	sld [smem:$0x3FB0];
	_ =	sdelay $0x3  }
0x34: {  	[smem:$0x3FB0] =	sst s10  }
0x35: {  	s10 =	sld [smem:$0x3FAF];
	_ =	sdelay $0x3  }
0x36: {  	p1 =	seq.s32 s10, $0x1;
	s10 =	sld [smem:$0x3FB0];
	_ =	sdelay $0x3  }
0x37: {  	[smem:$0x3FB0] =	sst s10  }
0x38: {  	s10 =	sld [smem:$0x3FB1]  }
0x39: {  	_ = 	snop;
	(pc) =	sbr.ind lr, $3  }
0x3a: {  	_ = 	snop  }
0x3b: {  	_ = 	snop  }
0x3c: {  	p2 =	seq.s32 s10, $0x1;
	s10 =	sld [smem:$0x3FB0]  }
0x3d: {  	_ =	shalt  }
0x3e: {  	_ =	shalt  }
0x3f: {  	_ =	shalt  }
0x40: {  	_ =	shalt  }
0x41: {  	_ =	shalt  }
0x42: {  	_ =	shalt  }
0x43: {  	_ =	shalt  }
0x44: {  	_ =	shalt  }
0x45: {  	_ =	shalt  }
0x46: {  	_ =	shalt  }
0x47: {  	_ =	shalt  }
0x48: {  	_ =	shalt  }
0x49: {  	_ =	shalt  }
0x4a: {  	_ =	shalt  }
0x4b: {  	_ =	shalt  }
0x4c: {  	_ =	shalt  }
0x4d: {  	_ =	shalt  }
0x4e: {  	_ =	shalt  }
0x4f: {  	_ =	shalt  }
0x50: {  	_ =	shalt  }
0x51: {  	_ =	shalt  }
0x52: {  	_ =	shalt  }
0x53: {  	_ =	shalt  }
0x54: {  	_ =	shalt  }
0x55: {  	_ =	shalt  }
0x56: {  	_ =	shalt  }
0x57: {  	_ =	shalt  }
0x58: {  	_ =	shalt  }
0x59: {  	_ =	shalt  }
0x5a: {  	_ =	shalt  }
0x5b: {  	_ =	shalt  }
0x5c: {  	_ =	shalt  }
0x5d: {  	_ =	shalt  }
0x5e: {  	_ =	shalt  }
0x5f: {  	_ =	shalt  }
0x60: {  	_ =	shalt  }
0x61: {  	_ =	shalt  }
0x62: {  	_ =	shalt  }
0x63: {  	_ =	shalt  }
0x64: {  	_ =	shalt  }
0x65: {  	_ =	shalt  }
0x66: {  	_ =	shalt  }
0x67: {  	_ =	shalt  }
0x68: {  	_ =	shalt  }
0x69: {  	_ =	shalt  }
0x6a: {  	_ =	shalt  }
0x6b: {  	_ =	shalt  }
0x6c: {  	_ =	shalt  }
0x6d: {  	_ =	shalt  }
0x6e: {  	_ =	shalt  }
0x6f: {  	_ =	shalt  }
0x70: {  	_ =	shalt  }
0x71: {  	_ =	shalt  }
0x72: {  	_ =	shalt  }
0x73: {  	_ =	shalt  }
0x74: {  	_ =	shalt  }
0x75: {  	_ =	shalt  }
0x76: {  	_ =	shalt  }
0x77: {  	_ =	shalt  }
0x78: {  	_ =	shalt  }
0x79: {  	_ =	shalt  }
0x7a: {  	_ =	shalt  }
0x7b: {  	_ =	shalt  }
0x7c: {  	_ =	shalt  }
0x7d: {  	_ =	shalt  }
0x7e: {  	_ =	shalt  }
0x7f: {  	_ =	shalt  }
0x80: {  	_ =	shalt  }
0x81: {  	_ =	shalt  }
0x82: {  	_ =	shalt  }
0x83: {  	_ =	shalt  }
0x84: {  	_ =	shalt  }
0x85: {  	_ =	shalt  }
0x86: {  	_ =	shalt  }
0x87: {  	_ =	shalt  }
.Lfunc_end0:
.L_simem_size_0:
called_computation.1_lowered:
.L_overlay_start_0:
0x88: {  	s2 =	sld [smem:$0x3FD9]  }
0x89: {  	s3 =	sld [smem:$0x3FFE];
	_ =	sdelay $0x1  }
0x8a: {  	s1 =	srdreg.scid  }
0x8b: {  	s0 =	sand.u32 $0x1, s1  }
0x8c: {  	s16 =	sshll.u32 s0, $0xA;
	s2 =	sadd.s32 s3, s2  }
0x8d: {  	s2 =	sadd.s32 s2, s16  }
0x8e: {  	[smem:$0x3FBC] =	sst s2  }
0x8f: {  	_ = 	snop  }
0x90: {  	(tm) =	ssettm $0x1  }
0x91: {  	s17 =	sld [smem:$0x3FFB];
	_ =	sdelay $0x3  }
0x92: {  	_ =	strace s17  }
0x93: {  	s2 =	sld [smem:$0x3FFC];
	_ =	sdelay $0x3  }
0x94: {  	_ =	strace s2  }
0x95: {  	s2 =	sld [smem:$0x3FFD];
	_ =	sdelay $0x3  }
0x96: {  	_ =	strace s2  }
0x97: {  	_ =	strace $0x8FFFFFFF  }
0x98: {  	s18 =	sld [smem:$0x3FDB];
	_ =	sdelay $0x1  }
0x99: {  	s19 =	simm.s32 $_scs_section_size  }
0x9a: {  	s4 =	simm.s32 $_size__tile_overlayer_lowered;
	s5 =	simm.s32 $_tile_overlayer_lowered  }
0x9b: {  	s22 =	simm.s32 $0x1BFF;
	s21 =	sshll.u32 s5, $0x1;
	s2 =	sadd.s32 s19, s18  }
0x9c: {  	s6 =	simm.s32 $0x0;
	s20 =	sshll.u32 s4, $0x1;
	s4 =	sadd.s32 s21, s2  }
0x9d: {  	[timem:s6], [sflag:s22] =	dma.local [hbm:s4], s20  }
0x9e: {  	_ =	swait.ge [sflag:s22], s20  }
0x9f: {  	s3 =	ssub.s32 $0x0, s20;
	[sflag:s22] =	ssyncset.done $0x0  }
0xa0: {  	[sflag:s22] =	ssyncadd.s32 s3;
	_ =	sdelay $0x1  }
0xa1: {  	s23 =	simm.s32 $0x1B8B  }
0xa2: {  	_ =	swait.ge [sflag:s23], $0x1  }
0xa3: {  	[sflag:s23] =	ssyncset.done $0x0  }
0xa4: {  	s25 =	simm.s32 $0x1B8E;
	s24 =	sld [smem:$0x3FFE];
	[sflag:s23] =	ssyncadd.s32 $0xFFFFFFFF  }
0xa5: {  	s26 =	simm.s32 $execute0_lowered;
	[smem:$0x3FD2] =	sst s25  }
0xa6: {  	s4 =	sshll.u32 s26, $0x1;
	_ =	strace $0x80000049;
	[dreg:$0x1] =	wrdreg $0xFFFFFFFF  }
0xa7: {  	s28 =	simm.s32 $_size_execute0_lowered;
	s2 =	sadd.s32 s2, s4;
	[dreg:$0x0] =	wrdreg $0x0  }
0xa8: {  	s4 =	sshll.u32 s28, $0x1;
	[dreg:$0x2] =	wrdreg s2  }
0xa9: {  	[dreg:$0x3] =	wrdreg s4  }
0xaa: {  	[dreg:$0x4] =	wrdreg $0xC0  }
0xab: {  	_ =	task [dreg:s6], $0x5FFFF  }
0xac: {  	[dreg:$0x1] =	wrdreg $0xFFFFFFFF  }
0xad: {  	[dreg:$0x0] =	wrdreg $0x60  }
0xae: {  	[dreg:$0x2] =	wrdreg s24  }
0xaf: {  	[dreg:$0x3] =	wrdreg $0x112800  }
0xb0: {  	[dreg:$0x4] =	wrdreg $0x9  }
0xb1: {  	_ =	task.clear_ibuf [dreg:s6], $0x5FFFF;
	_ =	strace $0x90000049  }
0xb2: {  	s29 =	simm.s32 $0x9;
	_ =	strace $0x8000004B  }
0xb3: {  	_ =	swait.ge [sflag:s29], $0x1  }
0xb4: {  	[sflag:s29] =	ssyncadd.s32 $0xFFFFFFFF  }
0xb5: {  	_ =	strace $0x9000004B  }
0xb6: {  	_ =	sfence  }
0xb7: {  	s30 =	sld [smem:$0x0];
	_ =	sdelay $0x2  }
0xb8: {  	s31 =	sshll.u32 s1, $0xD;
	s1 =	sshrl.u32 s1, $0x2  }
0xb9: {  	s3 =	sand.u32 $0x4000, s31;
	s1 =	sadd.s32 s1, s30  }
0xba: {  	s0 =	sor.u32 s3, s0;
	s1 =	sshll.u32 s1, $0x11  }
0xbb: {  	s0 =	sor.u32 s1, s0  }
0xbc: {  	s0 =	sadd.s32 $0x8F2B, s0  }
0xbd: {  	[sflag:s0] =	ssyncadd.remote.s32 $0x1  }
0xbe: {  	_ =	sfence.sel $0xFFFF  }
0xbf: {  	[dreg:$0x0] =	wrdreg $0xFFFFFFFF;
	(pc) =	sbr.abs _section_cstart, $3  }
0xc0: {  	[dreg:$0x1] =	wrdreg $0xFFFFFFFF  }
0xc1: {  	_ =	task.clear_ibuf [dreg:s6], $0x2FFFF;
	_ =	strace $0x9FFFFFFF  }
0xc2: {  	(tm) =	ssettm $0x7FFFFFFF  }
0xc3: {  	_ =	shalt  }
tec
execute0_lowered:
.L_overlay_start_1:
0x0: {  	(tag) =	ssettag $0x1  }
0x1: {  	s0 =	rddreg [dreg:$0x0]  }
0x2: {  	s2 =	rddreg [dreg:$0x1]  }
0x3: {  	s1 =	simm.s32 $0x0;
	s10 =	stileid.u32;
	s3 =	srdreg.scid  }
0x4: {  	s29 =	simm.s32 $0x64;
	s30 =	simm.s32 $0xA280;
	s31 =	simm.s32 $0xD480  }
0x5: {  	s28 =	simm.s32 $0xED80;
	[smem:$0x7FF] =	sst s1;
	s19 =	smul.u32 $0xA28, s10  }
0x6: {  	s4 =	sadd.s32 $0x52A00, s0;
	s5 =	sadd.s32 $0x3F000, s0;
	s9 =	smul.u32 $0x27000, s10  }
0x7: {  	s3 =	sand.u32 $0x1, s3;
	s24 =	smul.u32 $0x9C00, s10;
	p1 =	sne.s32 s10, $0xF  }
0x8: {  	s10 =	simm.s32 $0x0;
	_ =	strace $0x8000004A;
	s6 =	ssub.s32 $0x2, s3  }
0x9: {  	s7 =	smul.u32 $0x9C400, s3;
	p0 =	seq.s32 s3, $0x1;
	s3 =	simm.s32 $0x2  }
0xa: {  	s1 =	sadd.s32 s19, s0;
	s0 =	sadd.s32 $0x97200, s0;
	s8 =	sshrl.u32 s6, $0x1  }
0xb: {  	s9 =	sshrl.u32 s9, $0x2;
	s8 =	ssub.s32 s6, s8;
	s11 =	sadd.s32 $0x34C00, s1  }
0xc: {  	s6 =	sadd.s32 $0x9C000, s2;
	s1 =	sadd.s32 $0x2A800, s1;
	[dreg:$0x3] =	wrdreg s11  }
0xd: {  	s20 =	sshrl.u32 s7, $0x3;
	s9 =	sadd.s32 s9, s2;
	[dreg:$0x4] =	wrdreg s1  }
0xe: {  	s1 =	sadd.s32 s0, s20;
	s21 =	smax.u32 s8, $0x1;
	s14 =	sadd.s32 $0xC00, s9  }
0xf: {  	s22 =	sadd.s32 $0x1800, s9;
	s23 =	sadd.s32 $0x2400, s9;
	[dreg:$0x6] =	wrdreg s21  }
0x10: {  	s25 =	sadd.s32 $0x3000, s9;
	s26 =	sadd.s32 $0x3C00, s9;
	[dreg:$0x7] =	wrdreg s22  }
0x11: {  	s17 =	sadd.s32 $0x4800, s9;
	s18 =	sadd.s32 $0x5400, s9;
	[dreg:$0x8] =	wrdreg s23  }
0x12: {  	s19 =	sadd.s32 $0x6000, s9;
	s20 =	sadd.s32 $0x6C00, s9;
	[dreg:$0x9] =	wrdreg s25  }
0x13: {  	s8 =	simm.s32 $0x4;
	s1 =	sadd.s32 $0x13800, s1;
	[dreg:$0xa] =	wrdreg s26  }
0x14: {  	s21 =	sadd.s32 $0x7800, s9;
	s22 =	sadd.s32 $0x8400, s9;
	s23 =	sadd.s32 $0x9000, s9  }
0x15: {  	s25 =	simm.s32 $0x10680;
	[dreg:$0x5] =	wrdreg s1;
	s1 =	sadd.s32 s24, s7  }
0x16: {  	s26 =	simm.s32 $0x5;
	s7 =	simm.s32 $0x3;
	s1 =	sshrl.u32 s1, $0x3  }
0x17: {  	v0 =	vimm.f32 $0.0e+00;
	s24 =	sadd.s32 s1, s0;
	s0 =	simm.s32 $0xBB80;
	s1 =	simm.s32 $0x1  }
.LBB2_1:
0x18: {  	s13 =	simm.s32 $0x100;
	s11 =	simm.s32 $0x0  }
.LBB2_2:
0x19: {  	p2 =	sne.s32 s13, $0x2F00;
	[tilespmem:s11+$0x106B0] =	vst v0;
	s12 =	smov.u32 s13;
	s13 =	sadd.s32 $0x100, s13  }
.Ltmp0:
0x1a: {  	[tilespmem:s11+$0x106A0] =	vst v0;
	(pc) =	sbr.rel @p2 .LBB2_2-.Ltmp0, $3  }
0x1b: {  	[tilespmem:s11+$0x10680] =	vst v0  }
0x1c: {  	[tilespmem:s11+$0x10690] =	vst v0;
	_ =	sdelay $0x1  }
0x1d: {  	s11 =	sshra.s32 s12, $0x2  }
0x1e: {  	[tilespmem:s11+$0x106B0] =	vst v0  }
0x1f: {  	[tilespmem:s11+$0x106A0] =	vst v0  }
0x20: {  	[tilespmem:s11+$0x10680] =	vst v0  }
0x21: {  	[tilespmem:s11+$0x10690] =	vst v0  }
0x22: {  	[spmem:s9] =	stream.linear.scatter [tilespmem:s25], [sflag:$0x5], $0xC00, $0x38;
	[tilespmem:$0x1AEC0] =	vst v63  }
0x23: {  	_ =	swait.ge [sflag:s26], $0xC00  }
0x24: {  	[sflag:s26] =	ssyncset.done $0x0  }
0x25: {  	[sflag:s26] =	ssyncadd.s32 $0xFFFFF400  }
0x26: {  	[spmem:s14] =	stream.linear.scatter [tilespmem:s25], [sflag:$0x5], $0xC00, $0x38;
	[tilespmem:$0x1AEC0] =	vst v63  }
0x27: {  	_ =	swait.ge [sflag:s26], $0xC00  }
0x28: {  	[sflag:s26] =	ssyncset.done $0x0  }
0x29: {  	s15 =	rddreg [dreg:$0x7];
	[sflag:s26] =	ssyncadd.s32 $0xFFFFF400  }
0x2a: {  	[spmem:s15] =	stream.linear.scatter [tilespmem:s25], [sflag:$0x5], $0xC00, $0x38;
	[tilespmem:$0x1AEC0] =	vst v63  }
0x2b: {  	_ =	swait.ge [sflag:s26], $0xC00  }
0x2c: {  	[sflag:s26] =	ssyncset.done $0x0  }
0x2d: {  	s16 =	rddreg [dreg:$0x8];
	[sflag:s26] =	ssyncadd.s32 $0xFFFFF400  }
0x2e: {  	[spmem:s16] =	stream.linear.scatter [tilespmem:s25], [sflag:$0x5], $0xC00, $0x38;
	[tilespmem:$0x1AEC0] =	vst v63  }
0x2f: {  	_ =	swait.ge [sflag:s26], $0xC00  }
0x30: {  	[sflag:s26] =	ssyncset.done $0x0  }
0x31: {  	s12 =	rddreg [dreg:$0x9];
	[sflag:s26] =	ssyncadd.s32 $0xFFFFF400  }
0x32: {  	[spmem:s12] =	stream.linear.scatter [tilespmem:s25], [sflag:$0x5], $0xC00, $0x38;
	[tilespmem:$0x1AEC0] =	vst v63  }
0x33: {  	_ =	swait.ge [sflag:s26], $0xC00  }
0x34: {  	[sflag:s26] =	ssyncset.done $0x0  }
0x35: {  	s13 =	rddreg [dreg:$0xa];
	[sflag:s26] =	ssyncadd.s32 $0xFFFFF400  }
0x36: {  	[spmem:s13] =	stream.linear.scatter [tilespmem:s25], [sflag:$0x5], $0xC00, $0x38;
	[tilespmem:$0x1AEC0] =	vst v63  }
0x37: {  	_ =	swait.ge [sflag:s26], $0xC00  }
0x38: {  	[sflag:s26] =	ssyncset.done $0x0  }
0x39: {  	[sflag:s26] =	ssyncadd.s32 $0xFFFFF400  }
0x3a: {  	[spmem:s17] =	stream.linear.scatter [tilespmem:s25], [sflag:$0x5], $0xC00, $0x38;
	[tilespmem:$0x1AEC0] =	vst v63  }
0x3b: {  	_ =	swait.ge [sflag:s26], $0xC00  }
0x3c: {  	[sflag:s26] =	ssyncset.done $0x0  }
0x3d: {  	[sflag:s26] =	ssyncadd.s32 $0xFFFFF400  }
0x3e: {  	[spmem:s18] =	stream.linear.scatter [tilespmem:s25], [sflag:$0x5], $0xC00, $0x38;
	[tilespmem:$0x1AEC0] =	vst v63  }
0x3f: {  	_ =	swait.ge [sflag:s26], $0xC00  }
0x40: {  	[sflag:s26] =	ssyncset.done $0x0  }
0x41: {  	[sflag:s26] =	ssyncadd.s32 $0xFFFFF400  }
0x42: {  	[spmem:s19] =	stream.linear.scatter [tilespmem:s25], [sflag:$0x5], $0xC00, $0x38;
	[tilespmem:$0x1AEC0] =	vst v63  }
0x43: {  	_ =	swait.ge [sflag:s26], $0xC00  }
0x44: {  	[sflag:s26] =	ssyncset.done $0x0  }
0x45: {  	[sflag:s26] =	ssyncadd.s32 $0xFFFFF400  }
0x46: {  	[spmem:s20] =	stream.linear.scatter [tilespmem:s25], [sflag:$0x5], $0xC00, $0x38;
	[tilespmem:$0x1AEC0] =	vst v63  }
0x47: {  	_ =	swait.ge [sflag:s26], $0xC00  }
0x48: {  	[sflag:s26] =	ssyncset.done $0x0  }
0x49: {  	[sflag:s26] =	ssyncadd.s32 $0xFFFFF400  }
0x4a: {  	[spmem:s21] =	stream.linear.scatter [tilespmem:s25], [sflag:$0x5], $0xC00, $0x38;
	[tilespmem:$0x1AEC0] =	vst v63  }
0x4b: {  	_ =	swait.ge [sflag:s26], $0xC00  }
0x4c: {  	[sflag:s26] =	ssyncset.done $0x0  }
0x4d: {  	[sflag:s26] =	ssyncadd.s32 $0xFFFFF400  }
0x4e: {  	[spmem:s22] =	stream.linear.scatter [tilespmem:s25], [sflag:$0x5], $0xC00, $0x38;
	[tilespmem:$0x1AEC0] =	vst v63  }
0x4f: {  	_ =	swait.ge [sflag:s26], $0xC00  }
0x50: {  	[sflag:s26] =	ssyncset.done $0x0  }
0x51: {  	[sflag:s26] =	ssyncadd.s32 $0xFFFFF400  }
0x52: {  	[spmem:s23] =	stream.linear.scatter [tilespmem:s25], [sflag:$0x5], $0xC00, $0x38;
	[tilespmem:$0x1AEC0] =	vst v63  }
0x53: {  	_ =	swait.ge [sflag:s26], $0xC00  }
0x54: {  	[sflag:s26] =	ssyncset.done $0x0  }
0x55: {  	s11 =	simm.s32 @!p1 $0x10680;
	[sflag:s26] =	ssyncadd.s32 $0xFFFFF400  }
0x56: {  	[spmem:s6] =	stream.linear.scatter @!p1 [tilespmem:s11], [sflag:$0x5], $0x400, $0x38;
	[tilespmem:$0x1AEC0] =	vst v63  }
0x57: {  	s11 =	simm.s32 @!p1 $0x5  }
0x58: {  	_ =	swait.ge @!p1 [sflag:s11], $0x400  }
0x59: {  	[sflag:s11] =	ssyncset.done @!p1 $0x0  }
0x5a: {  	s15 =	simm.s32 $0x0;
	s12 =	rddreg [dreg:$0x3];
	[sflag:s11] =	ssyncadd.s32 @!p1 $0xFFFFFC00  }
0x5b: {  	[tilespmem:s15], [sflag:$0x5] =	stream.linear.gather [hbm4b:s12+s15], $0x5140, $0x38;
	[tilespmem:$0x1AEC0] =	vst v63  }
0x5c: {  	_ =	swait.ge [sflag:s26], $0x5140  }
0x5d: {  	[sflag:s26] =	ssyncset.done $0x0  }
0x5e: {  	s13 =	simm.s32 $0x5140;
	s16 =	rddreg [dreg:$0x4];
	[sflag:s26] =	ssyncadd.s32 $0xFFFFAEC0  }
0x5f: {  	[tilespmem:s13], [sflag:$0x5] =	stream.linear.gather [hbm4b:s16+s15], $0x5140, $0x38;
	[tilespmem:$0x1AEC0] =	vst v63  }
.Ltmp1:
0x60: {  	_ =	swait.ge [sflag:s26], $0x5140;
	(pc) =	sbr.rel @!p0 .LBB2_4-.Ltmp1, $4  }
0x61: {  	[sflag:s26] =	ssyncset.done $0x0  }
0x62: {  	[sflag:s26] =	ssyncadd.s32 $0xFFFFAEC0  }
0x63: {  	[bflag:$0x0] =	sbarrier.arrive $0xFFFF  }
0x64: {  	s11 =	simm.s32 $0x0  }
0x65: {  	[tilespmem:s30], [sflag:$0x1] =	stream.indirect.gather [hbm4b:s5+s29], $0x40, s11, s29, $0xb8;
	[tilespmem:$0x1AEC0] =	vst v63  }
0x66: {  	s15 =	simm.s32 $0x68  }
0x67: {  	[tilespmem:s0], [sflag:$0x2] =	stream.indirect.gather [hbm4b:s5+s29], $0x40, s15, s29, $0xb8;
	[tilespmem:$0x1AEC0] =	vst v63  }
0x68: {  	s16 =	simm.s32 $0xD0  }
0x69: {  	[tilespmem:s31], [sflag:$0x3] =	stream.indirect.gather [hbm4b:s5+s29], $0x40, s16, s29, $0xb8;
	[tilespmem:$0x1AEC0] =	vst v63  }
0x6a: {  	s12 =	simm.s32 $0x138  }
0x6b: {  	[tilespmem:s28], [sflag:$0x4] =	stream.indirect.gather [hbm4b:s5+s29], $0x40, s12, s29, $0xb8;
	[tilespmem:$0x1AEC0] =	vst v63  }
0x6c: {  	_ =	swait.ge [sflag:s1], $0x1900  }
0x6d: {  	[sflag:s1] =	ssyncset.done $0x0  }
0x6e: {  	s13 =	simm.s32 $0x5140;
	[sflag:s1] =	ssyncadd.s32 $0xFFFFE700  }
0x6f: {  	[spmem:s2] =	stream.indirect.scatter.add.f32 [tilespmem:s30], [sflag:$0x5], $0x40, s13, s29, $0xb8;
	[tilespmem:$0x1AEC0] =	vst v63  }
0x70: {  	_ =	swait.ge [sflag:s26], $0x1900  }
0x71: {  	[sflag:s26] =	ssyncset.done $0x0  }
0x72: {  	s15 =	simm.s32 $0x1A0;
	[sflag:s26] =	ssyncadd.s32 $0xFFFFE700  }
0x73: {  	[tilespmem:s30], [sflag:$0x1] =	stream.indirect.gather [hbm4b:s5+s29], $0x40, s15, s29, $0xb8;
	[tilespmem:$0x1AEC0] =	vst v63  }
0x74: {  	_ =	swait.ge [sflag:s3], $0x1900  }
0x75: {  	[sflag:s3] =	ssyncset.done $0x0  }
0x76: {  	s16 =	simm.s32 $0x51A8;
	[sflag:s3] =	ssyncadd.s32 $0xFFFFE700  }
0x77: {  	[spmem:s2] =	stream.indirect.scatter.add.f32 [tilespmem:s0], [sflag:$0x5], $0x40, s16, s29, $0xb8;
	[tilespmem:$0x1AEC0] =	vst v63  }
0x78: {  	_ =	swait.ge [sflag:s26], $0x1900  }
0x79: {  	[sflag:s26] =	ssyncset.done $0x0  }
0x7a: {  	s12 =	simm.s32 $0x208;
	[sflag:s26] =	ssyncadd.s32 $0xFFFFE700  }
0x7b: {  	[tilespmem:s0], [sflag:$0x2] =	stream.indirect.gather [hbm4b:s5+s29], $0x40, s12, s29, $0xb8;
	[tilespmem:$0x1AEC0] =	vst v63  }
0x7c: {  	_ =	swait.ge [sflag:s7], $0x1900  }
0x7d: {  	[sflag:s7] =	ssyncset.done $0x0  }
0x7e: {  	s13 =	simm.s32 $0x5210;
	[sflag:s7] =	ssyncadd.s32 $0xFFFFE700  }
0x7f: {  	[spmem:s2] =	stream.indirect.scatter.add.f32 [tilespmem:s31], [sflag:$0x5], $0x40, s13, s29, $0xb8;
	[tilespmem:$0x1AEC0] =	vst v63  }
0x80: {  	_ =	swait.ge [sflag:s26], $0x1900  }
0x81: {  	[sflag:s26] =	ssyncset.done $0x0  }
0x82: {  	s15 =	simm.s32 $0x270;
	[sflag:s26] =	ssyncadd.s32 $0xFFFFE700  }
0x83: {  	[tilespmem:s31], [sflag:$0x3] =	stream.indirect.gather [hbm4b:s5+s29], $0x40, s15, s29, $0xb8;
	[tilespmem:$0x1AEC0] =	vst v63  }
0x84: {  	_ =	swait.ge [sflag:s8], $0x1900  }
0x85: {  	[sflag:s8] =	ssyncset.done $0x0  }
0x86: {  	s16 =	simm.s32 $0x5278;
	[sflag:s8] =	ssyncadd.s32 $0xFFFFE700  }
0x87: {  	[spmem:s2] =	stream.indirect.scatter.add.f32 [tilespmem:s28], [sflag:$0x5], $0x40, s16, s29, $0xb8;
	[tilespmem:$0x1AEC0] =	vst v63  }
0x88: {  	_ =	swait.ge [sflag:s26], $0x1900  }
0x89: {  	[sflag:s26] =	ssyncset.done $0x0  }
0x8a: {  	s11 =	simm.s32 $0x680;
	s12 =	simm.s32 $0x2D8;
	[sflag:s26] =	ssyncadd.s32 $0xFFFFE700  }
.LBB2_8:
0x8b: {  	[tilespmem:s28], [sflag:$0x4] =	stream.indirect.gather [hbm4b:s5+s29], $0x40, s12, s29, $0xb8;
	[tilespmem:$0x1AEC0] =	vst v63  }
0x8c: {  	s12 =	smov.u32 s11  }
0x8d: {  	p2 =	sne.s32 s11, $0x13800;
	s11 =	sadd.s32 $0x680, s11;
	_ =	swait.ge [sflag:s1], $0x1900  }
0x8e: {  	s13 =	sshra.s32 s12, $0x2;
	[sflag:s1] =	ssyncset.done $0x0  }
0x8f: {  	s12 =	sadd.s32 $0x5140, s13;
	[sflag:s1] =	ssyncadd.s32 $0xFFFFE700  }
0x90: {  	[spmem:s2] =	stream.indirect.scatter.add.f32 [tilespmem:s30], [sflag:$0x5], $0x40, s12, s29, $0xb8;
	[tilespmem:$0x1AEC0] =	vst v63  }
0x91: {  	_ =	swait.ge [sflag:s26], $0x1900  }
0x92: {  	[sflag:s26] =	ssyncset.done $0x0  }
0x93: {  	s12 =	sadd.s32 $0x1A0, s13;
	[sflag:s26] =	ssyncadd.s32 $0xFFFFE700  }
0x94: {  	[tilespmem:s30], [sflag:$0x1] =	stream.indirect.gather [hbm4b:s5+s29], $0x40, s12, s29, $0xb8;
	[tilespmem:$0x1AEC0] =	vst v63  }
0x95: {  	_ =	swait.ge [sflag:s3], $0x1900  }
0x96: {  	[sflag:s3] =	ssyncset.done $0x0  }
0x97: {  	s12 =	sadd.s32 $0x51A8, s13;
	[sflag:s3] =	ssyncadd.s32 $0xFFFFE700  }
0x98: {  	[spmem:s2] =	stream.indirect.scatter.add.f32 [tilespmem:s0], [sflag:$0x5], $0x40, s12, s29, $0xb8;
	[tilespmem:$0x1AEC0] =	vst v63  }
0x99: {  	_ =	swait.ge [sflag:s26], $0x1900  }
0x9a: {  	[sflag:s26] =	ssyncset.done $0x0  }
0x9b: {  	s12 =	sadd.s32 $0x208, s13;
	[sflag:s26] =	ssyncadd.s32 $0xFFFFE700  }
0x9c: {  	[tilespmem:s0], [sflag:$0x2] =	stream.indirect.gather [hbm4b:s5+s29], $0x40, s12, s29, $0xb8;
	[tilespmem:$0x1AEC0] =	vst v63  }
0x9d: {  	_ =	swait.ge [sflag:s7], $0x1900  }
0x9e: {  	[sflag:s7] =	ssyncset.done $0x0  }
0x9f: {  	s12 =	sadd.s32 $0x5210, s13;
	[sflag:s7] =	ssyncadd.s32 $0xFFFFE700  }
0xa0: {  	[spmem:s2] =	stream.indirect.scatter.add.f32 [tilespmem:s31], [sflag:$0x5], $0x40, s12, s29, $0xb8;
	[tilespmem:$0x1AEC0] =	vst v63  }
0xa1: {  	_ =	swait.ge [sflag:s26], $0x1900  }
0xa2: {  	[sflag:s26] =	ssyncset.done $0x0  }
0xa3: {  	s12 =	sadd.s32 $0x270, s13;
	[sflag:s26] =	ssyncadd.s32 $0xFFFFE700  }
0xa4: {  	[tilespmem:s31], [sflag:$0x3] =	stream.indirect.gather [hbm4b:s5+s29], $0x40, s12, s29, $0xb8;
	[tilespmem:$0x1AEC0] =	vst v63  }
0xa5: {  	_ =	swait.ge [sflag:s8], $0x1900  }
0xa6: {  	[sflag:s8] =	ssyncset.done $0x0  }
.Ltmp2:
0xa7: {  	s12 =	sadd.s32 $0x5278, s13;
	[sflag:s8] =	ssyncadd.s32 $0xFFFFE700;
	(pc) =	sbr.rel @p2 .LBB2_8-.Ltmp2, $4  }
0xa8: {  	[spmem:s2] =	stream.indirect.scatter.add.f32 [tilespmem:s28], [sflag:$0x5], $0x40, s12, s29, $0xb8;
	[tilespmem:$0x1AEC0] =	vst v63  }
0xa9: {  	_ =	swait.ge [sflag:s26], $0x1900  }
0xaa: {  	[sflag:s26] =	ssyncset.done $0x0  }
0xab: {  	s12 =	sadd.s32 $0x2D8, s13;
	[sflag:s26] =	ssyncadd.s32 $0xFFFFE700  }
.Ltmp3:
0xac: {  	(pc) =	sbr.rel .LBB2_10-.Ltmp3, $2  }
0xad: {  	_ =	sdelay $0x2  }
0xae: {  	[tilespmem:s28], [sflag:$0x4] =	stream.indirect.gather [hbm4b:s5+s29], $0x40, s12, s29, $0xb8;
	[tilespmem:$0x1AEC0] =	vst v63  }
.LBB2_4:
0xaf: {  	[tilespmem:s30], [sflag:$0x1] =	stream.indirect.gather [hbm4b:s4+s29], $0x40, s11, s29, $0xb8;
	[tilespmem:$0x1AEC0] =	vst v63  }
0xb0: {  	s15 =	simm.s32 $0x68  }
0xb1: {  	[tilespmem:s0], [sflag:$0x2] =	stream.indirect.gather [hbm4b:s4+s29], $0x40, s15, s29, $0xb8;
	[tilespmem:$0x1AEC0] =	vst v63  }
0xb2: {  	s16 =	simm.s32 $0xD0  }
0xb3: {  	[tilespmem:s31], [sflag:$0x3] =	stream.indirect.gather [hbm4b:s4+s29], $0x40, s16, s29, $0xb8;
	[tilespmem:$0x1AEC0] =	vst v63  }
0xb4: {  	s12 =	simm.s32 $0x138  }
0xb5: {  	[tilespmem:s28], [sflag:$0x4] =	stream.indirect.gather [hbm4b:s4+s29], $0x40, s12, s29, $0xb8;
	[tilespmem:$0x1AEC0] =	vst v63  }
0xb6: {  	_ =	swait.ge [sflag:s1], $0x1900  }
0xb7: {  	[sflag:s1] =	ssyncset.done $0x0  }
0xb8: {  	s13 =	simm.s32 $0x5140;
	[sflag:s1] =	ssyncadd.s32 $0xFFFFE700  }
0xb9: {  	[spmem:s2] =	stream.indirect.scatter.add.f32 [tilespmem:s30], [sflag:$0x5], $0x40, s13, s29, $0xb8;
	[tilespmem:$0x1AEC0] =	vst v63  }
0xba: {  	_ =	swait.ge [sflag:s26], $0x1900  }
0xbb: {  	[sflag:s26] =	ssyncset.done $0x0  }
0xbc: {  	s15 =	simm.s32 $0x1A0;
	[sflag:s26] =	ssyncadd.s32 $0xFFFFE700  }
0xbd: {  	[tilespmem:s30], [sflag:$0x1] =	stream.indirect.gather [hbm4b:s4+s29], $0x40, s15, s29, $0xb8;
	[tilespmem:$0x1AEC0] =	vst v63  }
0xbe: {  	_ =	swait.ge [sflag:s3], $0x1900  }
0xbf: {  	[sflag:s3] =	ssyncset.done $0x0  }
0xc0: {  	s16 =	simm.s32 $0x51A8;
	[sflag:s3] =	ssyncadd.s32 $0xFFFFE700  }
0xc1: {  	[spmem:s2] =	stream.indirect.scatter.add.f32 [tilespmem:s0], [sflag:$0x5], $0x40, s16, s29, $0xb8;
	[tilespmem:$0x1AEC0] =	vst v63  }
0xc2: {  	_ =	swait.ge [sflag:s26], $0x1900  }
0xc3: {  	[sflag:s26] =	ssyncset.done $0x0  }
0xc4: {  	s12 =	simm.s32 $0x208;
	[sflag:s26] =	ssyncadd.s32 $0xFFFFE700  }
0xc5: {  	[tilespmem:s0], [sflag:$0x2] =	stream.indirect.gather [hbm4b:s4+s29], $0x40, s12, s29, $0xb8;
	[tilespmem:$0x1AEC0] =	vst v63  }
0xc6: {  	_ =	swait.ge [sflag:s7], $0x1900  }
0xc7: {  	[sflag:s7] =	ssyncset.done $0x0  }
0xc8: {  	s13 =	simm.s32 $0x5210;
	[sflag:s7] =	ssyncadd.s32 $0xFFFFE700  }
0xc9: {  	[spmem:s2] =	stream.indirect.scatter.add.f32 [tilespmem:s31], [sflag:$0x5], $0x40, s13, s29, $0xb8;
	[tilespmem:$0x1AEC0] =	vst v63  }
0xca: {  	_ =	swait.ge [sflag:s26], $0x1900  }
0xcb: {  	[sflag:s26] =	ssyncset.done $0x0  }
0xcc: {  	s15 =	simm.s32 $0x270;
	[sflag:s26] =	ssyncadd.s32 $0xFFFFE700  }
0xcd: {  	[tilespmem:s31], [sflag:$0x3] =	stream.indirect.gather [hbm4b:s4+s29], $0x40, s15, s29, $0xb8;
	[tilespmem:$0x1AEC0] =	vst v63  }
0xce: {  	_ =	swait.ge [sflag:s8], $0x1900  }
0xcf: {  	[sflag:s8] =	ssyncset.done $0x0  }
0xd0: {  	s16 =	simm.s32 $0x5278;
	[sflag:s8] =	ssyncadd.s32 $0xFFFFE700  }
0xd1: {  	[spmem:s2] =	stream.indirect.scatter.add.f32 [tilespmem:s28], [sflag:$0x5], $0x40, s16, s29, $0xb8;
	[tilespmem:$0x1AEC0] =	vst v63  }
0xd2: {  	_ =	swait.ge [sflag:s26], $0x1900  }
0xd3: {  	[sflag:s26] =	ssyncset.done $0x0  }
0xd4: {  	s11 =	simm.s32 $0x680;
	s12 =	simm.s32 $0x2D8;
	[sflag:s26] =	ssyncadd.s32 $0xFFFFE700  }
.LBB2_5:
0xd5: {  	[tilespmem:s28], [sflag:$0x4] =	stream.indirect.gather [hbm4b:s4+s29], $0x40, s12, s29, $0xb8;
	[tilespmem:$0x1AEC0] =	vst v63  }
0xd6: {  	s12 =	smov.u32 s11  }
0xd7: {  	p2 =	seq.s32 s11, $0x13800;
	s11 =	sadd.s32 $0x680, s11;
	_ =	swait.ge [sflag:s1], $0x1900  }
0xd8: {  	s13 =	sshra.s32 s12, $0x2;
	[sflag:s1] =	ssyncset.done $0x0  }
0xd9: {  	s12 =	sadd.s32 $0x5140, s13;
	[sflag:s1] =	ssyncadd.s32 $0xFFFFE700  }
0xda: {  	[spmem:s2] =	stream.indirect.scatter.add.f32 [tilespmem:s30], [sflag:$0x5], $0x40, s12, s29, $0xb8;
	[tilespmem:$0x1AEC0] =	vst v63  }
0xdb: {  	_ =	swait.ge [sflag:s26], $0x1900  }
0xdc: {  	[sflag:s26] =	ssyncset.done $0x0  }
0xdd: {  	s12 =	sadd.s32 $0x1A0, s13;
	[sflag:s26] =	ssyncadd.s32 $0xFFFFE700  }
0xde: {  	[tilespmem:s30], [sflag:$0x1] =	stream.indirect.gather [hbm4b:s4+s29], $0x40, s12, s29, $0xb8;
	[tilespmem:$0x1AEC0] =	vst v63  }
0xdf: {  	_ =	swait.ge [sflag:s3], $0x1900  }
0xe0: {  	[sflag:s3] =	ssyncset.done $0x0  }
0xe1: {  	s12 =	sadd.s32 $0x51A8, s13;
	[sflag:s3] =	ssyncadd.s32 $0xFFFFE700  }
0xe2: {  	[spmem:s2] =	stream.indirect.scatter.add.f32 [tilespmem:s0], [sflag:$0x5], $0x40, s12, s29, $0xb8;
	[tilespmem:$0x1AEC0] =	vst v63  }
0xe3: {  	_ =	swait.ge [sflag:s26], $0x1900  }
0xe4: {  	[sflag:s26] =	ssyncset.done $0x0  }
0xe5: {  	s12 =	sadd.s32 $0x208, s13;
	[sflag:s26] =	ssyncadd.s32 $0xFFFFE700  }
0xe6: {  	[tilespmem:s0], [sflag:$0x2] =	stream.indirect.gather [hbm4b:s4+s29], $0x40, s12, s29, $0xb8;
	[tilespmem:$0x1AEC0] =	vst v63  }
0xe7: {  	_ =	swait.ge [sflag:s7], $0x1900  }
0xe8: {  	[sflag:s7] =	ssyncset.done $0x0  }
0xe9: {  	s12 =	sadd.s32 $0x5210, s13;
	[sflag:s7] =	ssyncadd.s32 $0xFFFFE700  }
0xea: {  	[spmem:s2] =	stream.indirect.scatter.add.f32 [tilespmem:s31], [sflag:$0x5], $0x40, s12, s29, $0xb8;
	[tilespmem:$0x1AEC0] =	vst v63  }
0xeb: {  	_ =	swait.ge [sflag:s26], $0x1900  }
0xec: {  	[sflag:s26] =	ssyncset.done $0x0  }
0xed: {  	s12 =	sadd.s32 $0x270, s13;
	[sflag:s26] =	ssyncadd.s32 $0xFFFFE700  }
0xee: {  	[tilespmem:s31], [sflag:$0x3] =	stream.indirect.gather [hbm4b:s4+s29], $0x40, s12, s29, $0xb8;
	[tilespmem:$0x1AEC0] =	vst v63  }
0xef: {  	_ =	swait.ge [sflag:s8], $0x1900  }
0xf0: {  	[sflag:s8] =	ssyncset.done $0x0  }
.Ltmp4:
0xf1: {  	s12 =	sadd.s32 $0x5278, s13;
	[sflag:s8] =	ssyncadd.s32 $0xFFFFE700;
	(pc) =	sbr.rel @!p2 .LBB2_5-.Ltmp4, $4  }
0xf2: {  	[spmem:s2] =	stream.indirect.scatter.add.f32 [tilespmem:s28], [sflag:$0x5], $0x40, s12, s29, $0xb8;
	[tilespmem:$0x1AEC0] =	vst v63  }
0xf3: {  	_ =	swait.ge [sflag:s26], $0x1900  }
0xf4: {  	[sflag:s26] =	ssyncset.done $0x0  }
0xf5: {  	s12 =	sadd.s32 $0x2D8, s13;
	[sflag:s26] =	ssyncadd.s32 $0xFFFFE700  }
0xf6: {  	[tilespmem:s28], [sflag:$0x4] =	stream.indirect.gather [hbm4b:s4+s29], $0x40, s12, s29, $0xb8;
	[tilespmem:$0x1AEC0] =	vst v63  }
.LBB2_10:
0xf7: {  	_ =	swait.ge [sflag:s1], $0x1900  }
0xf8: {  	[sflag:s1] =	ssyncset.done $0x0  }
0xf9: {  	s11 =	simm.s32 $0xA0E0;
	[sflag:s1] =	ssyncadd.s32 $0xFFFFE700  }
0xfa: {  	[spmem:s2] =	stream.indirect.scatter.add.f32 [tilespmem:s30], [sflag:$0x5], $0x40, s11, s29, $0xb8;
	[tilespmem:$0x1AEC0] =	vst v63  }
0xfb: {  	_ =	swait.ge [sflag:s26], $0x1900  }
0xfc: {  	[sflag:s26] =	ssyncset.done $0x0  }
0xfd: {  	[sflag:s26] =	ssyncadd.s32 $0xFFFFE700  }
0xfe: {  	_ =	swait.ge [sflag:s3], $0x1900  }
0xff: {  	[sflag:s3] =	ssyncset.done $0x0  }
0x100: {  	s12 =	simm.s32 $0xA148;
	[sflag:s3] =	ssyncadd.s32 $0xFFFFE700  }
0x101: {  	[spmem:s2] =	stream.indirect.scatter.add.f32 [tilespmem:s0], [sflag:$0x5], $0x40, s12, s29, $0xb8;
	[tilespmem:$0x1AEC0] =	vst v63  }
0x102: {  	_ =	swait.ge [sflag:s26], $0x1900  }
0x103: {  	[sflag:s26] =	ssyncset.done $0x0  }
0x104: {  	[sflag:s26] =	ssyncadd.s32 $0xFFFFE700  }
0x105: {  	_ =	swait.ge [sflag:s7], $0x1900  }
0x106: {  	[sflag:s7] =	ssyncset.done $0x0  }
0x107: {  	s13 =	simm.s32 $0xA1B0;
	[sflag:s7] =	ssyncadd.s32 $0xFFFFE700  }
0x108: {  	[spmem:s2] =	stream.indirect.scatter.add.f32 [tilespmem:s31], [sflag:$0x5], $0x40, s13, s29, $0xb8;
	[tilespmem:$0x1AEC0] =	vst v63  }
0x109: {  	_ =	swait.ge [sflag:s26], $0x1900  }
0x10a: {  	[sflag:s26] =	ssyncset.done $0x0  }
0x10b: {  	[sflag:s26] =	ssyncadd.s32 $0xFFFFE700  }
0x10c: {  	_ =	swait.ge [sflag:s8], $0x1900  }
0x10d: {  	[sflag:s8] =	ssyncset.done $0x0  }
0x10e: {  	s15 =	simm.s32 $0xA218;
	[sflag:s8] =	ssyncadd.s32 $0xFFFFE700  }
0x10f: {  	[spmem:s2] =	stream.indirect.scatter.add.f32 [tilespmem:s28], [sflag:$0x5], $0x40, s15, s29, $0xb8;
	[tilespmem:$0x1AEC0] =	vst v63  }
0x110: {  	s16 =	stileid.u32;
	_ =	swait.ge [sflag:s26], $0x1900  }
0x111: {  	s11 =	sshll.u32 s16, $0x6;
	[sflag:s26] =	ssyncset.done $0x0  }
0x112: {  	s11 =	sor.u32 $0x1C05, s11;
	[sflag:s26] =	ssyncadd.s32 $0xFFFFE700  }
0x113: {  	s12 =	sadd.s32 $0x0, s24;
	s13 =	sshrl.u32 s9, $0x3;
	[bflag:$0x0] =	sbarrier.arrive $0xFFFF  }
0x114: {  	[hbm:s12], [sflag:s11] =	dma.local [spmem:s13], $0x180  }
0x115: {  	s13 =	simm.s32 $0x180;
	s12 =	smov.u32 s14;
	_ =	swait.ge [sflag:s26], $0x180  }
.LBB2_11:
0x116: {  	s15 =	sadd.s32 s13, s24;
	[sflag:s26] =	ssyncset.done $0x0;
	p2 =	sne.s32 s13, $0x1200  }
.Ltmp5:
0x117: {  	s16 =	sshrl.u32 s12, $0x3;
	[sflag:s26] =	ssyncadd.s32 $0xFFFFFE80;
	(pc) =	sbr.rel @p2 .LBB2_11-.Ltmp5, $3  }
0x118: {  	[hbm:s15], [sflag:s11] =	dma.local [spmem:s16], $0x180  }
0x119: {  	s13 =	sadd.s32 $0x180, s13;
	_ =	sdelay $0x1  }
0x11a: {  	s12 =	sadd.s32 $0xC00, s12;
	_ =	swait.ge [sflag:s26], $0x180  }
0x11b: {  	[sflag:s26] =	ssyncset.done $0x0;
	s11 =	sshrl.u32 @!p1 s6, $0x3  }
0x11c: {  	s12 =	simm.s32 @!p1 $0x1FC5;
	s13 =	rddreg [dreg:$0x5];
	[sflag:s26] =	ssyncadd.s32 $0xFFFFFE80  }
0x11d: {  	[hbm:s13], [sflag:s12] =	dma.local @!p1 [spmem:s11], $0x80  }
0x11e: {  	s11 =	simm.s32 @!p1 $0x5  }
0x11f: {  	_ =	swait.ge @!p1 [sflag:s11], $0x80  }
0x120: {  	s10 =	sadd.s32 $0x1, s10;
	s16 =	rddreg [dreg:$0x6]  }
0x121: {  	p2 =	sne.s32 s10, s16  }
.Ltmp6:
0x122: {  	_ = 	snop;
	(pc) =	sbr.rel @p2 .LBB2_1-.Ltmp6, $3  }
0x123: {  	_ =	sdelay $0x1  }
0x124: {  	[sflag:s11] =	ssyncset.done @!p1 $0x0  }
0x125: {  	[sflag:s11] =	ssyncadd.s32 @!p1 $0xFFFFFF80  }
0x126: {  	_ =	sfence.sel $0x180000  }
0x127: {  	[bflag:$0x0] =	sbarrier.arrive $0xFFFF  }
0x128: {  	_ =	strace $0x9000004A  }
0x129: {  	s0 =	stileid.u32;
	[bflag:$0x2] =	sbarrier.arrive $0xFFFF  }
0x12a: {  	p0 =	sne.s32 s0, $0x0;
	s0 =	rddreg [dreg:$0x2]  }
0x12b: {  	s0 =	sadd.s32 @!p0 $0x100000, s0  }
0x12c: {  	[sflag:s0] =	ssyncadd.tile.s32 @!p0 $0x1;
	_ =	shalt  }
.Lfunc_end2:
_tile_overlayer_lowered:
.L_overlay_start_2:
0x12d: {  	(tag) =	ssettag $0x2  }
0x12e: {  	s0 =	rddreg [dreg:$0x0];
	s2 =	stileid.u32  }
0x12f: {  	s1 =	rddreg [dreg:$0x1];
	p0 =	sne.s32 s2, $0x0  }
0x130: {  	s3 =	rddreg [dreg:$0x2];
	[bflag:$0x3] =	sbarrier.arrive $0xFFFF;
	s2 =	simm.s32 @!p0 $0x1C05  }
0x131: {  	[timem:s3], [sflag:s2] =	dma.local @!p0 [hbm:s0], s1  }
0x132: {  	s0 =	simm.s32 @!p0 $0x5  }
0x133: {  	_ =	swait.ge @!p0 [sflag:s0], s1  }
0x134: {  	s1 =	ssub.s32 @!p0 $0x0, s1;
	[sflag:s0] =	ssyncset.done @!p0 $0x0  }
0x135: {  	[sflag:s0] =	ssyncadd.s32 @!p0 s1  }
0x136: {  	[bflag:$0x3] =	sbarrier.arrive $0xFFFF  }
0x137: {  	_ =	shalt  }

// kernel: kernel.7.cloned.1.call-start
scs
__scs_entry_jumppad:
0x0: {  	(pc) =	sbr.rel $0x88, $3  }
0x1: {  	(tag) =	ssettag $0x0;
	lr =	simm.s32 $0x1  }
0x2: {  	[smem:$0x3F95] =	sst lr;
	_ =	strace $0xD0000000  }
0x3: {  	_ = 	snop  }
0x4: {  	_ = 	snop  }
0x5: {  	_ = 	snop  }
0x6: {  	_ = 	snop  }
0x7: {  	_ = 	snop  }
__scs_overlays_trampoline_lowered:
0x8: {  	[smem:$0x3FA4] =	sst s0  }
0x9: {  	[smem:$0x3FA5] =	sst s1  }
0xa: {  	[smem:$0x3FA6] =	sst s2  }
0xb: {  	[smem:$0x3FA7] =	sst s3  }
0xc: {  	[smem:$0x3FA8] =	sst s4  }
0xd: {  	[smem:$0x3FA9] =	sst s5  }
0xe: {  	[smem:$0x3FAA] =	sst s6  }
0xf: {  	[smem:$0x3FAB] =	sst s7  }
0x10: {  	[smem:$0x3FAC] =	sst s8  }
0x11: {  	[smem:$0x3FAD] =	sst s9;
	s0 =	simm.s32 @!p0 $0x0  }
0x12: {  	s1 =	sld [smem:$0x3F93];
	s0 =	simm.s32 @p0 $0x1  }
0x13: {  	[smem:$0x3FAE] =	sst s0;
	s0 =	simm.s32 @!p1 $0x0  }
0x14: {  	s2 =	sld [smem:$0x3F92];
	s0 =	simm.s32 @p1 $0x1  }
0x15: {  	[smem:$0x3FAF] =	sst s0;
	s0 =	simm.s32 @!p2 $0x0  }
0x16: {  	s3 =	sld [smem:$0x3FDB];
	s0 =	simm.s32 @p2 $0x1  }
0x17: {  	s4 =	simm.s32 $0x1BF5;
	[smem:$0x3FB1] =	sst s0  }
0x18: {  	s0 =	sld [smem:$0x3F94];
	_ =	swait.ge [sflag:s4], $0x0  }
0x19: {  	s7 =	sld [smem:$0x3F95]  }
0x1a: {  	s8 =	sadd.s32 $0xFFFFE003, lr  }
0x1b: {  	s9 =	sadd.s32 $0xFFFFFEF7, lr;
	s5 =	simm.s32 $0xFFFFFFFF;
	p2 =	slt.u32 s8, $0xFFFFF086  }
0x1c: {  	p1 =	slt.u32 s9, $0xF7A;
	s5 =	simm.s32 @!p2 $0x0  }
0x1d: {  	s5 =	simm.s32 @p1 $0x1;
	p0 =	seq.s32 s7, s2  }
0x1e: {  	s7 =	smul.u32 @!p0 $0xF7A, s2;
	p2 =	seq.s32 @!p0 s5, $0x0  }
0x1f: {  	s9 =	smul.u32 $0xF7A, s1;
	s8 =	simm.s32 @!p0 $0x1BF5;
	p2 =	por !p2, p0  }
0x20: {  	[sflag:s8] =	ssyncset.s32 @!p0 $0xFFFFF086;
	s6 =	sadd.s32 @!p0 s3, s7;
	s7 =	simm.s32 @!p0 $0x108  }
0x21: {  	s3 =	sadd.s32 s3, s9;
	s6 =	sadd.s32 @!p0 $0x88, s6;
	s7 =	simm.s32 @p2 $0x1082  }
0x22: {  	[simem:s7], [sflag:s8] =	dma.local @!p0 [hbm:s6], $0xF7A  }
0x23: {  	s9 =	sor.u32 $0xD0000000, s2;
	s6 =	simm.s32 $0x108;
	_ =	swait.ge @!p0 [sflag:s8], $0x0  }
0x24: {  	s3 =	sadd.s32 $0x88, s3;
	s6 =	simm.s32 @!p1 $0x1082;
	[sflag:s4] =	ssyncset.s32 $0xFFFFF086  }
0x25: {  	[simem:s6], [sflag:s4] =	dma.local [hbm:s3], $0xF7A  }
0x26: {  	[smem:$0x3F95] =	sst s1;
	(tag) =	ssettag s2;
	_ =	strace s9  }
0x27: {  	s1 =	sld [smem:$0x3FA5]  }
0x28: {  	s2 =	sld [smem:$0x3FA6]  }
0x29: {  	s4 =	sld [smem:$0x3FA8]  }
0x2a: {  	p0 =	seq.s32 s5, $0x0;
	s5 =	sld [smem:$0x3FA9]  }
0x2b: {  	s6 =	sld [smem:$0x3FAA]  }
0x2c: {  	s7 =	sld [smem:$0x3FAB]  }
0x2d: {  	s3 =	simm.s32 $0x108;
	s8 =	sld [smem:$0x3FAC]  }
0x2e: {  	s3 =	simm.s32 @!p0 $0x1082;
	s9 =	sld [smem:$0x3FAD]  }
0x2f: {  	lr =	sadd.s32 s0, s3;
	s0 =	sld [smem:$0x3FA4]  }
0x30: {  	s3 =	sld [smem:$0x3FA7]  }
0x31: {  	[smem:$0x3FB0] =	sst s10  }
0x32: {  	s10 =	sld [smem:$0x3FAE];
	_ =	sdelay $0x3  }
0x33: {  	p0 =	seq.s32 s10, $0x1;
	s10 =	sld [smem:$0x3FB0];
	_ =	sdelay $0x3  }
0x34: {  	[smem:$0x3FB0] =	sst s10  }
0x35: {  	s10 =	sld [smem:$0x3FAF];
	_ =	sdelay $0x3  }
0x36: {  	p1 =	seq.s32 s10, $0x1;
	s10 =	sld [smem:$0x3FB0];
	_ =	sdelay $0x3  }
0x37: {  	[smem:$0x3FB0] =	sst s10  }
0x38: {  	s10 =	sld [smem:$0x3FB1]  }
0x39: {  	_ = 	snop;
	(pc) =	sbr.ind lr, $3  }
0x3a: {  	_ = 	snop  }
0x3b: {  	_ = 	snop  }
0x3c: {  	p2 =	seq.s32 s10, $0x1;
	s10 =	sld [smem:$0x3FB0]  }
0x3d: {  	_ =	shalt  }
0x3e: {  	_ =	shalt  }
0x3f: {  	_ =	shalt  }
0x40: {  	_ =	shalt  }
0x41: {  	_ =	shalt  }
0x42: {  	_ =	shalt  }
0x43: {  	_ =	shalt  }
0x44: {  	_ =	shalt  }
0x45: {  	_ =	shalt  }
0x46: {  	_ =	shalt  }
0x47: {  	_ =	shalt  }
0x48: {  	_ =	shalt  }
0x49: {  	_ =	shalt  }
0x4a: {  	_ =	shalt  }
0x4b: {  	_ =	shalt  }
0x4c: {  	_ =	shalt  }
0x4d: {  	_ =	shalt  }
0x4e: {  	_ =	shalt  }
0x4f: {  	_ =	shalt  }
0x50: {  	_ =	shalt  }
0x51: {  	_ =	shalt  }
0x52: {  	_ =	shalt  }
0x53: {  	_ =	shalt  }
0x54: {  	_ =	shalt  }
0x55: {  	_ =	shalt  }
0x56: {  	_ =	shalt  }
0x57: {  	_ =	shalt  }
0x58: {  	_ =	shalt  }
0x59: {  	_ =	shalt  }
0x5a: {  	_ =	shalt  }
0x5b: {  	_ =	shalt  }
0x5c: {  	_ =	shalt  }
0x5d: {  	_ =	shalt  }
0x5e: {  	_ =	shalt  }
0x5f: {  	_ =	shalt  }
0x60: {  	_ =	shalt  }
0x61: {  	_ =	shalt  }
0x62: {  	_ =	shalt  }
0x63: {  	_ =	shalt  }
0x64: {  	_ =	shalt  }
0x65: {  	_ =	shalt  }
0x66: {  	_ =	shalt  }
0x67: {  	_ =	shalt  }
0x68: {  	_ =	shalt  }
0x69: {  	_ =	shalt  }
0x6a: {  	_ =	shalt  }
0x6b: {  	_ =	shalt  }
0x6c: {  	_ =	shalt  }
0x6d: {  	_ =	shalt  }
0x6e: {  	_ =	shalt  }
0x6f: {  	_ =	shalt  }
0x70: {  	_ =	shalt  }
0x71: {  	_ =	shalt  }
0x72: {  	_ =	shalt  }
0x73: {  	_ =	shalt  }
0x74: {  	_ =	shalt  }
0x75: {  	_ =	shalt  }
0x76: {  	_ =	shalt  }
0x77: {  	_ =	shalt  }
0x78: {  	_ =	shalt  }
0x79: {  	_ =	shalt  }
0x7a: {  	_ =	shalt  }
0x7b: {  	_ =	shalt  }
0x7c: {  	_ =	shalt  }
0x7d: {  	_ =	shalt  }
0x7e: {  	_ =	shalt  }
0x7f: {  	_ =	shalt  }
0x80: {  	_ =	shalt  }
0x81: {  	_ =	shalt  }
0x82: {  	_ =	shalt  }
0x83: {  	_ =	shalt  }
0x84: {  	_ =	shalt  }
0x85: {  	_ =	shalt  }
0x86: {  	_ =	shalt  }
0x87: {  	_ =	shalt  }
.Lfunc_end0:
.L_simem_size_0:
called_computation_lowered:
.L_overlay_start_0:
0x88: {  	s2 =	sld [smem:$0x3FD9]  }
0x89: {  	s3 =	sld [smem:$0x3FFE];
	_ =	sdelay $0x1  }
0x8a: {  	s1 =	srdreg.scid  }
0x8b: {  	s0 =	sand.u32 $0x1, s1  }
0x8c: {  	s16 =	sshll.u32 s0, $0xA;
	s2 =	sadd.s32 s3, s2  }
0x8d: {  	s2 =	sadd.s32 s2, s16  }
0x8e: {  	[smem:$0x3FBC] =	sst s2  }
0x8f: {  	_ = 	snop  }
0x90: {  	(tm) =	ssettm $0x1  }
0x91: {  	s17 =	sld [smem:$0x3FFB];
	_ =	sdelay $0x3  }
0x92: {  	_ =	strace s17  }
0x93: {  	s2 =	sld [smem:$0x3FFC];
	_ =	sdelay $0x3  }
0x94: {  	_ =	strace s2  }
0x95: {  	s2 =	sld [smem:$0x3FFD];
	_ =	sdelay $0x3  }
0x96: {  	_ =	strace s2  }
0x97: {  	_ =	strace $0x8FFFFFFF  }
0x98: {  	s18 =	sld [smem:$0x3FDB];
	_ =	sdelay $0x1  }
0x99: {  	s19 =	simm.s32 $_scs_section_size  }
0x9a: {  	s4 =	simm.s32 $_size__tile_overlayer_lowered;
	s5 =	simm.s32 $_tile_overlayer_lowered  }
0x9b: {  	s22 =	simm.s32 $0x1BFF;
	s21 =	sshll.u32 s5, $0x1;
	s2 =	sadd.s32 s19, s18  }
0x9c: {  	s6 =	simm.s32 $0x0;
	s20 =	sshll.u32 s4, $0x1;
	s4 =	sadd.s32 s21, s2  }
0x9d: {  	[timem:s6], [sflag:s22] =	dma.local [hbm:s4], s20  }
0x9e: {  	_ =	swait.ge [sflag:s22], s20  }
0x9f: {  	s3 =	ssub.s32 $0x0, s20;
	[sflag:s22] =	ssyncset.done $0x0  }
0xa0: {  	[sflag:s22] =	ssyncadd.s32 s3;
	_ =	sdelay $0x1  }
0xa1: {  	s23 =	simm.s32 $0x1B8B  }
0xa2: {  	_ =	swait.ge [sflag:s23], $0x1  }
0xa3: {  	[sflag:s23] =	ssyncset.done $0x0  }
0xa4: {  	s25 =	simm.s32 $0x1B8E;
	s24 =	sld [smem:$0x3FFE];
	[sflag:s23] =	ssyncadd.s32 $0xFFFFFFFF  }
0xa5: {  	s26 =	simm.s32 $execute0_lowered;
	[smem:$0x3FD2] =	sst s25  }
0xa6: {  	s4 =	sshll.u32 s26, $0x1;
	_ =	strace $0x80000046;
	[dreg:$0x1] =	wrdreg $0xFFFFFFFF  }
0xa7: {  	s28 =	simm.s32 $_size_execute0_lowered;
	s2 =	sadd.s32 s2, s4;
	[dreg:$0x0] =	wrdreg $0x0  }
0xa8: {  	s4 =	sshll.u32 s28, $0x1;
	[dreg:$0x2] =	wrdreg s2  }
0xa9: {  	[dreg:$0x3] =	wrdreg s4  }
0xaa: {  	[dreg:$0x4] =	wrdreg $0xC0  }
0xab: {  	_ =	task [dreg:s6], $0x5FFFF  }
0xac: {  	[dreg:$0x1] =	wrdreg $0xFFFFFFFF  }
0xad: {  	[dreg:$0x0] =	wrdreg $0x60  }
0xae: {  	[dreg:$0x2] =	wrdreg s24  }
0xaf: {  	[dreg:$0x3] =	wrdreg $0x112800  }
0xb0: {  	[dreg:$0x4] =	wrdreg $0x1B8000  }
0xb1: {  	[dreg:$0x5] =	wrdreg $0x9  }
0xb2: {  	_ =	task.clear_ibuf [dreg:s6], $0x6FFFF;
	_ =	strace $0x90000046  }
0xb3: {  	s29 =	simm.s32 $0x9;
	_ =	strace $0x80000048  }
0xb4: {  	_ =	swait.ge [sflag:s29], $0x1  }
0xb5: {  	[sflag:s29] =	ssyncadd.s32 $0xFFFFFFFF  }
0xb6: {  	_ =	strace $0x90000048  }
0xb7: {  	_ =	sfence  }
0xb8: {  	s30 =	sld [smem:$0x0];
	_ =	sdelay $0x2  }
0xb9: {  	s31 =	sshll.u32 s1, $0xD;
	s1 =	sshrl.u32 s1, $0x2  }
0xba: {  	s3 =	sand.u32 $0x4000, s31;
	s1 =	sadd.s32 s1, s30  }
0xbb: {  	s0 =	sor.u32 s3, s0;
	s1 =	sshll.u32 s1, $0x11  }
0xbc: {  	s0 =	sor.u32 s1, s0  }
0xbd: {  	s0 =	sadd.s32 $0x8F2B, s0  }
0xbe: {  	[sflag:s0] =	ssyncadd.remote.s32 $0x1  }
0xbf: {  	_ =	sfence.sel $0xFFFF  }
0xc0: {  	[dreg:$0x0] =	wrdreg $0xFFFFFFFF;
	(pc) =	sbr.abs _section_cstart, $3  }
0xc1: {  	[dreg:$0x1] =	wrdreg $0xFFFFFFFF  }
0xc2: {  	_ =	task.clear_ibuf [dreg:s6], $0x2FFFF;
	_ =	strace $0x9FFFFFFF  }
0xc3: {  	(tm) =	ssettm $0x7FFFFFFF  }
tec
execute0_lowered:
.L_overlay_start_1:
0x0: {  	(tag) =	ssettag $0x1  }
0x1: {  	s0 =	rddreg [dreg:$0x0]  }
0x2: {  	s2 =	rddreg [dreg:$0x1]  }
0x3: {  	s3 =	rddreg [dreg:$0x2];
	s4 =	simm.s32 $0x0  }
0x4: {  	s17 =	stileid.u32;
	s1 =	srdreg.scid;
	s28 =	simm.s32 $0xBB80  }
0x5: {  	s30 =	simm.s32 $0xD480;
	s29 =	simm.s32 $0x3;
	s31 =	simm.s32 $0x4  }
0x6: {  	[smem:$0x7FF] =	sst s4;
	s24 =	smul.u32 $0xA28, s17;
	s1 =	sand.u32 $0x1, s1  }
0x7: {  	s5 =	sadd.s32 $0x16E00, s0;
	s6 =	sadd.s32 $0x3400, s0;
	s20 =	smul.u32 $0x9C00, s17  }
0x8: {  	s9 =	sadd.s32 $0x48E00, s0;
	s19 =	sadd.s32 $0x9C000, s2;
	s13 =	smul.u32 $0x27000, s17  }
0x9: {  	s25 =	sadd.s32 $0x27000, s3;
	s15 =	smul.u32 $0x2700, s17;
	p1 =	sne.s32 s17, $0xF  }
0xa: {  	_ =	strace $0x80000047;
	s7 =	ssub.s32 $0x2, s1;
	s26 =	smul.u32 $0x9C400, s1  }
0xb: {  	[dreg:$0x5] =	wrdreg s25;
	s11 =	smul.u32 $0x64, s1;
	p0 =	seq.s32 s1, $0x1  }
0xc: {  	s1 =	smul.u32 $0x27100, s1;
	[dreg:$0x4] =	wrdreg s19;
	s4 =	sadd.s32 s24, s0  }
0xd: {  	s8 =	sshrl.u32 s7, $0x1;
	s0 =	sadd.s32 $0x3F000, s0;
	s14 =	sshrl.u32 s20, $0x2  }
0xe: {  	s23 =	sshrl.u32 s13, $0x2;
	s7 =	ssub.s32 s7, s8;
	s10 =	sadd.s32 $0x34C00, s4  }
0xf: {  	s4 =	sadd.s32 $0x2A800, s4;
	s18 =	sshrl.u32 s26, $0x3;
	s12 =	sadd.s32 $0x64, s11  }
0x10: {  	s21 =	sshrl.u32 s1, $0x3;
	s16 =	sadd.s32 s14, s3;
	s1 =	sadd.s32 s15, s1  }
0x11: {  	s24 =	sadd.s32 s20, s26;
	s20 =	simm.s32 $0x10680;
	[dreg:$0x6] =	wrdreg s10  }
0x12: {  	[dreg:$0x7] =	wrdreg s4;
	s4 =	sadd.s32 s9, s18;
	s22 =	smax.u32 s7, $0x1  }
0x13: {  	s1 =	sshrl.u32 s1, $0x3;
	s25 =	sshrl.u32 s24, $0x3;
	s24 =	simm.s32 $0x64  }
0x14: {  	s7 =	simm.s32 $0x0;
	s4 =	sadd.s32 $0x13800, s4;
	[dreg:$0xa] =	wrdreg s22  }
0x15: {  	s18 =	sadd.s32 s1, s0;
	s26 =	sadd.s32 s25, s9;
	s22 =	simm.s32 $0x1B500  }
0x16: {  	s25 =	simm.s32 $0xA280;
	[dreg:$0x8] =	wrdreg s4;
	s4 =	sadd.s32 s0, s21  }
0x17: {  	[dreg:$0xc] =	wrdreg s26;
	s21 =	simm.s32 $0x5;
	s4 =	sadd.s32 $0x4E00, s4  }
0x18: {  	s0 =	simm.s32 $0xED80;
	[dreg:$0x9] =	wrdreg s4;
	s4 =	sadd.s32 s23, s2  }
0x19: {  	v0 =	vimm.f32 $0.0e+00;
	v1 =	vimm.f32 $1.000000000e+00;
	s26 =	simm.s32 $0x2;
	s23 =	simm.s32 $0x1;
	[dreg:$0xb] =	wrdreg s4  }
.LBB2_1:
0x1a: {  	[dreg:$0xd] =	wrdreg s7;
	s7 =	simm.s32 $0x100;
	s4 =	simm.s32 $0x0  }
.LBB2_2:
0x1b: {  	p2 =	sne.s32 s7, $0x2F00;
	[tilespmem:s4+$0x106B0] =	vst v0;
	s8 =	smov.u32 s7;
	s7 =	sadd.s32 $0x100, s7  }
.Ltmp0:
0x1c: {  	[tilespmem:s4+$0x106A0] =	vst v0;
	(pc) =	sbr.rel @p2 .LBB2_2-.Ltmp0, $3  }
0x1d: {  	[tilespmem:s4+$0x10680] =	vst v0  }
0x1e: {  	[tilespmem:s4+$0x10690] =	vst v0;
	_ =	sdelay $0x1  }
0x1f: {  	s4 =	sshra.s32 s8, $0x2  }
0x20: {  	[tilespmem:s4+$0x106B0] =	vst v0  }
0x21: {  	[tilespmem:s4+$0x106A0] =	vst v0  }
0x22: {  	[tilespmem:s4+$0x10680] =	vst v0  }
0x23: {  	[tilespmem:s4+$0x10690] =	vst v0  }
0x24: {  	[tilespmem:$0x1B500] =	vst v0  }
0x25: {  	[tilespmem:$0x1B510] =	vst v0  }
0x26: {  	[tilespmem:$0x1B520] =	vst v0  }
0x27: {  	[tilespmem:$0x1B530] =	vst v0  }
0x28: {  	[tilespmem:$0x1B540] =	vst v0  }
0x29: {  	[tilespmem:$0x1B550] =	vst v0  }
0x2a: {  	[tilespmem:$0x1B560] =	vst v0  }
0x2b: {  	[tilespmem:$0x1B570] =	vst v0  }
0x2c: {  	[tilespmem:$0x1B580] =	vst v0  }
0x2d: {  	[tilespmem:$0x1B590] =	vst v0  }
0x2e: {  	[tilespmem:$0x1B5A0] =	vst v0  }
0x2f: {  	[tilespmem:$0x1B5B0] =	vst v0  }
0x30: {  	[tilespmem:$0x1B5C0] =	vst v0  }
0x31: {  	[tilespmem:$0x1B5D0] =	vst v0  }
0x32: {  	[tilespmem:$0x1B5E0] =	vst v0  }
0x33: {  	[tilespmem:$0x1B5F0] =	vst v0  }
0x34: {  	[tilespmem:$0x1B600] =	vst v0  }
0x35: {  	[tilespmem:$0x1B610] =	vst v0  }
0x36: {  	[tilespmem:$0x1B620] =	vst v0  }
0x37: {  	[tilespmem:$0x1B630] =	vst v0  }
0x38: {  	[tilespmem:$0x1B640] =	vst v0  }
0x39: {  	[tilespmem:$0x1B650] =	vst v0  }
0x3a: {  	[tilespmem:$0x1B660] =	vst v0  }
0x3b: {  	[tilespmem:$0x1B670] =	vst v0  }
0x3c: {  	[tilespmem:$0x1B680] =	vst v0  }
0x3d: {  	[tilespmem:$0x1B690] =	vst v0  }
0x3e: {  	[tilespmem:$0x1B6A0] =	vst v0  }
0x3f: {  	[tilespmem:$0x1B6B0] =	vst v0  }
0x40: {  	[tilespmem:$0x1B6C0] =	vst v0  }
0x41: {  	[tilespmem:$0x1B6D0] =	vst v0  }
0x42: {  	[tilespmem:$0x1B6E0] =	vst v0  }
0x43: {  	[tilespmem:$0x1B6F0] =	vst v0  }
0x44: {  	[tilespmem:$0x1B700] =	vst v0  }
0x45: {  	[tilespmem:$0x1B710] =	vst v0  }
0x46: {  	[tilespmem:$0x1B720] =	vst v0  }
0x47: {  	[tilespmem:$0x1B730] =	vst v0  }
0x48: {  	[tilespmem:$0x1B740] =	vst v0  }
0x49: {  	[tilespmem:$0x1B750] =	vst v0  }
0x4a: {  	[tilespmem:$0x1B760] =	vst v0  }
0x4b: {  	[tilespmem:$0x1B770] =	vst v0  }
0x4c: {  	[tilespmem:$0x1B780] =	vst v0  }
0x4d: {  	[tilespmem:$0x1B790] =	vst v0  }
0x4e: {  	[tilespmem:$0x1B7A0] =	vst v0  }
0x4f: {  	[tilespmem:$0x1B7B0] =	vst v0  }
0x50: {  	[tilespmem:$0x1B7C0] =	vst v0  }
0x51: {  	[tilespmem:$0x1B7D0] =	vst v0  }
0x52: {  	[tilespmem:$0x1B7E0] =	vst v0  }
0x53: {  	s4 =	simm.s32 $0x40;
	s7 =	simm.s32 $0x0;
	[tilespmem:$0x1B7F0] =	vst v0  }
.LBB2_4:
0x54: {  	p2 =	sne.s32 s4, $0x18C0;
	[tilespmem:s7+$0x1AEC0] =	vst v1;
	s7 =	smov.u32 s4;
	s4 =	sadd.s32 $0x40, s4  }
.Ltmp1:
0x55: {  	(pc) =	sbr.rel @p2 .LBB2_4-.Ltmp1, $2  }
0x56: {  	_ =	sdelay $0x2  }
0x57: {  	s7 =	sshra.s32 s7, $0x2  }
0x58: {  	[tilespmem:s7+$0x1AEC0] =	vst v1;
	s7 =	rddreg [dreg:$0xb]  }
0x59: {  	[spmem:s7] =	stream.linear.scatter [tilespmem:s20], [sflag:$0x5], $0xC00, $0x38;
	[tilespmem:$0x1DF10] =	vst v63  }
0x5a: {  	_ =	swait.ge [sflag:s21], $0xC00  }
0x5b: {  	[sflag:s21] =	ssyncset.done $0x0  }
0x5c: {  	s4 =	sadd.s32 $0x0, s16;
	[sflag:s21] =	ssyncadd.s32 $0xFFFFF400  }
0x5d: {  	[spmem:s4] =	stream.linear.scatter [tilespmem:s22], [sflag:$0x5], $0x300, $0x38;
	[tilespmem:$0x1DF10] =	vst v63  }
0x5e: {  	_ =	swait.ge [sflag:s21], $0x300  }
0x5f: {  	s4 =	simm.s32 $0xC00;
	[sflag:s21] =	ssyncset.done $0x0  }
.LBB2_6:
0x60: {  	p2 =	sne.s32 s4, $0x9000;
	[sflag:s21] =	ssyncadd.s32 $0xFFFFFD00;
	s7 =	sadd.s32 $0xC00, s7  }
0x61: {  	[spmem:s7] =	stream.linear.scatter [tilespmem:s20], [sflag:$0x5], $0xC00, $0x38;
	[tilespmem:$0x1DF10] =	vst v63  }
0x62: {  	s8 =	smov.u32 s4;
	s4 =	sadd.s32 $0xC00, s4;
	_ =	swait.ge [sflag:s21], $0xC00  }
.Ltmp2:
0x63: {  	s8 =	sshra.s32 s8, $0x2;
	[sflag:s21] =	ssyncset.done $0x0;
	(pc) =	sbr.rel @p2 .LBB2_6-.Ltmp2, $4  }
0x64: {  	s8 =	sadd.s32 s8, s16;
	[sflag:s21] =	ssyncadd.s32 $0xFFFFF400  }
0x65: {  	[spmem:s8] =	stream.linear.scatter [tilespmem:s22], [sflag:$0x5], $0x300, $0x38;
	[tilespmem:$0x1DF10] =	vst v63  }
0x66: {  	_ =	swait.ge [sflag:s21], $0x300  }
0x67: {  	[sflag:s21] =	ssyncset.done $0x0  }
0x68: {  	[sflag:s21] =	ssyncadd.s32 $0xFFFFFD00;
	s4 =	simm.s32 @!p1 $0x10680  }
0x69: {  	[spmem:s19] =	stream.linear.scatter @!p1 [tilespmem:s4], [sflag:$0x5], $0x400, $0x38;
	[tilespmem:$0x1DF10] =	vst v63  }
0x6a: {  	s4 =	simm.s32 @!p1 $0x5  }
0x6b: {  	_ =	swait.ge @!p1 [sflag:s4], $0x400  }
0x6c: {  	[sflag:s4] =	ssyncset.done @!p1 $0x0  }
0x6d: {  	s7 =	simm.s32 @!p1 $0x1B500;
	s1 =	rddreg [dreg:$0x5];
	[sflag:s4] =	ssyncadd.s32 @!p1 $0xFFFFFC00  }
0x6e: {  	[spmem:s1] =	stream.linear.scatter @!p1 [tilespmem:s7], [sflag:$0x5], $0x100, $0x38;
	[tilespmem:$0x1DF10] =	vst v63  }
0x6f: {  	_ =	swait.ge @!p1 [sflag:s4], $0x100  }
0x70: {  	[sflag:s4] =	ssyncset.done @!p1 $0x0  }
0x71: {  	s14 =	simm.s32 $0x0;
	s15 =	rddreg [dreg:$0x6];
	[sflag:s4] =	ssyncadd.s32 @!p1 $0xFFFFFF00  }
0x72: {  	[tilespmem:s14], [sflag:$0x5] =	stream.linear.gather [hbm4b:s15+s14], $0x5140, $0x38;
	[tilespmem:$0x1DF10] =	vst v63  }
0x73: {  	_ =	swait.ge [sflag:s21], $0x5140  }
0x74: {  	[sflag:s21] =	ssyncset.done $0x0  }
0x75: {  	s19 =	simm.s32 $0x5140;
	s17 =	rddreg [dreg:$0x7];
	[sflag:s21] =	ssyncadd.s32 $0xFFFFAEC0  }
0x76: {  	[tilespmem:s19], [sflag:$0x5] =	stream.linear.gather [hbm4b:s17+s14], $0x5140, $0x38;
	[tilespmem:$0x1DF10] =	vst v63  }
.Ltmp3:
0x77: {  	_ =	swait.ge [sflag:s21], $0x5140;
	(pc) =	sbr.rel @!p0 .LBB2_8-.Ltmp3, $4  }
0x78: {  	[sflag:s21] =	ssyncset.done $0x0  }
0x79: {  	[sflag:s21] =	ssyncadd.s32 $0xFFFFAEC0  }
0x7a: {  	[bflag:$0x0] =	sbarrier.arrive $0xFFFF  }
0x7b: {  	s4 =	simm.s32 $0x0  }
0x7c: {  	[tilespmem:s25], [sflag:$0x1] =	stream.indirect.gather [hbm4b:s6+s24], $0x40, s4, s24, $0xb8;
	[tilespmem:$0x1DF10] =	vst v63  }
0x7d: {  	s1 =	simm.s32 $0x68  }
0x7e: {  	[tilespmem:s28], [sflag:$0x2] =	stream.indirect.gather [hbm4b:s6+s24], $0x40, s1, s24, $0xb8;
	[tilespmem:$0x1DF10] =	vst v63  }
0x7f: {  	s17 =	simm.s32 $0xD0  }
0x80: {  	[tilespmem:s30], [sflag:$0x3] =	stream.indirect.gather [hbm4b:s6+s24], $0x40, s17, s24, $0xb8;
	[tilespmem:$0x1DF10] =	vst v63  }
0x81: {  	s19 =	simm.s32 $0x138;
	s9 =	simm.s32 $0x3  }
0x82: {  	[tilespmem:s0], [sflag:$0x4] =	stream.indirect.gather [hbm4b:s6+s24], $0x40, s19, s24, $0xb8;
	[tilespmem:$0x1DF10] =	vst v63  }
.LBB2_16:
0x83: {  	_ =	swait.ge [sflag:s23], $0x1900  }
0x84: {  	s10 =	sshra.s32 s4, $0x2;
	s7 =	sadd.s32 $0xFFFFFFFD, s9;
	[sflag:s23] =	ssyncset.done $0x0  }
0x85: {  	s8 =	sadd.s32 $0x5140, s10;
	p2 =	slt.u32 s7, s11;
	[sflag:s23] =	ssyncadd.s32 $0xFFFFE700  }
0x86: {  	[spmem:s2] =	stream.indirect.scatter.add.f32 [tilespmem:s25], [sflag:$0x5], $0x40, s8, s24, $0xb8;
	[tilespmem:$0x1DF10] =	vst v63  }
0x87: {  	p3 =	sge.u32 @!p2 s7, s12;
	_ =	swait.ge [sflag:s21], $0x1900  }
0x88: {  	p3 =	por p3, p2;
	[sflag:s21] =	ssyncset.done $0x0  }
0x89: {  	s7 =	simm.s32 @!p3 $0x64;
	s13 =	simm.s32 @!p3 $0x1AEC0;
	[sflag:s21] =	ssyncadd.s32 $0xFFFFE700  }
0x8a: {  	[spmem:s3] =	stream.indirect.scatter.add.f32 @!p3 [tilespmem:s13], [sflag:$0x5], $0x10, s8, s7, $0xb8;
	[tilespmem:$0x1DF10] =	vst v63  }
0x8b: {  	s7 =	simm.s32 @!p3 $0x5  }
0x8c: {  	_ =	swait.ge @!p3 [sflag:s7], $0x640  }
0x8d: {  	p2 =	seq.s32 s4, $0x13E80;
	[sflag:s7] =	ssyncset.done @!p3 $0x0  }
0x8e: {  	[sflag:s7] =	ssyncadd.s32 @!p3 $0xFFFFF9C0;
	s7 =	sshra.s32 @!p2 s4, $0x2  }
0x8f: {  	s14 =	simm.s32 @!p2 $0xA280;
	s13 =	simm.s32 @!p2 $0x64;
	s8 =	sadd.s32 @!p2 $0x1A0, s7  }
0x90: {  	[tilespmem:s14], [sflag:$0x1] =	stream.indirect.gather @!p2 [hbm4b:s6+s13], $0x40, s8, s13, $0xb8;
	[tilespmem:$0x1DF10] =	vst v63  }
0x91: {  	_ =	swait.ge [sflag:s26], $0x1900  }
0x92: {  	s8 =	sadd.s32 $0xFFFFFFFE, s9;
	[sflag:s26] =	ssyncset.done $0x0  }
0x93: {  	s14 =	sadd.s32 $0x51A8, s10;
	p3 =	slt.u32 s8, s11;
	[sflag:s26] =	ssyncadd.s32 $0xFFFFE700  }
0x94: {  	[spmem:s2] =	stream.indirect.scatter.add.f32 [tilespmem:s28], [sflag:$0x5], $0x40, s14, s24, $0xb8;
	[tilespmem:$0x1DF10] =	vst v63  }
0x95: {  	p4 =	sge.u32 @!p3 s8, s12;
	_ =	swait.ge [sflag:s21], $0x1900  }
0x96: {  	p3 =	por p4, p3;
	[sflag:s21] =	ssyncset.done $0x0  }
0x97: {  	s8 =	simm.s32 @!p3 $0x64;
	s15 =	simm.s32 @!p3 $0x1AEC0;
	[sflag:s21] =	ssyncadd.s32 $0xFFFFE700  }
0x98: {  	[spmem:s3] =	stream.indirect.scatter.add.f32 @!p3 [tilespmem:s15], [sflag:$0x5], $0x10, s14, s8, $0xb8;
	[tilespmem:$0x1DF10] =	vst v63  }
0x99: {  	s8 =	simm.s32 @!p3 $0x5  }
0x9a: {  	_ =	swait.ge @!p3 [sflag:s8], $0x640  }
0x9b: {  	[sflag:s8] =	ssyncset.done @!p3 $0x0  }
0x9c: {  	s14 =	simm.s32 @!p2 $0xBB80;
	[sflag:s8] =	ssyncadd.s32 @!p3 $0xFFFFF9C0;
	s8 =	sadd.s32 @!p2 $0x208, s7  }
0x9d: {  	[tilespmem:s14], [sflag:$0x2] =	stream.indirect.gather @!p2 [hbm4b:s6+s13], $0x40, s8, s13, $0xb8;
	[tilespmem:$0x1DF10] =	vst v63  }
0x9e: {  	_ =	swait.ge [sflag:s29], $0x1900  }
0x9f: {  	s8 =	sadd.s32 $0xFFFFFFFF, s9;
	[sflag:s29] =	ssyncset.done $0x0  }
0xa0: {  	s14 =	sadd.s32 $0x5210, s10;
	p3 =	slt.u32 s8, s11;
	[sflag:s29] =	ssyncadd.s32 $0xFFFFE700  }
0xa1: {  	[spmem:s2] =	stream.indirect.scatter.add.f32 [tilespmem:s30], [sflag:$0x5], $0x40, s14, s24, $0xb8;
	[tilespmem:$0x1DF10] =	vst v63  }
0xa2: {  	p4 =	sge.u32 @!p3 s8, s12;
	_ =	swait.ge [sflag:s21], $0x1900  }
0xa3: {  	p3 =	por p4, p3;
	[sflag:s21] =	ssyncset.done $0x0  }
0xa4: {  	s8 =	simm.s32 @!p3 $0x64;
	s15 =	simm.s32 @!p3 $0x1AEC0;
	[sflag:s21] =	ssyncadd.s32 $0xFFFFE700  }
0xa5: {  	[spmem:s3] =	stream.indirect.scatter.add.f32 @!p3 [tilespmem:s15], [sflag:$0x5], $0x10, s14, s8, $0xb8;
	[tilespmem:$0x1DF10] =	vst v63  }
0xa6: {  	s8 =	simm.s32 @!p3 $0x5  }
0xa7: {  	_ =	swait.ge @!p3 [sflag:s8], $0x640  }
0xa8: {  	[sflag:s8] =	ssyncset.done @!p3 $0x0  }
0xa9: {  	s7 =	sadd.s32 @!p2 $0x270, s7;
	[sflag:s8] =	ssyncadd.s32 @!p3 $0xFFFFF9C0;
	s8 =	simm.s32 @!p2 $0xD480  }
0xaa: {  	[tilespmem:s8], [sflag:$0x3] =	stream.indirect.gather @!p2 [hbm4b:s6+s13], $0x40, s7, s13, $0xb8;
	[tilespmem:$0x1DF10] =	vst v63  }
0xab: {  	_ =	swait.ge [sflag:s31], $0x1900  }
0xac: {  	[sflag:s31] =	ssyncset.done $0x0  }
0xad: {  	p3 =	slt.u32 s9, s11;
	s7 =	sadd.s32 $0x5278, s10;
	[sflag:s31] =	ssyncadd.s32 $0xFFFFE700  }
0xae: {  	[spmem:s2] =	stream.indirect.scatter.add.f32 [tilespmem:s0], [sflag:$0x5], $0x40, s7, s24, $0xb8;
	[tilespmem:$0x1DF10] =	vst v63  }
0xaf: {  	p4 =	sge.u32 @!p3 s9, s12;
	_ =	swait.ge [sflag:s21], $0x1900  }
0xb0: {  	p3 =	por p4, p3;
	[sflag:s21] =	ssyncset.done $0x0  }
0xb1: {  	s8 =	simm.s32 @!p3 $0x64;
	s13 =	simm.s32 @!p3 $0x1AEC0;
	[sflag:s21] =	ssyncadd.s32 $0xFFFFE700  }
0xb2: {  	[spmem:s3] =	stream.indirect.scatter.add.f32 @!p3 [tilespmem:s13], [sflag:$0x5], $0x10, s7, s8, $0xb8;
	[tilespmem:$0x1DF10] =	vst v63  }
.Ltmp4:
0xb3: {  	_ = 	snop;
	(pc) =	sbr.rel @p2 .LBB2_11-.Ltmp4, $4  }
0xb4: {  	s7 =	simm.s32 @!p3 $0x5  }
0xb5: {  	_ =	swait.ge @!p3 [sflag:s7], $0x640  }
0xb6: {  	[sflag:s7] =	ssyncset.done @!p3 $0x0  }
0xb7: {  	[sflag:s7] =	ssyncadd.s32 @!p3 $0xFFFFF9C0  }
.Ltmp5:
0xb8: {  	(pc) =	sbr.rel .LBB2_16-.Ltmp5, $3  }
0xb9: {  	_ =	sdelay $0x1  }
0xba: {  	s7 =	sadd.s32 $0x2D8, s10;
	s4 =	sadd.s32 $0x680, s4;
	s9 =	sadd.s32 $0x4, s9  }
0xbb: {  	[tilespmem:s0], [sflag:$0x4] =	stream.indirect.gather [hbm4b:s6+s24], $0x40, s7, s24, $0xb8;
	[tilespmem:$0x1DF10] =	vst v63  }
.LBB2_8:
0xbc: {  	[tilespmem:s25], [sflag:$0x1] =	stream.indirect.gather [hbm4b:s5+s24], $0x40, s4, s24, $0xb8;
	[tilespmem:$0x1DF10] =	vst v63  }
0xbd: {  	s1 =	simm.s32 $0x68  }
0xbe: {  	[tilespmem:s28], [sflag:$0x2] =	stream.indirect.gather [hbm4b:s5+s24], $0x40, s1, s24, $0xb8;
	[tilespmem:$0x1DF10] =	vst v63  }
0xbf: {  	s13 =	simm.s32 $0xD0  }
0xc0: {  	[tilespmem:s30], [sflag:$0x3] =	stream.indirect.gather [hbm4b:s5+s24], $0x40, s13, s24, $0xb8;
	[tilespmem:$0x1DF10] =	vst v63  }
0xc1: {  	s14 =	simm.s32 $0x138  }
0xc2: {  	[tilespmem:s0], [sflag:$0x4] =	stream.indirect.gather [hbm4b:s5+s24], $0x40, s14, s24, $0xb8;
	[tilespmem:$0x1DF10] =	vst v63  }
0xc3: {  	_ =	swait.ge [sflag:s23], $0x1900  }
0xc4: {  	[sflag:s23] =	ssyncset.done $0x0  }
0xc5: {  	s7 =	simm.s32 $0x5140;
	[sflag:s23] =	ssyncadd.s32 $0xFFFFE700  }
0xc6: {  	[spmem:s2] =	stream.indirect.scatter.add.f32 [tilespmem:s25], [sflag:$0x5], $0x40, s7, s24, $0xb8;
	[tilespmem:$0x1DF10] =	vst v63  }
0xc7: {  	p2 =	por $0x0, $0x0;
	_ =	swait.ge [sflag:s21], $0x1900  }
0xc8: {  	s8 =	simm.s32 @!p2 $0x64;
	[sflag:s21] =	ssyncset.done $0x0  }
0xc9: {  	s10 =	simm.s32 @!p2 $0x1AEC0;
	s9 =	simm.s32 @!p2 $0x5;
	[sflag:s21] =	ssyncadd.s32 $0xFFFFE700  }
0xca: {  	[spmem:s3] =	stream.indirect.scatter.add.f32 @!p2 [tilespmem:s10], [sflag:$0x5], $0x10, s7, s8, $0xb8;
	[tilespmem:$0x1DF10] =	vst v63  }
0xcb: {  	_ =	swait.ge @!p2 [sflag:s9], $0x640  }
0xcc: {  	[sflag:s9] =	ssyncset.done @!p2 $0x0  }
0xcd: {  	s15 =	simm.s32 $0x1A0;
	[sflag:s9] =	ssyncadd.s32 @!p2 $0xFFFFF9C0  }
0xce: {  	[tilespmem:s25], [sflag:$0x1] =	stream.indirect.gather [hbm4b:s5+s24], $0x40, s15, s24, $0xb8;
	[tilespmem:$0x1DF10] =	vst v63  }
0xcf: {  	_ =	swait.ge [sflag:s26], $0x1900  }
0xd0: {  	[sflag:s26] =	ssyncset.done $0x0  }
0xd1: {  	s7 =	simm.s32 $0x51A8;
	[sflag:s26] =	ssyncadd.s32 $0xFFFFE700  }
0xd2: {  	[spmem:s2] =	stream.indirect.scatter.add.f32 [tilespmem:s28], [sflag:$0x5], $0x40, s7, s24, $0xb8;
	[tilespmem:$0x1DF10] =	vst v63  }
0xd3: {  	_ =	swait.ge [sflag:s21], $0x1900  }
0xd4: {  	[sflag:s21] =	ssyncset.done $0x0  }
0xd5: {  	[sflag:s21] =	ssyncadd.s32 $0xFFFFE700  }
0xd6: {  	[spmem:s3] =	stream.indirect.scatter.add.f32 @!p2 [tilespmem:s10], [sflag:$0x5], $0x10, s7, s8, $0xb8;
	[tilespmem:$0x1DF10] =	vst v63  }
0xd7: {  	_ =	swait.ge @!p2 [sflag:s9], $0x640  }
0xd8: {  	[sflag:s9] =	ssyncset.done @!p2 $0x0  }
0xd9: {  	s17 =	simm.s32 $0x208;
	[sflag:s9] =	ssyncadd.s32 @!p2 $0xFFFFF9C0  }
0xda: {  	[tilespmem:s28], [sflag:$0x2] =	stream.indirect.gather [hbm4b:s5+s24], $0x40, s17, s24, $0xb8;
	[tilespmem:$0x1DF10] =	vst v63  }
0xdb: {  	_ =	swait.ge [sflag:s29], $0x1900  }
0xdc: {  	[sflag:s29] =	ssyncset.done $0x0  }
0xdd: {  	s7 =	simm.s32 $0x5210;
	[sflag:s29] =	ssyncadd.s32 $0xFFFFE700  }
0xde: {  	[spmem:s2] =	stream.indirect.scatter.add.f32 [tilespmem:s30], [sflag:$0x5], $0x40, s7, s24, $0xb8;
	[tilespmem:$0x1DF10] =	vst v63  }
0xdf: {  	_ =	swait.ge [sflag:s21], $0x1900  }
0xe0: {  	[sflag:s21] =	ssyncset.done $0x0  }
0xe1: {  	[sflag:s21] =	ssyncadd.s32 $0xFFFFE700  }
0xe2: {  	[spmem:s3] =	stream.indirect.scatter.add.f32 @!p2 [tilespmem:s10], [sflag:$0x5], $0x10, s7, s8, $0xb8;
	[tilespmem:$0x1DF10] =	vst v63  }
0xe3: {  	_ =	swait.ge @!p2 [sflag:s9], $0x640  }
0xe4: {  	[sflag:s9] =	ssyncset.done @!p2 $0x0  }
0xe5: {  	s19 =	simm.s32 $0x270;
	[sflag:s9] =	ssyncadd.s32 @!p2 $0xFFFFF9C0  }
0xe6: {  	[tilespmem:s30], [sflag:$0x3] =	stream.indirect.gather [hbm4b:s5+s24], $0x40, s19, s24, $0xb8;
	[tilespmem:$0x1DF10] =	vst v63  }
0xe7: {  	_ =	swait.ge [sflag:s31], $0x1900  }
0xe8: {  	[sflag:s31] =	ssyncset.done $0x0  }
0xe9: {  	s7 =	simm.s32 $0x5278;
	[sflag:s31] =	ssyncadd.s32 $0xFFFFE700  }
0xea: {  	[spmem:s2] =	stream.indirect.scatter.add.f32 [tilespmem:s0], [sflag:$0x5], $0x40, s7, s24, $0xb8;
	[tilespmem:$0x1DF10] =	vst v63  }
0xeb: {  	_ =	swait.ge [sflag:s21], $0x1900  }
0xec: {  	[sflag:s21] =	ssyncset.done $0x0  }
0xed: {  	[sflag:s21] =	ssyncadd.s32 $0xFFFFE700  }
0xee: {  	[spmem:s3] =	stream.indirect.scatter.add.f32 @!p2 [tilespmem:s10], [sflag:$0x5], $0x10, s7, s8, $0xb8;
	[tilespmem:$0x1DF10] =	vst v63  }
0xef: {  	_ =	swait.ge @!p2 [sflag:s9], $0x640  }
0xf0: {  	s10 =	simm.s32 $0x680;
	s7 =	simm.s32 $0x2D8;
	[sflag:s9] =	ssyncset.done @!p2 $0x0  }
.LBB2_9:
0xf1: {  	[sflag:s9] =	ssyncadd.s32 @!p2 $0xFFFFF9C0  }
0xf2: {  	s4 =	sadd.s32 $0x1, s4;
	s8 =	smov.u32 s10;
	s10 =	sadd.s32 $0x680, s10  }
0xf3: {  	[tilespmem:s0], [sflag:$0x4] =	stream.indirect.gather [hbm4b:s5+s24], $0x40, s7, s24, $0xb8;
	[tilespmem:$0x1DF10] =	vst v63  }
0xf4: {  	s13 =	sshra.s32 s8, $0x2;
	p3 =	seq.s32 s10, $0x13E80;
	_ =	swait.ge [sflag:s23], $0x1900  }
0xf5: {  	s7 =	sadd.s32 $0x5140, s13;
	[sflag:s23] =	ssyncset.done $0x0  }
0xf6: {  	[sflag:s23] =	ssyncadd.s32 $0xFFFFE700  }
0xf7: {  	[spmem:s2] =	stream.indirect.scatter.add.f32 [tilespmem:s25], [sflag:$0x5], $0x40, s7, s24, $0xb8;
	[tilespmem:$0x1DF10] =	vst v63  }
0xf8: {  	p2 =	sgt.u32 s4, $0x18;
	_ =	swait.ge [sflag:s21], $0x1900  }
0xf9: {  	s14 =	simm.s32 @!p2 $0x64;
	s15 =	simm.s32 @!p2 $0x1AEC0;
	[sflag:s21] =	ssyncset.done $0x0  }
0xfa: {  	s9 =	simm.s32 @!p2 $0x5;
	[sflag:s21] =	ssyncadd.s32 $0xFFFFE700  }
0xfb: {  	[spmem:s3] =	stream.indirect.scatter.add.f32 @!p2 [tilespmem:s15], [sflag:$0x5], $0x10, s7, s14, $0xb8;
	[tilespmem:$0x1DF10] =	vst v63  }
0xfc: {  	_ =	swait.ge @!p2 [sflag:s9], $0x640  }
0xfd: {  	s7 =	sadd.s32 $0x1A0, s13;
	[sflag:s9] =	ssyncset.done @!p2 $0x0  }
0xfe: {  	[sflag:s9] =	ssyncadd.s32 @!p2 $0xFFFFF9C0  }
0xff: {  	[tilespmem:s25], [sflag:$0x1] =	stream.indirect.gather [hbm4b:s5+s24], $0x40, s7, s24, $0xb8;
	[tilespmem:$0x1DF10] =	vst v63  }
0x100: {  	_ =	swait.ge [sflag:s26], $0x1900  }
0x101: {  	s7 =	sadd.s32 $0x51A8, s13;
	[sflag:s26] =	ssyncset.done $0x0  }
0x102: {  	[sflag:s26] =	ssyncadd.s32 $0xFFFFE700  }
0x103: {  	[spmem:s2] =	stream.indirect.scatter.add.f32 [tilespmem:s28], [sflag:$0x5], $0x40, s7, s24, $0xb8;
	[tilespmem:$0x1DF10] =	vst v63  }
0x104: {  	_ =	swait.ge [sflag:s21], $0x1900  }
0x105: {  	[sflag:s21] =	ssyncset.done $0x0  }
0x106: {  	[sflag:s21] =	ssyncadd.s32 $0xFFFFE700  }
0x107: {  	[spmem:s3] =	stream.indirect.scatter.add.f32 @!p2 [tilespmem:s15], [sflag:$0x5], $0x10, s7, s14, $0xb8;
	[tilespmem:$0x1DF10] =	vst v63  }
0x108: {  	_ =	swait.ge @!p2 [sflag:s9], $0x640  }
0x109: {  	s7 =	sadd.s32 $0x208, s13;
	[sflag:s9] =	ssyncset.done @!p2 $0x0  }
0x10a: {  	[sflag:s9] =	ssyncadd.s32 @!p2 $0xFFFFF9C0  }
0x10b: {  	[tilespmem:s28], [sflag:$0x2] =	stream.indirect.gather [hbm4b:s5+s24], $0x40, s7, s24, $0xb8;
	[tilespmem:$0x1DF10] =	vst v63  }
0x10c: {  	_ =	swait.ge [sflag:s29], $0x1900  }
0x10d: {  	s7 =	sadd.s32 $0x5210, s13;
	[sflag:s29] =	ssyncset.done $0x0  }
0x10e: {  	[sflag:s29] =	ssyncadd.s32 $0xFFFFE700  }
0x10f: {  	[spmem:s2] =	stream.indirect.scatter.add.f32 [tilespmem:s30], [sflag:$0x5], $0x40, s7, s24, $0xb8;
	[tilespmem:$0x1DF10] =	vst v63  }
0x110: {  	_ =	swait.ge [sflag:s21], $0x1900  }
0x111: {  	[sflag:s21] =	ssyncset.done $0x0  }
0x112: {  	[sflag:s21] =	ssyncadd.s32 $0xFFFFE700  }
0x113: {  	[spmem:s3] =	stream.indirect.scatter.add.f32 @!p2 [tilespmem:s15], [sflag:$0x5], $0x10, s7, s14, $0xb8;
	[tilespmem:$0x1DF10] =	vst v63  }
0x114: {  	_ =	swait.ge @!p2 [sflag:s9], $0x640  }
0x115: {  	s7 =	sadd.s32 $0x270, s13;
	[sflag:s9] =	ssyncset.done @!p2 $0x0  }
0x116: {  	[sflag:s9] =	ssyncadd.s32 @!p2 $0xFFFFF9C0  }
0x117: {  	[tilespmem:s30], [sflag:$0x3] =	stream.indirect.gather [hbm4b:s5+s24], $0x40, s7, s24, $0xb8;
	[tilespmem:$0x1DF10] =	vst v63  }
0x118: {  	_ =	swait.ge [sflag:s31], $0x1900  }
0x119: {  	s7 =	sadd.s32 $0x5278, s13;
	[sflag:s31] =	ssyncset.done $0x0  }
0x11a: {  	[sflag:s31] =	ssyncadd.s32 $0xFFFFE700  }
0x11b: {  	[spmem:s2] =	stream.indirect.scatter.add.f32 [tilespmem:s0], [sflag:$0x5], $0x40, s7, s24, $0xb8;
	[tilespmem:$0x1DF10] =	vst v63  }
0x11c: {  	_ =	swait.ge [sflag:s21], $0x1900  }
.Ltmp6:
0x11d: {  	[sflag:s21] =	ssyncset.done $0x0;
	(pc) =	sbr.rel @!p3 .LBB2_9-.Ltmp6, $4  }
0x11e: {  	[sflag:s21] =	ssyncadd.s32 $0xFFFFE700  }
0x11f: {  	[spmem:s3] =	stream.indirect.scatter.add.f32 @!p2 [tilespmem:s15], [sflag:$0x5], $0x10, s7, s14, $0xb8;
	[tilespmem:$0x1DF10] =	vst v63  }
0x120: {  	_ =	swait.ge @!p2 [sflag:s9], $0x640  }
0x121: {  	s7 =	sadd.s32 $0x2D8, s13;
	[sflag:s9] =	ssyncset.done @!p2 $0x0  }
0x122: {  	[sflag:s9] =	ssyncadd.s32 @!p2 $0xFFFFF9C0  }
0x123: {  	[tilespmem:s0], [sflag:$0x4] =	stream.indirect.gather [hbm4b:s5+s24], $0x40, s7, s24, $0xb8;
	[tilespmem:$0x1DF10] =	vst v63  }
0x124: {  	_ =	swait.ge [sflag:s23], $0x1900  }
0x125: {  	[sflag:s23] =	ssyncset.done $0x0  }
0x126: {  	s1 =	simm.s32 $0xA0E0;
	[sflag:s23] =	ssyncadd.s32 $0xFFFFE700  }
0x127: {  	[spmem:s2] =	stream.indirect.scatter.add.f32 [tilespmem:s25], [sflag:$0x5], $0x40, s1, s24, $0xb8;
	[tilespmem:$0x1DF10] =	vst v63  }
0x128: {  	_ =	swait.ge [sflag:s21], $0x1900  }
0x129: {  	[sflag:s21] =	ssyncset.done $0x0  }
0x12a: {  	[sflag:s21] =	ssyncadd.s32 $0xFFFFE700  }
0x12b: {  	_ =	swait.ge [sflag:s26], $0x1900  }
0x12c: {  	[sflag:s26] =	ssyncset.done $0x0  }
0x12d: {  	s15 =	simm.s32 $0xA148;
	[sflag:s26] =	ssyncadd.s32 $0xFFFFE700  }
0x12e: {  	[spmem:s2] =	stream.indirect.scatter.add.f32 [tilespmem:s28], [sflag:$0x5], $0x40, s15, s24, $0xb8;
	[tilespmem:$0x1DF10] =	vst v63  }
0x12f: {  	_ =	swait.ge [sflag:s21], $0x1900  }
0x130: {  	[sflag:s21] =	ssyncset.done $0x0  }
0x131: {  	[sflag:s21] =	ssyncadd.s32 $0xFFFFE700  }
0x132: {  	_ =	swait.ge [sflag:s29], $0x1900  }
0x133: {  	[sflag:s29] =	ssyncset.done $0x0  }
0x134: {  	s17 =	simm.s32 $0xA1B0;
	[sflag:s29] =	ssyncadd.s32 $0xFFFFE700  }
0x135: {  	[spmem:s2] =	stream.indirect.scatter.add.f32 [tilespmem:s30], [sflag:$0x5], $0x40, s17, s24, $0xb8;
	[tilespmem:$0x1DF10] =	vst v63  }
0x136: {  	_ =	swait.ge [sflag:s21], $0x1900  }
0x137: {  	[sflag:s21] =	ssyncset.done $0x0  }
0x138: {  	[sflag:s21] =	ssyncadd.s32 $0xFFFFE700  }
0x139: {  	_ =	swait.ge [sflag:s31], $0x1900  }
0x13a: {  	[sflag:s31] =	ssyncset.done $0x0  }
0x13b: {  	s19 =	simm.s32 $0xA218;
	[sflag:s31] =	ssyncadd.s32 $0xFFFFE700  }
0x13c: {  	[spmem:s2] =	stream.indirect.scatter.add.f32 [tilespmem:s0], [sflag:$0x5], $0x40, s19, s24, $0xb8;
	[tilespmem:$0x1DF10] =	vst v63  }
0x13d: {  	_ =	swait.ge [sflag:s21], $0x1900  }
0x13e: {  	[sflag:s21] =	ssyncset.done $0x0  }
0x13f: {  	[sflag:s21] =	ssyncadd.s32 $0xFFFFE700  }
.LBB2_11:
0x140: {  	s1 =	stileid.u32;
	[bflag:$0x0] =	sbarrier.arrive $0xFFFF  }
0x141: {  	s9 =	sshll.u32 s1, $0x6;
	s15 =	rddreg [dreg:$0xb]  }
0x142: {  	s17 =	rddreg [dreg:$0xc];
	s7 =	sshrl.u32 s15, $0x3;
	s4 =	sor.u32 $0x1C05, s9  }
0x143: {  	[hbm:s17], [sflag:s4] =	dma.local [spmem:s7], $0x180  }
0x144: {  	s10 =	simm.s32 $0x60;
	_ =	swait.ge [sflag:s21], $0x180  }
0x145: {  	s19 =	sadd.s32 $0x0, s18;
	s13 =	sshrl.u32 s16, $0x3;
	[sflag:s21] =	ssyncset.done $0x0  }
0x146: {  	s8 =	sadd.s32 $0xC00, s15;
	s15 =	simm.s32 $0xC0;
	[sflag:s21] =	ssyncadd.s32 $0xFFFFFE80  }
0x147: {  	[hbm:s19], [sflag:s4] =	dma.local [spmem:s13], $0x60  }
0x148: {  	s14 =	sshrl.u32 s8, $0x3;
	s7 =	sadd.s32 $0x180, s17;
	_ =	swait.ge [sflag:s21], $0x60  }
0x149: {  	s8 =	sadd.s32 $0xC00, s8;
	s13 =	sadd.s32 $0x300, s16;
	[sflag:s21] =	ssyncset.done $0x0  }
.LBB2_12:
0x14a: {  	s19 =	sshrl.u32 s8, $0x3;
	s17 =	sor.u32 $0x1C05, s9  }
0x14b: {  	[sflag:s21] =	ssyncadd.s32 $0xFFFFFFA0;
	s1 =	smov.u32 s10;
	s10 =	smov.u32 s15  }
0x14c: {  	[hbm:s7], [sflag:s17] =	dma.local [spmem:s14], $0x180  }
0x14d: {  	p2 =	sne.s32 s15, $0x480;
	s15 =	sadd.s32 $0x60, s15;
	_ =	swait.ge [sflag:s21], $0x180  }
.Ltmp7:
0x14e: {  	s14 =	smov.u32 s19;
	[sflag:s21] =	ssyncset.done $0x0;
	(pc) =	sbr.rel @p2 .LBB2_12-.Ltmp7, $4  }
0x14f: {  	s1 =	sadd.s32 s1, s18;
	s19 =	sshrl.u32 s13, $0x3;
	[sflag:s21] =	ssyncadd.s32 $0xFFFFFE80  }
0x150: {  	[hbm:s1], [sflag:s17] =	dma.local [spmem:s19], $0x60  }
0x151: {  	s13 =	sadd.s32 $0x300, s13;
	s7 =	sadd.s32 $0x180, s7;
	_ =	swait.ge [sflag:s21], $0x60  }
0x152: {  	s8 =	sadd.s32 $0xC00, s8;
	[sflag:s21] =	ssyncset.done $0x0  }
0x153: {  	[sflag:s21] =	ssyncadd.s32 $0xFFFFFFA0  }
0x154: {  	[hbm:s7], [sflag:s4] =	dma.local [spmem:s14], $0x180  }
0x155: {  	_ =	swait.ge [sflag:s21], $0x180  }
0x156: {  	[sflag:s21] =	ssyncset.done $0x0  }
0x157: {  	s1 =	sadd.s32 s10, s18;
	s14 =	sshrl.u32 s13, $0x3;
	[sflag:s21] =	ssyncadd.s32 $0xFFFFFE80  }
0x158: {  	[hbm:s1], [sflag:s4] =	dma.local [spmem:s14], $0x60  }
0x159: {  	_ =	swait.ge [sflag:s21], $0x60  }
0x15a: {  	s4 =	simm.s32 @!p1 $0x1FC5;
	[sflag:s21] =	ssyncset.done $0x0;
	s19 =	rddreg [dreg:$0x4]  }
0x15b: {  	s7 =	rddreg [dreg:$0x8];
	[sflag:s21] =	ssyncadd.s32 $0xFFFFFFA0;
	s1 =	sshrl.u32 @!p1 s19, $0x3  }
0x15c: {  	[hbm:s7], [sflag:s4] =	dma.local @!p1 [spmem:s1], $0x80  }
0x15d: {  	s1 =	simm.s32 @!p1 $0x5  }
0x15e: {  	_ =	swait.ge @!p1 [sflag:s1], $0x80  }
0x15f: {  	[sflag:s1] =	ssyncset.done @!p1 $0x0;
	s7 =	rddreg [dreg:$0x5]  }
0x160: {  	s8 =	rddreg [dreg:$0x9];
	[sflag:s1] =	ssyncadd.s32 @!p1 $0xFFFFFF80;
	s7 =	sshrl.u32 @!p1 s7, $0x3  }
0x161: {  	[hbm:s8], [sflag:s4] =	dma.local @!p1 [spmem:s7], $0x20  }
0x162: {  	_ =	swait.ge @!p1 [sflag:s1], $0x20  }
0x163: {  	s15 =	rddreg [dreg:$0xd]  }
0x164: {  	s17 =	rddreg [dreg:$0xa];
	s7 =	sadd.s32 $0x1, s15  }
0x165: {  	p2 =	sne.s32 s7, s17  }
.Ltmp8:
0x166: {  	_ = 	snop;
	(pc) =	sbr.rel @p2 .LBB2_1-.Ltmp8, $3  }
0x167: {  	_ =	sdelay $0x1  }
0x168: {  	[sflag:s1] =	ssyncset.done @!p1 $0x0  }
0x169: {  	[sflag:s1] =	ssyncadd.s32 @!p1 $0xFFFFFFE0  }
0x16a: {  	_ =	sfence.sel $0x180000  }
0x16b: {  	[bflag:$0x0] =	sbarrier.arrive $0xFFFF  }
0x16c: {  	_ =	strace $0x90000047  }
0x16d: {  	s0 =	stileid.u32;
	[bflag:$0x2] =	sbarrier.arrive $0xFFFF  }
0x16e: {  	p0 =	sne.s32 s0, $0x0;
	s0 =	rddreg [dreg:$0x3]  }
0x16f: {  	s0 =	sadd.s32 @!p0 $0x100000, s0  }
0x170: {  	[sflag:s0] =	ssyncadd.tile.s32 @!p0 $0x1;
	_ =	shalt  }
.Lfunc_end2:
_tile_overlayer_lowered:
.L_overlay_start_2:
0x171: {  	(tag) =	ssettag $0x2  }
0x172: {  	s0 =	rddreg [dreg:$0x0];
	s2 =	stileid.u32  }
0x173: {  	s1 =	rddreg [dreg:$0x1];
	p0 =	sne.s32 s2, $0x0  }
0x174: {  	s3 =	rddreg [dreg:$0x2];
	[bflag:$0x3] =	sbarrier.arrive $0xFFFF;
	s2 =	simm.s32 @!p0 $0x1C05  }
0x175: {  	[timem:s3], [sflag:s2] =	dma.local @!p0 [hbm:s0], s1  }
0x176: {  	s0 =	simm.s32 @!p0 $0x5  }
0x177: {  	_ =	swait.ge @!p0 [sflag:s0], s1  }
0x178: {  	s1 =	ssub.s32 @!p0 $0x0, s1;
	[sflag:s0] =	ssyncset.done @!p0 $0x0  }
0x179: {  	[sflag:s0] =	ssyncadd.s32 @!p0 s1  }
0x17a: {  	[bflag:$0x3] =	sbarrier.arrive $0xFFFF  }
0x17b: {  	_ =	shalt  }

</sc_bundles>
